<compile_context>
chip_gen: v7x
topology: tpu7x:2x2x1
jax: 0.10.2.dev20260603
libtpu: 0.0.44.dev20260713+nightly
codegen_flags: <defaults>
</compile_context>

<pallas_src>
import functools

import jax
import jax.numpy as jnp
from jax import lax
from jax.experimental import pallas as pl
from jax.experimental.pallas import tpu as pltpu
from jax.experimental.pallas import tpu_sc as plsc

NP = 10240
NCORES = 2
NSUB = 16
NTILES = NCORES * NSUB
CHUNK = 80
BN = 2560
LN = 2048


def _sc_degree(E):
    nchunks = E // NTILES // CHUNK
    rows_per_tile = NP // NSUB
    nz = rows_per_tile // CHUNK
    mesh = plsc.VectorSubcoreMesh(core_axis_name="c", subcore_axis_name="s")

    @functools.partial(
        pl.kernel,
        mesh=mesh,
        out_type=jax.ShapeDtypeStruct((NCORES * NP,), jnp.float32),
        compiler_params=pltpu.CompilerParams(use_tc_tiling_on_sc=False),
        scratch_types=[
            pltpu.VMEM((nchunks, CHUNK), jnp.int32),
            pltpu.VMEM((CHUNK,), jnp.float32),
            pltpu.VMEM((CHUNK,), jnp.float32),
            pltpu.SemaphoreType.DMA,
            pltpu.VMEM_SHARED((NP,), jnp.float32),
        ],
    )
    def deg_kernel(dst_hbm, out_hbm, didx, ones, stage, sem, acc):
        c = lax.axis_index("c")
        s = lax.axis_index("s")
        t = c * NSUB + s
        one = jnp.ones((16,), jnp.float32)
        zero = jnp.zeros((16,), jnp.float32)
        for j in range(CHUNK // 16):
            ones[pl.ds(j * 16, 16)] = one
            stage[pl.ds(j * 16, 16)] = zero

        def zbody(k, carry):
            pltpu.sync_copy(stage, acc.at[pl.ds(s * rows_per_tile + k * CHUNK, CHUNK)])
            return carry

        lax.fori_loop(0, nz, zbody, 0)
        plsc.subcore_barrier()
        pltpu.sync_copy(dst_hbm.at[t], didx)

        burst = 25

        def body(ii, carry):
            for b in range(burst):
                pltpu.async_copy(ones, acc.at[didx.at[burst * ii + b]], sem,
                                 add=True)
            for b in range(burst):
                pltpu.make_async_copy(ones, acc.at[didx.at[0]], sem).wait()
            return carry

        lax.fori_loop(0, nchunks // burst, body, 0)
        for k in range(nchunks - burst * (nchunks // burst)):
            pltpu.sync_copy(ones, acc.at[didx.at[burst * (nchunks // burst) + k]],
                            add=True)
        plsc.subcore_barrier()

        def obody(k, carry):
            off = s * rows_per_tile + k * CHUNK
            pltpu.sync_copy(acc.at[pl.ds(off, CHUNK)], stage)
            pltpu.sync_copy(stage, out_hbm.at[pl.ds(c * NP + off, CHUNK)])
            return carry

        lax.fori_loop(0, nz, obody, 0)

    return deg_kernel


def _sc_gather_scatter_rows(E, W):
    nchunks = E // NTILES // CHUNK
    rows_per_tile = NP // NSUB
    nz = rows_per_tile // CHUNK
    NBUF = 8
    mesh = plsc.VectorSubcoreMesh(core_axis_name="c", subcore_axis_name="s")

    @functools.partial(
        pl.kernel,
        mesh=mesh,
        out_type=jax.ShapeDtypeStruct((NCORES, NP, W), jnp.float32),
        compiler_params=pltpu.CompilerParams(use_tc_tiling_on_sc=False),
        scratch_types=(
            [pltpu.VMEM((nchunks, CHUNK), jnp.int32),
             pltpu.VMEM((nchunks, CHUNK), jnp.int32)]
            + [pltpu.VMEM((CHUNK, W), jnp.float32)] * (NBUF + 1)
            + [pltpu.SemaphoreType.DMA] * (2 * NBUF)
            + [pltpu.VMEM_SHARED((NP, W), jnp.float32)]
        ),
    )
    def gs_kernel(table_hbm, src_hbm, dst_hbm, out_hbm,
                  sidx, didx, r0, r1, r2, r3, r4, r5, r6, r7, stage,
                  g0, g1, g2, g3, g4, g5, g6, g7,
                  s0, s1, s2, s3, s4, s5, s6, s7, acc):
        rows = (r0, r1, r2, r3, r4, r5, r6, r7)
        gsem = (g0, g1, g2, g3, g4, g5, g6, g7)
        ssem = (s0, s1, s2, s3, s4, s5, s6, s7)
        nfull = nchunks // NBUF
        rem = nchunks - nfull * NBUF
        c = lax.axis_index("c")
        s = lax.axis_index("s")
        t = c * NSUB + s
        zero = jnp.zeros((16,), jnp.float32)

        def zrow(i, carry):
            for j in range(W // 16):
                stage[i, pl.ds(j * 16, 16)] = zero
            return carry

        lax.fori_loop(0, CHUNK, zrow, 0)

        def zbody(k, carry):
            pltpu.sync_copy(stage, acc.at[pl.ds(s * rows_per_tile + k * CHUNK, CHUNK)])
            return carry

        lax.fori_loop(0, nz, zbody, 0)
        plsc.subcore_barrier()
        pltpu.sync_copy(src_hbm.at[t], sidx)
        pltpu.sync_copy(dst_hbm.at[t], didx)

        for b in range(NBUF):
            pltpu.async_copy(table_hbm.at[sidx.at[b]], rows[b], gsem[b])
        for b in range(NBUF):
            pltpu.make_async_copy(table_hbm.at[sidx.at[b]], rows[b], gsem[b]).wait()
            pltpu.async_copy(rows[b], acc.at[didx.at[b]], ssem[b], add=True)

        def body(ii, carry):
            base = ii * NBUF
            for b in range(NBUF):
                pltpu.make_async_copy(rows[b], acc.at[didx.at[0]], ssem[b]).wait()
                pltpu.async_copy(table_hbm.at[sidx.at[base + b]], rows[b], gsem[b])
            for b in range(NBUF):
                pltpu.make_async_copy(table_hbm.at[sidx.at[base + b]],
                                      rows[b], gsem[b]).wait()
                pltpu.async_copy(rows[b], acc.at[didx.at[base + b]], ssem[b],
                                 add=True)
            return carry

        lax.fori_loop(1, nfull, body, 0)
        for b in range(NBUF):
            pltpu.make_async_copy(rows[b], acc.at[didx.at[0]], ssem[b]).wait()
        for k in range(rem):
            i = nfull * NBUF + k
            pltpu.async_copy(table_hbm.at[sidx.at[i]], rows[k], gsem[k])
        for k in range(rem):
            i = nfull * NBUF + k
            pltpu.make_async_copy(table_hbm.at[sidx.at[i]], rows[k], gsem[k]).wait()
            pltpu.async_copy(rows[k], acc.at[didx.at[i]], ssem[k], add=True)
        for k in range(rem):
            pltpu.make_async_copy(rows[k], acc.at[didx.at[0]], ssem[k]).wait()
        plsc.subcore_barrier()

        def obody(k, carry):
            off = s * rows_per_tile + k * CHUNK
            pltpu.sync_copy(acc.at[pl.ds(off, CHUNK)], stage)
            pltpu.sync_copy(stage, out_hbm.at[c, pl.ds(off, CHUNK)])
            return carry

        lax.fori_loop(0, nz, obody, 0)

    return gs_kernel


def _sc_gather_scatter_elems(E):
    nchunks = E // NTILES // CHUNK
    rows_per_tile = NP // NSUB
    nz = rows_per_tile // CHUNK
    mesh = plsc.VectorSubcoreMesh(core_axis_name="c", subcore_axis_name="s")

    @functools.partial(
        pl.kernel,
        mesh=mesh,
        out_type=[jax.ShapeDtypeStruct((NCORES, NP), jnp.float32),
                  jax.ShapeDtypeStruct((NCORES, NP), jnp.float32)],
        compiler_params=pltpu.CompilerParams(use_tc_tiling_on_sc=False,
                                             needs_layout_passes=False),
        scratch_types=[
            pltpu.VMEM((nchunks, CHUNK), jnp.int32),
            pltpu.VMEM((nchunks, CHUNK), jnp.int32),
            pltpu.VMEM((NP,), jnp.float32),
            pltpu.VMEM((NP,), jnp.float32),
            pltpu.VMEM((CHUNK,), jnp.float32),
            pltpu.VMEM((CHUNK,), jnp.float32),
            pltpu.VMEM((CHUNK,), jnp.float32),
            pltpu.VMEM((CHUNK,), jnp.float32),
            pltpu.VMEM((CHUNK,), jnp.float32),
            pltpu.SemaphoreType.DMA,
            pltpu.SemaphoreType.DMA,
            pltpu.SemaphoreType.DMA,
            pltpu.SemaphoreType.DMA,
            pltpu.VMEM_SHARED((NP,), jnp.float32),
            pltpu.VMEM_SHARED((NP,), jnp.float32),
        ],
    )
    def gs2_kernel(g0_hbm, g1_hbm, src_hbm, dst_hbm, out0_hbm, out1_hbm,
                   sidx, didx, tab0, tab1, v00, v10, v01, v11, stage,
                   sa0, sa1, sb0, sb1, acc0, acc1):
        c = lax.axis_index("c")
        s = lax.axis_index("s")
        t = c * NSUB + s
        zero = jnp.zeros((16,), jnp.float32)
        for j in range(CHUNK // 16):
            stage[pl.ds(j * 16, 16)] = zero

        def zbody(k, carry):
            off = s * rows_per_tile + k * CHUNK
            pltpu.sync_copy(stage, acc0.at[pl.ds(off, CHUNK)])
            pltpu.sync_copy(stage, acc1.at[pl.ds(off, CHUNK)])
            return carry

        lax.fori_loop(0, nz, zbody, 0)
        plsc.subcore_barrier()
        pltpu.sync_copy(src_hbm.at[t], sidx)
        pltpu.sync_copy(dst_hbm.at[t], didx)
        pltpu.sync_copy(g0_hbm, tab0)
        pltpu.sync_copy(g1_hbm, tab1)

        def compute(i, w0, w1):
            def group(j, carry2):
                idx = sidx[i, pl.ds(j * 16, 16)]
                w0[pl.ds(j * 16, 16)] = plsc.load_gather(tab0, [idx])
                w1[pl.ds(j * 16, 16)] = plsc.load_gather(tab1, [idx])
                return carry2

            lax.fori_loop(0, CHUNK // 16, group, 0)

        compute(0, v00, v10)
        pltpu.async_copy(v00, acc0.at[didx.at[0]], sa0, add=True)
        pltpu.async_copy(v10, acc1.at[didx.at[0]], sa1, add=True)
        compute(1, v01, v11)
        pltpu.async_copy(v01, acc0.at[didx.at[1]], sb0, add=True)
        pltpu.async_copy(v11, acc1.at[didx.at[1]], sb1, add=True)

        def body(ii, carry):
            i0 = 2 * ii
            i1 = 2 * ii + 1
            pltpu.make_async_copy(v00, acc0.at[didx.at[0]], sa0).wait()
            pltpu.make_async_copy(v10, acc1.at[didx.at[0]], sa1).wait()
            compute(i0, v00, v10)
            pltpu.async_copy(v00, acc0.at[didx.at[i0]], sa0, add=True)
            pltpu.async_copy(v10, acc1.at[didx.at[i0]], sa1, add=True)
            pltpu.make_async_copy(v01, acc0.at[didx.at[0]], sb0).wait()
            pltpu.make_async_copy(v11, acc1.at[didx.at[0]], sb1).wait()
            compute(i1, v01, v11)
            pltpu.async_copy(v01, acc0.at[didx.at[i1]], sb0, add=True)
            pltpu.async_copy(v11, acc1.at[didx.at[i1]], sb1, add=True)
            return carry

        lax.fori_loop(1, (nchunks - 1) // 2, body, 0)
        pltpu.make_async_copy(v00, acc0.at[didx.at[0]], sa0).wait()
        pltpu.make_async_copy(v10, acc1.at[didx.at[0]], sa1).wait()
        compute(nchunks - 1, v00, v10)
        pltpu.sync_copy(v00, acc0.at[didx.at[nchunks - 1]], add=True)
        pltpu.sync_copy(v10, acc1.at[didx.at[nchunks - 1]], add=True)
        pltpu.make_async_copy(v01, acc0.at[didx.at[0]], sb0).wait()
        pltpu.make_async_copy(v11, acc1.at[didx.at[0]], sb1).wait()
        plsc.subcore_barrier()

        def obody(k, carry):
            off = s * rows_per_tile + k * CHUNK
            pltpu.sync_copy(acc0.at[pl.ds(off, CHUNK)], stage)
            pltpu.sync_copy(stage, out0_hbm.at[c, pl.ds(off, CHUNK)])
            pltpu.sync_copy(acc1.at[pl.ds(off, CHUNK)], stage)
            pltpu.sync_copy(stage, out1_hbm.at[c, pl.ds(off, CHUNK)])
            return carry

        lax.fori_loop(0, nz, obody, 0)

    return gs2_kernel


def _tc_embed(degT, x_p, W1):
    D, H = W1.shape

    def body(deg_ref, x_ref, w_ref, o_ref):
        dinv = lax.rsqrt(deg_ref[:, 0:1] + deg_ref[:, 1:2] + 1.0)
        h = jnp.dot(x_ref[...], w_ref[...], preferred_element_type=jnp.float32)
        o_ref[...] = h * dinv

    return pl.pallas_call(
        body,
        grid=(NP // BN,),
        in_specs=[pl.BlockSpec((BN, 2), lambda i: (i, 0)),
                  pl.BlockSpec((BN, D), lambda i: (i, 0)),
                  pl.BlockSpec((D, H), lambda i: (0, 0))],
        out_specs=pl.BlockSpec((BN, H), lambda i: (i, 0)),
        out_shape=jax.ShapeDtypeStruct((NP, H), jnp.float32),
    )(degT, x_p, W1)


def _tc_layer2(degT, deg_p, P1, hs, b1r, W2):
    H = W2.shape[0]
    C = W2.shape[1]

    def body(degc_ref, degr_ref, p_ref, hs_ref, b1_ref, w2_ref, o_ref):
        dinv_c = lax.rsqrt(degc_ref[:, 0:1] + degc_ref[:, 1:2] + 1.0)
        dinv_r = lax.rsqrt(degr_ref[0:1, :] + degr_ref[1:2, :] + 1.0)
        pre = dinv_c * (p_ref[0] + p_ref[1] + hs_ref[...]) + b1_ref[...]
        h1 = jnp.maximum(pre, 0.0)
        gT = lax.dot_general(w2_ref[...], h1, (((0,), (1,)), ((), ())),
                             preferred_element_type=jnp.float32)
        o_ref[...] = gT * dinv_r

    return pl.pallas_call(
        body,
        grid=(NP // BN,),
        in_specs=[pl.BlockSpec((BN, 2), lambda i: (i, 0)),
                  pl.BlockSpec((2, BN), lambda i: (0, i)),
                  pl.BlockSpec((2, BN, H), lambda i: (0, i, 0)),
                  pl.BlockSpec((BN, H), lambda i: (i, 0)),
                  pl.BlockSpec((1, H), lambda i: (0, 0)),
                  pl.BlockSpec((H, C), lambda i: (0, 0))],
        out_specs=pl.BlockSpec((C, BN), lambda i: (0, i)),
        out_shape=jax.ShapeDtypeStruct((C, NP), jnp.float32),
    )(degT, deg_p, P1, hs, b1r, W2)


def _tc_logsoftmax(deg_p, p20, p21, gsT, b2c):
    def body(deg_ref, p0_ref, p1_ref, gs_ref, b2_ref, o_ref):
        dinv = lax.rsqrt(deg_ref[0:1, :] + deg_ref[1:2, :] + 1.0)
        z0 = dinv * (p0_ref[0:1, :] + p0_ref[1:2, :] + gs_ref[0:1, :]) + b2_ref[0, 0]
        z1 = dinv * (p1_ref[0:1, :] + p1_ref[1:2, :] + gs_ref[1:2, :]) + b2_ref[1, 0]
        m = jnp.maximum(z0, z1)
        lse = m + jnp.log(jnp.exp(z0 - m) + jnp.exp(z1 - m))
        o_ref[0:1, :] = z0 - lse
        o_ref[1:2, :] = z1 - lse

    return pl.pallas_call(
        body,
        grid=(NP // LN,),
        in_specs=[pl.BlockSpec((2, LN), lambda i: (0, i)),
                  pl.BlockSpec((2, LN), lambda i: (0, i)),
                  pl.BlockSpec((2, LN), lambda i: (0, i)),
                  pl.BlockSpec((2, LN), lambda i: (0, i)),
                  pl.BlockSpec((2, 1), lambda i: (0, 0))],
        out_specs=pl.BlockSpec((2, LN), lambda i: (0, i)),
        out_shape=jax.ShapeDtypeStruct((2, NP), jnp.float32),
    )(deg_p, p20, p21, gsT, b2c)


def kernel(x, edge_index, W1, b1, W2, b2):
    N, D = x.shape
    E = edge_index.shape[1]
    H = W1.shape[1]
    C = W2.shape[1]

    nchunks = E // NTILES // CHUNK
    src3d = edge_index[0].reshape(NTILES, nchunks, CHUNK)
    dst3d = edge_index[1].reshape(NTILES, nchunks, CHUNK)
    x_p = jnp.pad(x, ((0, NP - N), (0, 0)))
    b1r = b1.reshape(1, H)
    b2c = b2.reshape(C, 1)

    deg_p = _sc_degree(E)(dst3d).reshape(NCORES, NP)
    degT = deg_p.T
    hs = _tc_embed(degT, x_p, W1)
    P1 = _sc_gather_scatter_rows(E, H)(hs, src3d, dst3d)
    gsT = _tc_layer2(degT, deg_p, P1, hs, b1r, W2)
    g0 = gsT[0]
    g1 = gsT[1]
    p20, p21 = _sc_gather_scatter_elems(E)(g0, g1, src3d, dst3d)
    out2 = _tc_logsoftmax(deg_p, p20, p21, gsT, b2c)
    return out2.T[:N]

# --- scband reference (transcript-rebuilt; emitter-appended) ---
"""Pipeline reference for scband-amlmodel-40776419508665 (READ-ONLY COPY).

The authoritative reference and input builder live on the scoring server;
editing this copy changes nothing except your own understanding.
"""

import jax, jax.numpy as jnp
import numpy as np

N = 10000
E = 320000
D_IN = 128
H = 64
C = 2


def setup_inputs(seed: int = 0) -> dict:
    key = jax.random.key(seed)
    k1, k2, k3, k4 = jax.random.split(key, 4)
    x = jax.random.normal(k1, (N, D_IN), dtype=jnp.float32)
    edge_index = jax.random.randint(k2, (2, E), 0, N, dtype=jnp.int32)
    W1 = jax.random.normal(k3, (D_IN, H), dtype=jnp.float32) / np.sqrt(D_IN)
    b1 = jnp.zeros((H,), dtype=jnp.float32)
    W2 = jax.random.normal(k4, (H, C), dtype=jnp.float32) / np.sqrt(H)
    b2 = jnp.zeros((C,), dtype=jnp.float32)
    return {"x": x, "edge_index": edge_index, "W1": W1, "b1": b1, "W2": W2, "b2": b2}


def gcn_conv(x, src, dst, W, b):
    # PyG GCNConv: add self-loops, symmetric normalization D^{-1/2} A D^{-1/2},
    # linear transform, scatter-add aggregation at dst, then bias.
    n = x.shape[0]
    loop = jnp.arange(n, dtype=src.dtype)
    s = jnp.concatenate([src, loop])
    d = jnp.concatenate([dst, loop])
    deg = jnp.zeros((n,), dtype=x.dtype).at[d].add(1.0)
    deg_inv_sqrt = jnp.where(deg > 0, jax.lax.rsqrt(jnp.maximum(deg, 1e-12)), 0.0)
    norm = deg_inv_sqrt[s] * deg_inv_sqrt[d]
    h = x @ W
    msg = h[s] * norm[:, None]
    out = jnp.zeros((n, W.shape[1]), dtype=x.dtype).at[d].add(msg)
    return out + b


def reference(x, edge_index, W1, b1, W2, b2):
    src = edge_index[0]
    dst = edge_index[1]
    h = gcn_conv(x, src, dst, W1, b1)
    h = jax.nn.relu(h)
    h = gcn_conv(h, src, dst, W2, b2)
    return jax.nn.log_softmax(h, axis=1)

if __name__ == "__main__":
    import jax
    _d = setup_inputs()
    print(jax.jit(kernel)(*tuple(_d.values())))

</pallas_src>

<mosaic_0001>
#map = affine_map<(d0, d1) -> (0, 0, 0)>
#map1 = affine_map<(d0, d1) -> (0)>
module attributes {stable_mosaic.version = 14 : i64} {
  func.func @deg_kernel(%arg0: i32, %arg1: i32, %arg2: memref<32x125x80xi32, #tpu.memory_space<hbm>>, %arg3: memref<20480xf32, #tpu.memory_space<hbm>>, %arg4: memref<125x80xi32, #tpu.memory_space<vmem>>, %arg5: memref<80xf32, #tpu.memory_space<vmem>>, %arg6: memref<80xf32, #tpu.memory_space<vmem>>, %arg7: memref<!tpu.dma_semaphore, #tpu.memory_space<semaphore_mem>>, %arg8: memref<10240xf32, #tpu.memory_space<vmem_shared>>) attributes {dimension_semantics = [#tpu.dimension_semantics<core_parallel>, #tpu.dimension_semantics<subcore_parallel>], iteration_bounds = array<i64: 2, 16>, scalar_prefetch = 0 : i64, scratch_operands = 5 : i64, tpu.core_type = #tpu.core_type<sc_vector_subcore>, window_params = [{transform_indices = #map}, {transform_indices = #map1}]} {
    %mul3A = arith.constant 16 : i32
    %mul3A_0 = arith.muli %arg0, %mul3A : i32
    %add3A = arith.addi %mul3A_0, %arg1 : i32
    %broadcast_in_dim3A = arith.constant 1.000000e+00 : f32
    %broadcast_in_dim3A_1 = vector.broadcast %broadcast_in_dim3A : f32 to vector<16xf32>
    %broadcast_in_dim3A_2 = arith.constant 0.000000e+00 : f32
    %broadcast_in_dim3A_3 = vector.broadcast %broadcast_in_dim3A_2 : f32 to vector<16xf32>
    %swap3A = arith.constant 0 : index
    %swap3A_4 = tpu.vector_load %arg5[%swap3A] {strides = array<i32>} : memref<80xf32, #tpu.memory_space<vmem>>, vector<16xf32>,
    %swap3A_5 = vector.shape_cast %swap3A_4 : vector<16xf32> to vector<16xf32>
    %swap3A_6 = vector.shape_cast %broadcast_in_dim3A_1 : vector<16xf32> to vector<16xf32>
    tpu.vector_store %arg5[%swap3A], %swap3A_6 {strides = array<i32>} : memref<80xf32, #tpu.memory_space<vmem>>, vector<16xf32>,
    %swap3A_7 = arith.constant 0 : index
    %swap3A_8 = tpu.vector_load %arg6[%swap3A_7] {strides = array<i32>} : memref<80xf32, #tpu.memory_space<vmem>>, vector<16xf32>,
    %swap3A_9 = vector.shape_cast %swap3A_8 : vector<16xf32> to vector<16xf32>
    %swap3A_10 = vector.shape_cast %broadcast_in_dim3A_3 : vector<16xf32> to vector<16xf32>
    tpu.vector_store %arg6[%swap3A_7], %swap3A_10 {strides = array<i32>} : memref<80xf32, #tpu.memory_space<vmem>>, vector<16xf32>,
    %swap3A_11 = arith.constant 16 : index
    %swap3A_12 = tpu.vector_load %arg5[%swap3A_11] {strides = array<i32>} : memref<80xf32, #tpu.memory_space<vmem>>, vector<16xf32>,
    %swap3A_13 = vector.shape_cast %swap3A_12 : vector<16xf32> to vector<16xf32>
    %swap3A_14 = vector.shape_cast %broadcast_in_dim3A_1 : vector<16xf32> to vector<16xf32>
    tpu.vector_store %arg5[%swap3A_11], %swap3A_14 {strides = array<i32>} : memref<80xf32, #tpu.memory_space<vmem>>, vector<16xf32>,
    %swap3A_15 = arith.constant 16 : index
    %swap3A_16 = tpu.vector_load %arg6[%swap3A_15] {strides = array<i32>} : memref<80xf32, #tpu.memory_space<vmem>>, vector<16xf32>,
    %swap3A_17 = vector.shape_cast %swap3A_16 : vector<16xf32> to vector<16xf32>
    %swap3A_18 = vector.shape_cast %broadcast_in_dim3A_3 : vector<16xf32> to vector<16xf32>
    tpu.vector_store %arg6[%swap3A_15], %swap3A_18 {strides = array<i32>} : memref<80xf32, #tpu.memory_space<vmem>>, vector<16xf32>,
    %swap3A_19 = arith.constant 32 : index
    %swap3A_20 = tpu.vector_load %arg5[%swap3A_19] {strides = array<i32>} : memref<80xf32, #tpu.memory_space<vmem>>, vector<16xf32>,
    %swap3A_21 = vector.shape_cast %swap3A_20 : vector<16xf32> to vector<16xf32>
    %swap3A_22 = vector.shape_cast %broadcast_in_dim3A_1 : vector<16xf32> to vector<16xf32>
    tpu.vector_store %arg5[%swap3A_19], %swap3A_22 {strides = array<i32>} : memref<80xf32, #tpu.memory_space<vmem>>, vector<16xf32>,
    %swap3A_23 = arith.constant 32 : index
    %swap3A_24 = tpu.vector_load %arg6[%swap3A_23] {strides = array<i32>} : memref<80xf32, #tpu.memory_space<vmem>>, vector<16xf32>,
    %swap3A_25 = vector.shape_cast %swap3A_24 : vector<16xf32> to vector<16xf32>
    %swap3A_26 = vector.shape_cast %broadcast_in_dim3A_3 : vector<16xf32> to vector<16xf32>
    tpu.vector_store %arg6[%swap3A_23], %swap3A_26 {strides = array<i32>} : memref<80xf32, #tpu.memory_space<vmem>>, vector<16xf32>,
    %swap3A_27 = arith.constant 48 : index
    %swap3A_28 = tpu.vector_load %arg5[%swap3A_27] {strides = array<i32>} : memref<80xf32, #tpu.memory_space<vmem>>, vector<16xf32>,
    %swap3A_29 = vector.shape_cast %swap3A_28 : vector<16xf32> to vector<16xf32>
    %swap3A_30 = vector.shape_cast %broadcast_in_dim3A_1 : vector<16xf32> to vector<16xf32>
    tpu.vector_store %arg5[%swap3A_27], %swap3A_30 {strides = array<i32>} : memref<80xf32, #tpu.memory_space<vmem>>, vector<16xf32>,
    %swap3A_31 = arith.constant 48 : index
    %swap3A_32 = tpu.vector_load %arg6[%swap3A_31] {strides = array<i32>} : memref<80xf32, #tpu.memory_space<vmem>>, vector<16xf32>,
    %swap3A_33 = vector.shape_cast %swap3A_32 : vector<16xf32> to vector<16xf32>
    %swap3A_34 = vector.shape_cast %broadcast_in_dim3A_3 : vector<16xf32> to vector<16xf32>
    tpu.vector_store %arg6[%swap3A_31], %swap3A_34 {strides = array<i32>} : memref<80xf32, #tpu.memory_space<vmem>>, vector<16xf32>,
    %swap3A_35 = arith.constant 64 : index
    %swap3A_36 = tpu.vector_load %arg5[%swap3A_35] {strides = array<i32>} : memref<80xf32, #tpu.memory_space<vmem>>, vector<16xf32>,
    %swap3A_37 = vector.shape_cast %swap3A_36 : vector<16xf32> to vector<16xf32>
    %swap3A_38 = vector.shape_cast %broadcast_in_dim3A_1 : vector<16xf32> to vector<16xf32>
    tpu.vector_store %arg5[%swap3A_35], %swap3A_38 {strides = array<i32>} : memref<80xf32, #tpu.memory_space<vmem>>, vector<16xf32>,
    %swap3A_39 = arith.constant 64 : index
    %swap3A_40 = tpu.vector_load %arg6[%swap3A_39] {strides = array<i32>} : memref<80xf32, #tpu.memory_space<vmem>>, vector<16xf32>,
    %swap3A_41 = vector.shape_cast %swap3A_40 : vector<16xf32> to vector<16xf32>
    %swap3A_42 = vector.shape_cast %broadcast_in_dim3A_3 : vector<16xf32> to vector<16xf32>
    tpu.vector_store %arg6[%swap3A_39], %swap3A_42 {strides = array<i32>} : memref<80xf32, #tpu.memory_space<vmem>>, vector<16xf32>,
    %scan3A = arith.constant 0 : i32
    %scan3A_43 = arith.constant 0 : i32
    %scan3A_44 = arith.constant 8 : i32
    %scan3A_45 = arith.addi %scan3A_43, %scan3A_44 : i32
    %scan3A_46 = arith.constant 1 : i32
    scf.for %scan3A_61 = %scan3A_43 to %scan3A_45 step %scan3A_46  : i32 {
      %mul3A_62 = arith.constant 640 : i32
      %mul3A_63 = arith.muli %arg1, %mul3A_62 : i32
      %mul3A_64 = arith.constant 80 : i32
      %mul3A_65 = arith.muli %scan3A_61, %mul3A_64 : i32
      %add3A_66 = arith.addi %mul3A_63, %mul3A_65 : i32
      "tpu.region"() ({
        %run_scoped3A = tpu.sem_alloc : memref<!tpu.dma_semaphore, #tpu.memory_space<semaphore_mem>>
        %dma_start3A = tpu.memref_slice %arg8[%add3A_66] : memref<10240xf32, #tpu.memory_space<vmem_shared>> -> memref<80xf32, #tpu.memory_space<vmem_shared>>
        %dma_start3A_67 = tpu.memref_slice %arg8[%add3A_66] : memref<10240xf32, #tpu.memory_space<vmem_shared>> -> memref<80xf32, #tpu.memory_space<vmem_shared>>
        tpu.enqueue_dma source(%arg6 : memref<80xf32, #tpu.memory_space<vmem>>) target(%dma_start3A_67 : memref<80xf32, #tpu.memory_space<vmem_shared>>) target_semaphore(%run_scoped3A : memref<!tpu.dma_semaphore, #tpu.memory_space<semaphore_mem>>)
        %dma_wait3A = tpu.memref_slice %arg8[%add3A_66] : memref<10240xf32, #tpu.memory_space<vmem_shared>> -> memref<80xf32, #tpu.memory_space<vmem_shared>>
        %dma_wait3A_68 = tpu.memref_slice %arg8[%add3A_66] : memref<10240xf32, #tpu.memory_space<vmem_shared>> -> memref<80xf32, #tpu.memory_space<vmem_shared>>
        tpu.wait_dma2 semaphore(%run_scoped3A : memref<!tpu.dma_semaphore, #tpu.memory_space<semaphore_mem>>) src(%arg6 : memref<80xf32, #tpu.memory_space<vmem>>) dst(%dma_wait3A_68 : memref<80xf32, #tpu.memory_space<vmem_shared>>)
        tpu.yield
      }) : () -> ()
    }
    %scan3A_47 = arith.constant 8 : i32
    %barrier3A = arith.constant 0 : index
    tpu.barrier barrier_id(%barrier3A)
    "tpu.region"() ({
      %run_scoped3A = tpu.sem_alloc : memref<!tpu.dma_semaphore, #tpu.memory_space<semaphore_mem>>
      %dma_start3A = arith.constant 0 : i32
      %dma_start3A_61 = arith.constant 0 : i32
      %dma_start3A_62 = tpu.memref_slice %arg2[%add3A, %dma_start3A, %dma_start3A_61] : memref<32x125x80xi32, #tpu.memory_space<hbm>> -> memref<1x125x80xi32, #tpu.memory_space<hbm>>
      %dma_start3A_63 = tpu.memref_squeeze %dma_start3A_62 : memref<1x125x80xi32, #tpu.memory_space<hbm>> -> memref<125x80xi32, #tpu.memory_space<hbm>>
      %dma_start3A_64 = arith.constant 0 : i32
      %dma_start3A_65 = arith.constant 0 : i32
      %dma_start3A_66 = tpu.memref_slice %arg2[%add3A, %dma_start3A_64, %dma_start3A_65] : memref<32x125x80xi32, #tpu.memory_space<hbm>> -> memref<1x125x80xi32, #tpu.memory_space<hbm>>
      %dma_start3A_67 = tpu.memref_squeeze %dma_start3A_66 : memref<1x125x80xi32, #tpu.memory_space<hbm>> -> memref<125x80xi32, #tpu.memory_space<hbm>>
      tpu.enqueue_dma source(%dma_start3A_67 : memref<125x80xi32, #tpu.memory_space<hbm>>) target(%arg4 : memref<125x80xi32, #tpu.memory_space<vmem>>) target_semaphore(%run_scoped3A : memref<!tpu.dma_semaphore, #tpu.memory_space<semaphore_mem>>)
      %dma_wait3A = arith.constant 0 : i32
      %dma_wait3A_68 = arith.constant 0 : i32
      %dma_wait3A_69 = tpu.memref_slice %arg2[%add3A, %dma_wait3A, %dma_wait3A_68] : memref<32x125x80xi32, #tpu.memory_space<hbm>> -> memref<1x125x80xi32, #tpu.memory_space<hbm>>
      %dma_wait3A_70 = tpu.memref_squeeze %dma_wait3A_69 : memref<1x125x80xi32, #tpu.memory_space<hbm>> -> memref<125x80xi32, #tpu.memory_space<hbm>>
      %dma_wait3A_71 = arith.constant 0 : i32
      %dma_wait3A_72 = arith.constant 0 : i32
      %dma_wait3A_73 = tpu.memref_slice %arg2[%add3A, %dma_wait3A_71, %dma_wait3A_72] : memref<32x125x80xi32, #tpu.memory_space<hbm>> -> memref<1x125x80xi32, #tpu.memory_space<hbm>>
      %dma_wait3A_74 = tpu.memref_squeeze %dma_wait3A_73 : memref<1x125x80xi32, #tpu.memory_space<hbm>> -> memref<125x80xi32, #tpu.memory_space<hbm>>
      tpu.wait_dma2 semaphore(%run_scoped3A : memref<!tpu.dma_semaphore, #tpu.memory_space<semaphore_mem>>) src(%dma_wait3A_74 : memref<125x80xi32, #tpu.memory_space<hbm>>) dst(%arg4 : memref<125x80xi32, #tpu.memory_space<vmem>>)
      tpu.yield
    }) : () -> ()
    %scan3A_48 = arith.constant 0 : i32
    %scan3A_49 = arith.constant 0 : i32
    %scan3A_50 = arith.constant 5 : i32
    %scan3A_51 = arith.addi %scan3A_49, %scan3A_50 : i32
    %scan3A_52 = arith.constant 1 : i32
    scf.for %scan3A_61 = %scan3A_49 to %scan3A_51 step %scan3A_52  : i32 {
      %mul3A_62 = arith.constant 25 : i32
      %mul3A_63 = arith.muli %mul3A_62, %scan3A_61 : i32
      %add3A_64 = arith.constant 0 : i32
      %add3A_65 = arith.addi %mul3A_63, %add3A_64 : i32
      %dma_start3A = arith.constant 0 : i32
      %dma_start3A_66 = tpu.memref_slice %arg4[%add3A_65, %dma_start3A] : memref<125x80xi32, #tpu.memory_space<vmem>> -> memref<1x80xi32, #tpu.memory_space<vmem>>
      %dma_start3A_67 = tpu.memref_squeeze %dma_start3A_66 : memref<1x80xi32, #tpu.memory_space<vmem>> -> memref<80xi32, #tpu.memory_space<vmem>>
      %dma_start3A_68 = arith.constant 0 : i32
      %dma_start3A_69 = tpu.memref_slice %arg8[%dma_start3A_68] : memref<10240xf32, #tpu.memory_space<vmem_shared>> -> memref<10240xf32, #tpu.memory_space<vmem_shared>>
      tpu.enqueue_indirect_dma source(%arg5 : memref<80xf32, #tpu.memory_space<vmem>>) target(%dma_start3A_69 : memref<10240xf32, #tpu.memory_space<vmem_shared>>) offsets(%dma_start3A_67 : memref<80xi32, #tpu.memory_space<vmem>>) semaphore(%arg7 : memref<!tpu.dma_semaphore, #tpu.memory_space<semaphore_mem>>) {add = true}
      %mul3A_70 = arith.constant 25 : i32
      %mul3A_71 = arith.muli %mul3A_70, %scan3A_61 : i32
      %add3A_72 = arith.constant 1 : i32
      %add3A_73 = arith.addi %mul3A_71, %add3A_72 : i32
      %dma_start3A_74 = arith.constant 0 : i32
      %dma_start3A_75 = tpu.memref_slice %arg4[%add3A_73, %dma_start3A_74] : memref<125x80xi32, #tpu.memory_space<vmem>> -> memref<1x80xi32, #tpu.memory_space<vmem>>
      %dma_start3A_76 = tpu.memref_squeeze %dma_start3A_75 : memref<1x80xi32, #tpu.memory_space<vmem>> -> memref<80xi32, #tpu.memory_space<vmem>>
      %dma_start3A_77 = arith.constant 0 : i32
      %dma_start3A_78 = tpu.memref_slice %arg8[%dma_start3A_77] : memref<10240xf32, #tpu.memory_space<vmem_shared>> -> memref<10240xf32, #tpu.memory_space<vmem_shared>>
      tpu.enqueue_indirect_dma source(%arg5 : memref<80xf32, #tpu.memory_space<vmem>>) target(%dma_start3A_78 : memref<10240xf32, #tpu.memory_space<vmem_shared>>) offsets(%dma_start3A_76 : memref<80xi32, #tpu.memory_space<vmem>>) semaphore(%arg7 : memref<!tpu.dma_semaphore, #tpu.memory_space<semaphore_mem>>) {add = true}
      %mul3A_79 = arith.constant 25 : i32
      %mul3A_80 = arith.muli %mul3A_79, %scan3A_61 : i32
      %add3A_81 = arith.constant 2 : i32
      %add3A_82 = arith.addi %mul3A_80, %add3A_81 : i32
      %dma_start3A_83 = arith.constant 0 : i32
      %dma_start3A_84 = tpu.memref_slice %arg4[%add3A_82, %dma_start3A_83] : memref<125x80xi32, #tpu.memory_space<vmem>> -> memref<1x80xi32, #tpu.memory_space<vmem>>
      %dma_start3A_85 = tpu.memref_squeeze %dma_start3A_84 : memref<1x80xi32, #tpu.memory_space<vmem>> -> memref<80xi32, #tpu.memory_space<vmem>>
      %dma_start3A_86 = arith.constant 0 : i32
      %dma_start3A_87 = tpu.memref_slice %arg8[%dma_start3A_86] : memref<10240xf32, #tpu.memory_space<vmem_shared>> -> memref<10240xf32, #tpu.memory_space<vmem_shared>>
      tpu.enqueue_indirect_dma source(%arg5 : memref<80xf32, #tpu.memory_space<vmem>>) target(%dma_start3A_87 : memref<10240xf32, #tpu.memory_space<vmem_shared>>) offsets(%dma_start3A_85 : memref<80xi32, #tpu.memory_space<vmem>>) semaphore(%arg7 : memref<!tpu.dma_semaphore, #tpu.memory_space<semaphore_mem>>) {add = true}
      %mul3A_88 = arith.constant 25 : i32
      %mul3A_89 = arith.muli %mul3A_88, %scan3A_61 : i32
      %add3A_90 = arith.constant 3 : i32
      %add3A_91 = arith.addi %mul3A_89, %add3A_90 : i32
      %dma_start3A_92 = arith.constant 0 : i32
      %dma_start3A_93 = tpu.memref_slice %arg4[%add3A_91, %dma_start3A_92] : memref<125x80xi32, #tpu.memory_space<vmem>> -> memref<1x80xi32, #tpu.memory_space<vmem>>
      %dma_start3A_94 = tpu.memref_squeeze %dma_start3A_93 : memref<1x80xi32, #tpu.memory_space<vmem>> -> memref<80xi32, #tpu.memory_space<vmem>>
      %dma_start3A_95 = arith.constant 0 : i32
      %dma_start3A_96 = tpu.memref_slice %arg8[%dma_start3A_95] : memref<10240xf32, #tpu.memory_space<vmem_shared>> -> memref<10240xf32, #tpu.memory_space<vmem_shared>>
      tpu.enqueue_indirect_dma source(%arg5 : memref<80xf32, #tpu.memory_space<vmem>>) target(%dma_start3A_96 : memref<10240xf32, #tpu.memory_space<vmem_shared>>) offsets(%dma_start3A_94 : memref<80xi32, #tpu.memory_space<vmem>>) semaphore(%arg7 : memref<!tpu.dma_semaphore, #tpu.memory_space<semaphore_mem>>) {add = true}
      %mul3A_97 = arith.constant 25 : i32
      %mul3A_98 = arith.muli %mul3A_97, %scan3A_61 : i32
      %add3A_99 = arith.constant 4 : i32
      %add3A_100 = arith.addi %mul3A_98, %add3A_99 : i32
      %dma_start3A_101 = arith.constant 0 : i32
      %dma_start3A_102 = tpu.memref_slice %arg4[%add3A_100, %dma_start3A_101] : memref<125x80xi32, #tpu.memory_space<vmem>> -> memref<1x80xi32, #tpu.memory_space<vmem>>
      %dma_start3A_103 = tpu.memref_squeeze %dma_start3A_102 : memref<1x80xi32, #tpu.memory_space<vmem>> -> memref<80xi32, #tpu.memory_space<vmem>>
      %dma_start3A_104 = arith.constant 0 : i32
      %dma_start3A_105 = tpu.memref_slice %arg8[%dma_start3A_104] : memref<10240xf32, #tpu.memory_space<vmem_shared>> -> memref<10240xf32, #tpu.memory_space<vmem_shared>>
      tpu.enqueue_indirect_dma source(%arg5 : memref<80xf32, #tpu.memory_space<vmem>>) target(%dma_start3A_105 : memref<10240xf32, #tpu.memory_space<vmem_shared>>) offsets(%dma_start3A_103 : memref<80xi32, #tpu.memory_space<vmem>>) semaphore(%arg7 : memref<!tpu.dma_semaphore, #tpu.memory_space<semaphore_mem>>) {add = true}
      %mul3A_106 = arith.constant 25 : i32
      %mul3A_107 = arith.muli %mul3A_106, %scan3A_61 : i32
      %add3A_108 = arith.constant 5 : i32
      %add3A_109 = arith.addi %mul3A_107, %add3A_108 : i32
      %dma_start3A_110 = arith.constant 0 : i32
      %dma_start3A_111 = tpu.memref_slice %arg4[%add3A_109, %dma_start3A_110] : memref<125x80xi32, #tpu.memory_space<vmem>> -> memref<1x80xi32, #tpu.memory_space<vmem>>
      %dma_start3A_112 = tpu.memref_squeeze %dma_start3A_111 : memref<1x80xi32, #tpu.memory_space<vmem>> -> memref<80xi32, #tpu.memory_space<vmem>>
      %dma_start3A_113 = arith.constant 0 : i32
      %dma_start3A_114 = tpu.memref_slice %arg8[%dma_start3A_113] : memref<10240xf32, #tpu.memory_space<vmem_shared>> -> memref<10240xf32, #tpu.memory_space<vmem_shared>>
      tpu.enqueue_indirect_dma source(%arg5 : memref<80xf32, #tpu.memory_space<vmem>>) target(%dma_start3A_114 : memref<10240xf32, #tpu.memory_space<vmem_shared>>) offsets(%dma_start3A_112 : memref<80xi32, #tpu.memory_space<vmem>>) semaphore(%arg7 : memref<!tpu.dma_semaphore, #tpu.memory_space<semaphore_mem>>) {add = true}
      %mul3A_115 = arith.constant 25 : i32
      %mul3A_116 = arith.muli %mul3A_115, %scan3A_61 : i32
      %add3A_117 = arith.constant 6 : i32
      %add3A_118 = arith.addi %mul3A_116, %add3A_117 : i32
      %dma_start3A_119 = arith.constant 0 : i32
      %dma_start3A_120 = tpu.memref_slice %arg4[%add3A_118, %dma_start3A_119] : memref<125x80xi32, #tpu.memory_space<vmem>> -> memref<1x80xi32, #tpu.memory_space<vmem>>
      %dma_start3A_121 = tpu.memref_squeeze %dma_start3A_120 : memref<1x80xi32, #tpu.memory_space<vmem>> -> memref<80xi32, #tpu.memory_space<vmem>>
      %dma_start3A_122 = arith.constant 0 : i32
      %dma_start3A_123 = tpu.memref_slice %arg8[%dma_start3A_122] : memref<10240xf32, #tpu.memory_space<vmem_shared>> -> memref<10240xf32, #tpu.memory_space<vmem_shared>>
      tpu.enqueue_indirect_dma source(%arg5 : memref<80xf32, #tpu.memory_space<vmem>>) target(%dma_start3A_123 : memref<10240xf32, #tpu.memory_space<vmem_shared>>) offsets(%dma_start3A_121 : memref<80xi32, #tpu.memory_space<vmem>>) semaphore(%arg7 : memref<!tpu.dma_semaphore, #tpu.memory_space<semaphore_mem>>) {add = true}
      %mul3A_124 = arith.constant 25 : i32
      %mul3A_125 = arith.muli %mul3A_124, %scan3A_61 : i32
      %add3A_126 = arith.constant 7 : i32
      %add3A_127 = arith.addi %mul3A_125, %add3A_126 : i32
      %dma_start3A_128 = arith.constant 0 : i32
      %dma_start3A_129 = tpu.memref_slice %arg4[%add3A_127, %dma_start3A_128] : memref<125x80xi32, #tpu.memory_space<vmem>> -> memref<1x80xi32, #tpu.memory_space<vmem>>
      %dma_start3A_130 = tpu.memref_squeeze %dma_start3A_129 : memref<1x80xi32, #tpu.memory_space<vmem>> -> memref<80xi32, #tpu.memory_space<vmem>>
      %dma_start3A_131 = arith.constant 0 : i32
      %dma_start3A_132 = tpu.memref_slice %arg8[%dma_start3A_131] : memref<10240xf32, #tpu.memory_space<vmem_shared>> -> memref<10240xf32, #tpu.memory_space<vmem_shared>>
      tpu.enqueue_indirect_dma source(%arg5 : memref<80xf32, #tpu.memory_space<vmem>>) target(%dma_start3A_132 : memref<10240xf32, #tpu.memory_space<vmem_shared>>) offsets(%dma_start3A_130 : memref<80xi32, #tpu.memory_space<vmem>>) semaphore(%arg7 : memref<!tpu.dma_semaphore, #tpu.memory_space<semaphore_mem>>) {add = true}
      %mul3A_133 = arith.constant 25 : i32
      %mul3A_134 = arith.muli %mul3A_133, %scan3A_61 : i32
      %add3A_135 = arith.constant 8 : i32
      %add3A_136 = arith.addi %mul3A_134, %add3A_135 : i32
      %dma_start3A_137 = arith.constant 0 : i32
      %dma_start3A_138 = tpu.memref_slice %arg4[%add3A_136, %dma_start3A_137] : memref<125x80xi32, #tpu.memory_space<vmem>> -> memref<1x80xi32, #tpu.memory_space<vmem>>
      %dma_start3A_139 = tpu.memref_squeeze %dma_start3A_138 : memref<1x80xi32, #tpu.memory_space<vmem>> -> memref<80xi32, #tpu.memory_space<vmem>>
      %dma_start3A_140 = arith.constant 0 : i32
      %dma_start3A_141 = tpu.memref_slice %arg8[%dma_start3A_140] : memref<10240xf32, #tpu.memory_space<vmem_shared>> -> memref<10240xf32, #tpu.memory_space<vmem_shared>>
      tpu.enqueue_indirect_dma source(%arg5 : memref<80xf32, #tpu.memory_space<vmem>>) target(%dma_start3A_141 : memref<10240xf32, #tpu.memory_space<vmem_shared>>) offsets(%dma_start3A_139 : memref<80xi32, #tpu.memory_space<vmem>>) semaphore(%arg7 : memref<!tpu.dma_semaphore, #tpu.memory_space<semaphore_mem>>) {add = true}
      %mul3A_142 = arith.constant 25 : i32
      %mul3A_143 = arith.muli %mul3A_142, %scan3A_61 : i32
      %add3A_144 = arith.constant 9 : i32
      %add3A_145 = arith.addi %mul3A_143, %add3A_144 : i32
      %dma_start3A_146 = arith.constant 0 : i32
      %dma_start3A_147 = tpu.memref_slice %arg4[%add3A_145, %dma_start3A_146] : memref<125x80xi32, #tpu.memory_space<vmem>> -> memref<1x80xi32, #tpu.memory_space<vmem>>
      %dma_start3A_148 = tpu.memref_squeeze %dma_start3A_147 : memref<1x80xi32, #tpu.memory_space<vmem>> -> memref<80xi32, #tpu.memory_space<vmem>>
      %dma_start3A_149 = arith.constant 0 : i32
      %dma_start3A_150 = tpu.memref_slice %arg8[%dma_start3A_149] : memref<10240xf32, #tpu.memory_space<vmem_shared>> -> memref<10240xf32, #tpu.memory_space<vmem_shared>>
      tpu.enqueue_indirect_dma source(%arg5 : memref<80xf32, #tpu.memory_space<vmem>>) target(%dma_start3A_150 : memref<10240xf32, #tpu.memory_space<vmem_shared>>) offsets(%dma_start3A_148 : memref<80xi32, #tpu.memory_space<vmem>>) semaphore(%arg7 : memref<!tpu.dma_semaphore, #tpu.memory_space<semaphore_mem>>) {add = true}
      %mul3A_151 = arith.constant 25 : i32
      %mul3A_152 = arith.muli %mul3A_151, %scan3A_61 : i32
      %add3A_153 = arith.constant 10 : i32
      %add3A_154 = arith.addi %mul3A_152, %add3A_153 : i32
      %dma_start3A_155 = arith.constant 0 : i32
      %dma_start3A_156 = tpu.memref_slice %arg4[%add3A_154, %dma_start3A_155] : memref<125x80xi32, #tpu.memory_space<vmem>> -> memref<1x80xi32, #tpu.memory_space<vmem>>
      %dma_start3A_157 = tpu.memref_squeeze %dma_start3A_156 : memref<1x80xi32, #tpu.memory_space<vmem>> -> memref<80xi32, #tpu.memory_space<vmem>>
      %dma_start3A_158 = arith.constant 0 : i32
      %dma_start3A_159 = tpu.memref_slice %arg8[%dma_start3A_158] : memref<10240xf32, #tpu.memory_space<vmem_shared>> -> memref<10240xf32, #tpu.memory_space<vmem_shared>>
      tpu.enqueue_indirect_dma source(%arg5 : memref<80xf32, #tpu.memory_space<vmem>>) target(%dma_start3A_159 : memref<10240xf32, #tpu.memory_space<vmem_shared>>) offsets(%dma_start3A_157 : memref<80xi32, #tpu.memory_space<vmem>>) semaphore(%arg7 : memref<!tpu.dma_semaphore, #tpu.memory_space<semaphore_mem>>) {add = true}
      %mul3A_160 = arith.constant 25 : i32
      %mul3A_161 = arith.muli %mul3A_160, %scan3A_61 : i32
      %add3A_162 = arith.constant 11 : i32
      %add3A_163 = arith.addi %mul3A_161, %add3A_162 : i32
      %dma_start3A_164 = arith.constant 0 : i32
      %dma_start3A_165 = tpu.memref_slice %arg4[%add3A_163, %dma_start3A_164] : memref<125x80xi32, #tpu.memory_space<vmem>> -> memref<1x80xi32, #tpu.memory_space<vmem>>
      %dma_start3A_166 = tpu.memref_squeeze %dma_start3A_165 : memref<1x80xi32, #tpu.memory_space<vmem>> -> memref<80xi32, #tpu.memory_space<vmem>>
      %dma_start3A_167 = arith.constant 0 : i32
      %dma_start3A_168 = tpu.memref_slice %arg8[%dma_start3A_167] : memref<10240xf32, #tpu.memory_space<vmem_shared>> -> memref<10240xf32, #tpu.memory_space<vmem_shared>>
      tpu.enqueue_indirect_dma source(%arg5 : memref<80xf32, #tpu.memory_space<vmem>>) target(%dma_start3A_168 : memref<10240xf32, #tpu.memory_space<vmem_shared>>) offsets(%dma_start3A_166 : memref<80xi32, #tpu.memory_space<vmem>>) semaphore(%arg7 : memref<!tpu.dma_semaphore, #tpu.memory_space<semaphore_mem>>) {add = true}
      %mul3A_169 = arith.constant 25 : i32
      %mul3A_170 = arith.muli %mul3A_169, %scan3A_61 : i32
      %add3A_171 = arith.constant 12 : i32
      %add3A_172 = arith.addi %mul3A_170, %add3A_171 : i32
      %dma_start3A_173 = arith.constant 0 : i32
      %dma_start3A_174 = tpu.memref_slice %arg4[%add3A_172, %dma_start3A_173] : memref<125x80xi32, #tpu.memory_space<vmem>> -> memref<1x80xi32, #tpu.memory_space<vmem>>
      %dma_start3A_175 = tpu.memref_squeeze %dma_start3A_174 : memref<1x80xi32, #tpu.memory_space<vmem>> -> memref<80xi32, #tpu.memory_space<vmem>>
      %dma_start3A_176 = arith.constant 0 : i32
      %dma_start3A_177 = tpu.memref_slice %arg8[%dma_start3A_176] : memref<10240xf32, #tpu.memory_space<vmem_shared>> -> memref<10240xf32, #tpu.memory_space<vmem_shared>>
      tpu.enqueue_indirect_dma source(%arg5 : memref<80xf32, #tpu.memory_space<vmem>>) target(%dma_start3A_177 : memref<10240xf32, #tpu.memory_space<vmem_shared>>) offsets(%dma_start3A_175 : memref<80xi32, #tpu.memory_space<vmem>>) semaphore(%arg7 : memref<!tpu.dma_semaphore, #tpu.memory_space<semaphore_mem>>) {add = true}
      %mul3A_178 = arith.constant 25 : i32
      %mul3A_179 = arith.muli %mul3A_178, %scan3A_61 : i32
      %add3A_180 = arith.constant 13 : i32
      %add3A_181 = arith.addi %mul3A_179, %add3A_180 : i32
      %dma_start3A_182 = arith.constant 0 : i32
      %dma_start3A_183 = tpu.memref_slice %arg4[%add3A_181, %dma_start3A_182] : memref<125x80xi32, #tpu.memory_space<vmem>> -> memref<1x80xi32, #tpu.memory_space<vmem>>
      %dma_start3A_184 = tpu.memref_squeeze %dma_start3A_183 : memref<1x80xi32, #tpu.memory_space<vmem>> -> memref<80xi32, #tpu.memory_space<vmem>>
      %dma_start3A_185 = arith.constant 0 : i32
      %dma_start3A_186 = tpu.memref_slice %arg8[%dma_start3A_185] : memref<10240xf32, #tpu.memory_space<vmem_shared>> -> memref<10240xf32, #tpu.memory_space<vmem_shared>>
      tpu.enqueue_indirect_dma source(%arg5 : memref<80xf32, #tpu.memory_space<vmem>>) target(%dma_start3A_186 : memref<10240xf32, #tpu.memory_space<vmem_shared>>) offsets(%dma_start3A_184 : memref<80xi32, #tpu.memory_space<vmem>>) semaphore(%arg7 : memref<!tpu.dma_semaphore, #tpu.memory_space<semaphore_mem>>) {add = true}
      %mul3A_187 = arith.constant 25 : i32
      %mul3A_188 = arith.muli %mul3A_187, %scan3A_61 : i32
      %add3A_189 = arith.constant 14 : i32
      %add3A_190 = arith.addi %mul3A_188, %add3A_189 : i32
      %dma_start3A_191 = arith.constant 0 : i32
      %dma_start3A_192 = tpu.memref_slice %arg4[%add3A_190, %dma_start3A_191] : memref<125x80xi32, #tpu.memory_space<vmem>> -> memref<1x80xi32, #tpu.memory_space<vmem>>
      %dma_start3A_193 = tpu.memref_squeeze %dma_start3A_192 : memref<1x80xi32, #tpu.memory_space<vmem>> -> memref<80xi32, #tpu.memory_space<vmem>>
      %dma_start3A_194 = arith.constant 0 : i32
      %dma_start3A_195 = tpu.memref_slice %arg8[%dma_start3A_194] : memref<10240xf32, #tpu.memory_space<vmem_shared>> -> memref<10240xf32, #tpu.memory_space<vmem_shared>>
      tpu.enqueue_indirect_dma source(%arg5 : memref<80xf32, #tpu.memory_space<vmem>>) target(%dma_start3A_195 : memref<10240xf32, #tpu.memory_space<vmem_shared>>) offsets(%dma_start3A_193 : memref<80xi32, #tpu.memory_space<vmem>>) semaphore(%arg7 : memref<!tpu.dma_semaphore, #tpu.memory_space<semaphore_mem>>) {add = true}
      %mul3A_196 = arith.constant 25 : i32
      %mul3A_197 = arith.muli %mul3A_196, %scan3A_61 : i32
      %add3A_198 = arith.constant 15 : i32
      %add3A_199 = arith.addi %mul3A_197, %add3A_198 : i32
      %dma_start3A_200 = arith.constant 0 : i32
      %dma_start3A_201 = tpu.memref_slice %arg4[%add3A_199, %dma_start3A_200] : memref<125x80xi32, #tpu.memory_space<vmem>> -> memref<1x80xi32, #tpu.memory_space<vmem>>
      %dma_start3A_202 = tpu.memref_squeeze %dma_start3A_201 : memref<1x80xi32, #tpu.memory_space<vmem>> -> memref<80xi32, #tpu.memory_space<vmem>>
      %dma_start3A_203 = arith.constant 0 : i32
      %dma_start3A_204 = tpu.memref_slice %arg8[%dma_start3A_203] : memref<10240xf32, #tpu.memory_space<vmem_shared>> -> memref<10240xf32, #tpu.memory_space<vmem_shared>>
      tpu.enqueue_indirect_dma source(%arg5 : memref<80xf32, #tpu.memory_space<vmem>>) target(%dma_start3A_204 : memref<10240xf32, #tpu.memory_space<vmem_shared>>) offsets(%dma_start3A_202 : memref<80xi32, #tpu.memory_space<vmem>>) semaphore(%arg7 : memref<!tpu.dma_semaphore, #tpu.memory_space<semaphore_mem>>) {add = true}
      %mul3A_205 = arith.constant 25 : i32
      %mul3A_206 = arith.muli %mul3A_205, %scan3A_61 : i32
      %add3A_207 = arith.constant 16 : i32
      %add3A_208 = arith.addi %mul3A_206, %add3A_207 : i32
      %dma_start3A_209 = arith.constant 0 : i32
      %dma_start3A_210 = tpu.memref_slice %arg4[%add3A_208, %dma_start3A_209] : memref<125x80xi32, #tpu.memory_space<vmem>> -> memref<1x80xi32, #tpu.memory_space<vmem>>
      %dma_start3A_211 = tpu.memref_squeeze %dma_start3A_210 : memref<1x80xi32, #tpu.memory_space<vmem>> -> memref<80xi32, #tpu.memory_space<vmem>>
      %dma_start3A_212 = arith.constant 0 : i32
      %dma_start3A_213 = tpu.memref_slice %arg8[%dma_start3A_212] : memref<10240xf32, #tpu.memory_space<vmem_shared>> -> memref<10240xf32, #tpu.memory_space<vmem_shared>>
      tpu.enqueue_indirect_dma source(%arg5 : memref<80xf32, #tpu.memory_space<vmem>>) target(%dma_start3A_213 : memref<10240xf32, #tpu.memory_space<vmem_shared>>) offsets(%dma_start3A_211 : memref<80xi32, #tpu.memory_space<vmem>>) semaphore(%arg7 : memref<!tpu.dma_semaphore, #tpu.memory_space<semaphore_mem>>) {add = true}
      %mul3A_214 = arith.constant 25 : i32
      %mul3A_215 = arith.muli %mul3A_214, %scan3A_61 : i32
      %add3A_216 = arith.constant 17 : i32
      %add3A_217 = arith.addi %mul3A_215, %add3A_216 : i32
      %dma_start3A_218 = arith.constant 0 : i32
      %dma_start3A_219 = tpu.memref_slice %arg4[%add3A_217, %dma_start3A_218] : memref<125x80xi32, #tpu.memory_space<vmem>> -> memref<1x80xi32, #tpu.memory_space<vmem>>
      %dma_start3A_220 = tpu.memref_squeeze %dma_start3A_219 : memref<1x80xi32, #tpu.memory_space<vmem>> -> memref<80xi32, #tpu.memory_space<vmem>>
      %dma_start3A_221 = arith.constant 0 : i32
      %dma_start3A_222 = tpu.memref_slice %arg8[%dma_start3A_221] : memref<10240xf32, #tpu.memory_space<vmem_shared>> -> memref<10240xf32, #tpu.memory_space<vmem_shared>>
      tpu.enqueue_indirect_dma source(%arg5 : memref<80xf32, #tpu.memory_space<vmem>>) target(%dma_start3A_222 : memref<10240xf32, #tpu.memory_space<vmem_shared>>) offsets(%dma_start3A_220 : memref<80xi32, #tpu.memory_space<vmem>>) semaphore(%arg7 : memref<!tpu.dma_semaphore, #tpu.memory_space<semaphore_mem>>) {add = true}
      %mul3A_223 = arith.constant 25 : i32
      %mul3A_224 = arith.muli %mul3A_223, %scan3A_61 : i32
      %add3A_225 = arith.constant 18 : i32
      %add3A_226 = arith.addi %mul3A_224, %add3A_225 : i32
      %dma_start3A_227 = arith.constant 0 : i32
      %dma_start3A_228 = tpu.memref_slice %arg4[%add3A_226, %dma_start3A_227] : memref<125x80xi32, #tpu.memory_space<vmem>> -> memref<1x80xi32, #tpu.memory_space<vmem>>
      %dma_start3A_229 = tpu.memref_squeeze %dma_start3A_228 : memref<1x80xi32, #tpu.memory_space<vmem>> -> memref<80xi32, #tpu.memory_space<vmem>>
      %dma_start3A_230 = arith.constant 0 : i32
      %dma_start3A_231 = tpu.memref_slice %arg8[%dma_start3A_230] : memref<10240xf32, #tpu.memory_space<vmem_shared>> -> memref<10240xf32, #tpu.memory_space<vmem_shared>>
      tpu.enqueue_indirect_dma source(%arg5 : memref<80xf32, #tpu.memory_space<vmem>>) target(%dma_start3A_231 : memref<10240xf32, #tpu.memory_space<vmem_shared>>) offsets(%dma_start3A_229 : memref<80xi32, #tpu.memory_space<vmem>>) semaphore(%arg7 : memref<!tpu.dma_semaphore, #tpu.memory_space<semaphore_mem>>) {add = true}
      %mul3A_232 = arith.constant 25 : i32
      %mul3A_233 = arith.muli %mul3A_232, %scan3A_61 : i32
      %add3A_234 = arith.constant 19 : i32
      %add3A_235 = arith.addi %mul3A_233, %add3A_234 : i32
      %dma_start3A_236 = arith.constant 0 : i32
      %dma_start3A_237 = tpu.memref_slice %arg4[%add3A_235, %dma_start3A_236] : memref<125x80xi32, #tpu.memory_space<vmem>> -> memref<1x80xi32, #tpu.memory_space<vmem>>
      %dma_start3A_238 = tpu.memref_squeeze %dma_start3A_237 : memref<1x80xi32, #tpu.memory_space<vmem>> -> memref<80xi32, #tpu.memory_space<vmem>>
      %dma_start3A_239 = arith.constant 0 : i32
      %dma_start3A_240 = tpu.memref_slice %arg8[%dma_start3A_239] : memref<10240xf32, #tpu.memory_space<vmem_shared>> -> memref<10240xf32, #tpu.memory_space<vmem_shared>>
      tpu.enqueue_indirect_dma source(%arg5 : memref<80xf32, #tpu.memory_space<vmem>>) target(%dma_start3A_240 : memref<10240xf32, #tpu.memory_space<vmem_shared>>) offsets(%dma_start3A_238 : memref<80xi32, #tpu.memory_space<vmem>>) semaphore(%arg7 : memref<!tpu.dma_semaphore, #tpu.memory_space<semaphore_mem>>) {add = true}
      %mul3A_241 = arith.constant 25 : i32
      %mul3A_242 = arith.muli %mul3A_241, %scan3A_61 : i32
      %add3A_243 = arith.constant 20 : i32
      %add3A_244 = arith.addi %mul3A_242, %add3A_243 : i32
      %dma_start3A_245 = arith.constant 0 : i32
      %dma_start3A_246 = tpu.memref_slice %arg4[%add3A_244, %dma_start3A_245] : memref<125x80xi32, #tpu.memory_space<vmem>> -> memref<1x80xi32, #tpu.memory_space<vmem>>
      %dma_start3A_247 = tpu.memref_squeeze %dma_start3A_246 : memref<1x80xi32, #tpu.memory_space<vmem>> -> memref<80xi32, #tpu.memory_space<vmem>>
      %dma_start3A_248 = arith.constant 0 : i32
      %dma_start3A_249 = tpu.memref_slice %arg8[%dma_start3A_248] : memref<10240xf32, #tpu.memory_space<vmem_shared>> -> memref<10240xf32, #tpu.memory_space<vmem_shared>>
      tpu.enqueue_indirect_dma source(%arg5 : memref<80xf32, #tpu.memory_space<vmem>>) target(%dma_start3A_249 : memref<10240xf32, #tpu.memory_space<vmem_shared>>) offsets(%dma_start3A_247 : memref<80xi32, #tpu.memory_space<vmem>>) semaphore(%arg7 : memref<!tpu.dma_semaphore, #tpu.memory_space<semaphore_mem>>) {add = true}
      %mul3A_250 = arith.constant 25 : i32
      %mul3A_251 = arith.muli %mul3A_250, %scan3A_61 : i32
      %add3A_252 = arith.constant 21 : i32
      %add3A_253 = arith.addi %mul3A_251, %add3A_252 : i32
      %dma_start3A_254 = arith.constant 0 : i32
      %dma_start3A_255 = tpu.memref_slice %arg4[%add3A_253, %dma_start3A_254] : memref<125x80xi32, #tpu.memory_space<vmem>> -> memref<1x80xi32, #tpu.memory_space<vmem>>
      %dma_start3A_256 = tpu.memref_squeeze %dma_start3A_255 : memref<1x80xi32, #tpu.memory_space<vmem>> -> memref<80xi32, #tpu.memory_space<vmem>>
      %dma_start3A_257 = arith.constant 0 : i32
      %dma_start3A_258 = tpu.memref_slice %arg8[%dma_start3A_257] : memref<10240xf32, #tpu.memory_space<vmem_shared>> -> memref<10240xf32, #tpu.memory_space<vmem_shared>>
      tpu.enqueue_indirect_dma source(%arg5 : memref<80xf32, #tpu.memory_space<vmem>>) target(%dma_start3A_258 : memref<10240xf32, #tpu.memory_space<vmem_shared>>) offsets(%dma_start3A_256 : memref<80xi32, #tpu.memory_space<vmem>>) semaphore(%arg7 : memref<!tpu.dma_semaphore, #tpu.memory_space<semaphore_mem>>) {add = true}
      %mul3A_259 = arith.constant 25 : i32
      %mul3A_260 = arith.muli %mul3A_259, %scan3A_61 : i32
      %add3A_261 = arith.constant 22 : i32
      %add3A_262 = arith.addi %mul3A_260, %add3A_261 : i32
      %dma_start3A_263 = arith.constant 0 : i32
      %dma_start3A_264 = tpu.memref_slice %arg4[%add3A_262, %dma_start3A_263] : memref<125x80xi32, #tpu.memory_space<vmem>> -> memref<1x80xi32, #tpu.memory_space<vmem>>
      %dma_start3A_265 = tpu.memref_squeeze %dma_start3A_264 : memref<1x80xi32, #tpu.memory_space<vmem>> -> memref<80xi32, #tpu.memory_space<vmem>>
      %dma_start3A_266 = arith.constant 0 : i32
      %dma_start3A_267 = tpu.memref_slice %arg8[%dma_start3A_266] : memref<10240xf32, #tpu.memory_space<vmem_shared>> -> memref<10240xf32, #tpu.memory_space<vmem_shared>>
      tpu.enqueue_indirect_dma source(%arg5 : memref<80xf32, #tpu.memory_space<vmem>>) target(%dma_start3A_267 : memref<10240xf32, #tpu.memory_space<vmem_shared>>) offsets(%dma_start3A_265 : memref<80xi32, #tpu.memory_space<vmem>>) semaphore(%arg7 : memref<!tpu.dma_semaphore, #tpu.memory_space<semaphore_mem>>) {add = true}
      %mul3A_268 = arith.constant 25 : i32
      %mul3A_269 = arith.muli %mul3A_268, %scan3A_61 : i32
      %add3A_270 = arith.constant 23 : i32
      %add3A_271 = arith.addi %mul3A_269, %add3A_270 : i32
      %dma_start3A_272 = arith.constant 0 : i32
      %dma_start3A_273 = tpu.memref_slice %arg4[%add3A_271, %dma_start3A_272] : memref<125x80xi32, #tpu.memory_space<vmem>> -> memref<1x80xi32, #tpu.memory_space<vmem>>
      %dma_start3A_274 = tpu.memref_squeeze %dma_start3A_273 : memref<1x80xi32, #tpu.memory_space<vmem>> -> memref<80xi32, #tpu.memory_space<vmem>>
      %dma_start3A_275 = arith.constant 0 : i32
      %dma_start3A_276 = tpu.memref_slice %arg8[%dma_start3A_275] : memref<10240xf32, #tpu.memory_space<vmem_shared>> -> memref<10240xf32, #tpu.memory_space<vmem_shared>>
      tpu.enqueue_indirect_dma source(%arg5 : memref<80xf32, #tpu.memory_space<vmem>>) target(%dma_start3A_276 : memref<10240xf32, #tpu.memory_space<vmem_shared>>) offsets(%dma_start3A_274 : memref<80xi32, #tpu.memory_space<vmem>>) semaphore(%arg7 : memref<!tpu.dma_semaphore, #tpu.memory_space<semaphore_mem>>) {add = true}
      %mul3A_277 = arith.constant 25 : i32
      %mul3A_278 = arith.muli %mul3A_277, %scan3A_61 : i32
      %add3A_279 = arith.constant 24 : i32
      %add3A_280 = arith.addi %mul3A_278, %add3A_279 : i32
      %dma_start3A_281 = arith.constant 0 : i32
      %dma_start3A_282 = tpu.memref_slice %arg4[%add3A_280, %dma_start3A_281] : memref<125x80xi32, #tpu.memory_space<vmem>> -> memref<1x80xi32, #tpu.memory_space<vmem>>
      %dma_start3A_283 = tpu.memref_squeeze %dma_start3A_282 : memref<1x80xi32, #tpu.memory_space<vmem>> -> memref<80xi32, #tpu.memory_space<vmem>>
      %dma_start3A_284 = arith.constant 0 : i32
      %dma_start3A_285 = tpu.memref_slice %arg8[%dma_start3A_284] : memref<10240xf32, #tpu.memory_space<vmem_shared>> -> memref<10240xf32, #tpu.memory_space<vmem_shared>>
      tpu.enqueue_indirect_dma source(%arg5 : memref<80xf32, #tpu.memory_space<vmem>>) target(%dma_start3A_285 : memref<10240xf32, #tpu.memory_space<vmem_shared>>) offsets(%dma_start3A_283 : memref<80xi32, #tpu.memory_space<vmem>>) semaphore(%arg7 : memref<!tpu.dma_semaphore, #tpu.memory_space<semaphore_mem>>) {add = true}
      %dma_wait3A = arith.constant 0 : i32
      %dma_wait3A_286 = arith.constant 0 : i32
      %dma_wait3A_287 = tpu.memref_slice %arg4[%dma_wait3A, %dma_wait3A_286] : memref<125x80xi32, #tpu.memory_space<vmem>> -> memref<1x80xi32, #tpu.memory_space<vmem>>
      %dma_wait3A_288 = tpu.memref_squeeze %dma_wait3A_287 : memref<1x80xi32, #tpu.memory_space<vmem>> -> memref<80xi32, #tpu.memory_space<vmem>>
      %dma_wait3A_289 = arith.constant 0 : i32
      %dma_wait3A_290 = tpu.memref_slice %arg8[%dma_wait3A_289] : memref<10240xf32, #tpu.memory_space<vmem_shared>> -> memref<10240xf32, #tpu.memory_space<vmem_shared>>
      tpu.wait_indirect_dma semaphore(%arg7 : memref<!tpu.dma_semaphore, #tpu.memory_space<semaphore_mem>>) src(%arg5 : memref<80xf32, #tpu.memory_space<vmem>>) dst(%dma_wait3A_290 : memref<10240xf32, #tpu.memory_space<vmem_shared>>)
      %dma_wait3A_291 = arith.constant 0 : i32
      %dma_wait3A_292 = arith.constant 0 : i32
      %dma_wait3A_293 = tpu.memref_slice %arg4[%dma_wait3A_291, %dma_wait3A_292] : memref<125x80xi32, #tpu.memory_space<vmem>> -> memref<1x80xi32, #tpu.memory_space<vmem>>
      %dma_wait3A_294 = tpu.memref_squeeze %dma_wait3A_293 : memref<1x80xi32, #tpu.memory_space<vmem>> -> memref<80xi32, #tpu.memory_space<vmem>>
      %dma_wait3A_295 = arith.constant 0 : i32
      %dma_wait3A_296 = tpu.memref_slice %arg8[%dma_wait3A_295] : memref<10240xf32, #tpu.memory_space<vmem_shared>> -> memref<10240xf32, #tpu.memory_space<vmem_shared>>
      tpu.wait_indirect_dma semaphore(%arg7 : memref<!tpu.dma_semaphore, #tpu.memory_space<semaphore_mem>>) src(%arg5 : memref<80xf32, #tpu.memory_space<vmem>>) dst(%dma_wait3A_296 : memref<10240xf32, #tpu.memory_space<vmem_shared>>)
      %dma_wait3A_297 = arith.constant 0 : i32
      %dma_wait3A_298 = arith.constant 0 : i32
      %dma_wait3A_299 = tpu.memref_slice %arg4[%dma_wait3A_297, %dma_wait3A_298] : memref<125x80xi32, #tpu.memory_space<vmem>> -> memref<1x80xi32, #tpu.memory_space<vmem>>
      %dma_wait3A_300 = tpu.memref_squeeze %dma_wait3A_299 : memref<1x80xi32, #tpu.memory_space<vmem>> -> memref<80xi32, #tpu.memory_space<vmem>>
      %dma_wait3A_301 = arith.constant 0 : i32
      %dma_wait3A_302 = tpu.memref_slice %arg8[%dma_wait3A_301] : memref<10240xf32, #tpu.memory_space<vmem_shared>> -> memref<10240xf32, #tpu.memory_space<vmem_shared>>
      tpu.wait_indirect_dma semaphore(%arg7 : memref<!tpu.dma_semaphore, #tpu.memory_space<semaphore_mem>>) src(%arg5 : memref<80xf32, #tpu.memory_space<vmem>>) dst(%dma_wait3A_302 : memref<10240xf32, #tpu.memory_space<vmem_shared>>)
      %dma_wait3A_303 = arith.constant 0 : i32
      %dma_wait3A_304 = arith.constant 0 : i32
      %dma_wait3A_305 = tpu.memref_slice %arg4[%dma_wait3A_303, %dma_wait3A_304] : memref<125x80xi32, #tpu.memory_space<vmem>> -> memref<1x80xi32, #tpu.memory_space<vmem>>
      %dma_wait3A_306 = tpu.memref_squeeze %dma_wait3A_305 : memref<1x80xi32, #tpu.memory_space<vmem>> -> memref<80xi32, #tpu.memory_space<vmem>>
      %dma_wait3A_307 = arith.constant 0 : i32
      %dma_wait3A_308 = tpu.memref_slice %arg8[%dma_wait3A_307] : memref<10240xf32, #tpu.memory_space<vmem_shared>> -> memref<10240xf32, #tpu.memory_space<vmem_shared>>
      tpu.wait_indirect_dma semaphore(%arg7 : memref<!tpu.dma_semaphore, #tpu.memory_space<semaphore_mem>>) src(%arg5 : memref<80xf32, #tpu.memory_space<vmem>>) dst(%dma_wait3A_308 : memref<10240xf32, #tpu.memory_space<vmem_shared>>)
      %dma_wait3A_309 = arith.constant 0 : i32
      %dma_wait3A_310 = arith.constant 0 : i32
      %dma_wait3A_311 = tpu.memref_slice %arg4[%dma_wait3A_309, %dma_wait3A_310] : memref<125x80xi32, #tpu.memory_space<vmem>> -> memref<1x80xi32, #tpu.memory_space<vmem>>
      %dma_wait3A_312 = tpu.memref_squeeze %dma_wait3A_311 : memref<1x80xi32, #tpu.memory_space<vmem>> -> memref<80xi32, #tpu.memory_space<vmem>>
      %dma_wait3A_313 = arith.constant 0 : i32
      %dma_wait3A_314 = tpu.memref_slice %arg8[%dma_wait3A_313] : memref<10240xf32, #tpu.memory_space<vmem_shared>> -> memref<10240xf32, #tpu.memory_space<vmem_shared>>
      tpu.wait_indirect_dma semaphore(%arg7 : memref<!tpu.dma_semaphore, #tpu.memory_space<semaphore_mem>>) src(%arg5 : memref<80xf32, #tpu.memory_space<vmem>>) dst(%dma_wait3A_314 : memref<10240xf32, #tpu.memory_space<vmem_shared>>)
      %dma_wait3A_315 = arith.constant 0 : i32
      %dma_wait3A_316 = arith.constant 0 : i32
      %dma_wait3A_317 = tpu.memref_slice %arg4[%dma_wait3A_315, %dma_wait3A_316] : memref<125x80xi32, #tpu.memory_space<vmem>> -> memref<1x80xi32, #tpu.memory_space<vmem>>
      %dma_wait3A_318 = tpu.memref_squeeze %dma_wait3A_317 : memref<1x80xi32, #tpu.memory_space<vmem>> -> memref<80xi32, #tpu.memory_space<vmem>>
      %dma_wait3A_319 = arith.constant 0 : i32
      %dma_wait3A_320 = tpu.memref_slice %arg8[%dma_wait3A_319] : memref<10240xf32, #tpu.memory_space<vmem_shared>> -> memref<10240xf32, #tpu.memory_space<vmem_shared>>
      tpu.wait_indirect_dma semaphore(%arg7 : memref<!tpu.dma_semaphore, #tpu.memory_space<semaphore_mem>>) src(%arg5 : memref<80xf32, #tpu.memory_space<vmem>>) dst(%dma_wait3A_320 : memref<10240xf32, #tpu.memory_space<vmem_shared>>)
      %dma_wait3A_321 = arith.constant 0 : i32
      %dma_wait3A_322 = arith.constant 0 : i32
      %dma_wait3A_323 = tpu.memref_slice %arg4[%dma_wait3A_321, %dma_wait3A_322] : memref<125x80xi32, #tpu.memory_space<vmem>> -> memref<1x80xi32, #tpu.memory_space<vmem>>
      %dma_wait3A_324 = tpu.memref_squeeze %dma_wait3A_323 : memref<1x80xi32, #tpu.memory_space<vmem>> -> memref<80xi32, #tpu.memory_space<vmem>>
      %dma_wait3A_325 = arith.constant 0 : i32
      %dma_wait3A_326 = tpu.memref_slice %arg8[%dma_wait3A_325] : memref<10240xf32, #tpu.memory_space<vmem_shared>> -> memref<10240xf32, #tpu.memory_space<vmem_shared>>
      tpu.wait_indirect_dma semaphore(%arg7 : memref<!tpu.dma_semaphore, #tpu.memory_space<semaphore_mem>>) src(%arg5 : memref<80xf32, #tpu.memory_space<vmem>>) dst(%dma_wait3A_326 : memref<10240xf32, #tpu.memory_space<vmem_shared>>)
      %dma_wait3A_327 = arith.constant 0 : i32
      %dma_wait3A_328 = arith.constant 0 : i32
      %dma_wait3A_329 = tpu.memref_slice %arg4[%dma_wait3A_327, %dma_wait3A_328] : memref<125x80xi32, #tpu.memory_space<vmem>> -> memref<1x80xi32, #tpu.memory_space<vmem>>
      %dma_wait3A_330 = tpu.memref_squeeze %dma_wait3A_329 : memref<1x80xi32, #tpu.memory_space<vmem>> -> memref<80xi32, #tpu.memory_space<vmem>>
      %dma_wait3A_331 = arith.constant 0 : i32
      %dma_wait3A_332 = tpu.memref_slice %arg8[%dma_wait3A_331] : memref<10240xf32, #tpu.memory_space<vmem_shared>> -> memref<10240xf32, #tpu.memory_space<vmem_shared>>
      tpu.wait_indirect_dma semaphore(%arg7 : memref<!tpu.dma_semaphore, #tpu.memory_space<semaphore_mem>>) src(%arg5 : memref<80xf32, #tpu.memory_space<vmem>>) dst(%dma_wait3A_332 : memref<10240xf32, #tpu.memory_space<vmem_shared>>)
      %dma_wait3A_333 = arith.constant 0 : i32
      %dma_wait3A_334 = arith.constant 0 : i32
      %dma_wait3A_335 = tpu.memref_slice %arg4[%dma_wait3A_333, %dma_wait3A_334] : memref<125x80xi32, #tpu.memory_space<vmem>> -> memref<1x80xi32, #tpu.memory_space<vmem>>
      %dma_wait3A_336 = tpu.memref_squeeze %dma_wait3A_335 : memref<1x80xi32, #tpu.memory_space<vmem>> -> memref<80xi32, #tpu.memory_space<vmem>>
      %dma_wait3A_337 = arith.constant 0 : i32
      %dma_wait3A_338 = tpu.memref_slice %arg8[%dma_wait3A_337] : memref<10240xf32, #tpu.memory_space<vmem_shared>> -> memref<10240xf32, #tpu.memory_space<vmem_shared>>
      tpu.wait_indirect_dma semaphore(%arg7 : memref<!tpu.dma_semaphore, #tpu.memory_space<semaphore_mem>>) src(%arg5 : memref<80xf32, #tpu.memory_space<vmem>>) dst(%dma_wait3A_338 : memref<10240xf32, #tpu.memory_space<vmem_shared>>)
      %dma_wait3A_339 = arith.constant 0 : i32
      %dma_wait3A_340 = arith.constant 0 : i32
      %dma_wait3A_341 = tpu.memref_slice %arg4[%dma_wait3A_339, %dma_wait3A_340] : memref<125x80xi32, #tpu.memory_space<vmem>> -> memref<1x80xi32, #tpu.memory_space<vmem>>
      %dma_wait3A_342 = tpu.memref_squeeze %dma_wait3A_341 : memref<1x80xi32, #tpu.memory_space<vmem>> -> memref<80xi32, #tpu.memory_space<vmem>>
      %dma_wait3A_343 = arith.constant 0 : i32
      %dma_wait3A_344 = tpu.memref_slice %arg8[%dma_wait3A_343] : memref<10240xf32, #tpu.memory_space<vmem_shared>> -> memref<10240xf32, #tpu.memory_space<vmem_shared>>
      tpu.wait_indirect_dma semaphore(%arg7 : memref<!tpu.dma_semaphore, #tpu.memory_space<semaphore_mem>>) src(%arg5 : memref<80xf32, #tpu.memory_space<vmem>>) dst(%dma_wait3A_344 : memref<10240xf32, #tpu.memory_space<vmem_shared>>)
      %dma_wait3A_345 = arith.constant 0 : i32
      %dma_wait3A_346 = arith.constant 0 : i32
      %dma_wait3A_347 = tpu.memref_slice %arg4[%dma_wait3A_345, %dma_wait3A_346] : memref<125x80xi32, #tpu.memory_space<vmem>> -> memref<1x80xi32, #tpu.memory_space<vmem>>
      %dma_wait3A_348 = tpu.memref_squeeze %dma_wait3A_347 : memref<1x80xi32, #tpu.memory_space<vmem>> -> memref<80xi32, #tpu.memory_space<vmem>>
      %dma_wait3A_349 = arith.constant 0 : i32
      %dma_wait3A_350 = tpu.memref_slice %arg8[%dma_wait3A_349] : memref<10240xf32, #tpu.memory_space<vmem_shared>> -> memref<10240xf32, #tpu.memory_space<vmem_shared>>
      tpu.wait_indirect_dma semaphore(%arg7 : memref<!tpu.dma_semaphore, #tpu.memory_space<semaphore_mem>>) src(%arg5 : memref<80xf32, #tpu.memory_space<vmem>>) dst(%dma_wait3A_350 : memref<10240xf32, #tpu.memory_space<vmem_shared>>)
      %dma_wait3A_351 = arith.constant 0 : i32
      %dma_wait3A_352 = arith.constant 0 : i32
      %dma_wait3A_353 = tpu.memref_slice %arg4[%dma_wait3A_351, %dma_wait3A_352] : memref<125x80xi32, #tpu.memory_space<vmem>> -> memref<1x80xi32, #tpu.memory_space<vmem>>
      %dma_wait3A_354 = tpu.memref_squeeze %dma_wait3A_353 : memref<1x80xi32, #tpu.memory_space<vmem>> -> memref<80xi32, #tpu.memory_space<vmem>>
      %dma_wait3A_355 = arith.constant 0 : i32
      %dma_wait3A_356 = tpu.memref_slice %arg8[%dma_wait3A_355] : memref<10240xf32, #tpu.memory_space<vmem_shared>> -> memref<10240xf32, #tpu.memory_space<vmem_shared>>
      tpu.wait_indirect_dma semaphore(%arg7 : memref<!tpu.dma_semaphore, #tpu.memory_space<semaphore_mem>>) src(%arg5 : memref<80xf32, #tpu.memory_space<vmem>>) dst(%dma_wait3A_356 : memref<10240xf32, #tpu.memory_space<vmem_shared>>)
      %dma_wait3A_357 = arith.constant 0 : i32
      %dma_wait3A_358 = arith.constant 0 : i32
      %dma_wait3A_359 = tpu.memref_slice %arg4[%dma_wait3A_357, %dma_wait3A_358] : memref<125x80xi32, #tpu.memory_space<vmem>> -> memref<1x80xi32, #tpu.memory_space<vmem>>
      %dma_wait3A_360 = tpu.memref_squeeze %dma_wait3A_359 : memref<1x80xi32, #tpu.memory_space<vmem>> -> memref<80xi32, #tpu.memory_space<vmem>>
      %dma_wait3A_361 = arith.constant 0 : i32
      %dma_wait3A_362 = tpu.memref_slice %arg8[%dma_wait3A_361] : memref<10240xf32, #tpu.memory_space<vmem_shared>> -> memref<10240xf32, #tpu.memory_space<vmem_shared>>
      tpu.wait_indirect_dma semaphore(%arg7 : memref<!tpu.dma_semaphore, #tpu.memory_space<semaphore_mem>>) src(%arg5 : memref<80xf32, #tpu.memory_space<vmem>>) dst(%dma_wait3A_362 : memref<10240xf32, #tpu.memory_space<vmem_shared>>)
      %dma_wait3A_363 = arith.constant 0 : i32
      %dma_wait3A_364 = arith.constant 0 : i32
      %dma_wait3A_365 = tpu.memref_slice %arg4[%dma_wait3A_363, %dma_wait3A_364] : memref<125x80xi32, #tpu.memory_space<vmem>> -> memref<1x80xi32, #tpu.memory_space<vmem>>
      %dma_wait3A_366 = tpu.memref_squeeze %dma_wait3A_365 : memref<1x80xi32, #tpu.memory_space<vmem>> -> memref<80xi32, #tpu.memory_space<vmem>>
      %dma_wait3A_367 = arith.constant 0 : i32
      %dma_wait3A_368 = tpu.memref_slice %arg8[%dma_wait3A_367] : memref<10240xf32, #tpu.memory_space<vmem_shared>> -> memref<10240xf32, #tpu.memory_space<vmem_shared>>
      tpu.wait_indirect_dma semaphore(%arg7 : memref<!tpu.dma_semaphore, #tpu.memory_space<semaphore_mem>>) src(%arg5 : memref<80xf32, #tpu.memory_space<vmem>>) dst(%dma_wait3A_368 : memref<10240xf32, #tpu.memory_space<vmem_shared>>)
      %dma_wait3A_369 = arith.constant 0 : i32
      %dma_wait3A_370 = arith.constant 0 : i32
      %dma_wait3A_371 = tpu.memref_slice %arg4[%dma_wait3A_369, %dma_wait3A_370] : memref<125x80xi32, #tpu.memory_space<vmem>> -> memref<1x80xi32, #tpu.memory_space<vmem>>
      %dma_wait3A_372 = tpu.memref_squeeze %dma_wait3A_371 : memref<1x80xi32, #tpu.memory_space<vmem>> -> memref<80xi32, #tpu.memory_space<vmem>>
      %dma_wait3A_373 = arith.constant 0 : i32
      %dma_wait3A_374 = tpu.memref_slice %arg8[%dma_wait3A_373] : memref<10240xf32, #tpu.memory_space<vmem_shared>> -> memref<10240xf32, #tpu.memory_space<vmem_shared>>
      tpu.wait_indirect_dma semaphore(%arg7 : memref<!tpu.dma_semaphore, #tpu.memory_space<semaphore_mem>>) src(%arg5 : memref<80xf32, #tpu.memory_space<vmem>>) dst(%dma_wait3A_374 : memref<10240xf32, #tpu.memory_space<vmem_shared>>)
      %dma_wait3A_375 = arith.constant 0 : i32
      %dma_wait3A_376 = arith.constant 0 : i32
      %dma_wait3A_377 = tpu.memref_slice %arg4[%dma_wait3A_375, %dma_wait3A_376] : memref<125x80xi32, #tpu.memory_space<vmem>> -> memref<1x80xi32, #tpu.memory_space<vmem>>
      %dma_wait3A_378 = tpu.memref_squeeze %dma_wait3A_377 : memref<1x80xi32, #tpu.memory_space<vmem>> -> memref<80xi32, #tpu.memory_space<vmem>>
      %dma_wait3A_379 = arith.constant 0 : i32
      %dma_wait3A_380 = tpu.memref_slice %arg8[%dma_wait3A_379] : memref<10240xf32, #tpu.memory_space<vmem_shared>> -> memref<10240xf32, #tpu.memory_space<vmem_shared>>
      tpu.wait_indirect_dma semaphore(%arg7 : memref<!tpu.dma_semaphore, #tpu.memory_space<semaphore_mem>>) src(%arg5 : memref<80xf32, #tpu.memory_space<vmem>>) dst(%dma_wait3A_380 : memref<10240xf32, #tpu.memory_space<vmem_shared>>)
      %dma_wait3A_381 = arith.constant 0 : i32
      %dma_wait3A_382 = arith.constant 0 : i32
      %dma_wait3A_383 = tpu.memref_slice %arg4[%dma_wait3A_381, %dma_wait3A_382] : memref<125x80xi32, #tpu.memory_space<vmem>> -> memref<1x80xi32, #tpu.memory_space<vmem>>
      %dma_wait3A_384 = tpu.memref_squeeze %dma_wait3A_383 : memref<1x80xi32, #tpu.memory_space<vmem>> -> memref<80xi32, #tpu.memory_space<vmem>>
      %dma_wait3A_385 = arith.constant 0 : i32
      %dma_wait3A_386 = tpu.memref_slice %arg8[%dma_wait3A_385] : memref<10240xf32, #tpu.memory_space<vmem_shared>> -> memref<10240xf32, #tpu.memory_space<vmem_shared>>
      tpu.wait_indirect_dma semaphore(%arg7 : memref<!tpu.dma_semaphore, #tpu.memory_space<semaphore_mem>>) src(%arg5 : memref<80xf32, #tpu.memory_space<vmem>>) dst(%dma_wait3A_386 : memref<10240xf32, #tpu.memory_space<vmem_shared>>)
      %dma_wait3A_387 = arith.constant 0 : i32
      %dma_wait3A_388 = arith.constant 0 : i32
      %dma_wait3A_389 = tpu.memref_slice %arg4[%dma_wait3A_387, %dma_wait3A_388] : memref<125x80xi32, #tpu.memory_space<vmem>> -> memref<1x80xi32, #tpu.memory_space<vmem>>
      %dma_wait3A_390 = tpu.memref_squeeze %dma_wait3A_389 : memref<1x80xi32, #tpu.memory_space<vmem>> -> memref<80xi32, #tpu.memory_space<vmem>>
      %dma_wait3A_391 = arith.constant 0 : i32
      %dma_wait3A_392 = tpu.memref_slice %arg8[%dma_wait3A_391] : memref<10240xf32, #tpu.memory_space<vmem_shared>> -> memref<10240xf32, #tpu.memory_space<vmem_shared>>
      tpu.wait_indirect_dma semaphore(%arg7 : memref<!tpu.dma_semaphore, #tpu.memory_space<semaphore_mem>>) src(%arg5 : memref<80xf32, #tpu.memory_space<vmem>>) dst(%dma_wait3A_392 : memref<10240xf32, #tpu.memory_space<vmem_shared>>)
      %dma_wait3A_393 = arith.constant 0 : i32
      %dma_wait3A_394 = arith.constant 0 : i32
      %dma_wait3A_395 = tpu.memref_slice %arg4[%dma_wait3A_393, %dma_wait3A_394] : memref<125x80xi32, #tpu.memory_space<vmem>> -> memref<1x80xi32, #tpu.memory_space<vmem>>
      %dma_wait3A_396 = tpu.memref_squeeze %dma_wait3A_395 : memref<1x80xi32, #tpu.memory_space<vmem>> -> memref<80xi32, #tpu.memory_space<vmem>>
      %dma_wait3A_397 = arith.constant 0 : i32
      %dma_wait3A_398 = tpu.memref_slice %arg8[%dma_wait3A_397] : memref<10240xf32, #tpu.memory_space<vmem_shared>> -> memref<10240xf32, #tpu.memory_space<vmem_shared>>
      tpu.wait_indirect_dma semaphore(%arg7 : memref<!tpu.dma_semaphore, #tpu.memory_space<semaphore_mem>>) src(%arg5 : memref<80xf32, #tpu.memory_space<vmem>>) dst(%dma_wait3A_398 : memref<10240xf32, #tpu.memory_space<vmem_shared>>)
      %dma_wait3A_399 = arith.constant 0 : i32
      %dma_wait3A_400 = arith.constant 0 : i32
      %dma_wait3A_401 = tpu.memref_slice %arg4[%dma_wait3A_399, %dma_wait3A_400] : memref<125x80xi32, #tpu.memory_space<vmem>> -> memref<1x80xi32, #tpu.memory_space<vmem>>
      %dma_wait3A_402 = tpu.memref_squeeze %dma_wait3A_401 : memref<1x80xi32, #tpu.memory_space<vmem>> -> memref<80xi32, #tpu.memory_space<vmem>>
      %dma_wait3A_403 = arith.constant 0 : i32
      %dma_wait3A_404 = tpu.memref_slice %arg8[%dma_wait3A_403] : memref<10240xf32, #tpu.memory_space<vmem_shared>> -> memref<10240xf32, #tpu.memory_space<vmem_shared>>
      tpu.wait_indirect_dma semaphore(%arg7 : memref<!tpu.dma_semaphore, #tpu.memory_space<semaphore_mem>>) src(%arg5 : memref<80xf32, #tpu.memory_space<vmem>>) dst(%dma_wait3A_404 : memref<10240xf32, #tpu.memory_space<vmem_shared>>)
      %dma_wait3A_405 = arith.constant 0 : i32
      %dma_wait3A_406 = arith.constant 0 : i32
      %dma_wait3A_407 = tpu.memref_slice %arg4[%dma_wait3A_405, %dma_wait3A_406] : memref<125x80xi32, #tpu.memory_space<vmem>> -> memref<1x80xi32, #tpu.memory_space<vmem>>
      %dma_wait3A_408 = tpu.memref_squeeze %dma_wait3A_407 : memref<1x80xi32, #tpu.memory_space<vmem>> -> memref<80xi32, #tpu.memory_space<vmem>>
      %dma_wait3A_409 = arith.constant 0 : i32
      %dma_wait3A_410 = tpu.memref_slice %arg8[%dma_wait3A_409] : memref<10240xf32, #tpu.memory_space<vmem_shared>> -> memref<10240xf32, #tpu.memory_space<vmem_shared>>
      tpu.wait_indirect_dma semaphore(%arg7 : memref<!tpu.dma_semaphore, #tpu.memory_space<semaphore_mem>>) src(%arg5 : memref<80xf32, #tpu.memory_space<vmem>>) dst(%dma_wait3A_410 : memref<10240xf32, #tpu.memory_space<vmem_shared>>)
      %dma_wait3A_411 = arith.constant 0 : i32
      %dma_wait3A_412 = arith.constant 0 : i32
      %dma_wait3A_413 = tpu.memref_slice %arg4[%dma_wait3A_411, %dma_wait3A_412] : memref<125x80xi32, #tpu.memory_space<vmem>> -> memref<1x80xi32, #tpu.memory_space<vmem>>
      %dma_wait3A_414 = tpu.memref_squeeze %dma_wait3A_413 : memref<1x80xi32, #tpu.memory_space<vmem>> -> memref<80xi32, #tpu.memory_space<vmem>>
      %dma_wait3A_415 = arith.constant 0 : i32
      %dma_wait3A_416 = tpu.memref_slice %arg8[%dma_wait3A_415] : memref<10240xf32, #tpu.memory_space<vmem_shared>> -> memref<10240xf32, #tpu.memory_space<vmem_shared>>
      tpu.wait_indirect_dma semaphore(%arg7 : memref<!tpu.dma_semaphore, #tpu.memory_space<semaphore_mem>>) src(%arg5 : memref<80xf32, #tpu.memory_space<vmem>>) dst(%dma_wait3A_416 : memref<10240xf32, #tpu.memory_space<vmem_shared>>)
      %dma_wait3A_417 = arith.constant 0 : i32
      %dma_wait3A_418 = arith.constant 0 : i32
      %dma_wait3A_419 = tpu.memref_slice %arg4[%dma_wait3A_417, %dma_wait3A_418] : memref<125x80xi32, #tpu.memory_space<vmem>> -> memref<1x80xi32, #tpu.memory_space<vmem>>
      %dma_wait3A_420 = tpu.memref_squeeze %dma_wait3A_419 : memref<1x80xi32, #tpu.memory_space<vmem>> -> memref<80xi32, #tpu.memory_space<vmem>>
      %dma_wait3A_421 = arith.constant 0 : i32
      %dma_wait3A_422 = tpu.memref_slice %arg8[%dma_wait3A_421] : memref<10240xf32, #tpu.memory_space<vmem_shared>> -> memref<10240xf32, #tpu.memory_space<vmem_shared>>
      tpu.wait_indirect_dma semaphore(%arg7 : memref<!tpu.dma_semaphore, #tpu.memory_space<semaphore_mem>>) src(%arg5 : memref<80xf32, #tpu.memory_space<vmem>>) dst(%dma_wait3A_422 : memref<10240xf32, #tpu.memory_space<vmem_shared>>)
      %dma_wait3A_423 = arith.constant 0 : i32
      %dma_wait3A_424 = arith.constant 0 : i32
      %dma_wait3A_425 = tpu.memref_slice %arg4[%dma_wait3A_423, %dma_wait3A_424] : memref<125x80xi32, #tpu.memory_space<vmem>> -> memref<1x80xi32, #tpu.memory_space<vmem>>
      %dma_wait3A_426 = tpu.memref_squeeze %dma_wait3A_425 : memref<1x80xi32, #tpu.memory_space<vmem>> -> memref<80xi32, #tpu.memory_space<vmem>>
      %dma_wait3A_427 = arith.constant 0 : i32
      %dma_wait3A_428 = tpu.memref_slice %arg8[%dma_wait3A_427] : memref<10240xf32, #tpu.memory_space<vmem_shared>> -> memref<10240xf32, #tpu.memory_space<vmem_shared>>
      tpu.wait_indirect_dma semaphore(%arg7 : memref<!tpu.dma_semaphore, #tpu.memory_space<semaphore_mem>>) src(%arg5 : memref<80xf32, #tpu.memory_space<vmem>>) dst(%dma_wait3A_428 : memref<10240xf32, #tpu.memory_space<vmem_shared>>)
      %dma_wait3A_429 = arith.constant 0 : i32
      %dma_wait3A_430 = arith.constant 0 : i32
      %dma_wait3A_431 = tpu.memref_slice %arg4[%dma_wait3A_429, %dma_wait3A_430] : memref<125x80xi32, #tpu.memory_space<vmem>> -> memref<1x80xi32, #tpu.memory_space<vmem>>
      %dma_wait3A_432 = tpu.memref_squeeze %dma_wait3A_431 : memref<1x80xi32, #tpu.memory_space<vmem>> -> memref<80xi32, #tpu.memory_space<vmem>>
      %dma_wait3A_433 = arith.constant 0 : i32
      %dma_wait3A_434 = tpu.memref_slice %arg8[%dma_wait3A_433] : memref<10240xf32, #tpu.memory_space<vmem_shared>> -> memref<10240xf32, #tpu.memory_space<vmem_shared>>
      tpu.wait_indirect_dma semaphore(%arg7 : memref<!tpu.dma_semaphore, #tpu.memory_space<semaphore_mem>>) src(%arg5 : memref<80xf32, #tpu.memory_space<vmem>>) dst(%dma_wait3A_434 : memref<10240xf32, #tpu.memory_space<vmem_shared>>)
    }
    %scan3A_53 = arith.constant 5 : i32
    %barrier3A_54 = arith.constant 0 : index
    tpu.barrier barrier_id(%barrier3A_54)
    %scan3A_55 = arith.constant 0 : i32
    %scan3A_56 = arith.constant 0 : i32
    %scan3A_57 = arith.constant 8 : i32
    %scan3A_58 = arith.addi %scan3A_56, %scan3A_57 : i32
    %scan3A_59 = arith.constant 1 : i32
    scf.for %scan3A_61 = %scan3A_56 to %scan3A_58 step %scan3A_59  : i32 {
      %mul3A_62 = arith.constant 640 : i32
      %mul3A_63 = arith.muli %arg1, %mul3A_62 : i32
      %mul3A_64 = arith.constant 80 : i32
      %mul3A_65 = arith.muli %scan3A_61, %mul3A_64 : i32
      %add3A_66 = arith.addi %mul3A_63, %mul3A_65 : i32
      "tpu.region"() ({
        %run_scoped3A = tpu.sem_alloc : memref<!tpu.dma_semaphore, #tpu.memory_space<semaphore_mem>>
        %dma_start3A = tpu.memref_slice %arg8[%add3A_66] : memref<10240xf32, #tpu.memory_space<vmem_shared>> -> memref<80xf32, #tpu.memory_space<vmem_shared>>
        %dma_start3A_70 = tpu.memref_slice %arg8[%add3A_66] : memref<10240xf32, #tpu.memory_space<vmem_shared>> -> memref<80xf32, #tpu.memory_space<vmem_shared>>
        tpu.enqueue_dma source(%dma_start3A_70 : memref<80xf32, #tpu.memory_space<vmem_shared>>) target(%arg6 : memref<80xf32, #tpu.memory_space<vmem>>) target_semaphore(%run_scoped3A : memref<!tpu.dma_semaphore, #tpu.memory_space<semaphore_mem>>)
        %dma_wait3A = tpu.memref_slice %arg8[%add3A_66] : memref<10240xf32, #tpu.memory_space<vmem_shared>> -> memref<80xf32, #tpu.memory_space<vmem_shared>>
        %dma_wait3A_71 = tpu.memref_slice %arg8[%add3A_66] : memref<10240xf32, #tpu.memory_space<vmem_shared>> -> memref<80xf32, #tpu.memory_space<vmem_shared>>
        tpu.wait_dma2 semaphore(%run_scoped3A : memref<!tpu.dma_semaphore, #tpu.memory_space<semaphore_mem>>) src(%dma_wait3A_71 : memref<80xf32, #tpu.memory_space<vmem_shared>>) dst(%arg6 : memref<80xf32, #tpu.memory_space<vmem>>)
        tpu.yield
      }) : () -> ()
      %mul3A_67 = arith.constant 10240 : i32
      %mul3A_68 = arith.muli %arg0, %mul3A_67 : i32
      %add3A_69 = arith.addi %mul3A_68, %add3A_66 : i32
      "tpu.region"() ({
        %run_scoped3A = tpu.sem_alloc : memref<!tpu.dma_semaphore, #tpu.memory_space<semaphore_mem>>
        %dma_start3A = tpu.memref_slice %arg3[%add3A_69] : memref<20480xf32, #tpu.memory_space<hbm>> -> memref<80xf32, #tpu.memory_space<hbm>>
        %dma_start3A_70 = tpu.memref_slice %arg3[%add3A_69] : memref<20480xf32, #tpu.memory_space<hbm>> -> memref<80xf32, #tpu.memory_space<hbm>>
        tpu.enqueue_dma source(%arg6 : memref<80xf32, #tpu.memory_space<vmem>>) target(%dma_start3A_70 : memref<80xf32, #tpu.memory_space<hbm>>) target_semaphore(%run_scoped3A : memref<!tpu.dma_semaphore, #tpu.memory_space<semaphore_mem>>)
        %dma_wait3A = tpu.memref_slice %arg3[%add3A_69] : memref<20480xf32, #tpu.memory_space<hbm>> -> memref<80xf32, #tpu.memory_space<hbm>>
        %dma_wait3A_71 = tpu.memref_slice %arg3[%add3A_69] : memref<20480xf32, #tpu.memory_space<hbm>> -> memref<80xf32, #tpu.memory_space<hbm>>
        tpu.wait_dma2 semaphore(%run_scoped3A : memref<!tpu.dma_semaphore, #tpu.memory_space<semaphore_mem>>) src(%arg6 : memref<80xf32, #tpu.memory_space<vmem>>) dst(%dma_wait3A_71 : memref<80xf32, #tpu.memory_space<hbm>>)
        tpu.yield
      }) : () -> ()
    }
    %scan3A_60 = arith.constant 8 : i32
    return
  }
}

#map = affine_map<(d0, d1) -> (0)>
#map1 = affine_map<(d0, d1) -> (0, 0, 0)>
#map2 = affine_map<(d0, d1) -> (0, 0)>
module attributes {stable_mosaic.version = 14 : i64} {
  func.func @gs2_kernel(%arg0: i32, %arg1: i32, %arg2: memref<10240xf32, #tpu.memory_space<hbm>>, %arg3: memref<10240xf32, #tpu.memory_space<hbm>>, %arg4: memref<32x125x80xi32, #tpu.memory_space<hbm>>, %arg5: memref<32x125x80xi32, #tpu.memory_space<hbm>>, %arg6: memref<2x10240xf32, #tpu.memory_space<hbm>>, %arg7: memref<2x10240xf32, #tpu.memory_space<hbm>>, %arg8: memref<125x80xi32, #tpu.memory_space<vmem>>, %arg9: memref<125x80xi32, #tpu.memory_space<vmem>>, %arg10: memref<10240xf32, #tpu.memory_space<vmem>>, %arg11: memref<10240xf32, #tpu.memory_space<vmem>>, %arg12: memref<80xf32, #tpu.memory_space<vmem>>, %arg13: memref<80xf32, #tpu.memory_space<vmem>>, %arg14: memref<80xf32, #tpu.memory_space<vmem>>, %arg15: memref<80xf32, #tpu.memory_space<vmem>>, %arg16: memref<80xf32, #tpu.memory_space<vmem>>, %arg17: memref<!tpu.dma_semaphore, #tpu.memory_space<semaphore_mem>>, %arg18: memref<!tpu.dma_semaphore, #tpu.memory_space<semaphore_mem>>, %arg19: memref<!tpu.dma_semaphore, #tpu.memory_space<semaphore_mem>>, %arg20: memref<!tpu.dma_semaphore, #tpu.memory_space<semaphore_mem>>, %arg21: memref<10240xf32, #tpu.memory_space<vmem_shared>>, %arg22: memref<10240xf32, #tpu.memory_space<vmem_shared>>) attributes {dimension_semantics = [#tpu.dimension_semantics<core_parallel>, #tpu.dimension_semantics<subcore_parallel>], iteration_bounds = array<i64: 2, 16>, scalar_prefetch = 0 : i64, scratch_operands = 15 : i64, tpu.core_type = #tpu.core_type<sc_vector_subcore>, window_params = [{transform_indices = #map}, {transform_indices = #map}, {transform_indices = #map1}, {transform_indices = #map1}, {transform_indices = #map2}, {transform_indices = #map2}]} {
    %mul3A = arith.constant 16 : i32
    %mul3A_0 = arith.muli %arg0, %mul3A : i32
    %add3A = arith.addi %mul3A_0, %arg1 : i32
    %broadcast_in_dim3A = arith.constant 0.000000e+00 : f32
    %broadcast_in_dim3A_1 = vector.broadcast %broadcast_in_dim3A : f32 to vector<16xf32>
    %swap3A = arith.constant 0 : index
    %swap3A_2 = tpu.vector_load %arg16[%swap3A] {strides = array<i32>} : memref<80xf32, #tpu.memory_space<vmem>>, vector<16xf32>,
    %swap3A_3 = vector.shape_cast %swap3A_2 : vector<16xf32> to vector<16xf32>
    %swap3A_4 = vector.shape_cast %broadcast_in_dim3A_1 : vector<16xf32> to vector<16xf32>
    tpu.vector_store %arg16[%swap3A], %swap3A_4 {strides = array<i32>} : memref<80xf32, #tpu.memory_space<vmem>>, vector<16xf32>,
    %swap3A_5 = arith.constant 16 : index
    %swap3A_6 = tpu.vector_load %arg16[%swap3A_5] {strides = array<i32>} : memref<80xf32, #tpu.memory_space<vmem>>, vector<16xf32>,
    %swap3A_7 = vector.shape_cast %swap3A_6 : vector<16xf32> to vector<16xf32>
    %swap3A_8 = vector.shape_cast %broadcast_in_dim3A_1 : vector<16xf32> to vector<16xf32>
    tpu.vector_store %arg16[%swap3A_5], %swap3A_8 {strides = array<i32>} : memref<80xf32, #tpu.memory_space<vmem>>, vector<16xf32>,
    %swap3A_9 = arith.constant 32 : index
    %swap3A_10 = tpu.vector_load %arg16[%swap3A_9] {strides = array<i32>} : memref<80xf32, #tpu.memory_space<vmem>>, vector<16xf32>,
    %swap3A_11 = vector.shape_cast %swap3A_10 : vector<16xf32> to vector<16xf32>
    %swap3A_12 = vector.shape_cast %broadcast_in_dim3A_1 : vector<16xf32> to vector<16xf32>
    tpu.vector_store %arg16[%swap3A_9], %swap3A_12 {strides = array<i32>} : memref<80xf32, #tpu.memory_space<vmem>>, vector<16xf32>,
    %swap3A_13 = arith.constant 48 : index
    %swap3A_14 = tpu.vector_load %arg16[%swap3A_13] {strides = array<i32>} : memref<80xf32, #tpu.memory_space<vmem>>, vector<16xf32>,
    %swap3A_15 = vector.shape_cast %swap3A_14 : vector<16xf32> to vector<16xf32>
    %swap3A_16 = vector.shape_cast %broadcast_in_dim3A_1 : vector<16xf32> to vector<16xf32>
    tpu.vector_store %arg16[%swap3A_13], %swap3A_16 {strides = array<i32>} : memref<80xf32, #tpu.memory_space<vmem>>, vector<16xf32>,
    %swap3A_17 = arith.constant 64 : index
    %swap3A_18 = tpu.vector_load %arg16[%swap3A_17] {strides = array<i32>} : memref<80xf32, #tpu.memory_space<vmem>>, vector<16xf32>,
    %swap3A_19 = vector.shape_cast %swap3A_18 : vector<16xf32> to vector<16xf32>
    %swap3A_20 = vector.shape_cast %broadcast_in_dim3A_1 : vector<16xf32> to vector<16xf32>
    tpu.vector_store %arg16[%swap3A_17], %swap3A_20 {strides = array<i32>} : memref<80xf32, #tpu.memory_space<vmem>>, vector<16xf32>,
    %scan3A = arith.constant 0 : i32
    %scan3A_21 = arith.constant 0 : i32
    %scan3A_22 = arith.constant 8 : i32
    %scan3A_23 = arith.addi %scan3A_21, %scan3A_22 : i32
    %scan3A_24 = arith.constant 1 : i32
    scf.for %scan3A_104 = %scan3A_21 to %scan3A_23 step %scan3A_24  : i32 {
      %mul3A_105 = arith.constant 640 : i32
      %mul3A_106 = arith.muli %arg1, %mul3A_105 : i32
      %mul3A_107 = arith.constant 80 : i32
      %mul3A_108 = arith.muli %scan3A_104, %mul3A_107 : i32
      %add3A_109 = arith.addi %mul3A_106, %mul3A_108 : i32
      "tpu.region"() ({
        %run_scoped3A_110 = tpu.sem_alloc : memref<!tpu.dma_semaphore, #tpu.memory_space<semaphore_mem>>
        %dma_start3A_111 = tpu.memref_slice %arg21[%add3A_109] : memref<10240xf32, #tpu.memory_space<vmem_shared>> -> memref<80xf32, #tpu.memory_space<vmem_shared>>
        %dma_start3A_112 = tpu.memref_slice %arg21[%add3A_109] : memref<10240xf32, #tpu.memory_space<vmem_shared>> -> memref<80xf32, #tpu.memory_space<vmem_shared>>
        tpu.enqueue_dma source(%arg16 : memref<80xf32, #tpu.memory_space<vmem>>) target(%dma_start3A_112 : memref<80xf32, #tpu.memory_space<vmem_shared>>) target_semaphore(%run_scoped3A_110 : memref<!tpu.dma_semaphore, #tpu.memory_space<semaphore_mem>>)
        %dma_wait3A_113 = tpu.memref_slice %arg21[%add3A_109] : memref<10240xf32, #tpu.memory_space<vmem_shared>> -> memref<80xf32, #tpu.memory_space<vmem_shared>>
        %dma_wait3A_114 = tpu.memref_slice %arg21[%add3A_109] : memref<10240xf32, #tpu.memory_space<vmem_shared>> -> memref<80xf32, #tpu.memory_space<vmem_shared>>
        tpu.wait_dma2 semaphore(%run_scoped3A_110 : memref<!tpu.dma_semaphore, #tpu.memory_space<semaphore_mem>>) src(%arg16 : memref<80xf32, #tpu.memory_space<vmem>>) dst(%dma_wait3A_114 : memref<80xf32, #tpu.memory_space<vmem_shared>>)
        tpu.yield
      }) : () -> ()
      "tpu.region"() ({
        %run_scoped3A_110 = tpu.sem_alloc : memref<!tpu.dma_semaphore, #tpu.memory_space<semaphore_mem>>
        %dma_start3A_111 = tpu.memref_slice %arg22[%add3A_109] : memref<10240xf32, #tpu.memory_space<vmem_shared>> -> memref<80xf32, #tpu.memory_space<vmem_shared>>
        %dma_start3A_112 = tpu.memref_slice %arg22[%add3A_109] : memref<10240xf32, #tpu.memory_space<vmem_shared>> -> memref<80xf32, #tpu.memory_space<vmem_shared>>
        tpu.enqueue_dma source(%arg16 : memref<80xf32, #tpu.memory_space<vmem>>) target(%dma_start3A_112 : memref<80xf32, #tpu.memory_space<vmem_shared>>) target_semaphore(%run_scoped3A_110 : memref<!tpu.dma_semaphore, #tpu.memory_space<semaphore_mem>>)
        %dma_wait3A_113 = tpu.memref_slice %arg22[%add3A_109] : memref<10240xf32, #tpu.memory_space<vmem_shared>> -> memref<80xf32, #tpu.memory_space<vmem_shared>>
        %dma_wait3A_114 = tpu.memref_slice %arg22[%add3A_109] : memref<10240xf32, #tpu.memory_space<vmem_shared>> -> memref<80xf32, #tpu.memory_space<vmem_shared>>
        tpu.wait_dma2 semaphore(%run_scoped3A_110 : memref<!tpu.dma_semaphore, #tpu.memory_space<semaphore_mem>>) src(%arg16 : memref<80xf32, #tpu.memory_space<vmem>>) dst(%dma_wait3A_114 : memref<80xf32, #tpu.memory_space<vmem_shared>>)
        tpu.yield
      }) : () -> ()
    }
    %scan3A_25 = arith.constant 8 : i32
    %barrier3A = arith.constant 0 : index
    tpu.barrier barrier_id(%barrier3A)
    "tpu.region"() ({
      %run_scoped3A_104 = tpu.sem_alloc : memref<!tpu.dma_semaphore, #tpu.memory_space<semaphore_mem>>
      %dma_start3A_105 = arith.constant 0 : i32
      %dma_start3A_106 = arith.constant 0 : i32
      %dma_start3A_107 = tpu.memref_slice %arg4[%add3A, %dma_start3A_105, %dma_start3A_106] : memref<32x125x80xi32, #tpu.memory_space<hbm>> -> memref<1x125x80xi32, #tpu.memory_space<hbm>>
      %dma_start3A_108 = tpu.memref_squeeze %dma_start3A_107 : memref<1x125x80xi32, #tpu.memory_space<hbm>> -> memref<125x80xi32, #tpu.memory_space<hbm>>
      %dma_start3A_109 = arith.constant 0 : i32
      %dma_start3A_110 = arith.constant 0 : i32
      %dma_start3A_111 = tpu.memref_slice %arg4[%add3A, %dma_start3A_109, %dma_start3A_110] : memref<32x125x80xi32, #tpu.memory_space<hbm>> -> memref<1x125x80xi32, #tpu.memory_space<hbm>>
      %dma_start3A_112 = tpu.memref_squeeze %dma_start3A_111 : memref<1x125x80xi32, #tpu.memory_space<hbm>> -> memref<125x80xi32, #tpu.memory_space<hbm>>
      tpu.enqueue_dma source(%dma_start3A_112 : memref<125x80xi32, #tpu.memory_space<hbm>>) target(%arg8 : memref<125x80xi32, #tpu.memory_space<vmem>>) target_semaphore(%run_scoped3A_104 : memref<!tpu.dma_semaphore, #tpu.memory_space<semaphore_mem>>)
      %dma_wait3A_113 = arith.constant 0 : i32
      %dma_wait3A_114 = arith.constant 0 : i32
      %dma_wait3A_115 = tpu.memref_slice %arg4[%add3A, %dma_wait3A_113, %dma_wait3A_114] : memref<32x125x80xi32, #tpu.memory_space<hbm>> -> memref<1x125x80xi32, #tpu.memory_space<hbm>>
      %dma_wait3A_116 = tpu.memref_squeeze %dma_wait3A_115 : memref<1x125x80xi32, #tpu.memory_space<hbm>> -> memref<125x80xi32, #tpu.memory_space<hbm>>
      %dma_wait3A_117 = arith.constant 0 : i32
      %dma_wait3A_118 = arith.constant 0 : i32
      %dma_wait3A_119 = tpu.memref_slice %arg4[%add3A, %dma_wait3A_117, %dma_wait3A_118] : memref<32x125x80xi32, #tpu.memory_space<hbm>> -> memref<1x125x80xi32, #tpu.memory_space<hbm>>
      %dma_wait3A_120 = tpu.memref_squeeze %dma_wait3A_119 : memref<1x125x80xi32, #tpu.memory_space<hbm>> -> memref<125x80xi32, #tpu.memory_space<hbm>>
      tpu.wait_dma2 semaphore(%run_scoped3A_104 : memref<!tpu.dma_semaphore, #tpu.memory_space<semaphore_mem>>) src(%dma_wait3A_120 : memref<125x80xi32, #tpu.memory_space<hbm>>) dst(%arg8 : memref<125x80xi32, #tpu.memory_space<vmem>>)
      tpu.yield
    }) : () -> ()
    "tpu.region"() ({
      %run_scoped3A_104 = tpu.sem_alloc : memref<!tpu.dma_semaphore, #tpu.memory_space<semaphore_mem>>
      %dma_start3A_105 = arith.constant 0 : i32
      %dma_start3A_106 = arith.constant 0 : i32
      %dma_start3A_107 = tpu.memref_slice %arg5[%add3A, %dma_start3A_105, %dma_start3A_106] : memref<32x125x80xi32, #tpu.memory_space<hbm>> -> memref<1x125x80xi32, #tpu.memory_space<hbm>>
      %dma_start3A_108 = tpu.memref_squeeze %dma_start3A_107 : memref<1x125x80xi32, #tpu.memory_space<hbm>> -> memref<125x80xi32, #tpu.memory_space<hbm>>
      %dma_start3A_109 = arith.constant 0 : i32
      %dma_start3A_110 = arith.constant 0 : i32
      %dma_start3A_111 = tpu.memref_slice %arg5[%add3A, %dma_start3A_109, %dma_start3A_110] : memref<32x125x80xi32, #tpu.memory_space<hbm>> -> memref<1x125x80xi32, #tpu.memory_space<hbm>>
      %dma_start3A_112 = tpu.memref_squeeze %dma_start3A_111 : memref<1x125x80xi32, #tpu.memory_space<hbm>> -> memref<125x80xi32, #tpu.memory_space<hbm>>
      tpu.enqueue_dma source(%dma_start3A_112 : memref<125x80xi32, #tpu.memory_space<hbm>>) target(%arg9 : memref<125x80xi32, #tpu.memory_space<vmem>>) target_semaphore(%run_scoped3A_104 : memref<!tpu.dma_semaphore, #tpu.memory_space<semaphore_mem>>)
      %dma_wait3A_113 = arith.constant 0 : i32
      %dma_wait3A_114 = arith.constant 0 : i32
      %dma_wait3A_115 = tpu.memref_slice %arg5[%add3A, %dma_wait3A_113, %dma_wait3A_114] : memref<32x125x80xi32, #tpu.memory_space<hbm>> -> memref<1x125x80xi32, #tpu.memory_space<hbm>>
      %dma_wait3A_116 = tpu.memref_squeeze %dma_wait3A_115 : memref<1x125x80xi32, #tpu.memory_space<hbm>> -> memref<125x80xi32, #tpu.memory_space<hbm>>
      %dma_wait3A_117 = arith.constant 0 : i32
      %dma_wait3A_118 = arith.constant 0 : i32
      %dma_wait3A_119 = tpu.memref_slice %arg5[%add3A, %dma_wait3A_117, %dma_wait3A_118] : memref<32x125x80xi32, #tpu.memory_space<hbm>> -> memref<1x125x80xi32, #tpu.memory_space<hbm>>
      %dma_wait3A_120 = tpu.memref_squeeze %dma_wait3A_119 : memref<1x125x80xi32, #tpu.memory_space<hbm>> -> memref<125x80xi32, #tpu.memory_space<hbm>>
      tpu.wait_dma2 semaphore(%run_scoped3A_104 : memref<!tpu.dma_semaphore, #tpu.memory_space<semaphore_mem>>) src(%dma_wait3A_120 : memref<125x80xi32, #tpu.memory_space<hbm>>) dst(%arg9 : memref<125x80xi32, #tpu.memory_space<vmem>>)
      tpu.yield
    }) : () -> ()
    "tpu.region"() ({
      %run_scoped3A_104 = tpu.sem_alloc : memref<!tpu.dma_semaphore, #tpu.memory_space<semaphore_mem>>
      tpu.enqueue_dma source(%arg2 : memref<10240xf32, #tpu.memory_space<hbm>>) target(%arg10 : memref<10240xf32, #tpu.memory_space<vmem>>) target_semaphore(%run_scoped3A_104 : memref<!tpu.dma_semaphore, #tpu.memory_space<semaphore_mem>>)
      tpu.wait_dma2 semaphore(%run_scoped3A_104 : memref<!tpu.dma_semaphore, #tpu.memory_space<semaphore_mem>>) src(%arg2 : memref<10240xf32, #tpu.memory_space<hbm>>) dst(%arg10 : memref<10240xf32, #tpu.memory_space<vmem>>)
      tpu.yield
    }) : () -> ()
    "tpu.region"() ({
      %run_scoped3A_104 = tpu.sem_alloc : memref<!tpu.dma_semaphore, #tpu.memory_space<semaphore_mem>>
      tpu.enqueue_dma source(%arg3 : memref<10240xf32, #tpu.memory_space<hbm>>) target(%arg11 : memref<10240xf32, #tpu.memory_space<vmem>>) target_semaphore(%run_scoped3A_104 : memref<!tpu.dma_semaphore, #tpu.memory_space<semaphore_mem>>)
      tpu.wait_dma2 semaphore(%run_scoped3A_104 : memref<!tpu.dma_semaphore, #tpu.memory_space<semaphore_mem>>) src(%arg3 : memref<10240xf32, #tpu.memory_space<hbm>>) dst(%arg11 : memref<10240xf32, #tpu.memory_space<vmem>>)
      tpu.yield
    }) : () -> ()
    %scan3A_26 = arith.constant 0 : i32
    %scan3A_27 = arith.constant 0 : i32
    %scan3A_28 = arith.constant 5 : i32
    %scan3A_29 = arith.addi %scan3A_27, %scan3A_28 : i32
    %scan3A_30 = arith.constant 1 : i32
    scf.for %scan3A_104 = %scan3A_27 to %scan3A_29 step %scan3A_30  : i32 {
      %mul3A_105 = arith.constant 16 : i32
      %mul3A_106 = arith.muli %scan3A_104, %mul3A_105 : i32
      %get3A = arith.constant 0 : i32
      %get3A_107 = arith.index_cast %get3A : i32 to index
      %get3A_108 = arith.index_cast %mul3A_106 : i32 to index
      %get3A_109 = tpu.vector_load %arg8[%get3A_107, %get3A_108] {strides = array<i32>} : memref<125x80xi32, #tpu.memory_space<vmem>>, vector<16xi32>,
      %gather3A = tpu.vector_load_idx %arg10[%get3A_109] : memref<10240xf32, #tpu.memory_space<vmem>>[vector<16xi32>], vector<16xf32>,
      %mul3A_110 = arith.constant 16 : i32
      %mul3A_111 = arith.muli %scan3A_104, %mul3A_110 : i32
      %swap3A_112 = arith.index_cast %mul3A_111 : i32 to index
      %swap3A_113 = tpu.vector_load %arg12[%swap3A_112] {strides = array<i32>} : memref<80xf32, #tpu.memory_space<vmem>>, vector<16xf32>,
      tpu.vector_store %arg12[%swap3A_112], %gather3A {strides = array<i32>} : memref<80xf32, #tpu.memory_space<vmem>>, vector<16xf32>,
      %gather3A_114 = tpu.vector_load_idx %arg11[%get3A_109] : memref<10240xf32, #tpu.memory_space<vmem>>[vector<16xi32>], vector<16xf32>,
      %mul3A_115 = arith.constant 16 : i32
      %mul3A_116 = arith.muli %scan3A_104, %mul3A_115 : i32
      %swap3A_117 = arith.index_cast %mul3A_116 : i32 to index
      %swap3A_118 = tpu.vector_load %arg13[%swap3A_117] {strides = array<i32>} : memref<80xf32, #tpu.memory_space<vmem>>, vector<16xf32>,
      tpu.vector_store %arg13[%swap3A_117], %gather3A_114 {strides = array<i32>} : memref<80xf32, #tpu.memory_space<vmem>>, vector<16xf32>,
    }
    %scan3A_31 = arith.constant 5 : i32
    %dma_start3A = arith.constant 0 : i32
    %dma_start3A_32 = arith.constant 0 : i32
    %dma_start3A_33 = tpu.memref_slice %arg9[%dma_start3A, %dma_start3A_32] : memref<125x80xi32, #tpu.memory_space<vmem>> -> memref<1x80xi32, #tpu.memory_space<vmem>>
    %dma_start3A_34 = tpu.memref_squeeze %dma_start3A_33 : memref<1x80xi32, #tpu.memory_space<vmem>> -> memref<80xi32, #tpu.memory_space<vmem>>
    %dma_start3A_35 = arith.constant 0 : i32
    %dma_start3A_36 = tpu.memref_slice %arg21[%dma_start3A_35] : memref<10240xf32, #tpu.memory_space<vmem_shared>> -> memref<10240xf32, #tpu.memory_space<vmem_shared>>
    tpu.enqueue_indirect_dma source(%arg12 : memref<80xf32, #tpu.memory_space<vmem>>) target(%dma_start3A_36 : memref<10240xf32, #tpu.memory_space<vmem_shared>>) offsets(%dma_start3A_34 : memref<80xi32, #tpu.memory_space<vmem>>) semaphore(%arg17 : memref<!tpu.dma_semaphore, #tpu.memory_space<semaphore_mem>>) {add = true}
    %dma_start3A_37 = arith.constant 0 : i32
    %dma_start3A_38 = arith.constant 0 : i32
    %dma_start3A_39 = tpu.memref_slice %arg9[%dma_start3A_37, %dma_start3A_38] : memref<125x80xi32, #tpu.memory_space<vmem>> -> memref<1x80xi32, #tpu.memory_space<vmem>>
    %dma_start3A_40 = tpu.memref_squeeze %dma_start3A_39 : memref<1x80xi32, #tpu.memory_space<vmem>> -> memref<80xi32, #tpu.memory_space<vmem>>
    %dma_start3A_41 = arith.constant 0 : i32
    %dma_start3A_42 = tpu.memref_slice %arg22[%dma_start3A_41] : memref<10240xf32, #tpu.memory_space<vmem_shared>> -> memref<10240xf32, #tpu.memory_space<vmem_shared>>
    tpu.enqueue_indirect_dma source(%arg13 : memref<80xf32, #tpu.memory_space<vmem>>) target(%dma_start3A_42 : memref<10240xf32, #tpu.memory_space<vmem_shared>>) offsets(%dma_start3A_40 : memref<80xi32, #tpu.memory_space<vmem>>) semaphore(%arg18 : memref<!tpu.dma_semaphore, #tpu.memory_space<semaphore_mem>>) {add = true}
    %scan3A_43 = arith.constant 0 : i32
    %scan3A_44 = arith.constant 0 : i32
    %scan3A_45 = arith.constant 5 : i32
    %scan3A_46 = arith.addi %scan3A_44, %scan3A_45 : i32
    %scan3A_47 = arith.constant 1 : i32
    scf.for %scan3A_104 = %scan3A_44 to %scan3A_46 step %scan3A_47  : i32 {
      %mul3A_105 = arith.constant 16 : i32
      %mul3A_106 = arith.muli %scan3A_104, %mul3A_105 : i32
      %get3A = arith.constant 1 : i32
      %get3A_107 = arith.index_cast %get3A : i32 to index
      %get3A_108 = arith.index_cast %mul3A_106 : i32 to index
      %get3A_109 = tpu.vector_load %arg8[%get3A_107, %get3A_108] {strides = array<i32>} : memref<125x80xi32, #tpu.memory_space<vmem>>, vector<16xi32>,
      %gather3A = tpu.vector_load_idx %arg10[%get3A_109] : memref<10240xf32, #tpu.memory_space<vmem>>[vector<16xi32>], vector<16xf32>,
      %mul3A_110 = arith.constant 16 : i32
      %mul3A_111 = arith.muli %scan3A_104, %mul3A_110 : i32
      %swap3A_112 = arith.index_cast %mul3A_111 : i32 to index
      %swap3A_113 = tpu.vector_load %arg14[%swap3A_112] {strides = array<i32>} : memref<80xf32, #tpu.memory_space<vmem>>, vector<16xf32>,
      tpu.vector_store %arg14[%swap3A_112], %gather3A {strides = array<i32>} : memref<80xf32, #tpu.memory_space<vmem>>, vector<16xf32>,
      %gather3A_114 = tpu.vector_load_idx %arg11[%get3A_109] : memref<10240xf32, #tpu.memory_space<vmem>>[vector<16xi32>], vector<16xf32>,
      %mul3A_115 = arith.constant 16 : i32
      %mul3A_116 = arith.muli %scan3A_104, %mul3A_115 : i32
      %swap3A_117 = arith.index_cast %mul3A_116 : i32 to index
      %swap3A_118 = tpu.vector_load %arg15[%swap3A_117] {strides = array<i32>} : memref<80xf32, #tpu.memory_space<vmem>>, vector<16xf32>,
      tpu.vector_store %arg15[%swap3A_117], %gather3A_114 {strides = array<i32>} : memref<80xf32, #tpu.memory_space<vmem>>, vector<16xf32>,
    }
    %scan3A_48 = arith.constant 5 : i32
    %dma_start3A_49 = arith.constant 1 : i32
    %dma_start3A_50 = arith.constant 0 : i32
    %dma_start3A_51 = tpu.memref_slice %arg9[%dma_start3A_49, %dma_start3A_50] : memref<125x80xi32, #tpu.memory_space<vmem>> -> memref<1x80xi32, #tpu.memory_space<vmem>>
    %dma_start3A_52 = tpu.memref_squeeze %dma_start3A_51 : memref<1x80xi32, #tpu.memory_space<vmem>> -> memref<80xi32, #tpu.memory_space<vmem>>
    %dma_start3A_53 = arith.constant 0 : i32
    %dma_start3A_54 = tpu.memref_slice %arg21[%dma_start3A_53] : memref<10240xf32, #tpu.memory_space<vmem_shared>> -> memref<10240xf32, #tpu.memory_space<vmem_shared>>
    tpu.enqueue_indirect_dma source(%arg14 : memref<80xf32, #tpu.memory_space<vmem>>) target(%dma_start3A_54 : memref<10240xf32, #tpu.memory_space<vmem_shared>>) offsets(%dma_start3A_52 : memref<80xi32, #tpu.memory_space<vmem>>) semaphore(%arg19 : memref<!tpu.dma_semaphore, #tpu.memory_space<semaphore_mem>>) {add = true}
    %dma_start3A_55 = arith.constant 1 : i32
    %dma_start3A_56 = arith.constant 0 : i32
    %dma_start3A_57 = tpu.memref_slice %arg9[%dma_start3A_55, %dma_start3A_56] : memref<125x80xi32, #tpu.memory_space<vmem>> -> memref<1x80xi32, #tpu.memory_space<vmem>>
    %dma_start3A_58 = tpu.memref_squeeze %dma_start3A_57 : memref<1x80xi32, #tpu.memory_space<vmem>> -> memref<80xi32, #tpu.memory_space<vmem>>
    %dma_start3A_59 = arith.constant 0 : i32
    %dma_start3A_60 = tpu.memref_slice %arg22[%dma_start3A_59] : memref<10240xf32, #tpu.memory_space<vmem_shared>> -> memref<10240xf32, #tpu.memory_space<vmem_shared>>
    tpu.enqueue_indirect_dma source(%arg15 : memref<80xf32, #tpu.memory_space<vmem>>) target(%dma_start3A_60 : memref<10240xf32, #tpu.memory_space<vmem_shared>>) offsets(%dma_start3A_58 : memref<80xi32, #tpu.memory_space<vmem>>) semaphore(%arg20 : memref<!tpu.dma_semaphore, #tpu.memory_space<semaphore_mem>>) {add = true}
    %scan3A_61 = arith.constant 0 : i32
    %scan3A_62 = arith.constant 1 : i32
    %scan3A_63 = arith.constant 61 : i32
    %scan3A_64 = arith.addi %scan3A_62, %scan3A_63 : i32
    %scan3A_65 = arith.constant 1 : i32
    scf.for %scan3A_104 = %scan3A_62 to %scan3A_64 step %scan3A_65  : i32 {
      %mul3A_105 = arith.constant 2 : i32
      %mul3A_106 = arith.muli %mul3A_105, %scan3A_104 : i32
      %mul3A_107 = arith.constant 2 : i32
      %mul3A_108 = arith.muli %mul3A_107, %scan3A_104 : i32
      %add3A_109 = arith.constant 1 : i32
      %add3A_110 = arith.addi %mul3A_108, %add3A_109 : i32
      %dma_wait3A_111 = arith.constant 0 : i32
      %dma_wait3A_112 = arith.constant 0 : i32
      %dma_wait3A_113 = tpu.memref_slice %arg9[%dma_wait3A_111, %dma_wait3A_112] : memref<125x80xi32, #tpu.memory_space<vmem>> -> memref<1x80xi32, #tpu.memory_space<vmem>>
      %dma_wait3A_114 = tpu.memref_squeeze %dma_wait3A_113 : memref<1x80xi32, #tpu.memory_space<vmem>> -> memref<80xi32, #tpu.memory_space<vmem>>
      %dma_wait3A_115 = arith.constant 0 : i32
      %dma_wait3A_116 = tpu.memref_slice %arg21[%dma_wait3A_115] : memref<10240xf32, #tpu.memory_space<vmem_shared>> -> memref<10240xf32, #tpu.memory_space<vmem_shared>>
      tpu.wait_indirect_dma semaphore(%arg17 : memref<!tpu.dma_semaphore, #tpu.memory_space<semaphore_mem>>) src(%arg12 : memref<80xf32, #tpu.memory_space<vmem>>) dst(%dma_wait3A_116 : memref<10240xf32, #tpu.memory_space<vmem_shared>>)
      %dma_wait3A_117 = arith.constant 0 : i32
      %dma_wait3A_118 = arith.constant 0 : i32
      %dma_wait3A_119 = tpu.memref_slice %arg9[%dma_wait3A_117, %dma_wait3A_118] : memref<125x80xi32, #tpu.memory_space<vmem>> -> memref<1x80xi32, #tpu.memory_space<vmem>>
      %dma_wait3A_120 = tpu.memref_squeeze %dma_wait3A_119 : memref<1x80xi32, #tpu.memory_space<vmem>> -> memref<80xi32, #tpu.memory_space<vmem>>
      %dma_wait3A_121 = arith.constant 0 : i32
      %dma_wait3A_122 = tpu.memref_slice %arg22[%dma_wait3A_121] : memref<10240xf32, #tpu.memory_space<vmem_shared>> -> memref<10240xf32, #tpu.memory_space<vmem_shared>>
      tpu.wait_indirect_dma semaphore(%arg18 : memref<!tpu.dma_semaphore, #tpu.memory_space<semaphore_mem>>) src(%arg13 : memref<80xf32, #tpu.memory_space<vmem>>) dst(%dma_wait3A_122 : memref<10240xf32, #tpu.memory_space<vmem_shared>>)
      %scan3A_123 = arith.constant 0 : i32
      %scan3A_124 = arith.constant 0 : i32
      %scan3A_125 = arith.constant 5 : i32
      %scan3A_126 = arith.addi %scan3A_124, %scan3A_125 : i32
      %scan3A_127 = arith.constant 1 : i32
      scf.for %scan3A_167 = %scan3A_124 to %scan3A_126 step %scan3A_127  : i32 {
        %mul3A_168 = arith.constant 16 : i32
        %mul3A_169 = arith.muli %scan3A_167, %mul3A_168 : i32
        %get3A = arith.index_cast %mul3A_106 : i32 to index
        %get3A_170 = arith.index_cast %mul3A_169 : i32 to index
        %get3A_171 = tpu.vector_load %arg8[%get3A, %get3A_170] {strides = array<i32>} : memref<125x80xi32, #tpu.memory_space<vmem>>, vector<16xi32>,
        %gather3A = tpu.vector_load_idx %arg10[%get3A_171] : memref<10240xf32, #tpu.memory_space<vmem>>[vector<16xi32>], vector<16xf32>,
        %mul3A_172 = arith.constant 16 : i32
        %mul3A_173 = arith.muli %scan3A_167, %mul3A_172 : i32
        %swap3A_174 = arith.index_cast %mul3A_173 : i32 to index
        %swap3A_175 = tpu.vector_load %arg12[%swap3A_174] {strides = array<i32>} : memref<80xf32, #tpu.memory_space<vmem>>, vector<16xf32>,
        tpu.vector_store %arg12[%swap3A_174], %gather3A {strides = array<i32>} : memref<80xf32, #tpu.memory_space<vmem>>, vector<16xf32>,
        %gather3A_176 = tpu.vector_load_idx %arg11[%get3A_171] : memref<10240xf32, #tpu.memory_space<vmem>>[vector<16xi32>], vector<16xf32>,
        %mul3A_177 = arith.constant 16 : i32
        %mul3A_178 = arith.muli %scan3A_167, %mul3A_177 : i32
        %swap3A_179 = arith.index_cast %mul3A_178 : i32 to index
        %swap3A_180 = tpu.vector_load %arg13[%swap3A_179] {strides = array<i32>} : memref<80xf32, #tpu.memory_space<vmem>>, vector<16xf32>,
        tpu.vector_store %arg13[%swap3A_179], %gather3A_176 {strides = array<i32>} : memref<80xf32, #tpu.memory_space<vmem>>, vector<16xf32>,
      }
      %scan3A_128 = arith.constant 5 : i32
      %dma_start3A_129 = arith.constant 0 : i32
      %dma_start3A_130 = tpu.memref_slice %arg9[%mul3A_106, %dma_start3A_129] : memref<125x80xi32, #tpu.memory_space<vmem>> -> memref<1x80xi32, #tpu.memory_space<vmem>>
      %dma_start3A_131 = tpu.memref_squeeze %dma_start3A_130 : memref<1x80xi32, #tpu.memory_space<vmem>> -> memref<80xi32, #tpu.memory_space<vmem>>
      %dma_start3A_132 = arith.constant 0 : i32
      %dma_start3A_133 = tpu.memref_slice %arg21[%dma_start3A_132] : memref<10240xf32, #tpu.memory_space<vmem_shared>> -> memref<10240xf32, #tpu.memory_space<vmem_shared>>
      tpu.enqueue_indirect_dma source(%arg12 : memref<80xf32, #tpu.memory_space<vmem>>) target(%dma_start3A_133 : memref<10240xf32, #tpu.memory_space<vmem_shared>>) offsets(%dma_start3A_131 : memref<80xi32, #tpu.memory_space<vmem>>) semaphore(%arg17 : memref<!tpu.dma_semaphore, #tpu.memory_space<semaphore_mem>>) {add = true}
      %dma_start3A_134 = arith.constant 0 : i32
      %dma_start3A_135 = tpu.memref_slice %arg9[%mul3A_106, %dma_start3A_134] : memref<125x80xi32, #tpu.memory_space<vmem>> -> memref<1x80xi32, #tpu.memory_space<vmem>>
      %dma_start3A_136 = tpu.memref_squeeze %dma_start3A_135 : memref<1x80xi32, #tpu.memory_space<vmem>> -> memref<80xi32, #tpu.memory_space<vmem>>
      %dma_start3A_137 = arith.constant 0 : i32
      %dma_start3A_138 = tpu.memref_slice %arg22[%dma_start3A_137] : memref<10240xf32, #tpu.memory_space<vmem_shared>> -> memref<10240xf32, #tpu.memory_space<vmem_shared>>
      tpu.enqueue_indirect_dma source(%arg13 : memref<80xf32, #tpu.memory_space<vmem>>) target(%dma_start3A_138 : memref<10240xf32, #tpu.memory_space<vmem_shared>>) offsets(%dma_start3A_136 : memref<80xi32, #tpu.memory_space<vmem>>) semaphore(%arg18 : memref<!tpu.dma_semaphore, #tpu.memory_space<semaphore_mem>>) {add = true}
      %dma_wait3A_139 = arith.constant 0 : i32
      %dma_wait3A_140 = arith.constant 0 : i32
      %dma_wait3A_141 = tpu.memref_slice %arg9[%dma_wait3A_139, %dma_wait3A_140] : memref<125x80xi32, #tpu.memory_space<vmem>> -> memref<1x80xi32, #tpu.memory_space<vmem>>
      %dma_wait3A_142 = tpu.memref_squeeze %dma_wait3A_141 : memref<1x80xi32, #tpu.memory_space<vmem>> -> memref<80xi32, #tpu.memory_space<vmem>>
      %dma_wait3A_143 = arith.constant 0 : i32
      %dma_wait3A_144 = tpu.memref_slice %arg21[%dma_wait3A_143] : memref<10240xf32, #tpu.memory_space<vmem_shared>> -> memref<10240xf32, #tpu.memory_space<vmem_shared>>
      tpu.wait_indirect_dma semaphore(%arg19 : memref<!tpu.dma_semaphore, #tpu.memory_space<semaphore_mem>>) src(%arg14 : memref<80xf32, #tpu.memory_space<vmem>>) dst(%dma_wait3A_144 : memref<10240xf32, #tpu.memory_space<vmem_shared>>)
      %dma_wait3A_145 = arith.constant 0 : i32
      %dma_wait3A_146 = arith.constant 0 : i32
      %dma_wait3A_147 = tpu.memref_slice %arg9[%dma_wait3A_145, %dma_wait3A_146] : memref<125x80xi32, #tpu.memory_space<vmem>> -> memref<1x80xi32, #tpu.memory_space<vmem>>
      %dma_wait3A_148 = tpu.memref_squeeze %dma_wait3A_147 : memref<1x80xi32, #tpu.memory_space<vmem>> -> memref<80xi32, #tpu.memory_space<vmem>>
      %dma_wait3A_149 = arith.constant 0 : i32
      %dma_wait3A_150 = tpu.memref_slice %arg22[%dma_wait3A_149] : memref<10240xf32, #tpu.memory_space<vmem_shared>> -> memref<10240xf32, #tpu.memory_space<vmem_shared>>
      tpu.wait_indirect_dma semaphore(%arg20 : memref<!tpu.dma_semaphore, #tpu.memory_space<semaphore_mem>>) src(%arg15 : memref<80xf32, #tpu.memory_space<vmem>>) dst(%dma_wait3A_150 : memref<10240xf32, #tpu.memory_space<vmem_shared>>)
      %scan3A_151 = arith.constant 0 : i32
      %scan3A_152 = arith.constant 0 : i32
      %scan3A_153 = arith.constant 5 : i32
      %scan3A_154 = arith.addi %scan3A_152, %scan3A_153 : i32
      %scan3A_155 = arith.constant 1 : i32
      scf.for %scan3A_167 = %scan3A_152 to %scan3A_154 step %scan3A_155  : i32 {
        %mul3A_168 = arith.constant 16 : i32
        %mul3A_169 = arith.muli %scan3A_167, %mul3A_168 : i32
        %get3A = arith.index_cast %add3A_110 : i32 to index
        %get3A_170 = arith.index_cast %mul3A_169 : i32 to index
        %get3A_171 = tpu.vector_load %arg8[%get3A, %get3A_170] {strides = array<i32>} : memref<125x80xi32, #tpu.memory_space<vmem>>, vector<16xi32>,
        %gather3A = tpu.vector_load_idx %arg10[%get3A_171] : memref<10240xf32, #tpu.memory_space<vmem>>[vector<16xi32>], vector<16xf32>,
        %mul3A_172 = arith.constant 16 : i32
        %mul3A_173 = arith.muli %scan3A_167, %mul3A_172 : i32
        %swap3A_174 = arith.index_cast %mul3A_173 : i32 to index
        %swap3A_175 = tpu.vector_load %arg14[%swap3A_174] {strides = array<i32>} : memref<80xf32, #tpu.memory_space<vmem>>, vector<16xf32>,
        tpu.vector_store %arg14[%swap3A_174], %gather3A {strides = array<i32>} : memref<80xf32, #tpu.memory_space<vmem>>, vector<16xf32>,
        %gather3A_176 = tpu.vector_load_idx %arg11[%get3A_171] : memref<10240xf32, #tpu.memory_space<vmem>>[vector<16xi32>], vector<16xf32>,
        %mul3A_177 = arith.constant 16 : i32
        %mul3A_178 = arith.muli %scan3A_167, %mul3A_177 : i32
        %swap3A_179 = arith.index_cast %mul3A_178 : i32 to index
        %swap3A_180 = tpu.vector_load %arg15[%swap3A_179] {strides = array<i32>} : memref<80xf32, #tpu.memory_space<vmem>>, vector<16xf32>,
        tpu.vector_store %arg15[%swap3A_179], %gather3A_176 {strides = array<i32>} : memref<80xf32, #tpu.memory_space<vmem>>, vector<16xf32>,
      }
      %scan3A_156 = arith.constant 5 : i32
      %dma_start3A_157 = arith.constant 0 : i32
      %dma_start3A_158 = tpu.memref_slice %arg9[%add3A_110, %dma_start3A_157] : memref<125x80xi32, #tpu.memory_space<vmem>> -> memref<1x80xi32, #tpu.memory_space<vmem>>
      %dma_start3A_159 = tpu.memref_squeeze %dma_start3A_158 : memref<1x80xi32, #tpu.memory_space<vmem>> -> memref<80xi32, #tpu.memory_space<vmem>>
      %dma_start3A_160 = arith.constant 0 : i32
      %dma_start3A_161 = tpu.memref_slice %arg21[%dma_start3A_160] : memref<10240xf32, #tpu.memory_space<vmem_shared>> -> memref<10240xf32, #tpu.memory_space<vmem_shared>>
      tpu.enqueue_indirect_dma source(%arg14 : memref<80xf32, #tpu.memory_space<vmem>>) target(%dma_start3A_161 : memref<10240xf32, #tpu.memory_space<vmem_shared>>) offsets(%dma_start3A_159 : memref<80xi32, #tpu.memory_space<vmem>>) semaphore(%arg19 : memref<!tpu.dma_semaphore, #tpu.memory_space<semaphore_mem>>) {add = true}
      %dma_start3A_162 = arith.constant 0 : i32
      %dma_start3A_163 = tpu.memref_slice %arg9[%add3A_110, %dma_start3A_162] : memref<125x80xi32, #tpu.memory_space<vmem>> -> memref<1x80xi32, #tpu.memory_space<vmem>>
      %dma_start3A_164 = tpu.memref_squeeze %dma_start3A_163 : memref<1x80xi32, #tpu.memory_space<vmem>> -> memref<80xi32, #tpu.memory_space<vmem>>
      %dma_start3A_165 = arith.constant 0 : i32
      %dma_start3A_166 = tpu.memref_slice %arg22[%dma_start3A_165] : memref<10240xf32, #tpu.memory_space<vmem_shared>> -> memref<10240xf32, #tpu.memory_space<vmem_shared>>
      tpu.enqueue_indirect_dma source(%arg15 : memref<80xf32, #tpu.memory_space<vmem>>) target(%dma_start3A_166 : memref<10240xf32, #tpu.memory_space<vmem_shared>>) offsets(%dma_start3A_164 : memref<80xi32, #tpu.memory_space<vmem>>) semaphore(%arg20 : memref<!tpu.dma_semaphore, #tpu.memory_space<semaphore_mem>>) {add = true}
    }
    %scan3A_66 = arith.constant 61 : i32
    %dma_wait3A = arith.constant 0 : i32
    %dma_wait3A_67 = arith.constant 0 : i32
    %dma_wait3A_68 = tpu.memref_slice %arg9[%dma_wait3A, %dma_wait3A_67] : memref<125x80xi32, #tpu.memory_space<vmem>> -> memref<1x80xi32, #tpu.memory_space<vmem>>
    %dma_wait3A_69 = tpu.memref_squeeze %dma_wait3A_68 : memref<1x80xi32, #tpu.memory_space<vmem>> -> memref<80xi32, #tpu.memory_space<vmem>>
    %dma_wait3A_70 = arith.constant 0 : i32
    %dma_wait3A_71 = tpu.memref_slice %arg21[%dma_wait3A_70] : memref<10240xf32, #tpu.memory_space<vmem_shared>> -> memref<10240xf32, #tpu.memory_space<vmem_shared>>
    tpu.wait_indirect_dma semaphore(%arg17 : memref<!tpu.dma_semaphore, #tpu.memory_space<semaphore_mem>>) src(%arg12 : memref<80xf32, #tpu.memory_space<vmem>>) dst(%dma_wait3A_71 : memref<10240xf32, #tpu.memory_space<vmem_shared>>)
    %dma_wait3A_72 = arith.constant 0 : i32
    %dma_wait3A_73 = arith.constant 0 : i32
    %dma_wait3A_74 = tpu.memref_slice %arg9[%dma_wait3A_72, %dma_wait3A_73] : memref<125x80xi32, #tpu.memory_space<vmem>> -> memref<1x80xi32, #tpu.memory_space<vmem>>
    %dma_wait3A_75 = tpu.memref_squeeze %dma_wait3A_74 : memref<1x80xi32, #tpu.memory_space<vmem>> -> memref<80xi32, #tpu.memory_space<vmem>>
    %dma_wait3A_76 = arith.constant 0 : i32
    %dma_wait3A_77 = tpu.memref_slice %arg22[%dma_wait3A_76] : memref<10240xf32, #tpu.memory_space<vmem_shared>> -> memref<10240xf32, #tpu.memory_space<vmem_shared>>
    tpu.wait_indirect_dma semaphore(%arg18 : memref<!tpu.dma_semaphore, #tpu.memory_space<semaphore_mem>>) src(%arg13 : memref<80xf32, #tpu.memory_space<vmem>>) dst(%dma_wait3A_77 : memref<10240xf32, #tpu.memory_space<vmem_shared>>)
    %scan3A_78 = arith.constant 0 : i32
    %scan3A_79 = arith.constant 0 : i32
    %scan3A_80 = arith.constant 5 : i32
    %scan3A_81 = arith.addi %scan3A_79, %scan3A_80 : i32
    %scan3A_82 = arith.constant 1 : i32
    scf.for %scan3A_104 = %scan3A_79 to %scan3A_81 step %scan3A_82  : i32 {
      %mul3A_105 = arith.constant 16 : i32
      %mul3A_106 = arith.muli %scan3A_104, %mul3A_105 : i32
      %get3A = arith.constant 124 : i32
      %get3A_107 = arith.index_cast %get3A : i32 to index
      %get3A_108 = arith.index_cast %mul3A_106 : i32 to index
      %get3A_109 = tpu.vector_load %arg8[%get3A_107, %get3A_108] {strides = array<i32>} : memref<125x80xi32, #tpu.memory_space<vmem>>, vector<16xi32>,
      %gather3A = tpu.vector_load_idx %arg10[%get3A_109] : memref<10240xf32, #tpu.memory_space<vmem>>[vector<16xi32>], vector<16xf32>,
      %mul3A_110 = arith.constant 16 : i32
      %mul3A_111 = arith.muli %scan3A_104, %mul3A_110 : i32
      %swap3A_112 = arith.index_cast %mul3A_111 : i32 to index
      %swap3A_113 = tpu.vector_load %arg12[%swap3A_112] {strides = array<i32>} : memref<80xf32, #tpu.memory_space<vmem>>, vector<16xf32>,
      tpu.vector_store %arg12[%swap3A_112], %gather3A {strides = array<i32>} : memref<80xf32, #tpu.memory_space<vmem>>, vector<16xf32>,
      %gather3A_114 = tpu.vector_load_idx %arg11[%get3A_109] : memref<10240xf32, #tpu.memory_space<vmem>>[vector<16xi32>], vector<16xf32>,
      %mul3A_115 = arith.constant 16 : i32
      %mul3A_116 = arith.muli %scan3A_104, %mul3A_115 : i32
      %swap3A_117 = arith.index_cast %mul3A_116 : i32 to index
      %swap3A_118 = tpu.vector_load %arg13[%swap3A_117] {strides = array<i32>} : memref<80xf32, #tpu.memory_space<vmem>>, vector<16xf32>,
      tpu.vector_store %arg13[%swap3A_117], %gather3A_114 {strides = array<i32>} : memref<80xf32, #tpu.memory_space<vmem>>, vector<16xf32>,
    }
    %scan3A_83 = arith.constant 5 : i32
    %run_scoped3A = arith.constant 124 : i32
    "tpu.region"() ({
      %run_scoped3A_104 = tpu.sem_alloc : memref<!tpu.dma_semaphore, #tpu.memory_space<semaphore_mem>>
      %dma_start3A_105 = arith.constant 0 : i32
      %dma_start3A_106 = tpu.memref_slice %arg9[%run_scoped3A, %dma_start3A_105] : memref<125x80xi32, #tpu.memory_space<vmem>> -> memref<1x80xi32, #tpu.memory_space<vmem>>
      %dma_start3A_107 = tpu.memref_squeeze %dma_start3A_106 : memref<1x80xi32, #tpu.memory_space<vmem>> -> memref<80xi32, #tpu.memory_space<vmem>>
      %dma_start3A_108 = arith.constant 0 : i32
      %dma_start3A_109 = tpu.memref_slice %arg21[%dma_start3A_108] : memref<10240xf32, #tpu.memory_space<vmem_shared>> -> memref<10240xf32, #tpu.memory_space<vmem_shared>>
      tpu.enqueue_indirect_dma source(%arg12 : memref<80xf32, #tpu.memory_space<vmem>>) target(%dma_start3A_109 : memref<10240xf32, #tpu.memory_space<vmem_shared>>) offsets(%dma_start3A_107 : memref<80xi32, #tpu.memory_space<vmem>>) semaphore(%run_scoped3A_104 : memref<!tpu.dma_semaphore, #tpu.memory_space<semaphore_mem>>) {add = true}
      %dma_wait3A_110 = arith.constant 0 : i32
      %dma_wait3A_111 = tpu.memref_slice %arg9[%run_scoped3A, %dma_wait3A_110] : memref<125x80xi32, #tpu.memory_space<vmem>> -> memref<1x80xi32, #tpu.memory_space<vmem>>
      %dma_wait3A_112 = tpu.memref_squeeze %dma_wait3A_111 : memref<1x80xi32, #tpu.memory_space<vmem>> -> memref<80xi32, #tpu.memory_space<vmem>>
      %dma_wait3A_113 = arith.constant 0 : i32
      %dma_wait3A_114 = tpu.memref_slice %arg21[%dma_wait3A_113] : memref<10240xf32, #tpu.memory_space<vmem_shared>> -> memref<10240xf32, #tpu.memory_space<vmem_shared>>
      tpu.wait_indirect_dma semaphore(%run_scoped3A_104 : memref<!tpu.dma_semaphore, #tpu.memory_space<semaphore_mem>>) src(%arg12 : memref<80xf32, #tpu.memory_space<vmem>>) dst(%dma_wait3A_114 : memref<10240xf32, #tpu.memory_space<vmem_shared>>)
      tpu.yield
    }) : () -> ()
    %run_scoped3A_84 = arith.constant 124 : i32
    "tpu.region"() ({
      %run_scoped3A_104 = tpu.sem_alloc : memref<!tpu.dma_semaphore, #tpu.memory_space<semaphore_mem>>
      %dma_start3A_105 = arith.constant 0 : i32
      %dma_start3A_106 = tpu.memref_slice %arg9[%run_scoped3A_84, %dma_start3A_105] : memref<125x80xi32, #tpu.memory_space<vmem>> -> memref<1x80xi32, #tpu.memory_space<vmem>>
      %dma_start3A_107 = tpu.memref_squeeze %dma_start3A_106 : memref<1x80xi32, #tpu.memory_space<vmem>> -> memref<80xi32, #tpu.memory_space<vmem>>
      %dma_start3A_108 = arith.constant 0 : i32
      %dma_start3A_109 = tpu.memref_slice %arg22[%dma_start3A_108] : memref<10240xf32, #tpu.memory_space<vmem_shared>> -> memref<10240xf32, #tpu.memory_space<vmem_shared>>
      tpu.enqueue_indirect_dma source(%arg13 : memref<80xf32, #tpu.memory_space<vmem>>) target(%dma_start3A_109 : memref<10240xf32, #tpu.memory_space<vmem_shared>>) offsets(%dma_start3A_107 : memref<80xi32, #tpu.memory_space<vmem>>) semaphore(%run_scoped3A_104 : memref<!tpu.dma_semaphore, #tpu.memory_space<semaphore_mem>>) {add = true}
      %dma_wait3A_110 = arith.constant 0 : i32
      %dma_wait3A_111 = tpu.memref_slice %arg9[%run_scoped3A_84, %dma_wait3A_110] : memref<125x80xi32, #tpu.memory_space<vmem>> -> memref<1x80xi32, #tpu.memory_space<vmem>>
      %dma_wait3A_112 = tpu.memref_squeeze %dma_wait3A_111 : memref<1x80xi32, #tpu.memory_space<vmem>> -> memref<80xi32, #tpu.memory_space<vmem>>
      %dma_wait3A_113 = arith.constant 0 : i32
      %dma_wait3A_114 = tpu.memref_slice %arg22[%dma_wait3A_113] : memref<10240xf32, #tpu.memory_space<vmem_shared>> -> memref<10240xf32, #tpu.memory_space<vmem_shared>>
      tpu.wait_indirect_dma semaphore(%run_scoped3A_104 : memref<!tpu.dma_semaphore, #tpu.memory_space<semaphore_mem>>) src(%arg13 : memref<80xf32, #tpu.memory_space<vmem>>) dst(%dma_wait3A_114 : memref<10240xf32, #tpu.memory_space<vmem_shared>>)
      tpu.yield
    }) : () -> ()
    %dma_wait3A_85 = arith.constant 0 : i32
    %dma_wait3A_86 = arith.constant 0 : i32
    %dma_wait3A_87 = tpu.memref_slice %arg9[%dma_wait3A_85, %dma_wait3A_86] : memref<125x80xi32, #tpu.memory_space<vmem>> -> memref<1x80xi32, #tpu.memory_space<vmem>>
    %dma_wait3A_88 = tpu.memref_squeeze %dma_wait3A_87 : memref<1x80xi32, #tpu.memory_space<vmem>> -> memref<80xi32, #tpu.memory_space<vmem>>
    %dma_wait3A_89 = arith.constant 0 : i32
    %dma_wait3A_90 = tpu.memref_slice %arg21[%dma_wait3A_89] : memref<10240xf32, #tpu.memory_space<vmem_shared>> -> memref<10240xf32, #tpu.memory_space<vmem_shared>>
    tpu.wait_indirect_dma semaphore(%arg19 : memref<!tpu.dma_semaphore, #tpu.memory_space<semaphore_mem>>) src(%arg14 : memref<80xf32, #tpu.memory_space<vmem>>) dst(%dma_wait3A_90 : memref<10240xf32, #tpu.memory_space<vmem_shared>>)
    %dma_wait3A_91 = arith.constant 0 : i32
    %dma_wait3A_92 = arith.constant 0 : i32
    %dma_wait3A_93 = tpu.memref_slice %arg9[%dma_wait3A_91, %dma_wait3A_92] : memref<125x80xi32, #tpu.memory_space<vmem>> -> memref<1x80xi32, #tpu.memory_space<vmem>>
    %dma_wait3A_94 = tpu.memref_squeeze %dma_wait3A_93 : memref<1x80xi32, #tpu.memory_space<vmem>> -> memref<80xi32, #tpu.memory_space<vmem>>
    %dma_wait3A_95 = arith.constant 0 : i32
    %dma_wait3A_96 = tpu.memref_slice %arg22[%dma_wait3A_95] : memref<10240xf32, #tpu.memory_space<vmem_shared>> -> memref<10240xf32, #tpu.memory_space<vmem_shared>>
    tpu.wait_indirect_dma semaphore(%arg20 : memref<!tpu.dma_semaphore, #tpu.memory_space<semaphore_mem>>) src(%arg15 : memref<80xf32, #tpu.memory_space<vmem>>) dst(%dma_wait3A_96 : memref<10240xf32, #tpu.memory_space<vmem_shared>>)
    %barrier3A_97 = arith.constant 0 : index
    tpu.barrier barrier_id(%barrier3A_97)
    %scan3A_98 = arith.constant 0 : i32
    %scan3A_99 = arith.constant 0 : i32
    %scan3A_100 = arith.constant 8 : i32
    %scan3A_101 = arith.addi %scan3A_99, %scan3A_100 : i32
    %scan3A_102 = arith.constant 1 : i32
    scf.for %scan3A_104 = %scan3A_99 to %scan3A_101 step %scan3A_102  : i32 {
      %mul3A_105 = arith.constant 640 : i32
      %mul3A_106 = arith.muli %arg1, %mul3A_105 : i32
      %mul3A_107 = arith.constant 80 : i32
      %mul3A_108 = arith.muli %scan3A_104, %mul3A_107 : i32
      %add3A_109 = arith.addi %mul3A_106, %mul3A_108 : i32
      "tpu.region"() ({
        %run_scoped3A_110 = tpu.sem_alloc : memref<!tpu.dma_semaphore, #tpu.memory_space<semaphore_mem>>
        %dma_start3A_111 = tpu.memref_slice %arg21[%add3A_109] : memref<10240xf32, #tpu.memory_space<vmem_shared>> -> memref<80xf32, #tpu.memory_space<vmem_shared>>
        %dma_start3A_112 = tpu.memref_slice %arg21[%add3A_109] : memref<10240xf32, #tpu.memory_space<vmem_shared>> -> memref<80xf32, #tpu.memory_space<vmem_shared>>
        tpu.enqueue_dma source(%dma_start3A_112 : memref<80xf32, #tpu.memory_space<vmem_shared>>) target(%arg16 : memref<80xf32, #tpu.memory_space<vmem>>) target_semaphore(%run_scoped3A_110 : memref<!tpu.dma_semaphore, #tpu.memory_space<semaphore_mem>>)
        %dma_wait3A_113 = tpu.memref_slice %arg21[%add3A_109] : memref<10240xf32, #tpu.memory_space<vmem_shared>> -> memref<80xf32, #tpu.memory_space<vmem_shared>>
        %dma_wait3A_114 = tpu.memref_slice %arg21[%add3A_109] : memref<10240xf32, #tpu.memory_space<vmem_shared>> -> memref<80xf32, #tpu.memory_space<vmem_shared>>
        tpu.wait_dma2 semaphore(%run_scoped3A_110 : memref<!tpu.dma_semaphore, #tpu.memory_space<semaphore_mem>>) src(%dma_wait3A_114 : memref<80xf32, #tpu.memory_space<vmem_shared>>) dst(%arg16 : memref<80xf32, #tpu.memory_space<vmem>>)
        tpu.yield
      }) : () -> ()
      "tpu.region"() ({
        %run_scoped3A_110 = tpu.sem_alloc : memref<!tpu.dma_semaphore, #tpu.memory_space<semaphore_mem>>
        %dma_start3A_111 = tpu.memref_slice %arg6[%arg0, %add3A_109] : memref<2x10240xf32, #tpu.memory_space<hbm>> -> memref<1x80xf32, #tpu.memory_space<hbm>>
        %dma_start3A_112 = tpu.memref_squeeze %dma_start3A_111 : memref<1x80xf32, #tpu.memory_space<hbm>> -> memref<80xf32, #tpu.memory_space<hbm>>
        %dma_start3A_113 = tpu.memref_slice %arg6[%arg0, %add3A_109] : memref<2x10240xf32, #tpu.memory_space<hbm>> -> memref<1x80xf32, #tpu.memory_space<hbm>>
        %dma_start3A_114 = tpu.memref_squeeze %dma_start3A_113 : memref<1x80xf32, #tpu.memory_space<hbm>> -> memref<80xf32, #tpu.memory_space<hbm>>
        tpu.enqueue_dma source(%arg16 : memref<80xf32, #tpu.memory_space<vmem>>) target(%dma_start3A_114 : memref<80xf32, #tpu.memory_space<hbm>>) target_semaphore(%run_scoped3A_110 : memref<!tpu.dma_semaphore, #tpu.memory_space<semaphore_mem>>)
        %dma_wait3A_115 = tpu.memref_slice %arg6[%arg0, %add3A_109] : memref<2x10240xf32, #tpu.memory_space<hbm>> -> memref<1x80xf32, #tpu.memory_space<hbm>>
        %dma_wait3A_116 = tpu.memref_squeeze %dma_wait3A_115 : memref<1x80xf32, #tpu.memory_space<hbm>> -> memref<80xf32, #tpu.memory_space<hbm>>
        %dma_wait3A_117 = tpu.memref_slice %arg6[%arg0, %add3A_109] : memref<2x10240xf32, #tpu.memory_space<hbm>> -> memref<1x80xf32, #tpu.memory_space<hbm>>
        %dma_wait3A_118 = tpu.memref_squeeze %dma_wait3A_117 : memref<1x80xf32, #tpu.memory_space<hbm>> -> memref<80xf32, #tpu.memory_space<hbm>>
        tpu.wait_dma2 semaphore(%run_scoped3A_110 : memref<!tpu.dma_semaphore, #tpu.memory_space<semaphore_mem>>) src(%arg16 : memref<80xf32, #tpu.memory_space<vmem>>) dst(%dma_wait3A_118 : memref<80xf32, #tpu.memory_space<hbm>>)
        tpu.yield
      }) : () -> ()
      "tpu.region"() ({
        %run_scoped3A_110 = tpu.sem_alloc : memref<!tpu.dma_semaphore, #tpu.memory_space<semaphore_mem>>
        %dma_start3A_111 = tpu.memref_slice %arg22[%add3A_109] : memref<10240xf32, #tpu.memory_space<vmem_shared>> -> memref<80xf32, #tpu.memory_space<vmem_shared>>
        %dma_start3A_112 = tpu.memref_slice %arg22[%add3A_109] : memref<10240xf32, #tpu.memory_space<vmem_shared>> -> memref<80xf32, #tpu.memory_space<vmem_shared>>
        tpu.enqueue_dma source(%dma_start3A_112 : memref<80xf32, #tpu.memory_space<vmem_shared>>) target(%arg16 : memref<80xf32, #tpu.memory_space<vmem>>) target_semaphore(%run_scoped3A_110 : memref<!tpu.dma_semaphore, #tpu.memory_space<semaphore_mem>>)
        %dma_wait3A_113 = tpu.memref_slice %arg22[%add3A_109] : memref<10240xf32, #tpu.memory_space<vmem_shared>> -> memref<80xf32, #tpu.memory_space<vmem_shared>>
        %dma_wait3A_114 = tpu.memref_slice %arg22[%add3A_109] : memref<10240xf32, #tpu.memory_space<vmem_shared>> -> memref<80xf32, #tpu.memory_space<vmem_shared>>
        tpu.wait_dma2 semaphore(%run_scoped3A_110 : memref<!tpu.dma_semaphore, #tpu.memory_space<semaphore_mem>>) src(%dma_wait3A_114 : memref<80xf32, #tpu.memory_space<vmem_shared>>) dst(%arg16 : memref<80xf32, #tpu.memory_space<vmem>>)
        tpu.yield
      }) : () -> ()
      "tpu.region"() ({
        %run_scoped3A_110 = tpu.sem_alloc : memref<!tpu.dma_semaphore, #tpu.memory_space<semaphore_mem>>
        %dma_start3A_111 = tpu.memref_slice %arg7[%arg0, %add3A_109] : memref<2x10240xf32, #tpu.memory_space<hbm>> -> memref<1x80xf32, #tpu.memory_space<hbm>>
        %dma_start3A_112 = tpu.memref_squeeze %dma_start3A_111 : memref<1x80xf32, #tpu.memory_space<hbm>> -> memref<80xf32, #tpu.memory_space<hbm>>
        %dma_start3A_113 = tpu.memref_slice %arg7[%arg0, %add3A_109] : memref<2x10240xf32, #tpu.memory_space<hbm>> -> memref<1x80xf32, #tpu.memory_space<hbm>>
        %dma_start3A_114 = tpu.memref_squeeze %dma_start3A_113 : memref<1x80xf32, #tpu.memory_space<hbm>> -> memref<80xf32, #tpu.memory_space<hbm>>
        tpu.enqueue_dma source(%arg16 : memref<80xf32, #tpu.memory_space<vmem>>) target(%dma_start3A_114 : memref<80xf32, #tpu.memory_space<hbm>>) target_semaphore(%run_scoped3A_110 : memref<!tpu.dma_semaphore, #tpu.memory_space<semaphore_mem>>)
        %dma_wait3A_115 = tpu.memref_slice %arg7[%arg0, %add3A_109] : memref<2x10240xf32, #tpu.memory_space<hbm>> -> memref<1x80xf32, #tpu.memory_space<hbm>>
        %dma_wait3A_116 = tpu.memref_squeeze %dma_wait3A_115 : memref<1x80xf32, #tpu.memory_space<hbm>> -> memref<80xf32, #tpu.memory_space<hbm>>
        %dma_wait3A_117 = tpu.memref_slice %arg7[%arg0, %add3A_109] : memref<2x10240xf32, #tpu.memory_space<hbm>> -> memref<1x80xf32, #tpu.memory_space<hbm>>
        %dma_wait3A_118 = tpu.memref_squeeze %dma_wait3A_117 : memref<1x80xf32, #tpu.memory_space<hbm>> -> memref<80xf32, #tpu.memory_space<hbm>>
        tpu.wait_dma2 semaphore(%run_scoped3A_110 : memref<!tpu.dma_semaphore, #tpu.memory_space<semaphore_mem>>) src(%arg16 : memref<80xf32, #tpu.memory_space<vmem>>) dst(%dma_wait3A_118 : memref<80xf32, #tpu.memory_space<hbm>>)
        tpu.yield
      }) : () -> ()
    }
    %scan3A_103 = arith.constant 8 : i32
    return
  }
}

#map = affine_map<(d0, d1) -> (0, 0)>
#map1 = affine_map<(d0, d1) -> (0, 0, 0)>
module attributes {stable_mosaic.version = 14 : i64} {
  func.func @gs_kernel(%arg0: i32, %arg1: i32, %arg2: memref<10240x64xf32, #tpu.memory_space<hbm>>, %arg3: memref<32x125x80xi32, #tpu.memory_space<hbm>>, %arg4: memref<32x125x80xi32, #tpu.memory_space<hbm>>, %arg5: memref<2x10240x64xf32, #tpu.memory_space<hbm>>, %arg6: memref<125x80xi32, #tpu.memory_space<vmem>>, %arg7: memref<125x80xi32, #tpu.memory_space<vmem>>, %arg8: memref<80x64xf32, #tpu.memory_space<vmem>>, %arg9: memref<80x64xf32, #tpu.memory_space<vmem>>, %arg10: memref<80x64xf32, #tpu.memory_space<vmem>>, %arg11: memref<80x64xf32, #tpu.memory_space<vmem>>, %arg12: memref<80x64xf32, #tpu.memory_space<vmem>>, %arg13: memref<80x64xf32, #tpu.memory_space<vmem>>, %arg14: memref<80x64xf32, #tpu.memory_space<vmem>>, %arg15: memref<80x64xf32, #tpu.memory_space<vmem>>, %arg16: memref<80x64xf32, #tpu.memory_space<vmem>>, %arg17: memref<!tpu.dma_semaphore, #tpu.memory_space<semaphore_mem>>, %arg18: memref<!tpu.dma_semaphore, #tpu.memory_space<semaphore_mem>>, %arg19: memref<!tpu.dma_semaphore, #tpu.memory_space<semaphore_mem>>, %arg20: memref<!tpu.dma_semaphore, #tpu.memory_space<semaphore_mem>>, %arg21: memref<!tpu.dma_semaphore, #tpu.memory_space<semaphore_mem>>, %arg22: memref<!tpu.dma_semaphore, #tpu.memory_space<semaphore_mem>>, %arg23: memref<!tpu.dma_semaphore, #tpu.memory_space<semaphore_mem>>, %arg24: memref<!tpu.dma_semaphore, #tpu.memory_space<semaphore_mem>>, %arg25: memref<!tpu.dma_semaphore, #tpu.memory_space<semaphore_mem>>, %arg26: memref<!tpu.dma_semaphore, #tpu.memory_space<semaphore_mem>>, %arg27: memref<!tpu.dma_semaphore, #tpu.memory_space<semaphore_mem>>, %arg28: memref<!tpu.dma_semaphore, #tpu.memory_space<semaphore_mem>>, %arg29: memref<!tpu.dma_semaphore, #tpu.memory_space<semaphore_mem>>, %arg30: memref<!tpu.dma_semaphore, #tpu.memory_space<semaphore_mem>>, %arg31: memref<!tpu.dma_semaphore, #tpu.memory_space<semaphore_mem>>, %arg32: memref<!tpu.dma_semaphore, #tpu.memory_space<semaphore_mem>>, %arg33: memref<10240x64xf32, #tpu.memory_space<vmem_shared>>) attributes {dimension_semantics = [#tpu.dimension_semantics<core_parallel>, #tpu.dimension_semantics<subcore_parallel>], iteration_bounds = array<i64: 2, 16>, scalar_prefetch = 0 : i64, scratch_operands = 28 : i64, tpu.core_type = #tpu.core_type<sc_vector_subcore>, window_params = [{transform_indices = #map}, {transform_indices = #map1}, {transform_indices = #map1}, {transform_indices = #map1}]} {
    %mul3A = arith.constant 16 : i32
    %mul3A_0 = arith.muli %arg0, %mul3A : i32
    %add3A = arith.addi %mul3A_0, %arg1 : i32
    %broadcast_in_dim3A = arith.constant 0.000000e+00 : f32
    %broadcast_in_dim3A_1 = vector.broadcast %broadcast_in_dim3A : f32 to vector<16xf32>
    %scan3A = arith.constant 0 : i32
    %scan3A_2 = arith.constant 0 : i32
    %scan3A_3 = arith.constant 80 : i32
    %scan3A_4 = arith.addi %scan3A_2, %scan3A_3 : i32
    %scan3A_5 = arith.constant 1 : i32
    scf.for %scan3A_388 = %scan3A_2 to %scan3A_4 step %scan3A_5  : i32 {
      %swap3A = arith.index_cast %scan3A_388 : i32 to index
      %swap3A_389 = arith.constant 0 : index
      %swap3A_390 = tpu.vector_load %arg16[%swap3A, %swap3A_389] {strides = array<i32>} : memref<80x64xf32, #tpu.memory_space<vmem>>, vector<1x16xf32>,
      %swap3A_391 = vector.shape_cast %swap3A_390 : vector<1x16xf32> to vector<16xf32>
      %swap3A_392 = vector.shape_cast %broadcast_in_dim3A_1 : vector<16xf32> to vector<1x16xf32>
      tpu.vector_store %arg16[%swap3A, %swap3A_389], %swap3A_392 {strides = array<i32>} : memref<80x64xf32, #tpu.memory_space<vmem>>, vector<1x16xf32>,
      %swap3A_393 = arith.index_cast %scan3A_388 : i32 to index
      %swap3A_394 = arith.constant 16 : index
      %swap3A_395 = tpu.vector_load %arg16[%swap3A_393, %swap3A_394] {strides = array<i32>} : memref<80x64xf32, #tpu.memory_space<vmem>>, vector<1x16xf32>,
      %swap3A_396 = vector.shape_cast %swap3A_395 : vector<1x16xf32> to vector<16xf32>
      %swap3A_397 = vector.shape_cast %broadcast_in_dim3A_1 : vector<16xf32> to vector<1x16xf32>
      tpu.vector_store %arg16[%swap3A_393, %swap3A_394], %swap3A_397 {strides = array<i32>} : memref<80x64xf32, #tpu.memory_space<vmem>>, vector<1x16xf32>,
      %swap3A_398 = arith.index_cast %scan3A_388 : i32 to index
      %swap3A_399 = arith.constant 32 : index
      %swap3A_400 = tpu.vector_load %arg16[%swap3A_398, %swap3A_399] {strides = array<i32>} : memref<80x64xf32, #tpu.memory_space<vmem>>, vector<1x16xf32>,
      %swap3A_401 = vector.shape_cast %swap3A_400 : vector<1x16xf32> to vector<16xf32>
      %swap3A_402 = vector.shape_cast %broadcast_in_dim3A_1 : vector<16xf32> to vector<1x16xf32>
      tpu.vector_store %arg16[%swap3A_398, %swap3A_399], %swap3A_402 {strides = array<i32>} : memref<80x64xf32, #tpu.memory_space<vmem>>, vector<1x16xf32>,
      %swap3A_403 = arith.index_cast %scan3A_388 : i32 to index
      %swap3A_404 = arith.constant 48 : index
      %swap3A_405 = tpu.vector_load %arg16[%swap3A_403, %swap3A_404] {strides = array<i32>} : memref<80x64xf32, #tpu.memory_space<vmem>>, vector<1x16xf32>,
      %swap3A_406 = vector.shape_cast %swap3A_405 : vector<1x16xf32> to vector<16xf32>
      %swap3A_407 = vector.shape_cast %broadcast_in_dim3A_1 : vector<16xf32> to vector<1x16xf32>
      tpu.vector_store %arg16[%swap3A_403, %swap3A_404], %swap3A_407 {strides = array<i32>} : memref<80x64xf32, #tpu.memory_space<vmem>>, vector<1x16xf32>,
    }
    %scan3A_6 = arith.constant 80 : i32
    %scan3A_7 = arith.constant 0 : i32
    %scan3A_8 = arith.constant 0 : i32
    %scan3A_9 = arith.constant 8 : i32
    %scan3A_10 = arith.addi %scan3A_8, %scan3A_9 : i32
    %scan3A_11 = arith.constant 1 : i32
    scf.for %scan3A_388 = %scan3A_8 to %scan3A_10 step %scan3A_11  : i32 {
      %mul3A_389 = arith.constant 640 : i32
      %mul3A_390 = arith.muli %arg1, %mul3A_389 : i32
      %mul3A_391 = arith.constant 80 : i32
      %mul3A_392 = arith.muli %scan3A_388, %mul3A_391 : i32
      %add3A_393 = arith.addi %mul3A_390, %mul3A_392 : i32
      "tpu.region"() ({
        %run_scoped3A = tpu.sem_alloc : memref<!tpu.dma_semaphore, #tpu.memory_space<semaphore_mem>>
        %dma_start3A_394 = arith.constant 0 : i32
        %dma_start3A_395 = tpu.memref_slice %arg33[%add3A_393, %dma_start3A_394] : memref<10240x64xf32, #tpu.memory_space<vmem_shared>> -> memref<80x64xf32, #tpu.memory_space<vmem_shared>>
        %dma_start3A_396 = arith.constant 0 : i32
        %dma_start3A_397 = tpu.memref_slice %arg33[%add3A_393, %dma_start3A_396] : memref<10240x64xf32, #tpu.memory_space<vmem_shared>> -> memref<80x64xf32, #tpu.memory_space<vmem_shared>>
        tpu.enqueue_dma source(%arg16 : memref<80x64xf32, #tpu.memory_space<vmem>>) target(%dma_start3A_397 : memref<80x64xf32, #tpu.memory_space<vmem_shared>>) target_semaphore(%run_scoped3A : memref<!tpu.dma_semaphore, #tpu.memory_space<semaphore_mem>>)
        %dma_wait3A_398 = arith.constant 0 : i32
        %dma_wait3A_399 = tpu.memref_slice %arg33[%add3A_393, %dma_wait3A_398] : memref<10240x64xf32, #tpu.memory_space<vmem_shared>> -> memref<80x64xf32, #tpu.memory_space<vmem_shared>>
        %dma_wait3A_400 = arith.constant 0 : i32
        %dma_wait3A_401 = tpu.memref_slice %arg33[%add3A_393, %dma_wait3A_400] : memref<10240x64xf32, #tpu.memory_space<vmem_shared>> -> memref<80x64xf32, #tpu.memory_space<vmem_shared>>
        tpu.wait_dma2 semaphore(%run_scoped3A : memref<!tpu.dma_semaphore, #tpu.memory_space<semaphore_mem>>) src(%arg16 : memref<80x64xf32, #tpu.memory_space<vmem>>) dst(%dma_wait3A_401 : memref<80x64xf32, #tpu.memory_space<vmem_shared>>)
        tpu.yield
      }) : () -> ()
    }
    %scan3A_12 = arith.constant 8 : i32
    %barrier3A = arith.constant 0 : index
    tpu.barrier barrier_id(%barrier3A)
    "tpu.region"() ({
      %run_scoped3A = tpu.sem_alloc : memref<!tpu.dma_semaphore, #tpu.memory_space<semaphore_mem>>
      %dma_start3A_388 = arith.constant 0 : i32
      %dma_start3A_389 = arith.constant 0 : i32
      %dma_start3A_390 = tpu.memref_slice %arg3[%add3A, %dma_start3A_388, %dma_start3A_389] : memref<32x125x80xi32, #tpu.memory_space<hbm>> -> memref<1x125x80xi32, #tpu.memory_space<hbm>>
      %dma_start3A_391 = tpu.memref_squeeze %dma_start3A_390 : memref<1x125x80xi32, #tpu.memory_space<hbm>> -> memref<125x80xi32, #tpu.memory_space<hbm>>
      %dma_start3A_392 = arith.constant 0 : i32
      %dma_start3A_393 = arith.constant 0 : i32
      %dma_start3A_394 = tpu.memref_slice %arg3[%add3A, %dma_start3A_392, %dma_start3A_393] : memref<32x125x80xi32, #tpu.memory_space<hbm>> -> memref<1x125x80xi32, #tpu.memory_space<hbm>>
      %dma_start3A_395 = tpu.memref_squeeze %dma_start3A_394 : memref<1x125x80xi32, #tpu.memory_space<hbm>> -> memref<125x80xi32, #tpu.memory_space<hbm>>
      tpu.enqueue_dma source(%dma_start3A_395 : memref<125x80xi32, #tpu.memory_space<hbm>>) target(%arg6 : memref<125x80xi32, #tpu.memory_space<vmem>>) target_semaphore(%run_scoped3A : memref<!tpu.dma_semaphore, #tpu.memory_space<semaphore_mem>>)
      %dma_wait3A_396 = arith.constant 0 : i32
      %dma_wait3A_397 = arith.constant 0 : i32
      %dma_wait3A_398 = tpu.memref_slice %arg3[%add3A, %dma_wait3A_396, %dma_wait3A_397] : memref<32x125x80xi32, #tpu.memory_space<hbm>> -> memref<1x125x80xi32, #tpu.memory_space<hbm>>
      %dma_wait3A_399 = tpu.memref_squeeze %dma_wait3A_398 : memref<1x125x80xi32, #tpu.memory_space<hbm>> -> memref<125x80xi32, #tpu.memory_space<hbm>>
      %dma_wait3A_400 = arith.constant 0 : i32
      %dma_wait3A_401 = arith.constant 0 : i32
      %dma_wait3A_402 = tpu.memref_slice %arg3[%add3A, %dma_wait3A_400, %dma_wait3A_401] : memref<32x125x80xi32, #tpu.memory_space<hbm>> -> memref<1x125x80xi32, #tpu.memory_space<hbm>>
      %dma_wait3A_403 = tpu.memref_squeeze %dma_wait3A_402 : memref<1x125x80xi32, #tpu.memory_space<hbm>> -> memref<125x80xi32, #tpu.memory_space<hbm>>
      tpu.wait_dma2 semaphore(%run_scoped3A : memref<!tpu.dma_semaphore, #tpu.memory_space<semaphore_mem>>) src(%dma_wait3A_403 : memref<125x80xi32, #tpu.memory_space<hbm>>) dst(%arg6 : memref<125x80xi32, #tpu.memory_space<vmem>>)
      tpu.yield
    }) : () -> ()
    "tpu.region"() ({
      %run_scoped3A = tpu.sem_alloc : memref<!tpu.dma_semaphore, #tpu.memory_space<semaphore_mem>>
      %dma_start3A_388 = arith.constant 0 : i32
      %dma_start3A_389 = arith.constant 0 : i32
      %dma_start3A_390 = tpu.memref_slice %arg4[%add3A, %dma_start3A_388, %dma_start3A_389] : memref<32x125x80xi32, #tpu.memory_space<hbm>> -> memref<1x125x80xi32, #tpu.memory_space<hbm>>
      %dma_start3A_391 = tpu.memref_squeeze %dma_start3A_390 : memref<1x125x80xi32, #tpu.memory_space<hbm>> -> memref<125x80xi32, #tpu.memory_space<hbm>>
      %dma_start3A_392 = arith.constant 0 : i32
      %dma_start3A_393 = arith.constant 0 : i32
      %dma_start3A_394 = tpu.memref_slice %arg4[%add3A, %dma_start3A_392, %dma_start3A_393] : memref<32x125x80xi32, #tpu.memory_space<hbm>> -> memref<1x125x80xi32, #tpu.memory_space<hbm>>
      %dma_start3A_395 = tpu.memref_squeeze %dma_start3A_394 : memref<1x125x80xi32, #tpu.memory_space<hbm>> -> memref<125x80xi32, #tpu.memory_space<hbm>>
      tpu.enqueue_dma source(%dma_start3A_395 : memref<125x80xi32, #tpu.memory_space<hbm>>) target(%arg7 : memref<125x80xi32, #tpu.memory_space<vmem>>) target_semaphore(%run_scoped3A : memref<!tpu.dma_semaphore, #tpu.memory_space<semaphore_mem>>)
      %dma_wait3A_396 = arith.constant 0 : i32
      %dma_wait3A_397 = arith.constant 0 : i32
      %dma_wait3A_398 = tpu.memref_slice %arg4[%add3A, %dma_wait3A_396, %dma_wait3A_397] : memref<32x125x80xi32, #tpu.memory_space<hbm>> -> memref<1x125x80xi32, #tpu.memory_space<hbm>>
      %dma_wait3A_399 = tpu.memref_squeeze %dma_wait3A_398 : memref<1x125x80xi32, #tpu.memory_space<hbm>> -> memref<125x80xi32, #tpu.memory_space<hbm>>
      %dma_wait3A_400 = arith.constant 0 : i32
      %dma_wait3A_401 = arith.constant 0 : i32
      %dma_wait3A_402 = tpu.memref_slice %arg4[%add3A, %dma_wait3A_400, %dma_wait3A_401] : memref<32x125x80xi32, #tpu.memory_space<hbm>> -> memref<1x125x80xi32, #tpu.memory_space<hbm>>
      %dma_wait3A_403 = tpu.memref_squeeze %dma_wait3A_402 : memref<1x125x80xi32, #tpu.memory_space<hbm>> -> memref<125x80xi32, #tpu.memory_space<hbm>>
      tpu.wait_dma2 semaphore(%run_scoped3A : memref<!tpu.dma_semaphore, #tpu.memory_space<semaphore_mem>>) src(%dma_wait3A_403 : memref<125x80xi32, #tpu.memory_space<hbm>>) dst(%arg7 : memref<125x80xi32, #tpu.memory_space<vmem>>)
      tpu.yield
    }) : () -> ()
    %dma_start3A = arith.constant 0 : i32
    %dma_start3A_13 = arith.constant 0 : i32
    %dma_start3A_14 = tpu.memref_slice %arg6[%dma_start3A, %dma_start3A_13] : memref<125x80xi32, #tpu.memory_space<vmem>> -> memref<1x80xi32, #tpu.memory_space<vmem>>
    %dma_start3A_15 = tpu.memref_squeeze %dma_start3A_14 : memref<1x80xi32, #tpu.memory_space<vmem>> -> memref<80xi32, #tpu.memory_space<vmem>>
    %dma_start3A_16 = arith.constant 0 : i32
    %dma_start3A_17 = arith.constant 0 : i32
    %dma_start3A_18 = tpu.memref_slice %arg2[%dma_start3A_16, %dma_start3A_17] : memref<10240x64xf32, #tpu.memory_space<hbm>> -> memref<10240x64xf32, #tpu.memory_space<hbm>>
    tpu.enqueue_indirect_dma source(%dma_start3A_18 : memref<10240x64xf32, #tpu.memory_space<hbm>>) target(%arg8 : memref<80x64xf32, #tpu.memory_space<vmem>>) offsets(%dma_start3A_15 : memref<80xi32, #tpu.memory_space<vmem>>) semaphore(%arg17 : memref<!tpu.dma_semaphore, #tpu.memory_space<semaphore_mem>>)
    %dma_start3A_19 = arith.constant 1 : i32
    %dma_start3A_20 = arith.constant 0 : i32
    %dma_start3A_21 = tpu.memref_slice %arg6[%dma_start3A_19, %dma_start3A_20] : memref<125x80xi32, #tpu.memory_space<vmem>> -> memref<1x80xi32, #tpu.memory_space<vmem>>
    %dma_start3A_22 = tpu.memref_squeeze %dma_start3A_21 : memref<1x80xi32, #tpu.memory_space<vmem>> -> memref<80xi32, #tpu.memory_space<vmem>>
    %dma_start3A_23 = arith.constant 0 : i32
    %dma_start3A_24 = arith.constant 0 : i32
    %dma_start3A_25 = tpu.memref_slice %arg2[%dma_start3A_23, %dma_start3A_24] : memref<10240x64xf32, #tpu.memory_space<hbm>> -> memref<10240x64xf32, #tpu.memory_space<hbm>>
    tpu.enqueue_indirect_dma source(%dma_start3A_25 : memref<10240x64xf32, #tpu.memory_space<hbm>>) target(%arg9 : memref<80x64xf32, #tpu.memory_space<vmem>>) offsets(%dma_start3A_22 : memref<80xi32, #tpu.memory_space<vmem>>) semaphore(%arg18 : memref<!tpu.dma_semaphore, #tpu.memory_space<semaphore_mem>>)
    %dma_start3A_26 = arith.constant 2 : i32
    %dma_start3A_27 = arith.constant 0 : i32
    %dma_start3A_28 = tpu.memref_slice %arg6[%dma_start3A_26, %dma_start3A_27] : memref<125x80xi32, #tpu.memory_space<vmem>> -> memref<1x80xi32, #tpu.memory_space<vmem>>
    %dma_start3A_29 = tpu.memref_squeeze %dma_start3A_28 : memref<1x80xi32, #tpu.memory_space<vmem>> -> memref<80xi32, #tpu.memory_space<vmem>>
    %dma_start3A_30 = arith.constant 0 : i32
    %dma_start3A_31 = arith.constant 0 : i32
    %dma_start3A_32 = tpu.memref_slice %arg2[%dma_start3A_30, %dma_start3A_31] : memref<10240x64xf32, #tpu.memory_space<hbm>> -> memref<10240x64xf32, #tpu.memory_space<hbm>>
    tpu.enqueue_indirect_dma source(%dma_start3A_32 : memref<10240x64xf32, #tpu.memory_space<hbm>>) target(%arg10 : memref<80x64xf32, #tpu.memory_space<vmem>>) offsets(%dma_start3A_29 : memref<80xi32, #tpu.memory_space<vmem>>) semaphore(%arg19 : memref<!tpu.dma_semaphore, #tpu.memory_space<semaphore_mem>>)
    %dma_start3A_33 = arith.constant 3 : i32
    %dma_start3A_34 = arith.constant 0 : i32
    %dma_start3A_35 = tpu.memref_slice %arg6[%dma_start3A_33, %dma_start3A_34] : memref<125x80xi32, #tpu.memory_space<vmem>> -> memref<1x80xi32, #tpu.memory_space<vmem>>
    %dma_start3A_36 = tpu.memref_squeeze %dma_start3A_35 : memref<1x80xi32, #tpu.memory_space<vmem>> -> memref<80xi32, #tpu.memory_space<vmem>>
    %dma_start3A_37 = arith.constant 0 : i32
    %dma_start3A_38 = arith.constant 0 : i32
    %dma_start3A_39 = tpu.memref_slice %arg2[%dma_start3A_37, %dma_start3A_38] : memref<10240x64xf32, #tpu.memory_space<hbm>> -> memref<10240x64xf32, #tpu.memory_space<hbm>>
    tpu.enqueue_indirect_dma source(%dma_start3A_39 : memref<10240x64xf32, #tpu.memory_space<hbm>>) target(%arg11 : memref<80x64xf32, #tpu.memory_space<vmem>>) offsets(%dma_start3A_36 : memref<80xi32, #tpu.memory_space<vmem>>) semaphore(%arg20 : memref<!tpu.dma_semaphore, #tpu.memory_space<semaphore_mem>>)
    %dma_start3A_40 = arith.constant 4 : i32
    %dma_start3A_41 = arith.constant 0 : i32
    %dma_start3A_42 = tpu.memref_slice %arg6[%dma_start3A_40, %dma_start3A_41] : memref<125x80xi32, #tpu.memory_space<vmem>> -> memref<1x80xi32, #tpu.memory_space<vmem>>
    %dma_start3A_43 = tpu.memref_squeeze %dma_start3A_42 : memref<1x80xi32, #tpu.memory_space<vmem>> -> memref<80xi32, #tpu.memory_space<vmem>>
    %dma_start3A_44 = arith.constant 0 : i32
    %dma_start3A_45 = arith.constant 0 : i32
    %dma_start3A_46 = tpu.memref_slice %arg2[%dma_start3A_44, %dma_start3A_45] : memref<10240x64xf32, #tpu.memory_space<hbm>> -> memref<10240x64xf32, #tpu.memory_space<hbm>>
    tpu.enqueue_indirect_dma source(%dma_start3A_46 : memref<10240x64xf32, #tpu.memory_space<hbm>>) target(%arg12 : memref<80x64xf32, #tpu.memory_space<vmem>>) offsets(%dma_start3A_43 : memref<80xi32, #tpu.memory_space<vmem>>) semaphore(%arg21 : memref<!tpu.dma_semaphore, #tpu.memory_space<semaphore_mem>>)
    %dma_start3A_47 = arith.constant 5 : i32
    %dma_start3A_48 = arith.constant 0 : i32
    %dma_start3A_49 = tpu.memref_slice %arg6[%dma_start3A_47, %dma_start3A_48] : memref<125x80xi32, #tpu.memory_space<vmem>> -> memref<1x80xi32, #tpu.memory_space<vmem>>
    %dma_start3A_50 = tpu.memref_squeeze %dma_start3A_49 : memref<1x80xi32, #tpu.memory_space<vmem>> -> memref<80xi32, #tpu.memory_space<vmem>>
    %dma_start3A_51 = arith.constant 0 : i32
    %dma_start3A_52 = arith.constant 0 : i32
    %dma_start3A_53 = tpu.memref_slice %arg2[%dma_start3A_51, %dma_start3A_52] : memref<10240x64xf32, #tpu.memory_space<hbm>> -> memref<10240x64xf32, #tpu.memory_space<hbm>>
    tpu.enqueue_indirect_dma source(%dma_start3A_53 : memref<10240x64xf32, #tpu.memory_space<hbm>>) target(%arg13 : memref<80x64xf32, #tpu.memory_space<vmem>>) offsets(%dma_start3A_50 : memref<80xi32, #tpu.memory_space<vmem>>) semaphore(%arg22 : memref<!tpu.dma_semaphore, #tpu.memory_space<semaphore_mem>>)
    %dma_start3A_54 = arith.constant 6 : i32
    %dma_start3A_55 = arith.constant 0 : i32
    %dma_start3A_56 = tpu.memref_slice %arg6[%dma_start3A_54, %dma_start3A_55] : memref<125x80xi32, #tpu.memory_space<vmem>> -> memref<1x80xi32, #tpu.memory_space<vmem>>
    %dma_start3A_57 = tpu.memref_squeeze %dma_start3A_56 : memref<1x80xi32, #tpu.memory_space<vmem>> -> memref<80xi32, #tpu.memory_space<vmem>>
    %dma_start3A_58 = arith.constant 0 : i32
    %dma_start3A_59 = arith.constant 0 : i32
    %dma_start3A_60 = tpu.memref_slice %arg2[%dma_start3A_58, %dma_start3A_59] : memref<10240x64xf32, #tpu.memory_space<hbm>> -> memref<10240x64xf32, #tpu.memory_space<hbm>>
    tpu.enqueue_indirect_dma source(%dma_start3A_60 : memref<10240x64xf32, #tpu.memory_space<hbm>>) target(%arg14 : memref<80x64xf32, #tpu.memory_space<vmem>>) offsets(%dma_start3A_57 : memref<80xi32, #tpu.memory_space<vmem>>) semaphore(%arg23 : memref<!tpu.dma_semaphore, #tpu.memory_space<semaphore_mem>>)
    %dma_start3A_61 = arith.constant 7 : i32
    %dma_start3A_62 = arith.constant 0 : i32
    %dma_start3A_63 = tpu.memref_slice %arg6[%dma_start3A_61, %dma_start3A_62] : memref<125x80xi32, #tpu.memory_space<vmem>> -> memref<1x80xi32, #tpu.memory_space<vmem>>
    %dma_start3A_64 = tpu.memref_squeeze %dma_start3A_63 : memref<1x80xi32, #tpu.memory_space<vmem>> -> memref<80xi32, #tpu.memory_space<vmem>>
    %dma_start3A_65 = arith.constant 0 : i32
    %dma_start3A_66 = arith.constant 0 : i32
    %dma_start3A_67 = tpu.memref_slice %arg2[%dma_start3A_65, %dma_start3A_66] : memref<10240x64xf32, #tpu.memory_space<hbm>> -> memref<10240x64xf32, #tpu.memory_space<hbm>>
    tpu.enqueue_indirect_dma source(%dma_start3A_67 : memref<10240x64xf32, #tpu.memory_space<hbm>>) target(%arg15 : memref<80x64xf32, #tpu.memory_space<vmem>>) offsets(%dma_start3A_64 : memref<80xi32, #tpu.memory_space<vmem>>) semaphore(%arg24 : memref<!tpu.dma_semaphore, #tpu.memory_space<semaphore_mem>>)
    %dma_wait3A = arith.constant 0 : i32
    %dma_wait3A_68 = arith.constant 0 : i32
    %dma_wait3A_69 = tpu.memref_slice %arg6[%dma_wait3A, %dma_wait3A_68] : memref<125x80xi32, #tpu.memory_space<vmem>> -> memref<1x80xi32, #tpu.memory_space<vmem>>
    %dma_wait3A_70 = tpu.memref_squeeze %dma_wait3A_69 : memref<1x80xi32, #tpu.memory_space<vmem>> -> memref<80xi32, #tpu.memory_space<vmem>>
    %dma_wait3A_71 = arith.constant 0 : i32
    %dma_wait3A_72 = arith.constant 0 : i32
    %dma_wait3A_73 = tpu.memref_slice %arg2[%dma_wait3A_71, %dma_wait3A_72] : memref<10240x64xf32, #tpu.memory_space<hbm>> -> memref<10240x64xf32, #tpu.memory_space<hbm>>
    tpu.wait_indirect_dma semaphore(%arg17 : memref<!tpu.dma_semaphore, #tpu.memory_space<semaphore_mem>>) src(%dma_wait3A_73 : memref<10240x64xf32, #tpu.memory_space<hbm>>) dst(%arg8 : memref<80x64xf32, #tpu.memory_space<vmem>>)
    %dma_start3A_74 = arith.constant 0 : i32
    %dma_start3A_75 = arith.constant 0 : i32
    %dma_start3A_76 = tpu.memref_slice %arg7[%dma_start3A_74, %dma_start3A_75] : memref<125x80xi32, #tpu.memory_space<vmem>> -> memref<1x80xi32, #tpu.memory_space<vmem>>
    %dma_start3A_77 = tpu.memref_squeeze %dma_start3A_76 : memref<1x80xi32, #tpu.memory_space<vmem>> -> memref<80xi32, #tpu.memory_space<vmem>>
    %dma_start3A_78 = arith.constant 0 : i32
    %dma_start3A_79 = arith.constant 0 : i32
    %dma_start3A_80 = tpu.memref_slice %arg33[%dma_start3A_78, %dma_start3A_79] : memref<10240x64xf32, #tpu.memory_space<vmem_shared>> -> memref<10240x64xf32, #tpu.memory_space<vmem_shared>>
    tpu.enqueue_indirect_dma source(%arg8 : memref<80x64xf32, #tpu.memory_space<vmem>>) target(%dma_start3A_80 : memref<10240x64xf32, #tpu.memory_space<vmem_shared>>) offsets(%dma_start3A_77 : memref<80xi32, #tpu.memory_space<vmem>>) semaphore(%arg25 : memref<!tpu.dma_semaphore, #tpu.memory_space<semaphore_mem>>) {add = true}
    %dma_wait3A_81 = arith.constant 1 : i32
    %dma_wait3A_82 = arith.constant 0 : i32
    %dma_wait3A_83 = tpu.memref_slice %arg6[%dma_wait3A_81, %dma_wait3A_82] : memref<125x80xi32, #tpu.memory_space<vmem>> -> memref<1x80xi32, #tpu.memory_space<vmem>>
    %dma_wait3A_84 = tpu.memref_squeeze %dma_wait3A_83 : memref<1x80xi32, #tpu.memory_space<vmem>> -> memref<80xi32, #tpu.memory_space<vmem>>
    %dma_wait3A_85 = arith.constant 0 : i32
    %dma_wait3A_86 = arith.constant 0 : i32
    %dma_wait3A_87 = tpu.memref_slice %arg2[%dma_wait3A_85, %dma_wait3A_86] : memref<10240x64xf32, #tpu.memory_space<hbm>> -> memref<10240x64xf32, #tpu.memory_space<hbm>>
    tpu.wait_indirect_dma semaphore(%arg18 : memref<!tpu.dma_semaphore, #tpu.memory_space<semaphore_mem>>) src(%dma_wait3A_87 : memref<10240x64xf32, #tpu.memory_space<hbm>>) dst(%arg9 : memref<80x64xf32, #tpu.memory_space<vmem>>)
    %dma_start3A_88 = arith.constant 1 : i32
    %dma_start3A_89 = arith.constant 0 : i32
    %dma_start3A_90 = tpu.memref_slice %arg7[%dma_start3A_88, %dma_start3A_89] : memref<125x80xi32, #tpu.memory_space<vmem>> -> memref<1x80xi32, #tpu.memory_space<vmem>>
    %dma_start3A_91 = tpu.memref_squeeze %dma_start3A_90 : memref<1x80xi32, #tpu.memory_space<vmem>> -> memref<80xi32, #tpu.memory_space<vmem>>
    %dma_start3A_92 = arith.constant 0 : i32
    %dma_start3A_93 = arith.constant 0 : i32
    %dma_start3A_94 = tpu.memref_slice %arg33[%dma_start3A_92, %dma_start3A_93] : memref<10240x64xf32, #tpu.memory_space<vmem_shared>> -> memref<10240x64xf32, #tpu.memory_space<vmem_shared>>
    tpu.enqueue_indirect_dma source(%arg9 : memref<80x64xf32, #tpu.memory_space<vmem>>) target(%dma_start3A_94 : memref<10240x64xf32, #tpu.memory_space<vmem_shared>>) offsets(%dma_start3A_91 : memref<80xi32, #tpu.memory_space<vmem>>) semaphore(%arg26 : memref<!tpu.dma_semaphore, #tpu.memory_space<semaphore_mem>>) {add = true}
    %dma_wait3A_95 = arith.constant 2 : i32
    %dma_wait3A_96 = arith.constant 0 : i32
    %dma_wait3A_97 = tpu.memref_slice %arg6[%dma_wait3A_95, %dma_wait3A_96] : memref<125x80xi32, #tpu.memory_space<vmem>> -> memref<1x80xi32, #tpu.memory_space<vmem>>
    %dma_wait3A_98 = tpu.memref_squeeze %dma_wait3A_97 : memref<1x80xi32, #tpu.memory_space<vmem>> -> memref<80xi32, #tpu.memory_space<vmem>>
    %dma_wait3A_99 = arith.constant 0 : i32
    %dma_wait3A_100 = arith.constant 0 : i32
    %dma_wait3A_101 = tpu.memref_slice %arg2[%dma_wait3A_99, %dma_wait3A_100] : memref<10240x64xf32, #tpu.memory_space<hbm>> -> memref<10240x64xf32, #tpu.memory_space<hbm>>
    tpu.wait_indirect_dma semaphore(%arg19 : memref<!tpu.dma_semaphore, #tpu.memory_space<semaphore_mem>>) src(%dma_wait3A_101 : memref<10240x64xf32, #tpu.memory_space<hbm>>) dst(%arg10 : memref<80x64xf32, #tpu.memory_space<vmem>>)
    %dma_start3A_102 = arith.constant 2 : i32
    %dma_start3A_103 = arith.constant 0 : i32
    %dma_start3A_104 = tpu.memref_slice %arg7[%dma_start3A_102, %dma_start3A_103] : memref<125x80xi32, #tpu.memory_space<vmem>> -> memref<1x80xi32, #tpu.memory_space<vmem>>
    %dma_start3A_105 = tpu.memref_squeeze %dma_start3A_104 : memref<1x80xi32, #tpu.memory_space<vmem>> -> memref<80xi32, #tpu.memory_space<vmem>>
    %dma_start3A_106 = arith.constant 0 : i32
    %dma_start3A_107 = arith.constant 0 : i32
    %dma_start3A_108 = tpu.memref_slice %arg33[%dma_start3A_106, %dma_start3A_107] : memref<10240x64xf32, #tpu.memory_space<vmem_shared>> -> memref<10240x64xf32, #tpu.memory_space<vmem_shared>>
    tpu.enqueue_indirect_dma source(%arg10 : memref<80x64xf32, #tpu.memory_space<vmem>>) target(%dma_start3A_108 : memref<10240x64xf32, #tpu.memory_space<vmem_shared>>) offsets(%dma_start3A_105 : memref<80xi32, #tpu.memory_space<vmem>>) semaphore(%arg27 : memref<!tpu.dma_semaphore, #tpu.memory_space<semaphore_mem>>) {add = true}
    %dma_wait3A_109 = arith.constant 3 : i32
    %dma_wait3A_110 = arith.constant 0 : i32
    %dma_wait3A_111 = tpu.memref_slice %arg6[%dma_wait3A_109, %dma_wait3A_110] : memref<125x80xi32, #tpu.memory_space<vmem>> -> memref<1x80xi32, #tpu.memory_space<vmem>>
    %dma_wait3A_112 = tpu.memref_squeeze %dma_wait3A_111 : memref<1x80xi32, #tpu.memory_space<vmem>> -> memref<80xi32, #tpu.memory_space<vmem>>
    %dma_wait3A_113 = arith.constant 0 : i32
    %dma_wait3A_114 = arith.constant 0 : i32
    %dma_wait3A_115 = tpu.memref_slice %arg2[%dma_wait3A_113, %dma_wait3A_114] : memref<10240x64xf32, #tpu.memory_space<hbm>> -> memref<10240x64xf32, #tpu.memory_space<hbm>>
    tpu.wait_indirect_dma semaphore(%arg20 : memref<!tpu.dma_semaphore, #tpu.memory_space<semaphore_mem>>) src(%dma_wait3A_115 : memref<10240x64xf32, #tpu.memory_space<hbm>>) dst(%arg11 : memref<80x64xf32, #tpu.memory_space<vmem>>)
    %dma_start3A_116 = arith.constant 3 : i32
    %dma_start3A_117 = arith.constant 0 : i32
    %dma_start3A_118 = tpu.memref_slice %arg7[%dma_start3A_116, %dma_start3A_117] : memref<125x80xi32, #tpu.memory_space<vmem>> -> memref<1x80xi32, #tpu.memory_space<vmem>>
    %dma_start3A_119 = tpu.memref_squeeze %dma_start3A_118 : memref<1x80xi32, #tpu.memory_space<vmem>> -> memref<80xi32, #tpu.memory_space<vmem>>
    %dma_start3A_120 = arith.constant 0 : i32
    %dma_start3A_121 = arith.constant 0 : i32
    %dma_start3A_122 = tpu.memref_slice %arg33[%dma_start3A_120, %dma_start3A_121] : memref<10240x64xf32, #tpu.memory_space<vmem_shared>> -> memref<10240x64xf32, #tpu.memory_space<vmem_shared>>
    tpu.enqueue_indirect_dma source(%arg11 : memref<80x64xf32, #tpu.memory_space<vmem>>) target(%dma_start3A_122 : memref<10240x64xf32, #tpu.memory_space<vmem_shared>>) offsets(%dma_start3A_119 : memref<80xi32, #tpu.memory_space<vmem>>) semaphore(%arg28 : memref<!tpu.dma_semaphore, #tpu.memory_space<semaphore_mem>>) {add = true}
    %dma_wait3A_123 = arith.constant 4 : i32
    %dma_wait3A_124 = arith.constant 0 : i32
    %dma_wait3A_125 = tpu.memref_slice %arg6[%dma_wait3A_123, %dma_wait3A_124] : memref<125x80xi32, #tpu.memory_space<vmem>> -> memref<1x80xi32, #tpu.memory_space<vmem>>
    %dma_wait3A_126 = tpu.memref_squeeze %dma_wait3A_125 : memref<1x80xi32, #tpu.memory_space<vmem>> -> memref<80xi32, #tpu.memory_space<vmem>>
    %dma_wait3A_127 = arith.constant 0 : i32
    %dma_wait3A_128 = arith.constant 0 : i32
    %dma_wait3A_129 = tpu.memref_slice %arg2[%dma_wait3A_127, %dma_wait3A_128] : memref<10240x64xf32, #tpu.memory_space<hbm>> -> memref<10240x64xf32, #tpu.memory_space<hbm>>
    tpu.wait_indirect_dma semaphore(%arg21 : memref<!tpu.dma_semaphore, #tpu.memory_space<semaphore_mem>>) src(%dma_wait3A_129 : memref<10240x64xf32, #tpu.memory_space<hbm>>) dst(%arg12 : memref<80x64xf32, #tpu.memory_space<vmem>>)
    %dma_start3A_130 = arith.constant 4 : i32
    %dma_start3A_131 = arith.constant 0 : i32
    %dma_start3A_132 = tpu.memref_slice %arg7[%dma_start3A_130, %dma_start3A_131] : memref<125x80xi32, #tpu.memory_space<vmem>> -> memref<1x80xi32, #tpu.memory_space<vmem>>
    %dma_start3A_133 = tpu.memref_squeeze %dma_start3A_132 : memref<1x80xi32, #tpu.memory_space<vmem>> -> memref<80xi32, #tpu.memory_space<vmem>>
    %dma_start3A_134 = arith.constant 0 : i32
    %dma_start3A_135 = arith.constant 0 : i32
    %dma_start3A_136 = tpu.memref_slice %arg33[%dma_start3A_134, %dma_start3A_135] : memref<10240x64xf32, #tpu.memory_space<vmem_shared>> -> memref<10240x64xf32, #tpu.memory_space<vmem_shared>>
    tpu.enqueue_indirect_dma source(%arg12 : memref<80x64xf32, #tpu.memory_space<vmem>>) target(%dma_start3A_136 : memref<10240x64xf32, #tpu.memory_space<vmem_shared>>) offsets(%dma_start3A_133 : memref<80xi32, #tpu.memory_space<vmem>>) semaphore(%arg29 : memref<!tpu.dma_semaphore, #tpu.memory_space<semaphore_mem>>) {add = true}
    %dma_wait3A_137 = arith.constant 5 : i32
    %dma_wait3A_138 = arith.constant 0 : i32
    %dma_wait3A_139 = tpu.memref_slice %arg6[%dma_wait3A_137, %dma_wait3A_138] : memref<125x80xi32, #tpu.memory_space<vmem>> -> memref<1x80xi32, #tpu.memory_space<vmem>>
    %dma_wait3A_140 = tpu.memref_squeeze %dma_wait3A_139 : memref<1x80xi32, #tpu.memory_space<vmem>> -> memref<80xi32, #tpu.memory_space<vmem>>
    %dma_wait3A_141 = arith.constant 0 : i32
    %dma_wait3A_142 = arith.constant 0 : i32
    %dma_wait3A_143 = tpu.memref_slice %arg2[%dma_wait3A_141, %dma_wait3A_142] : memref<10240x64xf32, #tpu.memory_space<hbm>> -> memref<10240x64xf32, #tpu.memory_space<hbm>>
    tpu.wait_indirect_dma semaphore(%arg22 : memref<!tpu.dma_semaphore, #tpu.memory_space<semaphore_mem>>) src(%dma_wait3A_143 : memref<10240x64xf32, #tpu.memory_space<hbm>>) dst(%arg13 : memref<80x64xf32, #tpu.memory_space<vmem>>)
    %dma_start3A_144 = arith.constant 5 : i32
    %dma_start3A_145 = arith.constant 0 : i32
    %dma_start3A_146 = tpu.memref_slice %arg7[%dma_start3A_144, %dma_start3A_145] : memref<125x80xi32, #tpu.memory_space<vmem>> -> memref<1x80xi32, #tpu.memory_space<vmem>>
    %dma_start3A_147 = tpu.memref_squeeze %dma_start3A_146 : memref<1x80xi32, #tpu.memory_space<vmem>> -> memref<80xi32, #tpu.memory_space<vmem>>
    %dma_start3A_148 = arith.constant 0 : i32
    %dma_start3A_149 = arith.constant 0 : i32
    %dma_start3A_150 = tpu.memref_slice %arg33[%dma_start3A_148, %dma_start3A_149] : memref<10240x64xf32, #tpu.memory_space<vmem_shared>> -> memref<10240x64xf32, #tpu.memory_space<vmem_shared>>
    tpu.enqueue_indirect_dma source(%arg13 : memref<80x64xf32, #tpu.memory_space<vmem>>) target(%dma_start3A_150 : memref<10240x64xf32, #tpu.memory_space<vmem_shared>>) offsets(%dma_start3A_147 : memref<80xi32, #tpu.memory_space<vmem>>) semaphore(%arg30 : memref<!tpu.dma_semaphore, #tpu.memory_space<semaphore_mem>>) {add = true}
    %dma_wait3A_151 = arith.constant 6 : i32
    %dma_wait3A_152 = arith.constant 0 : i32
    %dma_wait3A_153 = tpu.memref_slice %arg6[%dma_wait3A_151, %dma_wait3A_152] : memref<125x80xi32, #tpu.memory_space<vmem>> -> memref<1x80xi32, #tpu.memory_space<vmem>>
    %dma_wait3A_154 = tpu.memref_squeeze %dma_wait3A_153 : memref<1x80xi32, #tpu.memory_space<vmem>> -> memref<80xi32, #tpu.memory_space<vmem>>
    %dma_wait3A_155 = arith.constant 0 : i32
    %dma_wait3A_156 = arith.constant 0 : i32
    %dma_wait3A_157 = tpu.memref_slice %arg2[%dma_wait3A_155, %dma_wait3A_156] : memref<10240x64xf32, #tpu.memory_space<hbm>> -> memref<10240x64xf32, #tpu.memory_space<hbm>>
    tpu.wait_indirect_dma semaphore(%arg23 : memref<!tpu.dma_semaphore, #tpu.memory_space<semaphore_mem>>) src(%dma_wait3A_157 : memref<10240x64xf32, #tpu.memory_space<hbm>>) dst(%arg14 : memref<80x64xf32, #tpu.memory_space<vmem>>)
    %dma_start3A_158 = arith.constant 6 : i32
    %dma_start3A_159 = arith.constant 0 : i32
    %dma_start3A_160 = tpu.memref_slice %arg7[%dma_start3A_158, %dma_start3A_159] : memref<125x80xi32, #tpu.memory_space<vmem>> -> memref<1x80xi32, #tpu.memory_space<vmem>>
    %dma_start3A_161 = tpu.memref_squeeze %dma_start3A_160 : memref<1x80xi32, #tpu.memory_space<vmem>> -> memref<80xi32, #tpu.memory_space<vmem>>
    %dma_start3A_162 = arith.constant 0 : i32
    %dma_start3A_163 = arith.constant 0 : i32
    %dma_start3A_164 = tpu.memref_slice %arg33[%dma_start3A_162, %dma_start3A_163] : memref<10240x64xf32, #tpu.memory_space<vmem_shared>> -> memref<10240x64xf32, #tpu.memory_space<vmem_shared>>
    tpu.enqueue_indirect_dma source(%arg14 : memref<80x64xf32, #tpu.memory_space<vmem>>) target(%dma_start3A_164 : memref<10240x64xf32, #tpu.memory_space<vmem_shared>>) offsets(%dma_start3A_161 : memref<80xi32, #tpu.memory_space<vmem>>) semaphore(%arg31 : memref<!tpu.dma_semaphore, #tpu.memory_space<semaphore_mem>>) {add = true}
    %dma_wait3A_165 = arith.constant 7 : i32
    %dma_wait3A_166 = arith.constant 0 : i32
    %dma_wait3A_167 = tpu.memref_slice %arg6[%dma_wait3A_165, %dma_wait3A_166] : memref<125x80xi32, #tpu.memory_space<vmem>> -> memref<1x80xi32, #tpu.memory_space<vmem>>
    %dma_wait3A_168 = tpu.memref_squeeze %dma_wait3A_167 : memref<1x80xi32, #tpu.memory_space<vmem>> -> memref<80xi32, #tpu.memory_space<vmem>>
    %dma_wait3A_169 = arith.constant 0 : i32
    %dma_wait3A_170 = arith.constant 0 : i32
    %dma_wait3A_171 = tpu.memref_slice %arg2[%dma_wait3A_169, %dma_wait3A_170] : memref<10240x64xf32, #tpu.memory_space<hbm>> -> memref<10240x64xf32, #tpu.memory_space<hbm>>
    tpu.wait_indirect_dma semaphore(%arg24 : memref<!tpu.dma_semaphore, #tpu.memory_space<semaphore_mem>>) src(%dma_wait3A_171 : memref<10240x64xf32, #tpu.memory_space<hbm>>) dst(%arg15 : memref<80x64xf32, #tpu.memory_space<vmem>>)
    %dma_start3A_172 = arith.constant 7 : i32
    %dma_start3A_173 = arith.constant 0 : i32
    %dma_start3A_174 = tpu.memref_slice %arg7[%dma_start3A_172, %dma_start3A_173] : memref<125x80xi32, #tpu.memory_space<vmem>> -> memref<1x80xi32, #tpu.memory_space<vmem>>
    %dma_start3A_175 = tpu.memref_squeeze %dma_start3A_174 : memref<1x80xi32, #tpu.memory_space<vmem>> -> memref<80xi32, #tpu.memory_space<vmem>>
    %dma_start3A_176 = arith.constant 0 : i32
    %dma_start3A_177 = arith.constant 0 : i32
    %dma_start3A_178 = tpu.memref_slice %arg33[%dma_start3A_176, %dma_start3A_177] : memref<10240x64xf32, #tpu.memory_space<vmem_shared>> -> memref<10240x64xf32, #tpu.memory_space<vmem_shared>>
    tpu.enqueue_indirect_dma source(%arg15 : memref<80x64xf32, #tpu.memory_space<vmem>>) target(%dma_start3A_178 : memref<10240x64xf32, #tpu.memory_space<vmem_shared>>) offsets(%dma_start3A_175 : memref<80xi32, #tpu.memory_space<vmem>>) semaphore(%arg32 : memref<!tpu.dma_semaphore, #tpu.memory_space<semaphore_mem>>) {add = true}
    %scan3A_179 = arith.constant 0 : i32
    %scan3A_180 = arith.constant 1 : i32
    %scan3A_181 = arith.constant 14 : i32
    %scan3A_182 = arith.addi %scan3A_180, %scan3A_181 : i32
    %scan3A_183 = arith.constant 1 : i32
    scf.for %scan3A_388 = %scan3A_180 to %scan3A_182 step %scan3A_183  : i32 {
      %mul3A_389 = arith.constant 8 : i32
      %mul3A_390 = arith.muli %scan3A_388, %mul3A_389 : i32
      %dma_wait3A_391 = arith.constant 0 : i32
      %dma_wait3A_392 = arith.constant 0 : i32
      %dma_wait3A_393 = tpu.memref_slice %arg7[%dma_wait3A_391, %dma_wait3A_392] : memref<125x80xi32, #tpu.memory_space<vmem>> -> memref<1x80xi32, #tpu.memory_space<vmem>>
      %dma_wait3A_394 = tpu.memref_squeeze %dma_wait3A_393 : memref<1x80xi32, #tpu.memory_space<vmem>> -> memref<80xi32, #tpu.memory_space<vmem>>
      %dma_wait3A_395 = arith.constant 0 : i32
      %dma_wait3A_396 = arith.constant 0 : i32
      %dma_wait3A_397 = tpu.memref_slice %arg33[%dma_wait3A_395, %dma_wait3A_396] : memref<10240x64xf32, #tpu.memory_space<vmem_shared>> -> memref<10240x64xf32, #tpu.memory_space<vmem_shared>>
      tpu.wait_indirect_dma semaphore(%arg25 : memref<!tpu.dma_semaphore, #tpu.memory_space<semaphore_mem>>) src(%arg8 : memref<80x64xf32, #tpu.memory_space<vmem>>) dst(%dma_wait3A_397 : memref<10240x64xf32, #tpu.memory_space<vmem_shared>>)
      %add3A_398 = arith.constant 0 : i32
      %add3A_399 = arith.addi %mul3A_390, %add3A_398 : i32
      %dma_start3A_400 = arith.constant 0 : i32
      %dma_start3A_401 = tpu.memref_slice %arg6[%add3A_399, %dma_start3A_400] : memref<125x80xi32, #tpu.memory_space<vmem>> -> memref<1x80xi32, #tpu.memory_space<vmem>>
      %dma_start3A_402 = tpu.memref_squeeze %dma_start3A_401 : memref<1x80xi32, #tpu.memory_space<vmem>> -> memref<80xi32, #tpu.memory_space<vmem>>
      %dma_start3A_403 = arith.constant 0 : i32
      %dma_start3A_404 = arith.constant 0 : i32
      %dma_start3A_405 = tpu.memref_slice %arg2[%dma_start3A_403, %dma_start3A_404] : memref<10240x64xf32, #tpu.memory_space<hbm>> -> memref<10240x64xf32, #tpu.memory_space<hbm>>
      tpu.enqueue_indirect_dma source(%dma_start3A_405 : memref<10240x64xf32, #tpu.memory_space<hbm>>) target(%arg8 : memref<80x64xf32, #tpu.memory_space<vmem>>) offsets(%dma_start3A_402 : memref<80xi32, #tpu.memory_space<vmem>>) semaphore(%arg17 : memref<!tpu.dma_semaphore, #tpu.memory_space<semaphore_mem>>)
      %dma_wait3A_406 = arith.constant 0 : i32
      %dma_wait3A_407 = arith.constant 0 : i32
      %dma_wait3A_408 = tpu.memref_slice %arg7[%dma_wait3A_406, %dma_wait3A_407] : memref<125x80xi32, #tpu.memory_space<vmem>> -> memref<1x80xi32, #tpu.memory_space<vmem>>
      %dma_wait3A_409 = tpu.memref_squeeze %dma_wait3A_408 : memref<1x80xi32, #tpu.memory_space<vmem>> -> memref<80xi32, #tpu.memory_space<vmem>>
      %dma_wait3A_410 = arith.constant 0 : i32
      %dma_wait3A_411 = arith.constant 0 : i32
      %dma_wait3A_412 = tpu.memref_slice %arg33[%dma_wait3A_410, %dma_wait3A_411] : memref<10240x64xf32, #tpu.memory_space<vmem_shared>> -> memref<10240x64xf32, #tpu.memory_space<vmem_shared>>
      tpu.wait_indirect_dma semaphore(%arg26 : memref<!tpu.dma_semaphore, #tpu.memory_space<semaphore_mem>>) src(%arg9 : memref<80x64xf32, #tpu.memory_space<vmem>>) dst(%dma_wait3A_412 : memref<10240x64xf32, #tpu.memory_space<vmem_shared>>)
      %add3A_413 = arith.constant 1 : i32
      %add3A_414 = arith.addi %mul3A_390, %add3A_413 : i32
      %dma_start3A_415 = arith.constant 0 : i32
      %dma_start3A_416 = tpu.memref_slice %arg6[%add3A_414, %dma_start3A_415] : memref<125x80xi32, #tpu.memory_space<vmem>> -> memref<1x80xi32, #tpu.memory_space<vmem>>
      %dma_start3A_417 = tpu.memref_squeeze %dma_start3A_416 : memref<1x80xi32, #tpu.memory_space<vmem>> -> memref<80xi32, #tpu.memory_space<vmem>>
      %dma_start3A_418 = arith.constant 0 : i32
      %dma_start3A_419 = arith.constant 0 : i32
      %dma_start3A_420 = tpu.memref_slice %arg2[%dma_start3A_418, %dma_start3A_419] : memref<10240x64xf32, #tpu.memory_space<hbm>> -> memref<10240x64xf32, #tpu.memory_space<hbm>>
      tpu.enqueue_indirect_dma source(%dma_start3A_420 : memref<10240x64xf32, #tpu.memory_space<hbm>>) target(%arg9 : memref<80x64xf32, #tpu.memory_space<vmem>>) offsets(%dma_start3A_417 : memref<80xi32, #tpu.memory_space<vmem>>) semaphore(%arg18 : memref<!tpu.dma_semaphore, #tpu.memory_space<semaphore_mem>>)
      %dma_wait3A_421 = arith.constant 0 : i32
      %dma_wait3A_422 = arith.constant 0 : i32
      %dma_wait3A_423 = tpu.memref_slice %arg7[%dma_wait3A_421, %dma_wait3A_422] : memref<125x80xi32, #tpu.memory_space<vmem>> -> memref<1x80xi32, #tpu.memory_space<vmem>>
      %dma_wait3A_424 = tpu.memref_squeeze %dma_wait3A_423 : memref<1x80xi32, #tpu.memory_space<vmem>> -> memref<80xi32, #tpu.memory_space<vmem>>
      %dma_wait3A_425 = arith.constant 0 : i32
      %dma_wait3A_426 = arith.constant 0 : i32
      %dma_wait3A_427 = tpu.memref_slice %arg33[%dma_wait3A_425, %dma_wait3A_426] : memref<10240x64xf32, #tpu.memory_space<vmem_shared>> -> memref<10240x64xf32, #tpu.memory_space<vmem_shared>>
      tpu.wait_indirect_dma semaphore(%arg27 : memref<!tpu.dma_semaphore, #tpu.memory_space<semaphore_mem>>) src(%arg10 : memref<80x64xf32, #tpu.memory_space<vmem>>) dst(%dma_wait3A_427 : memref<10240x64xf32, #tpu.memory_space<vmem_shared>>)
      %add3A_428 = arith.constant 2 : i32
      %add3A_429 = arith.addi %mul3A_390, %add3A_428 : i32
      %dma_start3A_430 = arith.constant 0 : i32
      %dma_start3A_431 = tpu.memref_slice %arg6[%add3A_429, %dma_start3A_430] : memref<125x80xi32, #tpu.memory_space<vmem>> -> memref<1x80xi32, #tpu.memory_space<vmem>>
      %dma_start3A_432 = tpu.memref_squeeze %dma_start3A_431 : memref<1x80xi32, #tpu.memory_space<vmem>> -> memref<80xi32, #tpu.memory_space<vmem>>
      %dma_start3A_433 = arith.constant 0 : i32
      %dma_start3A_434 = arith.constant 0 : i32
      %dma_start3A_435 = tpu.memref_slice %arg2[%dma_start3A_433, %dma_start3A_434] : memref<10240x64xf32, #tpu.memory_space<hbm>> -> memref<10240x64xf32, #tpu.memory_space<hbm>>
      tpu.enqueue_indirect_dma source(%dma_start3A_435 : memref<10240x64xf32, #tpu.memory_space<hbm>>) target(%arg10 : memref<80x64xf32, #tpu.memory_space<vmem>>) offsets(%dma_start3A_432 : memref<80xi32, #tpu.memory_space<vmem>>) semaphore(%arg19 : memref<!tpu.dma_semaphore, #tpu.memory_space<semaphore_mem>>)
      %dma_wait3A_436 = arith.constant 0 : i32
      %dma_wait3A_437 = arith.constant 0 : i32
      %dma_wait3A_438 = tpu.memref_slice %arg7[%dma_wait3A_436, %dma_wait3A_437] : memref<125x80xi32, #tpu.memory_space<vmem>> -> memref<1x80xi32, #tpu.memory_space<vmem>>
      %dma_wait3A_439 = tpu.memref_squeeze %dma_wait3A_438 : memref<1x80xi32, #tpu.memory_space<vmem>> -> memref<80xi32, #tpu.memory_space<vmem>>
      %dma_wait3A_440 = arith.constant 0 : i32
      %dma_wait3A_441 = arith.constant 0 : i32
      %dma_wait3A_442 = tpu.memref_slice %arg33[%dma_wait3A_440, %dma_wait3A_441] : memref<10240x64xf32, #tpu.memory_space<vmem_shared>> -> memref<10240x64xf32, #tpu.memory_space<vmem_shared>>
      tpu.wait_indirect_dma semaphore(%arg28 : memref<!tpu.dma_semaphore, #tpu.memory_space<semaphore_mem>>) src(%arg11 : memref<80x64xf32, #tpu.memory_space<vmem>>) dst(%dma_wait3A_442 : memref<10240x64xf32, #tpu.memory_space<vmem_shared>>)
      %add3A_443 = arith.constant 3 : i32
      %add3A_444 = arith.addi %mul3A_390, %add3A_443 : i32
      %dma_start3A_445 = arith.constant 0 : i32
      %dma_start3A_446 = tpu.memref_slice %arg6[%add3A_444, %dma_start3A_445] : memref<125x80xi32, #tpu.memory_space<vmem>> -> memref<1x80xi32, #tpu.memory_space<vmem>>
      %dma_start3A_447 = tpu.memref_squeeze %dma_start3A_446 : memref<1x80xi32, #tpu.memory_space<vmem>> -> memref<80xi32, #tpu.memory_space<vmem>>
      %dma_start3A_448 = arith.constant 0 : i32
      %dma_start3A_449 = arith.constant 0 : i32
      %dma_start3A_450 = tpu.memref_slice %arg2[%dma_start3A_448, %dma_start3A_449] : memref<10240x64xf32, #tpu.memory_space<hbm>> -> memref<10240x64xf32, #tpu.memory_space<hbm>>
      tpu.enqueue_indirect_dma source(%dma_start3A_450 : memref<10240x64xf32, #tpu.memory_space<hbm>>) target(%arg11 : memref<80x64xf32, #tpu.memory_space<vmem>>) offsets(%dma_start3A_447 : memref<80xi32, #tpu.memory_space<vmem>>) semaphore(%arg20 : memref<!tpu.dma_semaphore, #tpu.memory_space<semaphore_mem>>)
      %dma_wait3A_451 = arith.constant 0 : i32
      %dma_wait3A_452 = arith.constant 0 : i32
      %dma_wait3A_453 = tpu.memref_slice %arg7[%dma_wait3A_451, %dma_wait3A_452] : memref<125x80xi32, #tpu.memory_space<vmem>> -> memref<1x80xi32, #tpu.memory_space<vmem>>
      %dma_wait3A_454 = tpu.memref_squeeze %dma_wait3A_453 : memref<1x80xi32, #tpu.memory_space<vmem>> -> memref<80xi32, #tpu.memory_space<vmem>>
      %dma_wait3A_455 = arith.constant 0 : i32
      %dma_wait3A_456 = arith.constant 0 : i32
      %dma_wait3A_457 = tpu.memref_slice %arg33[%dma_wait3A_455, %dma_wait3A_456] : memref<10240x64xf32, #tpu.memory_space<vmem_shared>> -> memref<10240x64xf32, #tpu.memory_space<vmem_shared>>
      tpu.wait_indirect_dma semaphore(%arg29 : memref<!tpu.dma_semaphore, #tpu.memory_space<semaphore_mem>>) src(%arg12 : memref<80x64xf32, #tpu.memory_space<vmem>>) dst(%dma_wait3A_457 : memref<10240x64xf32, #tpu.memory_space<vmem_shared>>)
      %add3A_458 = arith.constant 4 : i32
      %add3A_459 = arith.addi %mul3A_390, %add3A_458 : i32
      %dma_start3A_460 = arith.constant 0 : i32
      %dma_start3A_461 = tpu.memref_slice %arg6[%add3A_459, %dma_start3A_460] : memref<125x80xi32, #tpu.memory_space<vmem>> -> memref<1x80xi32, #tpu.memory_space<vmem>>
      %dma_start3A_462 = tpu.memref_squeeze %dma_start3A_461 : memref<1x80xi32, #tpu.memory_space<vmem>> -> memref<80xi32, #tpu.memory_space<vmem>>
      %dma_start3A_463 = arith.constant 0 : i32
      %dma_start3A_464 = arith.constant 0 : i32
      %dma_start3A_465 = tpu.memref_slice %arg2[%dma_start3A_463, %dma_start3A_464] : memref<10240x64xf32, #tpu.memory_space<hbm>> -> memref<10240x64xf32, #tpu.memory_space<hbm>>
      tpu.enqueue_indirect_dma source(%dma_start3A_465 : memref<10240x64xf32, #tpu.memory_space<hbm>>) target(%arg12 : memref<80x64xf32, #tpu.memory_space<vmem>>) offsets(%dma_start3A_462 : memref<80xi32, #tpu.memory_space<vmem>>) semaphore(%arg21 : memref<!tpu.dma_semaphore, #tpu.memory_space<semaphore_mem>>)
      %dma_wait3A_466 = arith.constant 0 : i32
      %dma_wait3A_467 = arith.constant 0 : i32
      %dma_wait3A_468 = tpu.memref_slice %arg7[%dma_wait3A_466, %dma_wait3A_467] : memref<125x80xi32, #tpu.memory_space<vmem>> -> memref<1x80xi32, #tpu.memory_space<vmem>>
      %dma_wait3A_469 = tpu.memref_squeeze %dma_wait3A_468 : memref<1x80xi32, #tpu.memory_space<vmem>> -> memref<80xi32, #tpu.memory_space<vmem>>
      %dma_wait3A_470 = arith.constant 0 : i32
      %dma_wait3A_471 = arith.constant 0 : i32
      %dma_wait3A_472 = tpu.memref_slice %arg33[%dma_wait3A_470, %dma_wait3A_471] : memref<10240x64xf32, #tpu.memory_space<vmem_shared>> -> memref<10240x64xf32, #tpu.memory_space<vmem_shared>>
      tpu.wait_indirect_dma semaphore(%arg30 : memref<!tpu.dma_semaphore, #tpu.memory_space<semaphore_mem>>) src(%arg13 : memref<80x64xf32, #tpu.memory_space<vmem>>) dst(%dma_wait3A_472 : memref<10240x64xf32, #tpu.memory_space<vmem_shared>>)
      %add3A_473 = arith.constant 5 : i32
      %add3A_474 = arith.addi %mul3A_390, %add3A_473 : i32
      %dma_start3A_475 = arith.constant 0 : i32
      %dma_start3A_476 = tpu.memref_slice %arg6[%add3A_474, %dma_start3A_475] : memref<125x80xi32, #tpu.memory_space<vmem>> -> memref<1x80xi32, #tpu.memory_space<vmem>>
      %dma_start3A_477 = tpu.memref_squeeze %dma_start3A_476 : memref<1x80xi32, #tpu.memory_space<vmem>> -> memref<80xi32, #tpu.memory_space<vmem>>
      %dma_start3A_478 = arith.constant 0 : i32
      %dma_start3A_479 = arith.constant 0 : i32
      %dma_start3A_480 = tpu.memref_slice %arg2[%dma_start3A_478, %dma_start3A_479] : memref<10240x64xf32, #tpu.memory_space<hbm>> -> memref<10240x64xf32, #tpu.memory_space<hbm>>
      tpu.enqueue_indirect_dma source(%dma_start3A_480 : memref<10240x64xf32, #tpu.memory_space<hbm>>) target(%arg13 : memref<80x64xf32, #tpu.memory_space<vmem>>) offsets(%dma_start3A_477 : memref<80xi32, #tpu.memory_space<vmem>>) semaphore(%arg22 : memref<!tpu.dma_semaphore, #tpu.memory_space<semaphore_mem>>)
      %dma_wait3A_481 = arith.constant 0 : i32
      %dma_wait3A_482 = arith.constant 0 : i32
      %dma_wait3A_483 = tpu.memref_slice %arg7[%dma_wait3A_481, %dma_wait3A_482] : memref<125x80xi32, #tpu.memory_space<vmem>> -> memref<1x80xi32, #tpu.memory_space<vmem>>
      %dma_wait3A_484 = tpu.memref_squeeze %dma_wait3A_483 : memref<1x80xi32, #tpu.memory_space<vmem>> -> memref<80xi32, #tpu.memory_space<vmem>>
      %dma_wait3A_485 = arith.constant 0 : i32
      %dma_wait3A_486 = arith.constant 0 : i32
      %dma_wait3A_487 = tpu.memref_slice %arg33[%dma_wait3A_485, %dma_wait3A_486] : memref<10240x64xf32, #tpu.memory_space<vmem_shared>> -> memref<10240x64xf32, #tpu.memory_space<vmem_shared>>
      tpu.wait_indirect_dma semaphore(%arg31 : memref<!tpu.dma_semaphore, #tpu.memory_space<semaphore_mem>>) src(%arg14 : memref<80x64xf32, #tpu.memory_space<vmem>>) dst(%dma_wait3A_487 : memref<10240x64xf32, #tpu.memory_space<vmem_shared>>)
      %add3A_488 = arith.constant 6 : i32
      %add3A_489 = arith.addi %mul3A_390, %add3A_488 : i32
      %dma_start3A_490 = arith.constant 0 : i32
      %dma_start3A_491 = tpu.memref_slice %arg6[%add3A_489, %dma_start3A_490] : memref<125x80xi32, #tpu.memory_space<vmem>> -> memref<1x80xi32, #tpu.memory_space<vmem>>
      %dma_start3A_492 = tpu.memref_squeeze %dma_start3A_491 : memref<1x80xi32, #tpu.memory_space<vmem>> -> memref<80xi32, #tpu.memory_space<vmem>>
      %dma_start3A_493 = arith.constant 0 : i32
      %dma_start3A_494 = arith.constant 0 : i32
      %dma_start3A_495 = tpu.memref_slice %arg2[%dma_start3A_493, %dma_start3A_494] : memref<10240x64xf32, #tpu.memory_space<hbm>> -> memref<10240x64xf32, #tpu.memory_space<hbm>>
      tpu.enqueue_indirect_dma source(%dma_start3A_495 : memref<10240x64xf32, #tpu.memory_space<hbm>>) target(%arg14 : memref<80x64xf32, #tpu.memory_space<vmem>>) offsets(%dma_start3A_492 : memref<80xi32, #tpu.memory_space<vmem>>) semaphore(%arg23 : memref<!tpu.dma_semaphore, #tpu.memory_space<semaphore_mem>>)
      %dma_wait3A_496 = arith.constant 0 : i32
      %dma_wait3A_497 = arith.constant 0 : i32
      %dma_wait3A_498 = tpu.memref_slice %arg7[%dma_wait3A_496, %dma_wait3A_497] : memref<125x80xi32, #tpu.memory_space<vmem>> -> memref<1x80xi32, #tpu.memory_space<vmem>>
      %dma_wait3A_499 = tpu.memref_squeeze %dma_wait3A_498 : memref<1x80xi32, #tpu.memory_space<vmem>> -> memref<80xi32, #tpu.memory_space<vmem>>
      %dma_wait3A_500 = arith.constant 0 : i32
      %dma_wait3A_501 = arith.constant 0 : i32
      %dma_wait3A_502 = tpu.memref_slice %arg33[%dma_wait3A_500, %dma_wait3A_501] : memref<10240x64xf32, #tpu.memory_space<vmem_shared>> -> memref<10240x64xf32, #tpu.memory_space<vmem_shared>>
      tpu.wait_indirect_dma semaphore(%arg32 : memref<!tpu.dma_semaphore, #tpu.memory_space<semaphore_mem>>) src(%arg15 : memref<80x64xf32, #tpu.memory_space<vmem>>) dst(%dma_wait3A_502 : memref<10240x64xf32, #tpu.memory_space<vmem_shared>>)
      %add3A_503 = arith.constant 7 : i32
      %add3A_504 = arith.addi %mul3A_390, %add3A_503 : i32
      %dma_start3A_505 = arith.constant 0 : i32
      %dma_start3A_506 = tpu.memref_slice %arg6[%add3A_504, %dma_start3A_505] : memref<125x80xi32, #tpu.memory_space<vmem>> -> memref<1x80xi32, #tpu.memory_space<vmem>>
      %dma_start3A_507 = tpu.memref_squeeze %dma_start3A_506 : memref<1x80xi32, #tpu.memory_space<vmem>> -> memref<80xi32, #tpu.memory_space<vmem>>
      %dma_start3A_508 = arith.constant 0 : i32
      %dma_start3A_509 = arith.constant 0 : i32
      %dma_start3A_510 = tpu.memref_slice %arg2[%dma_start3A_508, %dma_start3A_509] : memref<10240x64xf32, #tpu.memory_space<hbm>> -> memref<10240x64xf32, #tpu.memory_space<hbm>>
      tpu.enqueue_indirect_dma source(%dma_start3A_510 : memref<10240x64xf32, #tpu.memory_space<hbm>>) target(%arg15 : memref<80x64xf32, #tpu.memory_space<vmem>>) offsets(%dma_start3A_507 : memref<80xi32, #tpu.memory_space<vmem>>) semaphore(%arg24 : memref<!tpu.dma_semaphore, #tpu.memory_space<semaphore_mem>>)
      %add3A_511 = arith.constant 0 : i32
      %add3A_512 = arith.addi %mul3A_390, %add3A_511 : i32
      %dma_wait3A_513 = arith.constant 0 : i32
      %dma_wait3A_514 = tpu.memref_slice %arg6[%add3A_512, %dma_wait3A_513] : memref<125x80xi32, #tpu.memory_space<vmem>> -> memref<1x80xi32, #tpu.memory_space<vmem>>
      %dma_wait3A_515 = tpu.memref_squeeze %dma_wait3A_514 : memref<1x80xi32, #tpu.memory_space<vmem>> -> memref<80xi32, #tpu.memory_space<vmem>>
      %dma_wait3A_516 = arith.constant 0 : i32
      %dma_wait3A_517 = arith.constant 0 : i32
      %dma_wait3A_518 = tpu.memref_slice %arg2[%dma_wait3A_516, %dma_wait3A_517] : memref<10240x64xf32, #tpu.memory_space<hbm>> -> memref<10240x64xf32, #tpu.memory_space<hbm>>
      tpu.wait_indirect_dma semaphore(%arg17 : memref<!tpu.dma_semaphore, #tpu.memory_space<semaphore_mem>>) src(%dma_wait3A_518 : memref<10240x64xf32, #tpu.memory_space<hbm>>) dst(%arg8 : memref<80x64xf32, #tpu.memory_space<vmem>>)
      %add3A_519 = arith.constant 0 : i32
      %add3A_520 = arith.addi %mul3A_390, %add3A_519 : i32
      %dma_start3A_521 = arith.constant 0 : i32
      %dma_start3A_522 = tpu.memref_slice %arg7[%add3A_520, %dma_start3A_521] : memref<125x80xi32, #tpu.memory_space<vmem>> -> memref<1x80xi32, #tpu.memory_space<vmem>>
      %dma_start3A_523 = tpu.memref_squeeze %dma_start3A_522 : memref<1x80xi32, #tpu.memory_space<vmem>> -> memref<80xi32, #tpu.memory_space<vmem>>
      %dma_start3A_524 = arith.constant 0 : i32
      %dma_start3A_525 = arith.constant 0 : i32
      %dma_start3A_526 = tpu.memref_slice %arg33[%dma_start3A_524, %dma_start3A_525] : memref<10240x64xf32, #tpu.memory_space<vmem_shared>> -> memref<10240x64xf32, #tpu.memory_space<vmem_shared>>
      tpu.enqueue_indirect_dma source(%arg8 : memref<80x64xf32, #tpu.memory_space<vmem>>) target(%dma_start3A_526 : memref<10240x64xf32, #tpu.memory_space<vmem_shared>>) offsets(%dma_start3A_523 : memref<80xi32, #tpu.memory_space<vmem>>) semaphore(%arg25 : memref<!tpu.dma_semaphore, #tpu.memory_space<semaphore_mem>>) {add = true}
      %add3A_527 = arith.constant 1 : i32
      %add3A_528 = arith.addi %mul3A_390, %add3A_527 : i32
      %dma_wait3A_529 = arith.constant 0 : i32
      %dma_wait3A_530 = tpu.memref_slice %arg6[%add3A_528, %dma_wait3A_529] : memref<125x80xi32, #tpu.memory_space<vmem>> -> memref<1x80xi32, #tpu.memory_space<vmem>>
      %dma_wait3A_531 = tpu.memref_squeeze %dma_wait3A_530 : memref<1x80xi32, #tpu.memory_space<vmem>> -> memref<80xi32, #tpu.memory_space<vmem>>
      %dma_wait3A_532 = arith.constant 0 : i32
      %dma_wait3A_533 = arith.constant 0 : i32
      %dma_wait3A_534 = tpu.memref_slice %arg2[%dma_wait3A_532, %dma_wait3A_533] : memref<10240x64xf32, #tpu.memory_space<hbm>> -> memref<10240x64xf32, #tpu.memory_space<hbm>>
      tpu.wait_indirect_dma semaphore(%arg18 : memref<!tpu.dma_semaphore, #tpu.memory_space<semaphore_mem>>) src(%dma_wait3A_534 : memref<10240x64xf32, #tpu.memory_space<hbm>>) dst(%arg9 : memref<80x64xf32, #tpu.memory_space<vmem>>)
      %add3A_535 = arith.constant 1 : i32
      %add3A_536 = arith.addi %mul3A_390, %add3A_535 : i32
      %dma_start3A_537 = arith.constant 0 : i32
      %dma_start3A_538 = tpu.memref_slice %arg7[%add3A_536, %dma_start3A_537] : memref<125x80xi32, #tpu.memory_space<vmem>> -> memref<1x80xi32, #tpu.memory_space<vmem>>
      %dma_start3A_539 = tpu.memref_squeeze %dma_start3A_538 : memref<1x80xi32, #tpu.memory_space<vmem>> -> memref<80xi32, #tpu.memory_space<vmem>>
      %dma_start3A_540 = arith.constant 0 : i32
      %dma_start3A_541 = arith.constant 0 : i32
      %dma_start3A_542 = tpu.memref_slice %arg33[%dma_start3A_540, %dma_start3A_541] : memref<10240x64xf32, #tpu.memory_space<vmem_shared>> -> memref<10240x64xf32, #tpu.memory_space<vmem_shared>>
      tpu.enqueue_indirect_dma source(%arg9 : memref<80x64xf32, #tpu.memory_space<vmem>>) target(%dma_start3A_542 : memref<10240x64xf32, #tpu.memory_space<vmem_shared>>) offsets(%dma_start3A_539 : memref<80xi32, #tpu.memory_space<vmem>>) semaphore(%arg26 : memref<!tpu.dma_semaphore, #tpu.memory_space<semaphore_mem>>) {add = true}
      %add3A_543 = arith.constant 2 : i32
      %add3A_544 = arith.addi %mul3A_390, %add3A_543 : i32
      %dma_wait3A_545 = arith.constant 0 : i32
      %dma_wait3A_546 = tpu.memref_slice %arg6[%add3A_544, %dma_wait3A_545] : memref<125x80xi32, #tpu.memory_space<vmem>> -> memref<1x80xi32, #tpu.memory_space<vmem>>
      %dma_wait3A_547 = tpu.memref_squeeze %dma_wait3A_546 : memref<1x80xi32, #tpu.memory_space<vmem>> -> memref<80xi32, #tpu.memory_space<vmem>>
      %dma_wait3A_548 = arith.constant 0 : i32
      %dma_wait3A_549 = arith.constant 0 : i32
      %dma_wait3A_550 = tpu.memref_slice %arg2[%dma_wait3A_548, %dma_wait3A_549] : memref<10240x64xf32, #tpu.memory_space<hbm>> -> memref<10240x64xf32, #tpu.memory_space<hbm>>
      tpu.wait_indirect_dma semaphore(%arg19 : memref<!tpu.dma_semaphore, #tpu.memory_space<semaphore_mem>>) src(%dma_wait3A_550 : memref<10240x64xf32, #tpu.memory_space<hbm>>) dst(%arg10 : memref<80x64xf32, #tpu.memory_space<vmem>>)
      %add3A_551 = arith.constant 2 : i32
      %add3A_552 = arith.addi %mul3A_390, %add3A_551 : i32
      %dma_start3A_553 = arith.constant 0 : i32
      %dma_start3A_554 = tpu.memref_slice %arg7[%add3A_552, %dma_start3A_553] : memref<125x80xi32, #tpu.memory_space<vmem>> -> memref<1x80xi32, #tpu.memory_space<vmem>>
      %dma_start3A_555 = tpu.memref_squeeze %dma_start3A_554 : memref<1x80xi32, #tpu.memory_space<vmem>> -> memref<80xi32, #tpu.memory_space<vmem>>
      %dma_start3A_556 = arith.constant 0 : i32
      %dma_start3A_557 = arith.constant 0 : i32
      %dma_start3A_558 = tpu.memref_slice %arg33[%dma_start3A_556, %dma_start3A_557] : memref<10240x64xf32, #tpu.memory_space<vmem_shared>> -> memref<10240x64xf32, #tpu.memory_space<vmem_shared>>
      tpu.enqueue_indirect_dma source(%arg10 : memref<80x64xf32, #tpu.memory_space<vmem>>) target(%dma_start3A_558 : memref<10240x64xf32, #tpu.memory_space<vmem_shared>>) offsets(%dma_start3A_555 : memref<80xi32, #tpu.memory_space<vmem>>) semaphore(%arg27 : memref<!tpu.dma_semaphore, #tpu.memory_space<semaphore_mem>>) {add = true}
      %add3A_559 = arith.constant 3 : i32
      %add3A_560 = arith.addi %mul3A_390, %add3A_559 : i32
      %dma_wait3A_561 = arith.constant 0 : i32
      %dma_wait3A_562 = tpu.memref_slice %arg6[%add3A_560, %dma_wait3A_561] : memref<125x80xi32, #tpu.memory_space<vmem>> -> memref<1x80xi32, #tpu.memory_space<vmem>>
      %dma_wait3A_563 = tpu.memref_squeeze %dma_wait3A_562 : memref<1x80xi32, #tpu.memory_space<vmem>> -> memref<80xi32, #tpu.memory_space<vmem>>
      %dma_wait3A_564 = arith.constant 0 : i32
      %dma_wait3A_565 = arith.constant 0 : i32
      %dma_wait3A_566 = tpu.memref_slice %arg2[%dma_wait3A_564, %dma_wait3A_565] : memref<10240x64xf32, #tpu.memory_space<hbm>> -> memref<10240x64xf32, #tpu.memory_space<hbm>>
      tpu.wait_indirect_dma semaphore(%arg20 : memref<!tpu.dma_semaphore, #tpu.memory_space<semaphore_mem>>) src(%dma_wait3A_566 : memref<10240x64xf32, #tpu.memory_space<hbm>>) dst(%arg11 : memref<80x64xf32, #tpu.memory_space<vmem>>)
      %add3A_567 = arith.constant 3 : i32
      %add3A_568 = arith.addi %mul3A_390, %add3A_567 : i32
      %dma_start3A_569 = arith.constant 0 : i32
      %dma_start3A_570 = tpu.memref_slice %arg7[%add3A_568, %dma_start3A_569] : memref<125x80xi32, #tpu.memory_space<vmem>> -> memref<1x80xi32, #tpu.memory_space<vmem>>
      %dma_start3A_571 = tpu.memref_squeeze %dma_start3A_570 : memref<1x80xi32, #tpu.memory_space<vmem>> -> memref<80xi32, #tpu.memory_space<vmem>>
      %dma_start3A_572 = arith.constant 0 : i32
      %dma_start3A_573 = arith.constant 0 : i32
      %dma_start3A_574 = tpu.memref_slice %arg33[%dma_start3A_572, %dma_start3A_573] : memref<10240x64xf32, #tpu.memory_space<vmem_shared>> -> memref<10240x64xf32, #tpu.memory_space<vmem_shared>>
      tpu.enqueue_indirect_dma source(%arg11 : memref<80x64xf32, #tpu.memory_space<vmem>>) target(%dma_start3A_574 : memref<10240x64xf32, #tpu.memory_space<vmem_shared>>) offsets(%dma_start3A_571 : memref<80xi32, #tpu.memory_space<vmem>>) semaphore(%arg28 : memref<!tpu.dma_semaphore, #tpu.memory_space<semaphore_mem>>) {add = true}
      %add3A_575 = arith.constant 4 : i32
      %add3A_576 = arith.addi %mul3A_390, %add3A_575 : i32
      %dma_wait3A_577 = arith.constant 0 : i32
      %dma_wait3A_578 = tpu.memref_slice %arg6[%add3A_576, %dma_wait3A_577] : memref<125x80xi32, #tpu.memory_space<vmem>> -> memref<1x80xi32, #tpu.memory_space<vmem>>
      %dma_wait3A_579 = tpu.memref_squeeze %dma_wait3A_578 : memref<1x80xi32, #tpu.memory_space<vmem>> -> memref<80xi32, #tpu.memory_space<vmem>>
      %dma_wait3A_580 = arith.constant 0 : i32
      %dma_wait3A_581 = arith.constant 0 : i32
      %dma_wait3A_582 = tpu.memref_slice %arg2[%dma_wait3A_580, %dma_wait3A_581] : memref<10240x64xf32, #tpu.memory_space<hbm>> -> memref<10240x64xf32, #tpu.memory_space<hbm>>
      tpu.wait_indirect_dma semaphore(%arg21 : memref<!tpu.dma_semaphore, #tpu.memory_space<semaphore_mem>>) src(%dma_wait3A_582 : memref<10240x64xf32, #tpu.memory_space<hbm>>) dst(%arg12 : memref<80x64xf32, #tpu.memory_space<vmem>>)
      %add3A_583 = arith.constant 4 : i32
      %add3A_584 = arith.addi %mul3A_390, %add3A_583 : i32
      %dma_start3A_585 = arith.constant 0 : i32
      %dma_start3A_586 = tpu.memref_slice %arg7[%add3A_584, %dma_start3A_585] : memref<125x80xi32, #tpu.memory_space<vmem>> -> memref<1x80xi32, #tpu.memory_space<vmem>>
      %dma_start3A_587 = tpu.memref_squeeze %dma_start3A_586 : memref<1x80xi32, #tpu.memory_space<vmem>> -> memref<80xi32, #tpu.memory_space<vmem>>
      %dma_start3A_588 = arith.constant 0 : i32
      %dma_start3A_589 = arith.constant 0 : i32
      %dma_start3A_590 = tpu.memref_slice %arg33[%dma_start3A_588, %dma_start3A_589] : memref<10240x64xf32, #tpu.memory_space<vmem_shared>> -> memref<10240x64xf32, #tpu.memory_space<vmem_shared>>
      tpu.enqueue_indirect_dma source(%arg12 : memref<80x64xf32, #tpu.memory_space<vmem>>) target(%dma_start3A_590 : memref<10240x64xf32, #tpu.memory_space<vmem_shared>>) offsets(%dma_start3A_587 : memref<80xi32, #tpu.memory_space<vmem>>) semaphore(%arg29 : memref<!tpu.dma_semaphore, #tpu.memory_space<semaphore_mem>>) {add = true}
      %add3A_591 = arith.constant 5 : i32
      %add3A_592 = arith.addi %mul3A_390, %add3A_591 : i32
      %dma_wait3A_593 = arith.constant 0 : i32
      %dma_wait3A_594 = tpu.memref_slice %arg6[%add3A_592, %dma_wait3A_593] : memref<125x80xi32, #tpu.memory_space<vmem>> -> memref<1x80xi32, #tpu.memory_space<vmem>>
      %dma_wait3A_595 = tpu.memref_squeeze %dma_wait3A_594 : memref<1x80xi32, #tpu.memory_space<vmem>> -> memref<80xi32, #tpu.memory_space<vmem>>
      %dma_wait3A_596 = arith.constant 0 : i32
      %dma_wait3A_597 = arith.constant 0 : i32
      %dma_wait3A_598 = tpu.memref_slice %arg2[%dma_wait3A_596, %dma_wait3A_597] : memref<10240x64xf32, #tpu.memory_space<hbm>> -> memref<10240x64xf32, #tpu.memory_space<hbm>>
      tpu.wait_indirect_dma semaphore(%arg22 : memref<!tpu.dma_semaphore, #tpu.memory_space<semaphore_mem>>) src(%dma_wait3A_598 : memref<10240x64xf32, #tpu.memory_space<hbm>>) dst(%arg13 : memref<80x64xf32, #tpu.memory_space<vmem>>)
      %add3A_599 = arith.constant 5 : i32
      %add3A_600 = arith.addi %mul3A_390, %add3A_599 : i32
      %dma_start3A_601 = arith.constant 0 : i32
      %dma_start3A_602 = tpu.memref_slice %arg7[%add3A_600, %dma_start3A_601] : memref<125x80xi32, #tpu.memory_space<vmem>> -> memref<1x80xi32, #tpu.memory_space<vmem>>
      %dma_start3A_603 = tpu.memref_squeeze %dma_start3A_602 : memref<1x80xi32, #tpu.memory_space<vmem>> -> memref<80xi32, #tpu.memory_space<vmem>>
      %dma_start3A_604 = arith.constant 0 : i32
      %dma_start3A_605 = arith.constant 0 : i32
      %dma_start3A_606 = tpu.memref_slice %arg33[%dma_start3A_604, %dma_start3A_605] : memref<10240x64xf32, #tpu.memory_space<vmem_shared>> -> memref<10240x64xf32, #tpu.memory_space<vmem_shared>>
      tpu.enqueue_indirect_dma source(%arg13 : memref<80x64xf32, #tpu.memory_space<vmem>>) target(%dma_start3A_606 : memref<10240x64xf32, #tpu.memory_space<vmem_shared>>) offsets(%dma_start3A_603 : memref<80xi32, #tpu.memory_space<vmem>>) semaphore(%arg30 : memref<!tpu.dma_semaphore, #tpu.memory_space<semaphore_mem>>) {add = true}
      %add3A_607 = arith.constant 6 : i32
      %add3A_608 = arith.addi %mul3A_390, %add3A_607 : i32
      %dma_wait3A_609 = arith.constant 0 : i32
      %dma_wait3A_610 = tpu.memref_slice %arg6[%add3A_608, %dma_wait3A_609] : memref<125x80xi32, #tpu.memory_space<vmem>> -> memref<1x80xi32, #tpu.memory_space<vmem>>
      %dma_wait3A_611 = tpu.memref_squeeze %dma_wait3A_610 : memref<1x80xi32, #tpu.memory_space<vmem>> -> memref<80xi32, #tpu.memory_space<vmem>>
      %dma_wait3A_612 = arith.constant 0 : i32
      %dma_wait3A_613 = arith.constant 0 : i32
      %dma_wait3A_614 = tpu.memref_slice %arg2[%dma_wait3A_612, %dma_wait3A_613] : memref<10240x64xf32, #tpu.memory_space<hbm>> -> memref<10240x64xf32, #tpu.memory_space<hbm>>
      tpu.wait_indirect_dma semaphore(%arg23 : memref<!tpu.dma_semaphore, #tpu.memory_space<semaphore_mem>>) src(%dma_wait3A_614 : memref<10240x64xf32, #tpu.memory_space<hbm>>) dst(%arg14 : memref<80x64xf32, #tpu.memory_space<vmem>>)
      %add3A_615 = arith.constant 6 : i32
      %add3A_616 = arith.addi %mul3A_390, %add3A_615 : i32
      %dma_start3A_617 = arith.constant 0 : i32
      %dma_start3A_618 = tpu.memref_slice %arg7[%add3A_616, %dma_start3A_617] : memref<125x80xi32, #tpu.memory_space<vmem>> -> memref<1x80xi32, #tpu.memory_space<vmem>>
      %dma_start3A_619 = tpu.memref_squeeze %dma_start3A_618 : memref<1x80xi32, #tpu.memory_space<vmem>> -> memref<80xi32, #tpu.memory_space<vmem>>
      %dma_start3A_620 = arith.constant 0 : i32
      %dma_start3A_621 = arith.constant 0 : i32
      %dma_start3A_622 = tpu.memref_slice %arg33[%dma_start3A_620, %dma_start3A_621] : memref<10240x64xf32, #tpu.memory_space<vmem_shared>> -> memref<10240x64xf32, #tpu.memory_space<vmem_shared>>
      tpu.enqueue_indirect_dma source(%arg14 : memref<80x64xf32, #tpu.memory_space<vmem>>) target(%dma_start3A_622 : memref<10240x64xf32, #tpu.memory_space<vmem_shared>>) offsets(%dma_start3A_619 : memref<80xi32, #tpu.memory_space<vmem>>) semaphore(%arg31 : memref<!tpu.dma_semaphore, #tpu.memory_space<semaphore_mem>>) {add = true}
      %add3A_623 = arith.constant 7 : i32
      %add3A_624 = arith.addi %mul3A_390, %add3A_623 : i32
      %dma_wait3A_625 = arith.constant 0 : i32
      %dma_wait3A_626 = tpu.memref_slice %arg6[%add3A_624, %dma_wait3A_625] : memref<125x80xi32, #tpu.memory_space<vmem>> -> memref<1x80xi32, #tpu.memory_space<vmem>>
      %dma_wait3A_627 = tpu.memref_squeeze %dma_wait3A_626 : memref<1x80xi32, #tpu.memory_space<vmem>> -> memref<80xi32, #tpu.memory_space<vmem>>
      %dma_wait3A_628 = arith.constant 0 : i32
      %dma_wait3A_629 = arith.constant 0 : i32
      %dma_wait3A_630 = tpu.memref_slice %arg2[%dma_wait3A_628, %dma_wait3A_629] : memref<10240x64xf32, #tpu.memory_space<hbm>> -> memref<10240x64xf32, #tpu.memory_space<hbm>>
      tpu.wait_indirect_dma semaphore(%arg24 : memref<!tpu.dma_semaphore, #tpu.memory_space<semaphore_mem>>) src(%dma_wait3A_630 : memref<10240x64xf32, #tpu.memory_space<hbm>>) dst(%arg15 : memref<80x64xf32, #tpu.memory_space<vmem>>)
      %add3A_631 = arith.constant 7 : i32
      %add3A_632 = arith.addi %mul3A_390, %add3A_631 : i32
      %dma_start3A_633 = arith.constant 0 : i32
      %dma_start3A_634 = tpu.memref_slice %arg7[%add3A_632, %dma_start3A_633] : memref<125x80xi32, #tpu.memory_space<vmem>> -> memref<1x80xi32, #tpu.memory_space<vmem>>
      %dma_start3A_635 = tpu.memref_squeeze %dma_start3A_634 : memref<1x80xi32, #tpu.memory_space<vmem>> -> memref<80xi32, #tpu.memory_space<vmem>>
      %dma_start3A_636 = arith.constant 0 : i32
      %dma_start3A_637 = arith.constant 0 : i32
      %dma_start3A_638 = tpu.memref_slice %arg33[%dma_start3A_636, %dma_start3A_637] : memref<10240x64xf32, #tpu.memory_space<vmem_shared>> -> memref<10240x64xf32, #tpu.memory_space<vmem_shared>>
      tpu.enqueue_indirect_dma source(%arg15 : memref<80x64xf32, #tpu.memory_space<vmem>>) target(%dma_start3A_638 : memref<10240x64xf32, #tpu.memory_space<vmem_shared>>) offsets(%dma_start3A_635 : memref<80xi32, #tpu.memory_space<vmem>>) semaphore(%arg32 : memref<!tpu.dma_semaphore, #tpu.memory_space<semaphore_mem>>) {add = true}
    }
    %scan3A_184 = arith.constant 14 : i32
    %dma_wait3A_185 = arith.constant 0 : i32
    %dma_wait3A_186 = arith.constant 0 : i32
    %dma_wait3A_187 = tpu.memref_slice %arg7[%dma_wait3A_185, %dma_wait3A_186] : memref<125x80xi32, #tpu.memory_space<vmem>> -> memref<1x80xi32, #tpu.memory_space<vmem>>
    %dma_wait3A_188 = tpu.memref_squeeze %dma_wait3A_187 : memref<1x80xi32, #tpu.memory_space<vmem>> -> memref<80xi32, #tpu.memory_space<vmem>>
    %dma_wait3A_189 = arith.constant 0 : i32
    %dma_wait3A_190 = arith.constant 0 : i32
    %dma_wait3A_191 = tpu.memref_slice %arg33[%dma_wait3A_189, %dma_wait3A_190] : memref<10240x64xf32, #tpu.memory_space<vmem_shared>> -> memref<10240x64xf32, #tpu.memory_space<vmem_shared>>
    tpu.wait_indirect_dma semaphore(%arg25 : memref<!tpu.dma_semaphore, #tpu.memory_space<semaphore_mem>>) src(%arg8 : memref<80x64xf32, #tpu.memory_space<vmem>>) dst(%dma_wait3A_191 : memref<10240x64xf32, #tpu.memory_space<vmem_shared>>)
    %dma_wait3A_192 = arith.constant 0 : i32
    %dma_wait3A_193 = arith.constant 0 : i32
    %dma_wait3A_194 = tpu.memref_slice %arg7[%dma_wait3A_192, %dma_wait3A_193] : memref<125x80xi32, #tpu.memory_space<vmem>> -> memref<1x80xi32, #tpu.memory_space<vmem>>
    %dma_wait3A_195 = tpu.memref_squeeze %dma_wait3A_194 : memref<1x80xi32, #tpu.memory_space<vmem>> -> memref<80xi32, #tpu.memory_space<vmem>>
    %dma_wait3A_196 = arith.constant 0 : i32
    %dma_wait3A_197 = arith.constant 0 : i32
    %dma_wait3A_198 = tpu.memref_slice %arg33[%dma_wait3A_196, %dma_wait3A_197] : memref<10240x64xf32, #tpu.memory_space<vmem_shared>> -> memref<10240x64xf32, #tpu.memory_space<vmem_shared>>
    tpu.wait_indirect_dma semaphore(%arg26 : memref<!tpu.dma_semaphore, #tpu.memory_space<semaphore_mem>>) src(%arg9 : memref<80x64xf32, #tpu.memory_space<vmem>>) dst(%dma_wait3A_198 : memref<10240x64xf32, #tpu.memory_space<vmem_shared>>)
    %dma_wait3A_199 = arith.constant 0 : i32
    %dma_wait3A_200 = arith.constant 0 : i32
    %dma_wait3A_201 = tpu.memref_slice %arg7[%dma_wait3A_199, %dma_wait3A_200] : memref<125x80xi32, #tpu.memory_space<vmem>> -> memref<1x80xi32, #tpu.memory_space<vmem>>
    %dma_wait3A_202 = tpu.memref_squeeze %dma_wait3A_201 : memref<1x80xi32, #tpu.memory_space<vmem>> -> memref<80xi32, #tpu.memory_space<vmem>>
    %dma_wait3A_203 = arith.constant 0 : i32
    %dma_wait3A_204 = arith.constant 0 : i32
    %dma_wait3A_205 = tpu.memref_slice %arg33[%dma_wait3A_203, %dma_wait3A_204] : memref<10240x64xf32, #tpu.memory_space<vmem_shared>> -> memref<10240x64xf32, #tpu.memory_space<vmem_shared>>
    tpu.wait_indirect_dma semaphore(%arg27 : memref<!tpu.dma_semaphore, #tpu.memory_space<semaphore_mem>>) src(%arg10 : memref<80x64xf32, #tpu.memory_space<vmem>>) dst(%dma_wait3A_205 : memref<10240x64xf32, #tpu.memory_space<vmem_shared>>)
    %dma_wait3A_206 = arith.constant 0 : i32
    %dma_wait3A_207 = arith.constant 0 : i32
    %dma_wait3A_208 = tpu.memref_slice %arg7[%dma_wait3A_206, %dma_wait3A_207] : memref<125x80xi32, #tpu.memory_space<vmem>> -> memref<1x80xi32, #tpu.memory_space<vmem>>
    %dma_wait3A_209 = tpu.memref_squeeze %dma_wait3A_208 : memref<1x80xi32, #tpu.memory_space<vmem>> -> memref<80xi32, #tpu.memory_space<vmem>>
    %dma_wait3A_210 = arith.constant 0 : i32
    %dma_wait3A_211 = arith.constant 0 : i32
    %dma_wait3A_212 = tpu.memref_slice %arg33[%dma_wait3A_210, %dma_wait3A_211] : memref<10240x64xf32, #tpu.memory_space<vmem_shared>> -> memref<10240x64xf32, #tpu.memory_space<vmem_shared>>
    tpu.wait_indirect_dma semaphore(%arg28 : memref<!tpu.dma_semaphore, #tpu.memory_space<semaphore_mem>>) src(%arg11 : memref<80x64xf32, #tpu.memory_space<vmem>>) dst(%dma_wait3A_212 : memref<10240x64xf32, #tpu.memory_space<vmem_shared>>)
    %dma_wait3A_213 = arith.constant 0 : i32
    %dma_wait3A_214 = arith.constant 0 : i32
    %dma_wait3A_215 = tpu.memref_slice %arg7[%dma_wait3A_213, %dma_wait3A_214] : memref<125x80xi32, #tpu.memory_space<vmem>> -> memref<1x80xi32, #tpu.memory_space<vmem>>
    %dma_wait3A_216 = tpu.memref_squeeze %dma_wait3A_215 : memref<1x80xi32, #tpu.memory_space<vmem>> -> memref<80xi32, #tpu.memory_space<vmem>>
    %dma_wait3A_217 = arith.constant 0 : i32
    %dma_wait3A_218 = arith.constant 0 : i32
    %dma_wait3A_219 = tpu.memref_slice %arg33[%dma_wait3A_217, %dma_wait3A_218] : memref<10240x64xf32, #tpu.memory_space<vmem_shared>> -> memref<10240x64xf32, #tpu.memory_space<vmem_shared>>
    tpu.wait_indirect_dma semaphore(%arg29 : memref<!tpu.dma_semaphore, #tpu.memory_space<semaphore_mem>>) src(%arg12 : memref<80x64xf32, #tpu.memory_space<vmem>>) dst(%dma_wait3A_219 : memref<10240x64xf32, #tpu.memory_space<vmem_shared>>)
    %dma_wait3A_220 = arith.constant 0 : i32
    %dma_wait3A_221 = arith.constant 0 : i32
    %dma_wait3A_222 = tpu.memref_slice %arg7[%dma_wait3A_220, %dma_wait3A_221] : memref<125x80xi32, #tpu.memory_space<vmem>> -> memref<1x80xi32, #tpu.memory_space<vmem>>
    %dma_wait3A_223 = tpu.memref_squeeze %dma_wait3A_222 : memref<1x80xi32, #tpu.memory_space<vmem>> -> memref<80xi32, #tpu.memory_space<vmem>>
    %dma_wait3A_224 = arith.constant 0 : i32
    %dma_wait3A_225 = arith.constant 0 : i32
    %dma_wait3A_226 = tpu.memref_slice %arg33[%dma_wait3A_224, %dma_wait3A_225] : memref<10240x64xf32, #tpu.memory_space<vmem_shared>> -> memref<10240x64xf32, #tpu.memory_space<vmem_shared>>
    tpu.wait_indirect_dma semaphore(%arg30 : memref<!tpu.dma_semaphore, #tpu.memory_space<semaphore_mem>>) src(%arg13 : memref<80x64xf32, #tpu.memory_space<vmem>>) dst(%dma_wait3A_226 : memref<10240x64xf32, #tpu.memory_space<vmem_shared>>)
    %dma_wait3A_227 = arith.constant 0 : i32
    %dma_wait3A_228 = arith.constant 0 : i32
    %dma_wait3A_229 = tpu.memref_slice %arg7[%dma_wait3A_227, %dma_wait3A_228] : memref<125x80xi32, #tpu.memory_space<vmem>> -> memref<1x80xi32, #tpu.memory_space<vmem>>
    %dma_wait3A_230 = tpu.memref_squeeze %dma_wait3A_229 : memref<1x80xi32, #tpu.memory_space<vmem>> -> memref<80xi32, #tpu.memory_space<vmem>>
    %dma_wait3A_231 = arith.constant 0 : i32
    %dma_wait3A_232 = arith.constant 0 : i32
    %dma_wait3A_233 = tpu.memref_slice %arg33[%dma_wait3A_231, %dma_wait3A_232] : memref<10240x64xf32, #tpu.memory_space<vmem_shared>> -> memref<10240x64xf32, #tpu.memory_space<vmem_shared>>
    tpu.wait_indirect_dma semaphore(%arg31 : memref<!tpu.dma_semaphore, #tpu.memory_space<semaphore_mem>>) src(%arg14 : memref<80x64xf32, #tpu.memory_space<vmem>>) dst(%dma_wait3A_233 : memref<10240x64xf32, #tpu.memory_space<vmem_shared>>)
    %dma_wait3A_234 = arith.constant 0 : i32
    %dma_wait3A_235 = arith.constant 0 : i32
    %dma_wait3A_236 = tpu.memref_slice %arg7[%dma_wait3A_234, %dma_wait3A_235] : memref<125x80xi32, #tpu.memory_space<vmem>> -> memref<1x80xi32, #tpu.memory_space<vmem>>
    %dma_wait3A_237 = tpu.memref_squeeze %dma_wait3A_236 : memref<1x80xi32, #tpu.memory_space<vmem>> -> memref<80xi32, #tpu.memory_space<vmem>>
    %dma_wait3A_238 = arith.constant 0 : i32
    %dma_wait3A_239 = arith.constant 0 : i32
    %dma_wait3A_240 = tpu.memref_slice %arg33[%dma_wait3A_238, %dma_wait3A_239] : memref<10240x64xf32, #tpu.memory_space<vmem_shared>> -> memref<10240x64xf32, #tpu.memory_space<vmem_shared>>
    tpu.wait_indirect_dma semaphore(%arg32 : memref<!tpu.dma_semaphore, #tpu.memory_space<semaphore_mem>>) src(%arg15 : memref<80x64xf32, #tpu.memory_space<vmem>>) dst(%dma_wait3A_240 : memref<10240x64xf32, #tpu.memory_space<vmem_shared>>)
    %dma_start3A_241 = arith.constant 120 : i32
    %dma_start3A_242 = arith.constant 0 : i32
    %dma_start3A_243 = tpu.memref_slice %arg6[%dma_start3A_241, %dma_start3A_242] : memref<125x80xi32, #tpu.memory_space<vmem>> -> memref<1x80xi32, #tpu.memory_space<vmem>>
    %dma_start3A_244 = tpu.memref_squeeze %dma_start3A_243 : memref<1x80xi32, #tpu.memory_space<vmem>> -> memref<80xi32, #tpu.memory_space<vmem>>
    %dma_start3A_245 = arith.constant 0 : i32
    %dma_start3A_246 = arith.constant 0 : i32
    %dma_start3A_247 = tpu.memref_slice %arg2[%dma_start3A_245, %dma_start3A_246] : memref<10240x64xf32, #tpu.memory_space<hbm>> -> memref<10240x64xf32, #tpu.memory_space<hbm>>
    tpu.enqueue_indirect_dma source(%dma_start3A_247 : memref<10240x64xf32, #tpu.memory_space<hbm>>) target(%arg8 : memref<80x64xf32, #tpu.memory_space<vmem>>) offsets(%dma_start3A_244 : memref<80xi32, #tpu.memory_space<vmem>>) semaphore(%arg17 : memref<!tpu.dma_semaphore, #tpu.memory_space<semaphore_mem>>)
    %dma_start3A_248 = arith.constant 121 : i32
    %dma_start3A_249 = arith.constant 0 : i32
    %dma_start3A_250 = tpu.memref_slice %arg6[%dma_start3A_248, %dma_start3A_249] : memref<125x80xi32, #tpu.memory_space<vmem>> -> memref<1x80xi32, #tpu.memory_space<vmem>>
    %dma_start3A_251 = tpu.memref_squeeze %dma_start3A_250 : memref<1x80xi32, #tpu.memory_space<vmem>> -> memref<80xi32, #tpu.memory_space<vmem>>
    %dma_start3A_252 = arith.constant 0 : i32
    %dma_start3A_253 = arith.constant 0 : i32
    %dma_start3A_254 = tpu.memref_slice %arg2[%dma_start3A_252, %dma_start3A_253] : memref<10240x64xf32, #tpu.memory_space<hbm>> -> memref<10240x64xf32, #tpu.memory_space<hbm>>
    tpu.enqueue_indirect_dma source(%dma_start3A_254 : memref<10240x64xf32, #tpu.memory_space<hbm>>) target(%arg9 : memref<80x64xf32, #tpu.memory_space<vmem>>) offsets(%dma_start3A_251 : memref<80xi32, #tpu.memory_space<vmem>>) semaphore(%arg18 : memref<!tpu.dma_semaphore, #tpu.memory_space<semaphore_mem>>)
    %dma_start3A_255 = arith.constant 122 : i32
    %dma_start3A_256 = arith.constant 0 : i32
    %dma_start3A_257 = tpu.memref_slice %arg6[%dma_start3A_255, %dma_start3A_256] : memref<125x80xi32, #tpu.memory_space<vmem>> -> memref<1x80xi32, #tpu.memory_space<vmem>>
    %dma_start3A_258 = tpu.memref_squeeze %dma_start3A_257 : memref<1x80xi32, #tpu.memory_space<vmem>> -> memref<80xi32, #tpu.memory_space<vmem>>
    %dma_start3A_259 = arith.constant 0 : i32
    %dma_start3A_260 = arith.constant 0 : i32
    %dma_start3A_261 = tpu.memref_slice %arg2[%dma_start3A_259, %dma_start3A_260] : memref<10240x64xf32, #tpu.memory_space<hbm>> -> memref<10240x64xf32, #tpu.memory_space<hbm>>
    tpu.enqueue_indirect_dma source(%dma_start3A_261 : memref<10240x64xf32, #tpu.memory_space<hbm>>) target(%arg10 : memref<80x64xf32, #tpu.memory_space<vmem>>) offsets(%dma_start3A_258 : memref<80xi32, #tpu.memory_space<vmem>>) semaphore(%arg19 : memref<!tpu.dma_semaphore, #tpu.memory_space<semaphore_mem>>)
    %dma_start3A_262 = arith.constant 123 : i32
    %dma_start3A_263 = arith.constant 0 : i32
    %dma_start3A_264 = tpu.memref_slice %arg6[%dma_start3A_262, %dma_start3A_263] : memref<125x80xi32, #tpu.memory_space<vmem>> -> memref<1x80xi32, #tpu.memory_space<vmem>>
    %dma_start3A_265 = tpu.memref_squeeze %dma_start3A_264 : memref<1x80xi32, #tpu.memory_space<vmem>> -> memref<80xi32, #tpu.memory_space<vmem>>
    %dma_start3A_266 = arith.constant 0 : i32
    %dma_start3A_267 = arith.constant 0 : i32
    %dma_start3A_268 = tpu.memref_slice %arg2[%dma_start3A_266, %dma_start3A_267] : memref<10240x64xf32, #tpu.memory_space<hbm>> -> memref<10240x64xf32, #tpu.memory_space<hbm>>
    tpu.enqueue_indirect_dma source(%dma_start3A_268 : memref<10240x64xf32, #tpu.memory_space<hbm>>) target(%arg11 : memref<80x64xf32, #tpu.memory_space<vmem>>) offsets(%dma_start3A_265 : memref<80xi32, #tpu.memory_space<vmem>>) semaphore(%arg20 : memref<!tpu.dma_semaphore, #tpu.memory_space<semaphore_mem>>)
    %dma_start3A_269 = arith.constant 124 : i32
    %dma_start3A_270 = arith.constant 0 : i32
    %dma_start3A_271 = tpu.memref_slice %arg6[%dma_start3A_269, %dma_start3A_270] : memref<125x80xi32, #tpu.memory_space<vmem>> -> memref<1x80xi32, #tpu.memory_space<vmem>>
    %dma_start3A_272 = tpu.memref_squeeze %dma_start3A_271 : memref<1x80xi32, #tpu.memory_space<vmem>> -> memref<80xi32, #tpu.memory_space<vmem>>
    %dma_start3A_273 = arith.constant 0 : i32
    %dma_start3A_274 = arith.constant 0 : i32
    %dma_start3A_275 = tpu.memref_slice %arg2[%dma_start3A_273, %dma_start3A_274] : memref<10240x64xf32, #tpu.memory_space<hbm>> -> memref<10240x64xf32, #tpu.memory_space<hbm>>
    tpu.enqueue_indirect_dma source(%dma_start3A_275 : memref<10240x64xf32, #tpu.memory_space<hbm>>) target(%arg12 : memref<80x64xf32, #tpu.memory_space<vmem>>) offsets(%dma_start3A_272 : memref<80xi32, #tpu.memory_space<vmem>>) semaphore(%arg21 : memref<!tpu.dma_semaphore, #tpu.memory_space<semaphore_mem>>)
    %dma_wait3A_276 = arith.constant 120 : i32
    %dma_wait3A_277 = arith.constant 0 : i32
    %dma_wait3A_278 = tpu.memref_slice %arg6[%dma_wait3A_276, %dma_wait3A_277] : memref<125x80xi32, #tpu.memory_space<vmem>> -> memref<1x80xi32, #tpu.memory_space<vmem>>
    %dma_wait3A_279 = tpu.memref_squeeze %dma_wait3A_278 : memref<1x80xi32, #tpu.memory_space<vmem>> -> memref<80xi32, #tpu.memory_space<vmem>>
    %dma_wait3A_280 = arith.constant 0 : i32
    %dma_wait3A_281 = arith.constant 0 : i32
    %dma_wait3A_282 = tpu.memref_slice %arg2[%dma_wait3A_280, %dma_wait3A_281] : memref<10240x64xf32, #tpu.memory_space<hbm>> -> memref<10240x64xf32, #tpu.memory_space<hbm>>
    tpu.wait_indirect_dma semaphore(%arg17 : memref<!tpu.dma_semaphore, #tpu.memory_space<semaphore_mem>>) src(%dma_wait3A_282 : memref<10240x64xf32, #tpu.memory_space<hbm>>) dst(%arg8 : memref<80x64xf32, #tpu.memory_space<vmem>>)
    %dma_start3A_283 = arith.constant 120 : i32
    %dma_start3A_284 = arith.constant 0 : i32
    %dma_start3A_285 = tpu.memref_slice %arg7[%dma_start3A_283, %dma_start3A_284] : memref<125x80xi32, #tpu.memory_space<vmem>> -> memref<1x80xi32, #tpu.memory_space<vmem>>
    %dma_start3A_286 = tpu.memref_squeeze %dma_start3A_285 : memref<1x80xi32, #tpu.memory_space<vmem>> -> memref<80xi32, #tpu.memory_space<vmem>>
    %dma_start3A_287 = arith.constant 0 : i32
    %dma_start3A_288 = arith.constant 0 : i32
    %dma_start3A_289 = tpu.memref_slice %arg33[%dma_start3A_287, %dma_start3A_288] : memref<10240x64xf32, #tpu.memory_space<vmem_shared>> -> memref<10240x64xf32, #tpu.memory_space<vmem_shared>>
    tpu.enqueue_indirect_dma source(%arg8 : memref<80x64xf32, #tpu.memory_space<vmem>>) target(%dma_start3A_289 : memref<10240x64xf32, #tpu.memory_space<vmem_shared>>) offsets(%dma_start3A_286 : memref<80xi32, #tpu.memory_space<vmem>>) semaphore(%arg25 : memref<!tpu.dma_semaphore, #tpu.memory_space<semaphore_mem>>) {add = true}
    %dma_wait3A_290 = arith.constant 121 : i32
    %dma_wait3A_291 = arith.constant 0 : i32
    %dma_wait3A_292 = tpu.memref_slice %arg6[%dma_wait3A_290, %dma_wait3A_291] : memref<125x80xi32, #tpu.memory_space<vmem>> -> memref<1x80xi32, #tpu.memory_space<vmem>>
    %dma_wait3A_293 = tpu.memref_squeeze %dma_wait3A_292 : memref<1x80xi32, #tpu.memory_space<vmem>> -> memref<80xi32, #tpu.memory_space<vmem>>
    %dma_wait3A_294 = arith.constant 0 : i32
    %dma_wait3A_295 = arith.constant 0 : i32
    %dma_wait3A_296 = tpu.memref_slice %arg2[%dma_wait3A_294, %dma_wait3A_295] : memref<10240x64xf32, #tpu.memory_space<hbm>> -> memref<10240x64xf32, #tpu.memory_space<hbm>>
    tpu.wait_indirect_dma semaphore(%arg18 : memref<!tpu.dma_semaphore, #tpu.memory_space<semaphore_mem>>) src(%dma_wait3A_296 : memref<10240x64xf32, #tpu.memory_space<hbm>>) dst(%arg9 : memref<80x64xf32, #tpu.memory_space<vmem>>)
    %dma_start3A_297 = arith.constant 121 : i32
    %dma_start3A_298 = arith.constant 0 : i32
    %dma_start3A_299 = tpu.memref_slice %arg7[%dma_start3A_297, %dma_start3A_298] : memref<125x80xi32, #tpu.memory_space<vmem>> -> memref<1x80xi32, #tpu.memory_space<vmem>>
    %dma_start3A_300 = tpu.memref_squeeze %dma_start3A_299 : memref<1x80xi32, #tpu.memory_space<vmem>> -> memref<80xi32, #tpu.memory_space<vmem>>
    %dma_start3A_301 = arith.constant 0 : i32
    %dma_start3A_302 = arith.constant 0 : i32
    %dma_start3A_303 = tpu.memref_slice %arg33[%dma_start3A_301, %dma_start3A_302] : memref<10240x64xf32, #tpu.memory_space<vmem_shared>> -> memref<10240x64xf32, #tpu.memory_space<vmem_shared>>
    tpu.enqueue_indirect_dma source(%arg9 : memref<80x64xf32, #tpu.memory_space<vmem>>) target(%dma_start3A_303 : memref<10240x64xf32, #tpu.memory_space<vmem_shared>>) offsets(%dma_start3A_300 : memref<80xi32, #tpu.memory_space<vmem>>) semaphore(%arg26 : memref<!tpu.dma_semaphore, #tpu.memory_space<semaphore_mem>>) {add = true}
    %dma_wait3A_304 = arith.constant 122 : i32
    %dma_wait3A_305 = arith.constant 0 : i32
    %dma_wait3A_306 = tpu.memref_slice %arg6[%dma_wait3A_304, %dma_wait3A_305] : memref<125x80xi32, #tpu.memory_space<vmem>> -> memref<1x80xi32, #tpu.memory_space<vmem>>
    %dma_wait3A_307 = tpu.memref_squeeze %dma_wait3A_306 : memref<1x80xi32, #tpu.memory_space<vmem>> -> memref<80xi32, #tpu.memory_space<vmem>>
    %dma_wait3A_308 = arith.constant 0 : i32
    %dma_wait3A_309 = arith.constant 0 : i32
    %dma_wait3A_310 = tpu.memref_slice %arg2[%dma_wait3A_308, %dma_wait3A_309] : memref<10240x64xf32, #tpu.memory_space<hbm>> -> memref<10240x64xf32, #tpu.memory_space<hbm>>
    tpu.wait_indirect_dma semaphore(%arg19 : memref<!tpu.dma_semaphore, #tpu.memory_space<semaphore_mem>>) src(%dma_wait3A_310 : memref<10240x64xf32, #tpu.memory_space<hbm>>) dst(%arg10 : memref<80x64xf32, #tpu.memory_space<vmem>>)
    %dma_start3A_311 = arith.constant 122 : i32
    %dma_start3A_312 = arith.constant 0 : i32
    %dma_start3A_313 = tpu.memref_slice %arg7[%dma_start3A_311, %dma_start3A_312] : memref<125x80xi32, #tpu.memory_space<vmem>> -> memref<1x80xi32, #tpu.memory_space<vmem>>
    %dma_start3A_314 = tpu.memref_squeeze %dma_start3A_313 : memref<1x80xi32, #tpu.memory_space<vmem>> -> memref<80xi32, #tpu.memory_space<vmem>>
    %dma_start3A_315 = arith.constant 0 : i32
    %dma_start3A_316 = arith.constant 0 : i32
    %dma_start3A_317 = tpu.memref_slice %arg33[%dma_start3A_315, %dma_start3A_316] : memref<10240x64xf32, #tpu.memory_space<vmem_shared>> -> memref<10240x64xf32, #tpu.memory_space<vmem_shared>>
    tpu.enqueue_indirect_dma source(%arg10 : memref<80x64xf32, #tpu.memory_space<vmem>>) target(%dma_start3A_317 : memref<10240x64xf32, #tpu.memory_space<vmem_shared>>) offsets(%dma_start3A_314 : memref<80xi32, #tpu.memory_space<vmem>>) semaphore(%arg27 : memref<!tpu.dma_semaphore, #tpu.memory_space<semaphore_mem>>) {add = true}
    %dma_wait3A_318 = arith.constant 123 : i32
    %dma_wait3A_319 = arith.constant 0 : i32
    %dma_wait3A_320 = tpu.memref_slice %arg6[%dma_wait3A_318, %dma_wait3A_319] : memref<125x80xi32, #tpu.memory_space<vmem>> -> memref<1x80xi32, #tpu.memory_space<vmem>>
    %dma_wait3A_321 = tpu.memref_squeeze %dma_wait3A_320 : memref<1x80xi32, #tpu.memory_space<vmem>> -> memref<80xi32, #tpu.memory_space<vmem>>
    %dma_wait3A_322 = arith.constant 0 : i32
    %dma_wait3A_323 = arith.constant 0 : i32
    %dma_wait3A_324 = tpu.memref_slice %arg2[%dma_wait3A_322, %dma_wait3A_323] : memref<10240x64xf32, #tpu.memory_space<hbm>> -> memref<10240x64xf32, #tpu.memory_space<hbm>>
    tpu.wait_indirect_dma semaphore(%arg20 : memref<!tpu.dma_semaphore, #tpu.memory_space<semaphore_mem>>) src(%dma_wait3A_324 : memref<10240x64xf32, #tpu.memory_space<hbm>>) dst(%arg11 : memref<80x64xf32, #tpu.memory_space<vmem>>)
    %dma_start3A_325 = arith.constant 123 : i32
    %dma_start3A_326 = arith.constant 0 : i32
    %dma_start3A_327 = tpu.memref_slice %arg7[%dma_start3A_325, %dma_start3A_326] : memref<125x80xi32, #tpu.memory_space<vmem>> -> memref<1x80xi32, #tpu.memory_space<vmem>>
    %dma_start3A_328 = tpu.memref_squeeze %dma_start3A_327 : memref<1x80xi32, #tpu.memory_space<vmem>> -> memref<80xi32, #tpu.memory_space<vmem>>
    %dma_start3A_329 = arith.constant 0 : i32
    %dma_start3A_330 = arith.constant 0 : i32
    %dma_start3A_331 = tpu.memref_slice %arg33[%dma_start3A_329, %dma_start3A_330] : memref<10240x64xf32, #tpu.memory_space<vmem_shared>> -> memref<10240x64xf32, #tpu.memory_space<vmem_shared>>
    tpu.enqueue_indirect_dma source(%arg11 : memref<80x64xf32, #tpu.memory_space<vmem>>) target(%dma_start3A_331 : memref<10240x64xf32, #tpu.memory_space<vmem_shared>>) offsets(%dma_start3A_328 : memref<80xi32, #tpu.memory_space<vmem>>) semaphore(%arg28 : memref<!tpu.dma_semaphore, #tpu.memory_space<semaphore_mem>>) {add = true}
    %dma_wait3A_332 = arith.constant 124 : i32
    %dma_wait3A_333 = arith.constant 0 : i32
    %dma_wait3A_334 = tpu.memref_slice %arg6[%dma_wait3A_332, %dma_wait3A_333] : memref<125x80xi32, #tpu.memory_space<vmem>> -> memref<1x80xi32, #tpu.memory_space<vmem>>
    %dma_wait3A_335 = tpu.memref_squeeze %dma_wait3A_334 : memref<1x80xi32, #tpu.memory_space<vmem>> -> memref<80xi32, #tpu.memory_space<vmem>>
    %dma_wait3A_336 = arith.constant 0 : i32
    %dma_wait3A_337 = arith.constant 0 : i32
    %dma_wait3A_338 = tpu.memref_slice %arg2[%dma_wait3A_336, %dma_wait3A_337] : memref<10240x64xf32, #tpu.memory_space<hbm>> -> memref<10240x64xf32, #tpu.memory_space<hbm>>
    tpu.wait_indirect_dma semaphore(%arg21 : memref<!tpu.dma_semaphore, #tpu.memory_space<semaphore_mem>>) src(%dma_wait3A_338 : memref<10240x64xf32, #tpu.memory_space<hbm>>) dst(%arg12 : memref<80x64xf32, #tpu.memory_space<vmem>>)
    %dma_start3A_339 = arith.constant 124 : i32
    %dma_start3A_340 = arith.constant 0 : i32
    %dma_start3A_341 = tpu.memref_slice %arg7[%dma_start3A_339, %dma_start3A_340] : memref<125x80xi32, #tpu.memory_space<vmem>> -> memref<1x80xi32, #tpu.memory_space<vmem>>
    %dma_start3A_342 = tpu.memref_squeeze %dma_start3A_341 : memref<1x80xi32, #tpu.memory_space<vmem>> -> memref<80xi32, #tpu.memory_space<vmem>>
    %dma_start3A_343 = arith.constant 0 : i32
    %dma_start3A_344 = arith.constant 0 : i32
    %dma_start3A_345 = tpu.memref_slice %arg33[%dma_start3A_343, %dma_start3A_344] : memref<10240x64xf32, #tpu.memory_space<vmem_shared>> -> memref<10240x64xf32, #tpu.memory_space<vmem_shared>>
    tpu.enqueue_indirect_dma source(%arg12 : memref<80x64xf32, #tpu.memory_space<vmem>>) target(%dma_start3A_345 : memref<10240x64xf32, #tpu.memory_space<vmem_shared>>) offsets(%dma_start3A_342 : memref<80xi32, #tpu.memory_space<vmem>>) semaphore(%arg29 : memref<!tpu.dma_semaphore, #tpu.memory_space<semaphore_mem>>) {add = true}
    %dma_wait3A_346 = arith.constant 0 : i32
    %dma_wait3A_347 = arith.constant 0 : i32
    %dma_wait3A_348 = tpu.memref_slice %arg7[%dma_wait3A_346, %dma_wait3A_347] : memref<125x80xi32, #tpu.memory_space<vmem>> -> memref<1x80xi32, #tpu.memory_space<vmem>>
    %dma_wait3A_349 = tpu.memref_squeeze %dma_wait3A_348 : memref<1x80xi32, #tpu.memory_space<vmem>> -> memref<80xi32, #tpu.memory_space<vmem>>
    %dma_wait3A_350 = arith.constant 0 : i32
    %dma_wait3A_351 = arith.constant 0 : i32
    %dma_wait3A_352 = tpu.memref_slice %arg33[%dma_wait3A_350, %dma_wait3A_351] : memref<10240x64xf32, #tpu.memory_space<vmem_shared>> -> memref<10240x64xf32, #tpu.memory_space<vmem_shared>>
    tpu.wait_indirect_dma semaphore(%arg25 : memref<!tpu.dma_semaphore, #tpu.memory_space<semaphore_mem>>) src(%arg8 : memref<80x64xf32, #tpu.memory_space<vmem>>) dst(%dma_wait3A_352 : memref<10240x64xf32, #tpu.memory_space<vmem_shared>>)
    %dma_wait3A_353 = arith.constant 0 : i32
    %dma_wait3A_354 = arith.constant 0 : i32
    %dma_wait3A_355 = tpu.memref_slice %arg7[%dma_wait3A_353, %dma_wait3A_354] : memref<125x80xi32, #tpu.memory_space<vmem>> -> memref<1x80xi32, #tpu.memory_space<vmem>>
    %dma_wait3A_356 = tpu.memref_squeeze %dma_wait3A_355 : memref<1x80xi32, #tpu.memory_space<vmem>> -> memref<80xi32, #tpu.memory_space<vmem>>
    %dma_wait3A_357 = arith.constant 0 : i32
    %dma_wait3A_358 = arith.constant 0 : i32
    %dma_wait3A_359 = tpu.memref_slice %arg33[%dma_wait3A_357, %dma_wait3A_358] : memref<10240x64xf32, #tpu.memory_space<vmem_shared>> -> memref<10240x64xf32, #tpu.memory_space<vmem_shared>>
    tpu.wait_indirect_dma semaphore(%arg26 : memref<!tpu.dma_semaphore, #tpu.memory_space<semaphore_mem>>) src(%arg9 : memref<80x64xf32, #tpu.memory_space<vmem>>) dst(%dma_wait3A_359 : memref<10240x64xf32, #tpu.memory_space<vmem_shared>>)
    %dma_wait3A_360 = arith.constant 0 : i32
    %dma_wait3A_361 = arith.constant 0 : i32
    %dma_wait3A_362 = tpu.memref_slice %arg7[%dma_wait3A_360, %dma_wait3A_361] : memref<125x80xi32, #tpu.memory_space<vmem>> -> memref<1x80xi32, #tpu.memory_space<vmem>>
    %dma_wait3A_363 = tpu.memref_squeeze %dma_wait3A_362 : memref<1x80xi32, #tpu.memory_space<vmem>> -> memref<80xi32, #tpu.memory_space<vmem>>
    %dma_wait3A_364 = arith.constant 0 : i32
    %dma_wait3A_365 = arith.constant 0 : i32
    %dma_wait3A_366 = tpu.memref_slice %arg33[%dma_wait3A_364, %dma_wait3A_365] : memref<10240x64xf32, #tpu.memory_space<vmem_shared>> -> memref<10240x64xf32, #tpu.memory_space<vmem_shared>>
    tpu.wait_indirect_dma semaphore(%arg27 : memref<!tpu.dma_semaphore, #tpu.memory_space<semaphore_mem>>) src(%arg10 : memref<80x64xf32, #tpu.memory_space<vmem>>) dst(%dma_wait3A_366 : memref<10240x64xf32, #tpu.memory_space<vmem_shared>>)
    %dma_wait3A_367 = arith.constant 0 : i32
    %dma_wait3A_368 = arith.constant 0 : i32
    %dma_wait3A_369 = tpu.memref_slice %arg7[%dma_wait3A_367, %dma_wait3A_368] : memref<125x80xi32, #tpu.memory_space<vmem>> -> memref<1x80xi32, #tpu.memory_space<vmem>>
    %dma_wait3A_370 = tpu.memref_squeeze %dma_wait3A_369 : memref<1x80xi32, #tpu.memory_space<vmem>> -> memref<80xi32, #tpu.memory_space<vmem>>
    %dma_wait3A_371 = arith.constant 0 : i32
    %dma_wait3A_372 = arith.constant 0 : i32
    %dma_wait3A_373 = tpu.memref_slice %arg33[%dma_wait3A_371, %dma_wait3A_372] : memref<10240x64xf32, #tpu.memory_space<vmem_shared>> -> memref<10240x64xf32, #tpu.memory_space<vmem_shared>>
    tpu.wait_indirect_dma semaphore(%arg28 : memref<!tpu.dma_semaphore, #tpu.memory_space<semaphore_mem>>) src(%arg11 : memref<80x64xf32, #tpu.memory_space<vmem>>) dst(%dma_wait3A_373 : memref<10240x64xf32, #tpu.memory_space<vmem_shared>>)
    %dma_wait3A_374 = arith.constant 0 : i32
    %dma_wait3A_375 = arith.constant 0 : i32
    %dma_wait3A_376 = tpu.memref_slice %arg7[%dma_wait3A_374, %dma_wait3A_375] : memref<125x80xi32, #tpu.memory_space<vmem>> -> memref<1x80xi32, #tpu.memory_space<vmem>>
    %dma_wait3A_377 = tpu.memref_squeeze %dma_wait3A_376 : memref<1x80xi32, #tpu.memory_space<vmem>> -> memref<80xi32, #tpu.memory_space<vmem>>
    %dma_wait3A_378 = arith.constant 0 : i32
    %dma_wait3A_379 = arith.constant 0 : i32
    %dma_wait3A_380 = tpu.memref_slice %arg33[%dma_wait3A_378, %dma_wait3A_379] : memref<10240x64xf32, #tpu.memory_space<vmem_shared>> -> memref<10240x64xf32, #tpu.memory_space<vmem_shared>>
    tpu.wait_indirect_dma semaphore(%arg29 : memref<!tpu.dma_semaphore, #tpu.memory_space<semaphore_mem>>) src(%arg12 : memref<80x64xf32, #tpu.memory_space<vmem>>) dst(%dma_wait3A_380 : memref<10240x64xf32, #tpu.memory_space<vmem_shared>>)
    %barrier3A_381 = arith.constant 0 : index
    tpu.barrier barrier_id(%barrier3A_381)
    %scan3A_382 = arith.constant 0 : i32
    %scan3A_383 = arith.constant 0 : i32
    %scan3A_384 = arith.constant 8 : i32
    %scan3A_385 = arith.addi %scan3A_383, %scan3A_384 : i32
    %scan3A_386 = arith.constant 1 : i32
    scf.for %scan3A_388 = %scan3A_383 to %scan3A_385 step %scan3A_386  : i32 {
      %mul3A_389 = arith.constant 640 : i32
      %mul3A_390 = arith.muli %arg1, %mul3A_389 : i32
      %mul3A_391 = arith.constant 80 : i32
      %mul3A_392 = arith.muli %scan3A_388, %mul3A_391 : i32
      %add3A_393 = arith.addi %mul3A_390, %mul3A_392 : i32
      "tpu.region"() ({
        %run_scoped3A = tpu.sem_alloc : memref<!tpu.dma_semaphore, #tpu.memory_space<semaphore_mem>>
        %dma_start3A_394 = arith.constant 0 : i32
        %dma_start3A_395 = tpu.memref_slice %arg33[%add3A_393, %dma_start3A_394] : memref<10240x64xf32, #tpu.memory_space<vmem_shared>> -> memref<80x64xf32, #tpu.memory_space<vmem_shared>>
        %dma_start3A_396 = arith.constant 0 : i32
        %dma_start3A_397 = tpu.memref_slice %arg33[%add3A_393, %dma_start3A_396] : memref<10240x64xf32, #tpu.memory_space<vmem_shared>> -> memref<80x64xf32, #tpu.memory_space<vmem_shared>>
        tpu.enqueue_dma source(%dma_start3A_397 : memref<80x64xf32, #tpu.memory_space<vmem_shared>>) target(%arg16 : memref<80x64xf32, #tpu.memory_space<vmem>>) target_semaphore(%run_scoped3A : memref<!tpu.dma_semaphore, #tpu.memory_space<semaphore_mem>>)
        %dma_wait3A_398 = arith.constant 0 : i32
        %dma_wait3A_399 = tpu.memref_slice %arg33[%add3A_393, %dma_wait3A_398] : memref<10240x64xf32, #tpu.memory_space<vmem_shared>> -> memref<80x64xf32, #tpu.memory_space<vmem_shared>>
        %dma_wait3A_400 = arith.constant 0 : i32
        %dma_wait3A_401 = tpu.memref_slice %arg33[%add3A_393, %dma_wait3A_400] : memref<10240x64xf32, #tpu.memory_space<vmem_shared>> -> memref<80x64xf32, #tpu.memory_space<vmem_shared>>
        tpu.wait_dma2 semaphore(%run_scoped3A : memref<!tpu.dma_semaphore, #tpu.memory_space<semaphore_mem>>) src(%dma_wait3A_401 : memref<80x64xf32, #tpu.memory_space<vmem_shared>>) dst(%arg16 : memref<80x64xf32, #tpu.memory_space<vmem>>)
        tpu.yield
      }) : () -> ()
      "tpu.region"() ({
        %run_scoped3A = tpu.sem_alloc : memref<!tpu.dma_semaphore, #tpu.memory_space<semaphore_mem>>
        %dma_start3A_394 = arith.constant 0 : i32
        %dma_start3A_395 = tpu.memref_slice %arg5[%arg0, %add3A_393, %dma_start3A_394] : memref<2x10240x64xf32, #tpu.memory_space<hbm>> -> memref<1x80x64xf32, #tpu.memory_space<hbm>>
        %dma_start3A_396 = tpu.memref_squeeze %dma_start3A_395 : memref<1x80x64xf32, #tpu.memory_space<hbm>> -> memref<80x64xf32, #tpu.memory_space<hbm>>
        %dma_start3A_397 = arith.constant 0 : i32
        %dma_start3A_398 = tpu.memref_slice %arg5[%arg0, %add3A_393, %dma_start3A_397] : memref<2x10240x64xf32, #tpu.memory_space<hbm>> -> memref<1x80x64xf32, #tpu.memory_space<hbm>>
        %dma_start3A_399 = tpu.memref_squeeze %dma_start3A_398 : memref<1x80x64xf32, #tpu.memory_space<hbm>> -> memref<80x64xf32, #tpu.memory_space<hbm>>
        tpu.enqueue_dma source(%arg16 : memref<80x64xf32, #tpu.memory_space<vmem>>) target(%dma_start3A_399 : memref<80x64xf32, #tpu.memory_space<hbm>>) target_semaphore(%run_scoped3A : memref<!tpu.dma_semaphore, #tpu.memory_space<semaphore_mem>>)
        %dma_wait3A_400 = arith.constant 0 : i32
        %dma_wait3A_401 = tpu.memref_slice %arg5[%arg0, %add3A_393, %dma_wait3A_400] : memref<2x10240x64xf32, #tpu.memory_space<hbm>> -> memref<1x80x64xf32, #tpu.memory_space<hbm>>
        %dma_wait3A_402 = tpu.memref_squeeze %dma_wait3A_401 : memref<1x80x64xf32, #tpu.memory_space<hbm>> -> memref<80x64xf32, #tpu.memory_space<hbm>>
        %dma_wait3A_403 = arith.constant 0 : i32
        %dma_wait3A_404 = tpu.memref_slice %arg5[%arg0, %add3A_393, %dma_wait3A_403] : memref<2x10240x64xf32, #tpu.memory_space<hbm>> -> memref<1x80x64xf32, #tpu.memory_space<hbm>>
        %dma_wait3A_405 = tpu.memref_squeeze %dma_wait3A_404 : memref<1x80x64xf32, #tpu.memory_space<hbm>> -> memref<80x64xf32, #tpu.memory_space<hbm>>
        tpu.wait_dma2 semaphore(%run_scoped3A : memref<!tpu.dma_semaphore, #tpu.memory_space<semaphore_mem>>) src(%arg16 : memref<80x64xf32, #tpu.memory_space<vmem>>) dst(%dma_wait3A_405 : memref<80x64xf32, #tpu.memory_space<hbm>>)
        tpu.yield
      }) : () -> ()
    }
    %scan3A_387 = arith.constant 8 : i32
    return
  }
}

module attributes {stable_mosaic.version = 14 : i64} {
  func.func @body(%arg0: i32, %arg1: memref<2560x2xf32, #tpu.memory_space<vmem>>, %arg2: memref<2560x128xf32, #tpu.memory_space<vmem>>, %arg3: memref<128x64xf32, #tpu.memory_space<vmem>>, %arg4: memref<2560x64xf32, #tpu.memory_space<vmem>>) attributes {dimension_semantics = [#tpu.dimension_semantics<arbitrary>], iteration_bounds = array<i64: 4>, scalar_prefetch = 0 : i64, scratch_operands = 0 : i64, tpu.core_type = #tpu.core_type<tc>, window_params = [{transform_indices = @transform_0, window_bounds = array<i64: 2560, 2>}, {transform_indices = @transform_1, window_bounds = array<i64: 2560, 128>}, {pipeline_mode = #tpu.pipeline_mode<synchronous>, transform_indices = @transform_2, window_bounds = array<i64: 128, 64>}, {transform_indices = @transform_3, window_bounds = array<i64: 2560, 64>}]} {
    %get3A = arith.constant 0 : index
    %get3A_0 = arith.constant 0 : index
    %get3A_1 = vector.load %arg1[%get3A, %get3A_0] : memref<2560x2xf32, #tpu.memory_space<vmem>>, vector<2560x1xf32>
    %get3A_2 = arith.constant 0 : index
    %get3A_3 = arith.constant 1 : index
    %get3A_4 = vector.load %arg1[%get3A_2, %get3A_3] : memref<2560x2xf32, #tpu.memory_space<vmem>>, vector<2560x1xf32>
    %add3A = arith.addf %get3A_1, %get3A_4 : vector<2560x1xf32>
    %add3A_5 = arith.constant 1.000000e+00 : f32
    %add3A_6 = vector.broadcast %add3A_5 : f32 to vector<2560x1xf32>
    %add3A_7 = arith.addf %add3A, %add3A_6 : vector<2560x1xf32>
    %rsqrt3A = math.rsqrt %add3A_7 : vector<2560x1xf32>
    %get3A_8 = arith.constant 0 : index
    %get3A_9 = arith.constant 0 : index
    %get3A_10 = vector.load %arg2[%get3A_8, %get3A_9] : memref<2560x128xf32, #tpu.memory_space<vmem>>, vector<2560x128xf32>
    %get3A_11 = arith.constant 0 : index
    %get3A_12 = arith.constant 0 : index
    %get3A_13 = vector.load %arg3[%get3A_11, %get3A_12] : memref<128x64xf32, #tpu.memory_space<vmem>>, vector<128x64xf32>
    %dot_general3A = arith.constant dense<0.000000e+00> : vector<2560x64xf32>
    %dot_general3A_14 = tpu.matmul %get3A_10, %get3A_13, %dot_general3A {dimension_numbers = #tpu.dot_dimension_numbers<[1], [0], [0], [1], [0, 0, 1, 1], [], []>, transpose_lhs_hint = false} : vector<2560x128xf32>, vector<128x64xf32>, vector<2560x64xf32> -> vector<2560x64xf32>
    %mul3A = vector.broadcast %rsqrt3A : vector<2560x1xf32> to vector<2560x64xf32>
    %mul3A_15 = arith.mulf %dot_general3A_14, %mul3A : vector<2560x64xf32>
    %swap3A = arith.constant 0 : index
    %swap3A_16 = arith.constant 0 : index
    %swap3A_17 = vector.load %arg4[%swap3A, %swap3A_16] : memref<2560x64xf32, #tpu.memory_space<vmem>>, vector<2560x64xf32>
    tpu.vector_store %arg4[%swap3A, %swap3A_16], %mul3A_15 {strides = array<i32>} : memref<2560x64xf32, #tpu.memory_space<vmem>>, vector<2560x64xf32>,
    return
  }
  func.func @transform_0(%arg0: i32) -> (i32, i32) {
    %c0_i32 = arith.constant 0 : i32
    %c0_i32_0 = arith.constant 0 : i32
    return %arg0, %c0_i32 : i32, i32
  }
  func.func @transform_1(%arg0: i32) -> (i32, i32) {
    %c0_i32 = arith.constant 0 : i32
    %c0_i32_0 = arith.constant 0 : i32
    return %arg0, %c0_i32 : i32, i32
  }
  func.func @transform_2(%arg0: i32) -> (i32, i32) {
    %c0_i32 = arith.constant 0 : i32
    %c0_i32_0 = arith.constant 0 : i32
    %c0_i32_1 = arith.constant 0 : i32
    return %c0_i32, %c0_i32_0 : i32, i32
  }
  func.func @transform_3(%arg0: i32) -> (i32, i32) {
    %c0_i32 = arith.constant 0 : i32
    %c0_i32_0 = arith.constant 0 : i32
    return %arg0, %c0_i32 : i32, i32
  }
}

module attributes {stable_mosaic.version = 14 : i64} {
  func.func @body(%arg0: i32, %arg1: memref<2560x2xf32, #tpu.memory_space<vmem>>, %arg2: memref<2x2560xf32, #tpu.memory_space<vmem>>, %arg3: memref<2x2560x64xf32, #tpu.memory_space<vmem>>, %arg4: memref<2560x64xf32, #tpu.memory_space<vmem>>, %arg5: memref<1x64xf32, #tpu.memory_space<vmem>>, %arg6: memref<64x2xf32, #tpu.memory_space<vmem>>, %arg7: memref<2x2560xf32, #tpu.memory_space<vmem>>) attributes {dimension_semantics = [#tpu.dimension_semantics<arbitrary>], iteration_bounds = array<i64: 4>, scalar_prefetch = 0 : i64, scratch_operands = 0 : i64, tpu.core_type = #tpu.core_type<tc>, window_params = [{transform_indices = @transform_0, window_bounds = array<i64: 2560, 2>}, {transform_indices = @transform_1, window_bounds = array<i64: 2, 2560>}, {transform_indices = @transform_2, window_bounds = array<i64: 2, 2560, 64>}, {transform_indices = @transform_3, window_bounds = array<i64: 2560, 64>}, {pipeline_mode = #tpu.pipeline_mode<synchronous>, transform_indices = @transform_4, window_bounds = array<i64: 1, 64>}, {pipeline_mode = #tpu.pipeline_mode<synchronous>, transform_indices = @transform_5, window_bounds = array<i64: 64, 2>}, {transform_indices = @transform_6, window_bounds = array<i64: 2, 2560>}]} {
    %get3A = arith.constant 0 : index
    %get3A_0 = arith.constant 0 : index
    %get3A_1 = vector.load %arg1[%get3A, %get3A_0] : memref<2560x2xf32, #tpu.memory_space<vmem>>, vector<2560x1xf32>
    %get3A_2 = arith.constant 0 : index
    %get3A_3 = arith.constant 1 : index
    %get3A_4 = vector.load %arg1[%get3A_2, %get3A_3] : memref<2560x2xf32, #tpu.memory_space<vmem>>, vector<2560x1xf32>
    %add3A = arith.addf %get3A_1, %get3A_4 : vector<2560x1xf32>
    %add3A_5 = arith.constant 1.000000e+00 : f32
    %add3A_6 = vector.broadcast %add3A_5 : f32 to vector<2560x1xf32>
    %add3A_7 = arith.addf %add3A, %add3A_6 : vector<2560x1xf32>
    %rsqrt3A = math.rsqrt %add3A_7 : vector<2560x1xf32>
    %get3A_8 = arith.constant 0 : index
    %get3A_9 = arith.constant 0 : index
    %get3A_10 = vector.load %arg2[%get3A_8, %get3A_9] : memref<2x2560xf32, #tpu.memory_space<vmem>>, vector<1x2560xf32>
    %get3A_11 = arith.constant 1 : index
    %get3A_12 = arith.constant 0 : index
    %get3A_13 = vector.load %arg2[%get3A_11, %get3A_12] : memref<2x2560xf32, #tpu.memory_space<vmem>>, vector<1x2560xf32>
    %add3A_14 = arith.addf %get3A_10, %get3A_13 : vector<1x2560xf32>
    %add3A_15 = arith.constant 1.000000e+00 : f32
    %add3A_16 = vector.broadcast %add3A_15 : f32 to vector<1x2560xf32>
    %add3A_17 = arith.addf %add3A_14, %add3A_16 : vector<1x2560xf32>
    %rsqrt3A_18 = math.rsqrt %add3A_17 : vector<1x2560xf32>
    %get3A_19 = arith.constant 0 : index
    %get3A_20 = arith.constant 0 : index
    %get3A_21 = arith.constant 0 : index
    %get3A_22 = vector.load %arg3[%get3A_19, %get3A_20, %get3A_21] : memref<2x2560x64xf32, #tpu.memory_space<vmem>>, vector<1x2560x64xf32>
    %get3A_23 = vector.shape_cast %get3A_22 : vector<1x2560x64xf32> to vector<2560x64xf32>
    %get3A_24 = arith.constant 1 : index
    %get3A_25 = arith.constant 0 : index
    %get3A_26 = arith.constant 0 : index
    %get3A_27 = vector.load %arg3[%get3A_24, %get3A_25, %get3A_26] : memref<2x2560x64xf32, #tpu.memory_space<vmem>>, vector<1x2560x64xf32>
    %get3A_28 = vector.shape_cast %get3A_27 : vector<1x2560x64xf32> to vector<2560x64xf32>
    %add3A_29 = arith.addf %get3A_23, %get3A_28 : vector<2560x64xf32>
    %get3A_30 = arith.constant 0 : index
    %get3A_31 = arith.constant 0 : index
    %get3A_32 = vector.load %arg4[%get3A_30, %get3A_31] : memref<2560x64xf32, #tpu.memory_space<vmem>>, vector<2560x64xf32>
    %add3A_33 = arith.addf %add3A_29, %get3A_32 : vector<2560x64xf32>
    %mul3A = vector.broadcast %rsqrt3A : vector<2560x1xf32> to vector<2560x64xf32>
    %mul3A_34 = arith.mulf %mul3A, %add3A_33 : vector<2560x64xf32>
    %get3A_35 = arith.constant 0 : index
    %get3A_36 = arith.constant 0 : index
    %get3A_37 = vector.load %arg5[%get3A_35, %get3A_36] : memref<1x64xf32, #tpu.memory_space<vmem>>, vector<1x64xf32>
    %add3A_38 = vector.broadcast %get3A_37 : vector<1x64xf32> to vector<2560x64xf32>
    %add3A_39 = arith.addf %mul3A_34, %add3A_38 : vector<2560x64xf32>
    %max3A = arith.constant 0.000000e+00 : f32
    %max3A_40 = vector.broadcast %max3A : f32 to vector<2560x64xf32>
    %max3A_41 = arith.maximumf %add3A_39, %max3A_40 : vector<2560x64xf32>
    %get3A_42 = arith.constant 0 : index
    %get3A_43 = arith.constant 0 : index
    %get3A_44 = vector.load %arg6[%get3A_42, %get3A_43] : memref<64x2xf32, #tpu.memory_space<vmem>>, vector<64x2xf32>
    %dot_general3A = arith.constant dense<0.000000e+00> : vector<2x2560xf32>
    %dot_general3A_45 = tpu.matmul %get3A_44, %max3A_41, %dot_general3A {dimension_numbers = #tpu.dot_dimension_numbers<[0], [1], [1], [0], [0, 1, 1, 0], [], []>, transpose_lhs_hint = false} : vector<64x2xf32>, vector<2560x64xf32>, vector<2x2560xf32> -> vector<2x2560xf32>
    %mul3A_46 = vector.broadcast %rsqrt3A_18 : vector<1x2560xf32> to vector<2x2560xf32>
    %mul3A_47 = arith.mulf %dot_general3A_45, %mul3A_46 : vector<2x2560xf32>
    %swap3A = arith.constant 0 : index
    %swap3A_48 = arith.constant 0 : index
    %swap3A_49 = vector.load %arg7[%swap3A, %swap3A_48] : memref<2x2560xf32, #tpu.memory_space<vmem>>, vector<2x2560xf32>
    tpu.vector_store %arg7[%swap3A, %swap3A_48], %mul3A_47 {strides = array<i32>} : memref<2x2560xf32, #tpu.memory_space<vmem>>, vector<2x2560xf32>,
    return
  }
  func.func @transform_0(%arg0: i32) -> (i32, i32) {
    %c0_i32 = arith.constant 0 : i32
    %c0_i32_0 = arith.constant 0 : i32
    return %arg0, %c0_i32 : i32, i32
  }
  func.func @transform_1(%arg0: i32) -> (i32, i32) {
    %c0_i32 = arith.constant 0 : i32
    %c0_i32_0 = arith.constant 0 : i32
    return %c0_i32, %arg0 : i32, i32
  }
  func.func @transform_2(%arg0: i32) -> (i32, i32, i32) {
    %c0_i32 = arith.constant 0 : i32
    %c0_i32_0 = arith.constant 0 : i32
    %c0_i32_1 = arith.constant 0 : i32
    return %c0_i32, %arg0, %c0_i32_0 : i32, i32, i32
  }
  func.func @transform_3(%arg0: i32) -> (i32, i32) {
    %c0_i32 = arith.constant 0 : i32
    %c0_i32_0 = arith.constant 0 : i32
    return %arg0, %c0_i32 : i32, i32
  }
  func.func @transform_4(%arg0: i32) -> (i32, i32) {
    %c0_i32 = arith.constant 0 : i32
    %c0_i32_0 = arith.constant 0 : i32
    %c0_i32_1 = arith.constant 0 : i32
    return %c0_i32, %c0_i32_0 : i32, i32
  }
  func.func @transform_5(%arg0: i32) -> (i32, i32) {
    %c0_i32 = arith.constant 0 : i32
    %c0_i32_0 = arith.constant 0 : i32
    %c0_i32_1 = arith.constant 0 : i32
    return %c0_i32, %c0_i32_0 : i32, i32
  }
  func.func @transform_6(%arg0: i32) -> (i32, i32) {
    %c0_i32 = arith.constant 0 : i32
    %c0_i32_0 = arith.constant 0 : i32
    return %c0_i32, %arg0 : i32, i32
  }
}

module attributes {stable_mosaic.version = 14 : i64} {
  func.func @body(%arg0: i32, %arg1: memref<2x2048xf32, #tpu.memory_space<vmem>>, %arg2: memref<2x2048xf32, #tpu.memory_space<vmem>>, %arg3: memref<2x2048xf32, #tpu.memory_space<vmem>>, %arg4: memref<2x2048xf32, #tpu.memory_space<vmem>>, %arg5: memref<2x1xf32, #tpu.memory_space<vmem>>, %arg6: memref<2x2048xf32, #tpu.memory_space<vmem>>) attributes {dimension_semantics = [#tpu.dimension_semantics<arbitrary>], iteration_bounds = array<i64: 5>, scalar_prefetch = 0 : i64, scratch_operands = 0 : i64, tpu.core_type = #tpu.core_type<tc>, window_params = [{transform_indices = @transform_0, window_bounds = array<i64: 2, 2048>}, {transform_indices = @transform_1, window_bounds = array<i64: 2, 2048>}, {transform_indices = @transform_2, window_bounds = array<i64: 2, 2048>}, {transform_indices = @transform_3, window_bounds = array<i64: 2, 2048>}, {pipeline_mode = #tpu.pipeline_mode<synchronous>, transform_indices = @transform_4, window_bounds = array<i64: 2, 1>}, {transform_indices = @transform_5, window_bounds = array<i64: 2, 2048>}]} {
    %get3A = arith.constant 0 : index
    %get3A_0 = arith.constant 0 : index
    %get3A_1 = vector.load %arg1[%get3A, %get3A_0] : memref<2x2048xf32, #tpu.memory_space<vmem>>, vector<1x2048xf32>
    %get3A_2 = arith.constant 1 : index
    %get3A_3 = arith.constant 0 : index
    %get3A_4 = vector.load %arg1[%get3A_2, %get3A_3] : memref<2x2048xf32, #tpu.memory_space<vmem>>, vector<1x2048xf32>
    %add3A = arith.addf %get3A_1, %get3A_4 : vector<1x2048xf32>
    %add3A_5 = arith.constant 1.000000e+00 : f32
    %add3A_6 = vector.broadcast %add3A_5 : f32 to vector<1x2048xf32>
    %add3A_7 = arith.addf %add3A, %add3A_6 : vector<1x2048xf32>
    %rsqrt3A = math.rsqrt %add3A_7 : vector<1x2048xf32>
    %get3A_8 = arith.constant 0 : index
    %get3A_9 = arith.constant 0 : index
    %get3A_10 = vector.load %arg2[%get3A_8, %get3A_9] : memref<2x2048xf32, #tpu.memory_space<vmem>>, vector<1x2048xf32>
    %get3A_11 = arith.constant 1 : index
    %get3A_12 = arith.constant 0 : index
    %get3A_13 = vector.load %arg2[%get3A_11, %get3A_12] : memref<2x2048xf32, #tpu.memory_space<vmem>>, vector<1x2048xf32>
    %add3A_14 = arith.addf %get3A_10, %get3A_13 : vector<1x2048xf32>
    %get3A_15 = arith.constant 0 : index
    %get3A_16 = arith.constant 0 : index
    %get3A_17 = vector.load %arg4[%get3A_15, %get3A_16] : memref<2x2048xf32, #tpu.memory_space<vmem>>, vector<1x2048xf32>
    %add3A_18 = arith.addf %add3A_14, %get3A_17 : vector<1x2048xf32>
    %mul3A = arith.mulf %rsqrt3A, %add3A_18 : vector<1x2048xf32>
    %get3A_19 = arith.constant 0 : index
    %get3A_20 = arith.constant 0 : index
    %get3A_21 = vector.load %arg5[%get3A_19, %get3A_20] : memref<2x1xf32, #tpu.memory_space<vmem>>, vector<1x1xf32>
    %get3A_22 = vector.extract %get3A_21[0, 0] : f32 from vector<1x1xf32>
    %add3A_23 = vector.broadcast %get3A_22 : f32 to vector<1x2048xf32>
    %add3A_24 = arith.addf %mul3A, %add3A_23 : vector<1x2048xf32>
    %get3A_25 = arith.constant 0 : index
    %get3A_26 = arith.constant 0 : index
    %get3A_27 = vector.load %arg3[%get3A_25, %get3A_26] : memref<2x2048xf32, #tpu.memory_space<vmem>>, vector<1x2048xf32>
    %get3A_28 = arith.constant 1 : index
    %get3A_29 = arith.constant 0 : index
    %get3A_30 = vector.load %arg3[%get3A_28, %get3A_29] : memref<2x2048xf32, #tpu.memory_space<vmem>>, vector<1x2048xf32>
    %add3A_31 = arith.addf %get3A_27, %get3A_30 : vector<1x2048xf32>
    %get3A_32 = arith.constant 1 : index
    %get3A_33 = arith.constant 0 : index
    %get3A_34 = vector.load %arg4[%get3A_32, %get3A_33] : memref<2x2048xf32, #tpu.memory_space<vmem>>, vector<1x2048xf32>
    %add3A_35 = arith.addf %add3A_31, %get3A_34 : vector<1x2048xf32>
    %mul3A_36 = arith.mulf %rsqrt3A, %add3A_35 : vector<1x2048xf32>
    %get3A_37 = arith.constant 1 : index
    %get3A_38 = arith.constant 0 : index
    %get3A_39 = vector.load %arg5[%get3A_37, %get3A_38] : memref<2x1xf32, #tpu.memory_space<vmem>>, vector<1x1xf32>
    %get3A_40 = vector.extract %get3A_39[0, 0] : f32 from vector<1x1xf32>
    %add3A_41 = vector.broadcast %get3A_40 : f32 to vector<1x2048xf32>
    %add3A_42 = arith.addf %mul3A_36, %add3A_41 : vector<1x2048xf32>
    %max3A = arith.maximumf %add3A_24, %add3A_42 : vector<1x2048xf32>
    %sub3A = arith.subf %add3A_24, %max3A : vector<1x2048xf32>
    %exp3A = math.exp %sub3A : vector<1x2048xf32>
    %sub3A_43 = arith.subf %add3A_42, %max3A : vector<1x2048xf32>
    %exp3A_44 = math.exp %sub3A_43 : vector<1x2048xf32>
    %add3A_45 = arith.addf %exp3A, %exp3A_44 : vector<1x2048xf32>
    %log3A = math.log %add3A_45 : vector<1x2048xf32>
    %add3A_46 = arith.addf %max3A, %log3A : vector<1x2048xf32>
    %sub3A_47 = arith.subf %add3A_24, %add3A_46 : vector<1x2048xf32>
    %swap3A = arith.constant 0 : index
    %swap3A_48 = arith.constant 0 : index
    %swap3A_49 = vector.load %arg6[%swap3A, %swap3A_48] : memref<2x2048xf32, #tpu.memory_space<vmem>>, vector<1x2048xf32>
    tpu.vector_store %arg6[%swap3A, %swap3A_48], %sub3A_47 {strides = array<i32>} : memref<2x2048xf32, #tpu.memory_space<vmem>>, vector<1x2048xf32>,
    %sub3A_50 = arith.subf %add3A_42, %add3A_46 : vector<1x2048xf32>
    %swap3A_51 = arith.constant 1 : index
    %swap3A_52 = arith.constant 0 : index
    %swap3A_53 = vector.load %arg6[%swap3A_51, %swap3A_52] : memref<2x2048xf32, #tpu.memory_space<vmem>>, vector<1x2048xf32>
    tpu.vector_store %arg6[%swap3A_51, %swap3A_52], %sub3A_50 {strides = array<i32>} : memref<2x2048xf32, #tpu.memory_space<vmem>>, vector<1x2048xf32>,
    return
  }
  func.func @transform_0(%arg0: i32) -> (i32, i32) {
    %c0_i32 = arith.constant 0 : i32
    %c0_i32_0 = arith.constant 0 : i32
    return %c0_i32, %arg0 : i32, i32
  }
  func.func @transform_1(%arg0: i32) -> (i32, i32) {
    %c0_i32 = arith.constant 0 : i32
    %c0_i32_0 = arith.constant 0 : i32
    return %c0_i32, %arg0 : i32, i32
  }
  func.func @transform_2(%arg0: i32) -> (i32, i32) {
    %c0_i32 = arith.constant 0 : i32
    %c0_i32_0 = arith.constant 0 : i32
    return %c0_i32, %arg0 : i32, i32
  }
  func.func @transform_3(%arg0: i32) -> (i32, i32) {
    %c0_i32 = arith.constant 0 : i32
    %c0_i32_0 = arith.constant 0 : i32
    return %c0_i32, %arg0 : i32, i32
  }
  func.func @transform_4(%arg0: i32) -> (i32, i32) {
    %c0_i32 = arith.constant 0 : i32
    %c0_i32_0 = arith.constant 0 : i32
    %c0_i32_1 = arith.constant 0 : i32
    return %c0_i32, %c0_i32_0 : i32, i32
  }
  func.func @transform_5(%arg0: i32) -> (i32, i32) {
    %c0_i32 = arith.constant 0 : i32
    %c0_i32_0 = arith.constant 0 : i32
    return %c0_i32, %arg0 : i32, i32
  }
}

</mosaic_0001>

<sc_bundles>
// kernel: kernel.11.cloned.1.call-start
scs
__scs_entry_jumppad:
0x0: {  	(pc) =	sbr.rel $0x88, $3  }
0x1: {  	(tag) =	ssettag $0x0;
	lr =	simm.s32 $0x1  }
0x2: {  	[smem:$0x3F9B] =	sst lr;
	_ =	strace $0xD0000000  }
0x3: {  	_ = 	snop  }
0x4: {  	_ = 	snop  }
0x5: {  	_ = 	snop  }
0x6: {  	_ = 	snop  }
0x7: {  	_ = 	snop  }
__scs_overlays_trampoline_lowered:
0x8: {  	[smem:$0x3FAA] =	sst s0  }
0x9: {  	[smem:$0x3FAB] =	sst s1  }
0xa: {  	[smem:$0x3FAC] =	sst s2  }
0xb: {  	[smem:$0x3FAD] =	sst s3  }
0xc: {  	[smem:$0x3FAE] =	sst s4  }
0xd: {  	[smem:$0x3FAF] =	sst s5  }
0xe: {  	[smem:$0x3FB0] =	sst s6  }
0xf: {  	[smem:$0x3FB1] =	sst s7  }
0x10: {  	[smem:$0x3FB2] =	sst s8  }
0x11: {  	[smem:$0x3FB3] =	sst s9;
	s0 =	simm.s32 @!p0 $0x0  }
0x12: {  	s1 =	sld [smem:$0x3F99];
	s0 =	simm.s32 @p0 $0x1  }
0x13: {  	[smem:$0x3FB4] =	sst s0;
	s0 =	simm.s32 @!p1 $0x0  }
0x14: {  	s2 =	sld [smem:$0x3F98];
	s0 =	simm.s32 @p1 $0x1  }
0x15: {  	[smem:$0x3FB5] =	sst s0;
	s0 =	simm.s32 @!p2 $0x0  }
0x16: {  	s3 =	sld [smem:$0x3FDB];
	s0 =	simm.s32 @p2 $0x1  }
0x17: {  	s4 =	simm.s32 $0x1BF5;
	[smem:$0x3FB7] =	sst s0  }
0x18: {  	s0 =	sld [smem:$0x3F9A];
	_ =	swait.ge [sflag:s4], $0x0  }
0x19: {  	s7 =	sld [smem:$0x3F9B]  }
0x1a: {  	s8 =	sadd.s32 $0xFFFFE003, lr  }
0x1b: {  	s9 =	sadd.s32 $0xFFFFFEF7, lr;
	s5 =	simm.s32 $0xFFFFFFFF;
	p2 =	slt.u32 s8, $0xFFFFF086  }
0x1c: {  	p1 =	slt.u32 s9, $0xF7A;
	s5 =	simm.s32 @!p2 $0x0  }
0x1d: {  	s5 =	simm.s32 @p1 $0x1;
	p0 =	seq.s32 s7, s2  }
0x1e: {  	s7 =	smul.u32 @!p0 $0xF7A, s2;
	p2 =	seq.s32 @!p0 s5, $0x0  }
0x1f: {  	s9 =	smul.u32 $0xF7A, s1;
	s8 =	simm.s32 @!p0 $0x1BF5;
	p2 =	por !p2, p0  }
0x20: {  	[sflag:s8] =	ssyncset.s32 @!p0 $0xFFFFF086;
	s6 =	sadd.s32 @!p0 s3, s7;
	s7 =	simm.s32 @!p0 $0x108  }
0x21: {  	s3 =	sadd.s32 s3, s9;
	s6 =	sadd.s32 @!p0 $0x88, s6;
	s7 =	simm.s32 @p2 $0x1082  }
0x22: {  	[simem:s7], [sflag:s8] =	dma.local @!p0 [hbm:s6], $0xF7A  }
0x23: {  	s9 =	sor.u32 $0xD0000000, s2;
	s6 =	simm.s32 $0x108;
	_ =	swait.ge @!p0 [sflag:s8], $0x0  }
0x24: {  	s3 =	sadd.s32 $0x88, s3;
	s6 =	simm.s32 @!p1 $0x1082;
	[sflag:s4] =	ssyncset.s32 $0xFFFFF086  }
0x25: {  	[simem:s6], [sflag:s4] =	dma.local [hbm:s3], $0xF7A  }
0x26: {  	[smem:$0x3F9B] =	sst s1;
	(tag) =	ssettag s2;
	_ =	strace s9  }
0x27: {  	s1 =	sld [smem:$0x3FAB]  }
0x28: {  	s2 =	sld [smem:$0x3FAC]  }
0x29: {  	s4 =	sld [smem:$0x3FAE]  }
0x2a: {  	p0 =	seq.s32 s5, $0x0;
	s5 =	sld [smem:$0x3FAF]  }
0x2b: {  	s6 =	sld [smem:$0x3FB0]  }
0x2c: {  	s7 =	sld [smem:$0x3FB1]  }
0x2d: {  	s3 =	simm.s32 $0x108;
	s8 =	sld [smem:$0x3FB2]  }
0x2e: {  	s3 =	simm.s32 @!p0 $0x1082;
	s9 =	sld [smem:$0x3FB3]  }
0x2f: {  	lr =	sadd.s32 s0, s3;
	s0 =	sld [smem:$0x3FAA]  }
0x30: {  	s3 =	sld [smem:$0x3FAD]  }
0x31: {  	[smem:$0x3FB6] =	sst s10  }
0x32: {  	s10 =	sld [smem:$0x3FB4];
	_ =	sdelay $0x3  }
0x33: {  	p0 =	seq.s32 s10, $0x1;
	s10 =	sld [smem:$0x3FB6];
	_ =	sdelay $0x3  }
0x34: {  	[smem:$0x3FB6] =	sst s10  }
0x35: {  	s10 =	sld [smem:$0x3FB5];
	_ =	sdelay $0x3  }
0x36: {  	p1 =	seq.s32 s10, $0x1;
	s10 =	sld [smem:$0x3FB6];
	_ =	sdelay $0x3  }
0x37: {  	[smem:$0x3FB6] =	sst s10  }
0x38: {  	s10 =	sld [smem:$0x3FB7]  }
0x39: {  	_ = 	snop;
	(pc) =	sbr.ind lr, $3  }
0x3a: {  	_ = 	snop  }
0x3b: {  	_ = 	snop  }
0x3c: {  	p2 =	seq.s32 s10, $0x1;
	s10 =	sld [smem:$0x3FB6]  }
0x3d: {  	_ =	shalt  }
0x3e: {  	_ =	shalt  }
0x3f: {  	_ =	shalt  }
0x40: {  	_ =	shalt  }
0x41: {  	_ =	shalt  }
0x42: {  	_ =	shalt  }
0x43: {  	_ =	shalt  }
0x44: {  	_ =	shalt  }
0x45: {  	_ =	shalt  }
0x46: {  	_ =	shalt  }
0x47: {  	_ =	shalt  }
0x48: {  	_ =	shalt  }
0x49: {  	_ =	shalt  }
0x4a: {  	_ =	shalt  }
0x4b: {  	_ =	shalt  }
0x4c: {  	_ =	shalt  }
0x4d: {  	_ =	shalt  }
0x4e: {  	_ =	shalt  }
0x4f: {  	_ =	shalt  }
0x50: {  	_ =	shalt  }
0x51: {  	_ =	shalt  }
0x52: {  	_ =	shalt  }
0x53: {  	_ =	shalt  }
0x54: {  	_ =	shalt  }
0x55: {  	_ =	shalt  }
0x56: {  	_ =	shalt  }
0x57: {  	_ =	shalt  }
0x58: {  	_ =	shalt  }
0x59: {  	_ =	shalt  }
0x5a: {  	_ =	shalt  }
0x5b: {  	_ =	shalt  }
0x5c: {  	_ =	shalt  }
0x5d: {  	_ =	shalt  }
0x5e: {  	_ =	shalt  }
0x5f: {  	_ =	shalt  }
0x60: {  	_ =	shalt  }
0x61: {  	_ =	shalt  }
0x62: {  	_ =	shalt  }
0x63: {  	_ =	shalt  }
0x64: {  	_ =	shalt  }
0x65: {  	_ =	shalt  }
0x66: {  	_ =	shalt  }
0x67: {  	_ =	shalt  }
0x68: {  	_ =	shalt  }
0x69: {  	_ =	shalt  }
0x6a: {  	_ =	shalt  }
0x6b: {  	_ =	shalt  }
0x6c: {  	_ =	shalt  }
0x6d: {  	_ =	shalt  }
0x6e: {  	_ =	shalt  }
0x6f: {  	_ =	shalt  }
0x70: {  	_ =	shalt  }
0x71: {  	_ =	shalt  }
0x72: {  	_ =	shalt  }
0x73: {  	_ =	shalt  }
0x74: {  	_ =	shalt  }
0x75: {  	_ =	shalt  }
0x76: {  	_ =	shalt  }
0x77: {  	_ =	shalt  }
0x78: {  	_ =	shalt  }
0x79: {  	_ =	shalt  }
0x7a: {  	_ =	shalt  }
0x7b: {  	_ =	shalt  }
0x7c: {  	_ =	shalt  }
0x7d: {  	_ =	shalt  }
0x7e: {  	_ =	shalt  }
0x7f: {  	_ =	shalt  }
0x80: {  	_ =	shalt  }
0x81: {  	_ =	shalt  }
0x82: {  	_ =	shalt  }
0x83: {  	_ =	shalt  }
0x84: {  	_ =	shalt  }
0x85: {  	_ =	shalt  }
0x86: {  	_ =	shalt  }
0x87: {  	_ =	shalt  }
.Lfunc_end0:
.L_simem_size_0:
called_computation.1_lowered:
.L_overlay_start_0:
0x88: {  	s2 =	sld [smem:$0x3FD9]  }
0x89: {  	s3 =	sld [smem:$0x3FFE];
	_ =	sdelay $0x1  }
0x8a: {  	s1 =	srdreg.scid  }
0x8b: {  	s0 =	sand.u32 $0x1, s1  }
0x8c: {  	s16 =	sshll.u32 s0, $0xA;
	s2 =	sadd.s32 s3, s2  }
0x8d: {  	s2 =	sadd.s32 s2, s16  }
0x8e: {  	[smem:$0x3FC2] =	sst s2  }
0x8f: {  	_ = 	snop  }
0x90: {  	(tm) =	ssettm $0x1  }
0x91: {  	s17 =	sld [smem:$0x3FFB];
	_ =	sdelay $0x3  }
0x92: {  	_ =	strace s17  }
0x93: {  	s2 =	sld [smem:$0x3FFC];
	_ =	sdelay $0x3  }
0x94: {  	_ =	strace s2  }
0x95: {  	s2 =	sld [smem:$0x3FFD];
	_ =	sdelay $0x3  }
0x96: {  	_ =	strace s2  }
0x97: {  	_ =	strace $0x8FFFFFFF  }
0x98: {  	s18 =	sld [smem:$0x3FDB];
	_ =	sdelay $0x1  }
0x99: {  	s19 =	simm.s32 $_scs_section_size  }
0x9a: {  	s4 =	simm.s32 $_size__tile_overlayer_lowered;
	s5 =	simm.s32 $_tile_overlayer_lowered  }
0x9b: {  	s22 =	simm.s32 $0x1BFF;
	s21 =	sshll.u32 s5, $0x1;
	s2 =	sadd.s32 s19, s18  }
0x9c: {  	s6 =	simm.s32 $0x0;
	s20 =	sshll.u32 s4, $0x1;
	s4 =	sadd.s32 s21, s2  }
0x9d: {  	[timem:s6], [sflag:s22] =	dma.local [hbm:s4], s20  }
0x9e: {  	_ =	swait.ge [sflag:s22], s20  }
0x9f: {  	s3 =	ssub.s32 $0x0, s20;
	[sflag:s22] =	ssyncset.done $0x0  }
0xa0: {  	[sflag:s22] =	ssyncadd.s32 s3;
	_ =	sdelay $0x1  }
0xa1: {  	s23 =	simm.s32 $0x1B8B  }
0xa2: {  	_ =	swait.ge [sflag:s23], $0x1  }
0xa3: {  	[sflag:s23] =	ssyncset.done $0x0  }
0xa4: {  	s25 =	simm.s32 $0x1B8E;
	s24 =	sld [smem:$0x3FFE];
	[sflag:s23] =	ssyncadd.s32 $0xFFFFFFFF  }
0xa5: {  	s26 =	simm.s32 $execute0_lowered;
	[smem:$0x3FD2] =	sst s25  }
0xa6: {  	s4 =	sshll.u32 s26, $0x1;
	_ =	strace $0x80000049;
	[dreg:$0x1] =	wrdreg $0xFFFFFFFF  }
0xa7: {  	s28 =	simm.s32 $_size_execute0_lowered;
	s2 =	sadd.s32 s2, s4;
	[dreg:$0x0] =	wrdreg $0x0  }
0xa8: {  	s4 =	sshll.u32 s28, $0x1;
	[dreg:$0x2] =	wrdreg s2  }
0xa9: {  	[dreg:$0x3] =	wrdreg s4  }
0xaa: {  	[dreg:$0x4] =	wrdreg $0xC0  }
0xab: {  	_ =	task [dreg:s6], $0x5FFFF  }
0xac: {  	[dreg:$0x1] =	wrdreg $0xFFFFFFFF  }
0xad: {  	[dreg:$0x0] =	wrdreg $0x60  }
0xae: {  	[dreg:$0x2] =	wrdreg s24  }
0xaf: {  	[dreg:$0x3] =	wrdreg $0x102200  }
0xb0: {  	[dreg:$0x4] =	wrdreg $0x9  }
0xb1: {  	_ =	task.clear_ibuf [dreg:s6], $0x5FFFF;
	_ =	strace $0x90000049  }
0xb2: {  	s29 =	simm.s32 $0x9;
	_ =	strace $0x8000004B  }
0xb3: {  	_ =	swait.ge [sflag:s29], $0x1  }
0xb4: {  	[sflag:s29] =	ssyncadd.s32 $0xFFFFFFFF  }
0xb5: {  	_ =	strace $0x9000004B  }
0xb6: {  	_ =	sfence  }
0xb7: {  	s30 =	sld [smem:$0x0];
	_ =	sdelay $0x2  }
0xb8: {  	s31 =	sshll.u32 s1, $0xD;
	s1 =	sshrl.u32 s1, $0x2  }
0xb9: {  	s3 =	sand.u32 $0x4000, s31;
	s1 =	sadd.s32 s1, s30  }
0xba: {  	s0 =	sor.u32 s3, s0;
	s1 =	sshll.u32 s1, $0x11  }
0xbb: {  	s0 =	sor.u32 s1, s0  }
0xbc: {  	s0 =	sadd.s32 $0x8F2B, s0  }
0xbd: {  	[sflag:s0] =	ssyncadd.remote.s32 $0x1  }
0xbe: {  	_ =	sfence.sel $0xFFFF  }
0xbf: {  	[dreg:$0x0] =	wrdreg $0xFFFFFFFF;
	(pc) =	sbr.abs _section_cstart, $3  }
0xc0: {  	[dreg:$0x1] =	wrdreg $0xFFFFFFFF  }
0xc1: {  	_ =	task.clear_ibuf [dreg:s6], $0x2FFFF;
	_ =	strace $0x9FFFFFFF  }
0xc2: {  	(tm) =	ssettm $0x7FFFFFFF  }
0xc3: {  	_ =	shalt  }
tec
execute0_lowered:
.L_overlay_start_1:
0x0: {  	(tag) =	ssettag $0x1  }
0x1: {  	s1 =	rddreg [dreg:$0x0]  }
0x2: {  	s0 =	srdreg.scid;
	s2 =	rddreg [dreg:$0x1]  }
0x3: {  	s8 =	stileid.u32;
	s4 =	simm.s32 $0x0;
	s29 =	simm.s32 $0x50  }
0x4: {  	s30 =	simm.s32 $0x4E20;
	s31 =	simm.s32 $0x6220;
	s28 =	simm.s32 $0x7  }
0x5: {  	s0 =	sand.u32 $0x1, s0;
	[smem:$0x7FF] =	sst s4;
	s7 =	smul.u32 $0x28000, s8  }
0x6: {  	s4 =	sadd.s32 $0x15600, s1;
	s24 =	smul.u32 $0xA000, s8;
	s3 =	sshll.u32 s0, $0x4  }
0x7: {  	_ =	strace $0x8000004A;
	s5 =	ssub.s32 $0x2, s0;
	s0 =	smul.u32 $0xA0000, s0  }
0x8: {  	s3 =	sor.u32 s8, s3;
	s6 =	sshrl.u32 s5, $0x1;
	s25 =	sshrl.u32 s7, $0x2  }
0x9: {  	s26 =	sadd.s32 s24, s2;
	s7 =	sor.u32 $0x1400, s24;
	s12 =	sadd.s32 $0x2800, s24  }
0xa: {  	s13 =	sadd.s32 $0x3C00, s24;
	s17 =	sadd.s32 $0x5000, s24;
	s9 =	sadd.s32 $0x6400, s24  }
0xb: {  	s10 =	sadd.s32 $0x7800, s24;
	s20 =	sadd.s32 $0x8C00, s24;
	s3 =	smul.u32 $0x4E2, s3  }
0xc: {  	s5 =	ssub.s32 s5, s6;
	[dreg:$0x5] =	wrdreg s26;
	s14 =	sadd.s32 s7, s2  }
0xd: {  	s15 =	sadd.s32 s12, s2;
	s16 =	sadd.s32 s13, s2;
	[dreg:$0x8] =	wrdreg s14  }
0xe: {  	s11 =	sadd.s32 s17, s2;
	s18 =	sadd.s32 s9, s2;
	[dreg:$0x9] =	wrdreg s15  }
0xf: {  	s19 =	sadd.s32 s10, s2;
	s6 =	sadd.s32 s0, s24;
	[dreg:$0xa] =	wrdreg s16  }
0x10: {  	s8 =	sadd.s32 s0, s17;
	s9 =	sadd.s32 s0, s9;
	[dreg:$0xb] =	wrdreg s11  }
0x11: {  	s10 =	sadd.s32 s0, s10;
	s17 =	simm.s32 $0x2;
	[dreg:$0xc] =	wrdreg s18  }
0x12: {  	s5 =	smax.u32 s5, $0x1;
	[dreg:$0xd] =	wrdreg s19;
	s11 =	sadd.s32 s20, s2  }
0x13: {  	s6 =	sshrl.u32 s6, $0x3;
	s26 =	sshrl.u32 s10, $0x3;
	s18 =	simm.s32 $0x3  }
0x14: {  	s19 =	simm.s32 $0x4;
	s10 =	simm.s32 $0xB;
	s14 =	simm.s32 $0xF  }
0x15: {  	s15 =	simm.s32 $0x10;
	s16 =	simm.s32 $0x0;
	s3 =	sadd.s32 s3, s1  }
0x16: {  	s1 =	sadd.s32 $0x29600, s1;
	[dreg:$0x6] =	wrdreg s5;
	s5 =	sadd.s32 s0, s12  }
0x17: {  	[dreg:$0xe] =	wrdreg s11;
	s11 =	simm.s32 $0xC;
	s23 =	sadd.s32 $0x1A00, s3  }
0x18: {  	s12 =	simm.s32 $0xD;
	s3 =	sadd.s32 $0xB800, s3;
	[dreg:$0x3] =	wrdreg s23  }
0x19: {  	s6 =	sadd.s32 s1, s6;
	s21 =	sshrl.u32 s5, $0x3;
	[dreg:$0x4] =	wrdreg s3  }
0x1a: {  	s5 =	simm.s32 $0x9E20;
	s3 =	sadd.s32 s25, s2;
	[dreg:$0xf] =	wrdreg s6  }
0x1b: {  	s23 =	sshrl.u32 s8, $0x3;
	s25 =	sshrl.u32 s9, $0x3;
	s6 =	simm.s32 $0xB220  }
0x1c: {  	s8 =	simm.s32 $0xDA20;
	s9 =	simm.s32 $0x1;
	[dreg:$0x7] =	wrdreg s3  }
0x1d: {  	s3 =	sadd.s32 s0, s7;
	s7 =	sadd.s32 s0, s13;
	s0 =	sadd.s32 s0, s20  }
0x1e: {  	s24 =	sadd.s32 s1, s23;
	s20 =	simm.s32 $0x5;
	s23 =	simm.s32 $0x9  }
0x1f: {  	s13 =	simm.s32 $0xE;
	s3 =	sshrl.u32 s3, $0x3;
	s22 =	sshrl.u32 s7, $0x3  }
0x20: {  	[dreg:$0x13] =	wrdreg s24;
	s0 =	sshrl.u32 s0, $0x3;
	s3 =	sadd.s32 s1, s3  }
0x21: {  	s7 =	simm.s32 $0xC620;
	s0 =	sadd.s32 s1, s0;
	[dreg:$0x10] =	wrdreg s3  }
0x22: {  	s24 =	simm.s32 $0xA;
	s3 =	sadd.s32 s1, s21;
	[dreg:$0x16] =	wrdreg s0  }
0x23: {  	s0 =	simm.s32 $0x8A20;
	[dreg:$0x11] =	wrdreg s3;
	s3 =	sadd.s32 s1, s22  }
0x24: {  	s21 =	simm.s32 $0x6;
	[dreg:$0x12] =	wrdreg s3;
	s3 =	sadd.s32 s1, s25  }
0x25: {  	s22 =	simm.s32 $0x8;
	[dreg:$0x14] =	wrdreg s3;
	s3 =	sadd.s32 s1, s26  }
0x26: {  	v0 =	vimm.f32 $0.0e+00;
	s26 =	simm.s32 $0x11;
	s1 =	simm.s32 $0x7620;
	[dreg:$0x15] =	wrdreg s3  }
.LBB2_1:
0x27: {  	[dreg:$0x17] =	wrdreg s16;
	s16 =	simm.s32 $0x100;
	s3 =	simm.s32 $0x0  }
.LBB2_2:
0x28: {  	p0 =	sne.s32 s16, $0x4F00;
	[tilespmem:s3+$0xEE50] =	vst v0;
	s25 =	smov.u32 s16;
	s16 =	sadd.s32 $0x100, s16  }
.Ltmp0:
0x29: {  	[tilespmem:s3+$0xEE40] =	vst v0;
	(pc) =	sbr.rel @p0 .LBB2_2-.Ltmp0, $3  }
0x2a: {  	[tilespmem:s3+$0xEE20] =	vst v0  }
0x2b: {  	[tilespmem:s3+$0xEE30] =	vst v0;
	_ =	sdelay $0x1  }
0x2c: {  	s3 =	sshra.s32 s25, $0x2  }
0x2d: {  	[tilespmem:s3+$0xEE50] =	vst v0  }
0x2e: {  	[tilespmem:s3+$0xEE40] =	vst v0  }
0x2f: {  	[tilespmem:s3+$0xEE20] =	vst v0  }
0x30: {  	[tilespmem:s3+$0xEE30] =	vst v0;
	s25 =	rddreg [dreg:$0x7];
	s16 =	simm.s32 $0xEE20  }
0x31: {  	[spmem:s25] =	stream.linear.scatter [tilespmem:s16], [sflag:$0x11], $0x1400, $0x38;
	[tilespmem:$0x1A220] =	vst v63  }
0x32: {  	_ =	swait.ge [sflag:s26], $0x1400  }
0x33: {  	[sflag:s26] =	ssyncset.done $0x0  }
0x34: {  	s25 =	rddreg [dreg:$0x8];
	[sflag:s26] =	ssyncadd.s32 $0xFFFFEC00  }
0x35: {  	[spmem:s25] =	stream.linear.scatter [tilespmem:s16], [sflag:$0x11], $0x1400, $0x38;
	[tilespmem:$0x1A220] =	vst v63  }
0x36: {  	_ =	swait.ge [sflag:s26], $0x1400  }
0x37: {  	[sflag:s26] =	ssyncset.done $0x0  }
0x38: {  	s25 =	rddreg [dreg:$0x9];
	[sflag:s26] =	ssyncadd.s32 $0xFFFFEC00  }
0x39: {  	[spmem:s25] =	stream.linear.scatter [tilespmem:s16], [sflag:$0x11], $0x1400, $0x38;
	[tilespmem:$0x1A220] =	vst v63  }
0x3a: {  	_ =	swait.ge [sflag:s26], $0x1400  }
0x3b: {  	[sflag:s26] =	ssyncset.done $0x0  }
0x3c: {  	s25 =	rddreg [dreg:$0xa];
	[sflag:s26] =	ssyncadd.s32 $0xFFFFEC00  }
0x3d: {  	[spmem:s25] =	stream.linear.scatter [tilespmem:s16], [sflag:$0x11], $0x1400, $0x38;
	[tilespmem:$0x1A220] =	vst v63  }
0x3e: {  	_ =	swait.ge [sflag:s26], $0x1400  }
0x3f: {  	[sflag:s26] =	ssyncset.done $0x0  }
0x40: {  	s25 =	rddreg [dreg:$0xb];
	[sflag:s26] =	ssyncadd.s32 $0xFFFFEC00  }
0x41: {  	[spmem:s25] =	stream.linear.scatter [tilespmem:s16], [sflag:$0x11], $0x1400, $0x38;
	[tilespmem:$0x1A220] =	vst v63  }
0x42: {  	_ =	swait.ge [sflag:s26], $0x1400  }
0x43: {  	[sflag:s26] =	ssyncset.done $0x0  }
0x44: {  	s25 =	rddreg [dreg:$0xc];
	[sflag:s26] =	ssyncadd.s32 $0xFFFFEC00  }
0x45: {  	[spmem:s25] =	stream.linear.scatter [tilespmem:s16], [sflag:$0x11], $0x1400, $0x38;
	[tilespmem:$0x1A220] =	vst v63  }
0x46: {  	_ =	swait.ge [sflag:s26], $0x1400  }
0x47: {  	[sflag:s26] =	ssyncset.done $0x0  }
0x48: {  	s25 =	rddreg [dreg:$0xd];
	[sflag:s26] =	ssyncadd.s32 $0xFFFFEC00  }
0x49: {  	[spmem:s25] =	stream.linear.scatter [tilespmem:s16], [sflag:$0x11], $0x1400, $0x38;
	[tilespmem:$0x1A220] =	vst v63  }
0x4a: {  	_ =	swait.ge [sflag:s26], $0x1400  }
0x4b: {  	[sflag:s26] =	ssyncset.done $0x0  }
0x4c: {  	s25 =	rddreg [dreg:$0xe];
	[sflag:s26] =	ssyncadd.s32 $0xFFFFEC00  }
0x4d: {  	[spmem:s25] =	stream.linear.scatter [tilespmem:s16], [sflag:$0x11], $0x1400, $0x38;
	[tilespmem:$0x1A220] =	vst v63  }
0x4e: {  	_ =	swait.ge [sflag:s26], $0x1400  }
0x4f: {  	[sflag:s26] =	ssyncset.done $0x0  }
0x50: {  	[sflag:s26] =	ssyncadd.s32 $0xFFFFEC00  }
0x51: {  	[bflag:$0x0] =	sbarrier.arrive $0xFFFF  }
0x52: {  	s3 =	simm.s32 $0x0;
	s25 =	rddreg [dreg:$0x3]  }
0x53: {  	[tilespmem:s3], [sflag:$0x11] =	stream.linear.gather [hbm4b:s25+s3], $0x2710, $0x38;
	[tilespmem:$0x1A220] =	vst v63  }
0x54: {  	_ =	swait.ge [sflag:s26], $0x2710  }
0x55: {  	[sflag:s26] =	ssyncset.done $0x0  }
0x56: {  	s25 =	simm.s32 $0x2710;
	s16 =	rddreg [dreg:$0x4];
	[sflag:s26] =	ssyncadd.s32 $0xFFFFD8F0  }
0x57: {  	[tilespmem:s25], [sflag:$0x11] =	stream.linear.gather [hbm4b:s16+s3], $0x2710, $0x38;
	[tilespmem:$0x1A220] =	vst v63  }
0x58: {  	_ =	swait.ge [sflag:s26], $0x2710  }
0x59: {  	[sflag:s26] =	ssyncset.done $0x0  }
0x5a: {  	[sflag:s26] =	ssyncadd.s32 $0xFFFFD8F0  }
0x5b: {  	[tilespmem:s30], [sflag:$0x1] =	stream.indirect.gather [hbm4b:s4+s29], $0x40, s3, s29, $0xb8;
	[tilespmem:$0x1A220] =	vst v63  }
0x5c: {  	_ = 	snop  }
0x5d: {  	[tilespmem:s31], [sflag:$0x2] =	stream.indirect.gather [hbm4b:s4+s29], $0x40, s29, s29, $0xb8;
	[tilespmem:$0x1A220] =	vst v63  }
0x5e: {  	s16 =	simm.s32 $0xA0  }
0x5f: {  	[tilespmem:s1], [sflag:$0x3] =	stream.indirect.gather [hbm4b:s4+s29], $0x40, s16, s29, $0xb8;
	[tilespmem:$0x1A220] =	vst v63  }
0x60: {  	s16 =	simm.s32 $0xF0  }
0x61: {  	[tilespmem:s0], [sflag:$0x4] =	stream.indirect.gather [hbm4b:s4+s29], $0x40, s16, s29, $0xb8;
	[tilespmem:$0x1A220] =	vst v63  }
0x62: {  	s16 =	simm.s32 $0x140  }
0x63: {  	[tilespmem:s5], [sflag:$0x5] =	stream.indirect.gather [hbm4b:s4+s29], $0x40, s16, s29, $0xb8;
	[tilespmem:$0x1A220] =	vst v63  }
0x64: {  	s16 =	simm.s32 $0x190  }
0x65: {  	[tilespmem:s6], [sflag:$0x6] =	stream.indirect.gather [hbm4b:s4+s29], $0x40, s16, s29, $0xb8;
	[tilespmem:$0x1A220] =	vst v63  }
0x66: {  	s16 =	simm.s32 $0x1E0  }
0x67: {  	[tilespmem:s7], [sflag:$0x7] =	stream.indirect.gather [hbm4b:s4+s29], $0x40, s16, s29, $0xb8;
	[tilespmem:$0x1A220] =	vst v63  }
0x68: {  	s16 =	simm.s32 $0x230  }
0x69: {  	[tilespmem:s8], [sflag:$0x8] =	stream.indirect.gather [hbm4b:s4+s29], $0x40, s16, s29, $0xb8;
	[tilespmem:$0x1A220] =	vst v63  }
0x6a: {  	_ =	swait.ge [sflag:s9], $0x1400  }
0x6b: {  	[sflag:s9] =	ssyncset.done $0x0  }
0x6c: {  	[sflag:s9] =	ssyncadd.s32 $0xFFFFEC00  }
0x6d: {  	[spmem:s2] =	stream.indirect.scatter.add.f32 [tilespmem:s30], [sflag:$0x9], $0x40, s25, s29, $0xb8;
	[tilespmem:$0x1A220] =	vst v63  }
0x6e: {  	_ =	swait.ge [sflag:s17], $0x1400  }
0x6f: {  	[sflag:s17] =	ssyncset.done $0x0  }
0x70: {  	s16 =	simm.s32 $0x2760;
	[sflag:s17] =	ssyncadd.s32 $0xFFFFEC00  }
0x71: {  	[spmem:s2] =	stream.indirect.scatter.add.f32 [tilespmem:s31], [sflag:$0xA], $0x40, s16, s29, $0xb8;
	[tilespmem:$0x1A220] =	vst v63  }
0x72: {  	_ =	swait.ge [sflag:s18], $0x1400  }
0x73: {  	[sflag:s18] =	ssyncset.done $0x0  }
0x74: {  	s25 =	simm.s32 $0x27B0;
	[sflag:s18] =	ssyncadd.s32 $0xFFFFEC00  }
0x75: {  	[spmem:s2] =	stream.indirect.scatter.add.f32 [tilespmem:s1], [sflag:$0xB], $0x40, s25, s29, $0xb8;
	[tilespmem:$0x1A220] =	vst v63  }
0x76: {  	_ =	swait.ge [sflag:s19], $0x1400  }
0x77: {  	[sflag:s19] =	ssyncset.done $0x0  }
0x78: {  	s16 =	simm.s32 $0x2800;
	[sflag:s19] =	ssyncadd.s32 $0xFFFFEC00  }
0x79: {  	[spmem:s2] =	stream.indirect.scatter.add.f32 [tilespmem:s0], [sflag:$0xC], $0x40, s16, s29, $0xb8;
	[tilespmem:$0x1A220] =	vst v63  }
0x7a: {  	_ =	swait.ge [sflag:s20], $0x1400  }
0x7b: {  	[sflag:s20] =	ssyncset.done $0x0  }
0x7c: {  	s25 =	simm.s32 $0x2850;
	[sflag:s20] =	ssyncadd.s32 $0xFFFFEC00  }
0x7d: {  	[spmem:s2] =	stream.indirect.scatter.add.f32 [tilespmem:s5], [sflag:$0xD], $0x40, s25, s29, $0xb8;
	[tilespmem:$0x1A220] =	vst v63  }
0x7e: {  	_ =	swait.ge [sflag:s21], $0x1400  }
0x7f: {  	[sflag:s21] =	ssyncset.done $0x0  }
0x80: {  	s16 =	simm.s32 $0x28A0;
	[sflag:s21] =	ssyncadd.s32 $0xFFFFEC00  }
0x81: {  	[spmem:s2] =	stream.indirect.scatter.add.f32 [tilespmem:s6], [sflag:$0xE], $0x40, s16, s29, $0xb8;
	[tilespmem:$0x1A220] =	vst v63  }
0x82: {  	_ =	swait.ge [sflag:s28], $0x1400  }
0x83: {  	[sflag:s28] =	ssyncset.done $0x0  }
0x84: {  	s25 =	simm.s32 $0x28F0;
	[sflag:s28] =	ssyncadd.s32 $0xFFFFEC00  }
0x85: {  	[spmem:s2] =	stream.indirect.scatter.add.f32 [tilespmem:s7], [sflag:$0xF], $0x40, s25, s29, $0xb8;
	[tilespmem:$0x1A220] =	vst v63  }
0x86: {  	_ =	swait.ge [sflag:s22], $0x1400  }
0x87: {  	[sflag:s22] =	ssyncset.done $0x0  }
0x88: {  	s16 =	simm.s32 $0x2940;
	[sflag:s22] =	ssyncadd.s32 $0xFFFFEC00  }
0x89: {  	[spmem:s2] =	stream.indirect.scatter.add.f32 [tilespmem:s8], [sflag:$0x10], $0x40, s16, s29, $0xb8;
	[tilespmem:$0x1A220] =	vst v63  }
0x8a: {  	_ =	swait.ge [sflag:s23], $0x1400  }
0x8b: {  	[sflag:s23] =	ssyncset.done $0x0  }
0x8c: {  	s25 =	simm.s32 $0x280;
	[sflag:s23] =	ssyncadd.s32 $0xFFFFEC00  }
0x8d: {  	[tilespmem:s30], [sflag:$0x1] =	stream.indirect.gather [hbm4b:s4+s29], $0x40, s25, s29, $0xb8;
	[tilespmem:$0x1A220] =	vst v63  }
0x8e: {  	_ =	swait.ge [sflag:s24], $0x1400  }
0x8f: {  	[sflag:s24] =	ssyncset.done $0x0  }
0x90: {  	s16 =	simm.s32 $0x2D0;
	[sflag:s24] =	ssyncadd.s32 $0xFFFFEC00  }
0x91: {  	[tilespmem:s31], [sflag:$0x2] =	stream.indirect.gather [hbm4b:s4+s29], $0x40, s16, s29, $0xb8;
	[tilespmem:$0x1A220] =	vst v63  }
0x92: {  	_ =	swait.ge [sflag:s10], $0x1400  }
0x93: {  	[sflag:s10] =	ssyncset.done $0x0  }
0x94: {  	s25 =	simm.s32 $0x320;
	[sflag:s10] =	ssyncadd.s32 $0xFFFFEC00  }
0x95: {  	[tilespmem:s1], [sflag:$0x3] =	stream.indirect.gather [hbm4b:s4+s29], $0x40, s25, s29, $0xb8;
	[tilespmem:$0x1A220] =	vst v63  }
0x96: {  	_ =	swait.ge [sflag:s11], $0x1400  }
0x97: {  	[sflag:s11] =	ssyncset.done $0x0  }
0x98: {  	s16 =	simm.s32 $0x370;
	[sflag:s11] =	ssyncadd.s32 $0xFFFFEC00  }
0x99: {  	[tilespmem:s0], [sflag:$0x4] =	stream.indirect.gather [hbm4b:s4+s29], $0x40, s16, s29, $0xb8;
	[tilespmem:$0x1A220] =	vst v63  }
0x9a: {  	_ =	swait.ge [sflag:s12], $0x1400  }
0x9b: {  	[sflag:s12] =	ssyncset.done $0x0  }
0x9c: {  	s25 =	simm.s32 $0x3C0;
	[sflag:s12] =	ssyncadd.s32 $0xFFFFEC00  }
0x9d: {  	[tilespmem:s5], [sflag:$0x5] =	stream.indirect.gather [hbm4b:s4+s29], $0x40, s25, s29, $0xb8;
	[tilespmem:$0x1A220] =	vst v63  }
0x9e: {  	_ =	swait.ge [sflag:s13], $0x1400  }
0x9f: {  	[sflag:s13] =	ssyncset.done $0x0  }
0xa0: {  	s16 =	simm.s32 $0x410;
	[sflag:s13] =	ssyncadd.s32 $0xFFFFEC00  }
0xa1: {  	[tilespmem:s6], [sflag:$0x6] =	stream.indirect.gather [hbm4b:s4+s29], $0x40, s16, s29, $0xb8;
	[tilespmem:$0x1A220] =	vst v63  }
0xa2: {  	_ =	swait.ge [sflag:s14], $0x1400  }
0xa3: {  	[sflag:s14] =	ssyncset.done $0x0  }
0xa4: {  	s25 =	simm.s32 $0x460;
	[sflag:s14] =	ssyncadd.s32 $0xFFFFEC00  }
0xa5: {  	[tilespmem:s7], [sflag:$0x7] =	stream.indirect.gather [hbm4b:s4+s29], $0x40, s25, s29, $0xb8;
	[tilespmem:$0x1A220] =	vst v63  }
0xa6: {  	_ =	swait.ge [sflag:s15], $0x1400  }
0xa7: {  	[sflag:s15] =	ssyncset.done $0x0  }
0xa8: {  	s16 =	simm.s32 $0x4B0;
	[sflag:s15] =	ssyncadd.s32 $0xFFFFEC00  }
0xa9: {  	[tilespmem:s8], [sflag:$0x8] =	stream.indirect.gather [hbm4b:s4+s29], $0x40, s16, s29, $0xb8;
	[tilespmem:$0x1A220] =	vst v63  }
0xaa: {  	_ =	swait.ge [sflag:s9], $0x1400  }
0xab: {  	[sflag:s9] =	ssyncset.done $0x0  }
0xac: {  	s25 =	simm.s32 $0x2990;
	[sflag:s9] =	ssyncadd.s32 $0xFFFFEC00  }
0xad: {  	[spmem:s2] =	stream.indirect.scatter.add.f32 [tilespmem:s30], [sflag:$0x9], $0x40, s25, s29, $0xb8;
	[tilespmem:$0x1A220] =	vst v63  }
0xae: {  	_ =	swait.ge [sflag:s17], $0x1400  }
0xaf: {  	[sflag:s17] =	ssyncset.done $0x0  }
0xb0: {  	s16 =	simm.s32 $0x29E0;
	[sflag:s17] =	ssyncadd.s32 $0xFFFFEC00  }
0xb1: {  	[spmem:s2] =	stream.indirect.scatter.add.f32 [tilespmem:s31], [sflag:$0xA], $0x40, s16, s29, $0xb8;
	[tilespmem:$0x1A220] =	vst v63  }
0xb2: {  	_ =	swait.ge [sflag:s18], $0x1400  }
0xb3: {  	[sflag:s18] =	ssyncset.done $0x0  }
0xb4: {  	s25 =	simm.s32 $0x2A30;
	[sflag:s18] =	ssyncadd.s32 $0xFFFFEC00  }
0xb5: {  	[spmem:s2] =	stream.indirect.scatter.add.f32 [tilespmem:s1], [sflag:$0xB], $0x40, s25, s29, $0xb8;
	[tilespmem:$0x1A220] =	vst v63  }
0xb6: {  	_ =	swait.ge [sflag:s19], $0x1400  }
0xb7: {  	[sflag:s19] =	ssyncset.done $0x0  }
0xb8: {  	s16 =	simm.s32 $0x2A80;
	[sflag:s19] =	ssyncadd.s32 $0xFFFFEC00  }
0xb9: {  	[spmem:s2] =	stream.indirect.scatter.add.f32 [tilespmem:s0], [sflag:$0xC], $0x40, s16, s29, $0xb8;
	[tilespmem:$0x1A220] =	vst v63  }
0xba: {  	_ =	swait.ge [sflag:s20], $0x1400  }
0xbb: {  	[sflag:s20] =	ssyncset.done $0x0  }
0xbc: {  	s25 =	simm.s32 $0x2AD0;
	[sflag:s20] =	ssyncadd.s32 $0xFFFFEC00  }
0xbd: {  	[spmem:s2] =	stream.indirect.scatter.add.f32 [tilespmem:s5], [sflag:$0xD], $0x40, s25, s29, $0xb8;
	[tilespmem:$0x1A220] =	vst v63  }
0xbe: {  	_ =	swait.ge [sflag:s21], $0x1400  }
0xbf: {  	[sflag:s21] =	ssyncset.done $0x0  }
0xc0: {  	s16 =	simm.s32 $0x2B20;
	[sflag:s21] =	ssyncadd.s32 $0xFFFFEC00  }
0xc1: {  	[spmem:s2] =	stream.indirect.scatter.add.f32 [tilespmem:s6], [sflag:$0xE], $0x40, s16, s29, $0xb8;
	[tilespmem:$0x1A220] =	vst v63  }
0xc2: {  	_ =	swait.ge [sflag:s28], $0x1400  }
0xc3: {  	[sflag:s28] =	ssyncset.done $0x0  }
0xc4: {  	s25 =	simm.s32 $0x2B70;
	[sflag:s28] =	ssyncadd.s32 $0xFFFFEC00  }
0xc5: {  	[spmem:s2] =	stream.indirect.scatter.add.f32 [tilespmem:s7], [sflag:$0xF], $0x40, s25, s29, $0xb8;
	[tilespmem:$0x1A220] =	vst v63  }
0xc6: {  	_ =	swait.ge [sflag:s22], $0x1400  }
0xc7: {  	[sflag:s22] =	ssyncset.done $0x0  }
0xc8: {  	s3 =	simm.s32 $0xA00;
	s16 =	simm.s32 $0x2BC0;
	[sflag:s22] =	ssyncadd.s32 $0xFFFFEC00  }
.LBB2_4:
0xc9: {  	[spmem:s2] =	stream.indirect.scatter.add.f32 [tilespmem:s8], [sflag:$0x10], $0x40, s16, s29, $0xb8;
	[tilespmem:$0x1A220] =	vst v63  }
0xca: {  	s16 =	smov.u32 s3  }
0xcb: {  	p0 =	sne.s32 s3, $0x8200;
	s3 =	sadd.s32 $0xA00, s3;
	_ =	swait.ge [sflag:s23], $0x1400  }
0xcc: {  	s16 =	sshra.s32 s16, $0x2;
	[sflag:s23] =	ssyncset.done $0x0  }
0xcd: {  	s25 =	sadd.s32 $0x280, s16;
	[sflag:s23] =	ssyncadd.s32 $0xFFFFEC00  }
0xce: {  	[tilespmem:s30], [sflag:$0x1] =	stream.indirect.gather [hbm4b:s4+s29], $0x40, s25, s29, $0xb8;
	[tilespmem:$0x1A220] =	vst v63  }
0xcf: {  	_ =	swait.ge [sflag:s24], $0x1400  }
0xd0: {  	[sflag:s24] =	ssyncset.done $0x0  }
0xd1: {  	s25 =	sadd.s32 $0x2D0, s16;
	[sflag:s24] =	ssyncadd.s32 $0xFFFFEC00  }
0xd2: {  	[tilespmem:s31], [sflag:$0x2] =	stream.indirect.gather [hbm4b:s4+s29], $0x40, s25, s29, $0xb8;
	[tilespmem:$0x1A220] =	vst v63  }
0xd3: {  	_ =	swait.ge [sflag:s10], $0x1400  }
0xd4: {  	[sflag:s10] =	ssyncset.done $0x0  }
0xd5: {  	s25 =	sadd.s32 $0x320, s16;
	[sflag:s10] =	ssyncadd.s32 $0xFFFFEC00  }
0xd6: {  	[tilespmem:s1], [sflag:$0x3] =	stream.indirect.gather [hbm4b:s4+s29], $0x40, s25, s29, $0xb8;
	[tilespmem:$0x1A220] =	vst v63  }
0xd7: {  	_ =	swait.ge [sflag:s11], $0x1400  }
0xd8: {  	[sflag:s11] =	ssyncset.done $0x0  }
0xd9: {  	s25 =	sadd.s32 $0x370, s16;
	[sflag:s11] =	ssyncadd.s32 $0xFFFFEC00  }
0xda: {  	[tilespmem:s0], [sflag:$0x4] =	stream.indirect.gather [hbm4b:s4+s29], $0x40, s25, s29, $0xb8;
	[tilespmem:$0x1A220] =	vst v63  }
0xdb: {  	_ =	swait.ge [sflag:s12], $0x1400  }
0xdc: {  	[sflag:s12] =	ssyncset.done $0x0  }
0xdd: {  	s25 =	sadd.s32 $0x3C0, s16;
	[sflag:s12] =	ssyncadd.s32 $0xFFFFEC00  }
0xde: {  	[tilespmem:s5], [sflag:$0x5] =	stream.indirect.gather [hbm4b:s4+s29], $0x40, s25, s29, $0xb8;
	[tilespmem:$0x1A220] =	vst v63  }
0xdf: {  	_ =	swait.ge [sflag:s13], $0x1400  }
0xe0: {  	[sflag:s13] =	ssyncset.done $0x0  }
0xe1: {  	s25 =	sadd.s32 $0x410, s16;
	[sflag:s13] =	ssyncadd.s32 $0xFFFFEC00  }
0xe2: {  	[tilespmem:s6], [sflag:$0x6] =	stream.indirect.gather [hbm4b:s4+s29], $0x40, s25, s29, $0xb8;
	[tilespmem:$0x1A220] =	vst v63  }
0xe3: {  	_ =	swait.ge [sflag:s14], $0x1400  }
0xe4: {  	[sflag:s14] =	ssyncset.done $0x0  }
0xe5: {  	s25 =	sadd.s32 $0x460, s16;
	[sflag:s14] =	ssyncadd.s32 $0xFFFFEC00  }
0xe6: {  	[tilespmem:s7], [sflag:$0x7] =	stream.indirect.gather [hbm4b:s4+s29], $0x40, s25, s29, $0xb8;
	[tilespmem:$0x1A220] =	vst v63  }
0xe7: {  	_ =	swait.ge [sflag:s15], $0x1400  }
0xe8: {  	[sflag:s15] =	ssyncset.done $0x0  }
0xe9: {  	s25 =	sadd.s32 $0x4B0, s16;
	[sflag:s15] =	ssyncadd.s32 $0xFFFFEC00  }
0xea: {  	[tilespmem:s8], [sflag:$0x8] =	stream.indirect.gather [hbm4b:s4+s29], $0x40, s25, s29, $0xb8;
	[tilespmem:$0x1A220] =	vst v63  }
0xeb: {  	_ =	swait.ge [sflag:s9], $0x1400  }
0xec: {  	[sflag:s9] =	ssyncset.done $0x0  }
0xed: {  	s25 =	sadd.s32 $0x2990, s16;
	[sflag:s9] =	ssyncadd.s32 $0xFFFFEC00  }
0xee: {  	[spmem:s2] =	stream.indirect.scatter.add.f32 [tilespmem:s30], [sflag:$0x9], $0x40, s25, s29, $0xb8;
	[tilespmem:$0x1A220] =	vst v63  }
0xef: {  	_ =	swait.ge [sflag:s17], $0x1400  }
0xf0: {  	[sflag:s17] =	ssyncset.done $0x0  }
0xf1: {  	s25 =	sadd.s32 $0x29E0, s16;
	[sflag:s17] =	ssyncadd.s32 $0xFFFFEC00  }
0xf2: {  	[spmem:s2] =	stream.indirect.scatter.add.f32 [tilespmem:s31], [sflag:$0xA], $0x40, s25, s29, $0xb8;
	[tilespmem:$0x1A220] =	vst v63  }
0xf3: {  	_ =	swait.ge [sflag:s18], $0x1400  }
0xf4: {  	[sflag:s18] =	ssyncset.done $0x0  }
0xf5: {  	s25 =	sadd.s32 $0x2A30, s16;
	[sflag:s18] =	ssyncadd.s32 $0xFFFFEC00  }
0xf6: {  	[spmem:s2] =	stream.indirect.scatter.add.f32 [tilespmem:s1], [sflag:$0xB], $0x40, s25, s29, $0xb8;
	[tilespmem:$0x1A220] =	vst v63  }
0xf7: {  	_ =	swait.ge [sflag:s19], $0x1400  }
0xf8: {  	[sflag:s19] =	ssyncset.done $0x0  }
0xf9: {  	s25 =	sadd.s32 $0x2A80, s16;
	[sflag:s19] =	ssyncadd.s32 $0xFFFFEC00  }
0xfa: {  	[spmem:s2] =	stream.indirect.scatter.add.f32 [tilespmem:s0], [sflag:$0xC], $0x40, s25, s29, $0xb8;
	[tilespmem:$0x1A220] =	vst v63  }
0xfb: {  	_ =	swait.ge [sflag:s20], $0x1400  }
0xfc: {  	[sflag:s20] =	ssyncset.done $0x0  }
0xfd: {  	s25 =	sadd.s32 $0x2AD0, s16;
	[sflag:s20] =	ssyncadd.s32 $0xFFFFEC00  }
0xfe: {  	[spmem:s2] =	stream.indirect.scatter.add.f32 [tilespmem:s5], [sflag:$0xD], $0x40, s25, s29, $0xb8;
	[tilespmem:$0x1A220] =	vst v63  }
0xff: {  	_ =	swait.ge [sflag:s21], $0x1400  }
0x100: {  	[sflag:s21] =	ssyncset.done $0x0  }
0x101: {  	s25 =	sadd.s32 $0x2B20, s16;
	[sflag:s21] =	ssyncadd.s32 $0xFFFFEC00  }
0x102: {  	[spmem:s2] =	stream.indirect.scatter.add.f32 [tilespmem:s6], [sflag:$0xE], $0x40, s25, s29, $0xb8;
	[tilespmem:$0x1A220] =	vst v63  }
0x103: {  	_ =	swait.ge [sflag:s28], $0x1400  }
0x104: {  	[sflag:s28] =	ssyncset.done $0x0  }
.Ltmp1:
0x105: {  	s25 =	sadd.s32 $0x2B70, s16;
	[sflag:s28] =	ssyncadd.s32 $0xFFFFEC00;
	(pc) =	sbr.rel @p0 .LBB2_4-.Ltmp1, $4  }
0x106: {  	[spmem:s2] =	stream.indirect.scatter.add.f32 [tilespmem:s7], [sflag:$0xF], $0x40, s25, s29, $0xb8;
	[tilespmem:$0x1A220] =	vst v63  }
0x107: {  	_ =	swait.ge [sflag:s22], $0x1400  }
0x108: {  	[sflag:s22] =	ssyncset.done $0x0  }
0x109: {  	s16 =	sadd.s32 $0x2BC0, s16;
	[sflag:s22] =	ssyncadd.s32 $0xFFFFEC00  }
0x10a: {  	[spmem:s2] =	stream.indirect.scatter.add.f32 [tilespmem:s8], [sflag:$0x10], $0x40, s16, s29, $0xb8;
	[tilespmem:$0x1A220] =	vst v63  }
0x10b: {  	_ =	swait.ge [sflag:s23], $0x1400  }
0x10c: {  	[sflag:s23] =	ssyncset.done $0x0  }
0x10d: {  	[sflag:s23] =	ssyncadd.s32 $0xFFFFEC00  }
0x10e: {  	_ =	swait.ge [sflag:s24], $0x1400  }
0x10f: {  	[sflag:s24] =	ssyncset.done $0x0  }
0x110: {  	[sflag:s24] =	ssyncadd.s32 $0xFFFFEC00  }
0x111: {  	_ =	swait.ge [sflag:s10], $0x1400  }
0x112: {  	[sflag:s10] =	ssyncset.done $0x0  }
0x113: {  	[sflag:s10] =	ssyncadd.s32 $0xFFFFEC00  }
0x114: {  	_ =	swait.ge [sflag:s11], $0x1400  }
0x115: {  	[sflag:s11] =	ssyncset.done $0x0  }
0x116: {  	[sflag:s11] =	ssyncadd.s32 $0xFFFFEC00  }
0x117: {  	_ =	swait.ge [sflag:s12], $0x1400  }
0x118: {  	[sflag:s12] =	ssyncset.done $0x0  }
0x119: {  	[sflag:s12] =	ssyncadd.s32 $0xFFFFEC00  }
0x11a: {  	_ =	swait.ge [sflag:s13], $0x1400  }
0x11b: {  	[sflag:s13] =	ssyncset.done $0x0  }
0x11c: {  	[sflag:s13] =	ssyncadd.s32 $0xFFFFEC00  }
0x11d: {  	_ =	swait.ge [sflag:s14], $0x1400  }
0x11e: {  	[sflag:s14] =	ssyncset.done $0x0  }
0x11f: {  	[sflag:s14] =	ssyncadd.s32 $0xFFFFEC00  }
0x120: {  	_ =	swait.ge [sflag:s15], $0x1400  }
0x121: {  	[sflag:s15] =	ssyncset.done $0x0  }
0x122: {  	s3 =	simm.s32 $0x2580;
	[sflag:s15] =	ssyncadd.s32 $0xFFFFEC00  }
0x123: {  	[tilespmem:s30], [sflag:$0x1] =	stream.indirect.gather [hbm4b:s4+s29], $0x40, s3, s29, $0xb8;
	[tilespmem:$0x1A220] =	vst v63  }
0x124: {  	s25 =	simm.s32 $0x25D0  }
0x125: {  	[tilespmem:s31], [sflag:$0x2] =	stream.indirect.gather [hbm4b:s4+s29], $0x40, s25, s29, $0xb8;
	[tilespmem:$0x1A220] =	vst v63  }
0x126: {  	s16 =	simm.s32 $0x2620  }
0x127: {  	[tilespmem:s1], [sflag:$0x3] =	stream.indirect.gather [hbm4b:s4+s29], $0x40, s16, s29, $0xb8;
	[tilespmem:$0x1A220] =	vst v63  }
0x128: {  	s25 =	simm.s32 $0x2670  }
0x129: {  	[tilespmem:s0], [sflag:$0x4] =	stream.indirect.gather [hbm4b:s4+s29], $0x40, s25, s29, $0xb8;
	[tilespmem:$0x1A220] =	vst v63  }
0x12a: {  	s16 =	simm.s32 $0x26C0  }
0x12b: {  	[tilespmem:s5], [sflag:$0x5] =	stream.indirect.gather [hbm4b:s4+s29], $0x40, s16, s29, $0xb8;
	[tilespmem:$0x1A220] =	vst v63  }
0x12c: {  	_ =	swait.ge [sflag:s9], $0x1400  }
0x12d: {  	[sflag:s9] =	ssyncset.done $0x0  }
0x12e: {  	s25 =	simm.s32 $0x4C90;
	[sflag:s9] =	ssyncadd.s32 $0xFFFFEC00  }
0x12f: {  	[spmem:s2] =	stream.indirect.scatter.add.f32 [tilespmem:s30], [sflag:$0x9], $0x40, s25, s29, $0xb8;
	[tilespmem:$0x1A220] =	vst v63  }
0x130: {  	_ =	swait.ge [sflag:s17], $0x1400  }
0x131: {  	[sflag:s17] =	ssyncset.done $0x0  }
0x132: {  	s16 =	simm.s32 $0x4CE0;
	[sflag:s17] =	ssyncadd.s32 $0xFFFFEC00  }
0x133: {  	[spmem:s2] =	stream.indirect.scatter.add.f32 [tilespmem:s31], [sflag:$0xA], $0x40, s16, s29, $0xb8;
	[tilespmem:$0x1A220] =	vst v63  }
0x134: {  	_ =	swait.ge [sflag:s18], $0x1400  }
0x135: {  	[sflag:s18] =	ssyncset.done $0x0  }
0x136: {  	s25 =	simm.s32 $0x4D30;
	[sflag:s18] =	ssyncadd.s32 $0xFFFFEC00  }
0x137: {  	[spmem:s2] =	stream.indirect.scatter.add.f32 [tilespmem:s1], [sflag:$0xB], $0x40, s25, s29, $0xb8;
	[tilespmem:$0x1A220] =	vst v63  }
0x138: {  	_ =	swait.ge [sflag:s19], $0x1400  }
0x139: {  	[sflag:s19] =	ssyncset.done $0x0  }
0x13a: {  	s16 =	simm.s32 $0x4D80;
	[sflag:s19] =	ssyncadd.s32 $0xFFFFEC00  }
0x13b: {  	[spmem:s2] =	stream.indirect.scatter.add.f32 [tilespmem:s0], [sflag:$0xC], $0x40, s16, s29, $0xb8;
	[tilespmem:$0x1A220] =	vst v63  }
0x13c: {  	_ =	swait.ge [sflag:s20], $0x1400  }
0x13d: {  	[sflag:s20] =	ssyncset.done $0x0  }
0x13e: {  	s25 =	simm.s32 $0x4DD0;
	[sflag:s20] =	ssyncadd.s32 $0xFFFFEC00  }
0x13f: {  	[spmem:s2] =	stream.indirect.scatter.add.f32 [tilespmem:s5], [sflag:$0xD], $0x40, s25, s29, $0xb8;
	[tilespmem:$0x1A220] =	vst v63  }
0x140: {  	_ =	swait.ge [sflag:s23], $0x1400  }
0x141: {  	[sflag:s23] =	ssyncset.done $0x0  }
0x142: {  	[sflag:s23] =	ssyncadd.s32 $0xFFFFEC00  }
0x143: {  	_ =	swait.ge [sflag:s24], $0x1400  }
0x144: {  	[sflag:s24] =	ssyncset.done $0x0  }
0x145: {  	[sflag:s24] =	ssyncadd.s32 $0xFFFFEC00  }
0x146: {  	_ =	swait.ge [sflag:s10], $0x1400  }
0x147: {  	[sflag:s10] =	ssyncset.done $0x0  }
0x148: {  	[sflag:s10] =	ssyncadd.s32 $0xFFFFEC00  }
0x149: {  	_ =	swait.ge [sflag:s11], $0x1400  }
0x14a: {  	[sflag:s11] =	ssyncset.done $0x0  }
0x14b: {  	[sflag:s11] =	ssyncadd.s32 $0xFFFFEC00  }
0x14c: {  	_ =	swait.ge [sflag:s12], $0x1400  }
0x14d: {  	[sflag:s12] =	ssyncset.done $0x0  }
0x14e: {  	[sflag:s12] =	ssyncadd.s32 $0xFFFFEC00  }
0x14f: {  	[bflag:$0x0] =	sbarrier.arrive $0xFFFF  }
0x150: {  	s25 =	simm.s32 $0xEE20;
	s16 =	rddreg [dreg:$0x5]  }
0x151: {  	[tilespmem:s25], [sflag:$0x11] =	stream.linear.gather [spmem:s16], $0x1400, $0x38;
	[tilespmem:$0x1A220] =	vst v63  }
0x152: {  	_ =	swait.ge [sflag:s26], $0x1400  }
0x153: {  	[sflag:s26] =	ssyncset.done $0x0  }
0x154: {  	s3 =	simm.s32 $0x0;
	s16 =	rddreg [dreg:$0xf];
	[sflag:s26] =	ssyncadd.s32 $0xFFFFEC00  }
0x155: {  	[hbm4b:s16+s3] =	stream.linear.scatter [tilespmem:s25], [sflag:$0x11], $0x1400, $0x38;
	[tilespmem:$0x1A220] =	vst v63  }
0x156: {  	_ =	swait.ge [sflag:s26], $0x1400  }
0x157: {  	[sflag:s26] =	ssyncset.done $0x0  }
0x158: {  	s16 =	rddreg [dreg:$0x8];
	[sflag:s26] =	ssyncadd.s32 $0xFFFFEC00  }
0x159: {  	[tilespmem:s25], [sflag:$0x11] =	stream.linear.gather [spmem:s16], $0x1400, $0x38;
	[tilespmem:$0x1A220] =	vst v63  }
0x15a: {  	_ =	swait.ge [sflag:s26], $0x1400  }
0x15b: {  	[sflag:s26] =	ssyncset.done $0x0  }
0x15c: {  	s16 =	rddreg [dreg:$0x10];
	[sflag:s26] =	ssyncadd.s32 $0xFFFFEC00  }
0x15d: {  	[hbm4b:s16+s3] =	stream.linear.scatter [tilespmem:s25], [sflag:$0x11], $0x1400, $0x38;
	[tilespmem:$0x1A220] =	vst v63  }
0x15e: {  	_ =	swait.ge [sflag:s26], $0x1400  }
0x15f: {  	[sflag:s26] =	ssyncset.done $0x0  }
0x160: {  	s16 =	rddreg [dreg:$0x9];
	[sflag:s26] =	ssyncadd.s32 $0xFFFFEC00  }
0x161: {  	[tilespmem:s25], [sflag:$0x11] =	stream.linear.gather [spmem:s16], $0x1400, $0x38;
	[tilespmem:$0x1A220] =	vst v63  }
0x162: {  	_ =	swait.ge [sflag:s26], $0x1400  }
0x163: {  	[sflag:s26] =	ssyncset.done $0x0  }
0x164: {  	s16 =	rddreg [dreg:$0x11];
	[sflag:s26] =	ssyncadd.s32 $0xFFFFEC00  }
0x165: {  	[hbm4b:s16+s3] =	stream.linear.scatter [tilespmem:s25], [sflag:$0x11], $0x1400, $0x38;
	[tilespmem:$0x1A220] =	vst v63  }
0x166: {  	_ =	swait.ge [sflag:s26], $0x1400  }
0x167: {  	[sflag:s26] =	ssyncset.done $0x0  }
0x168: {  	s16 =	rddreg [dreg:$0xa];
	[sflag:s26] =	ssyncadd.s32 $0xFFFFEC00  }
0x169: {  	[tilespmem:s25], [sflag:$0x11] =	stream.linear.gather [spmem:s16], $0x1400, $0x38;
	[tilespmem:$0x1A220] =	vst v63  }
0x16a: {  	_ =	swait.ge [sflag:s26], $0x1400  }
0x16b: {  	[sflag:s26] =	ssyncset.done $0x0  }
0x16c: {  	s16 =	rddreg [dreg:$0x12];
	[sflag:s26] =	ssyncadd.s32 $0xFFFFEC00  }
0x16d: {  	[hbm4b:s16+s3] =	stream.linear.scatter [tilespmem:s25], [sflag:$0x11], $0x1400, $0x38;
	[tilespmem:$0x1A220] =	vst v63  }
0x16e: {  	_ =	swait.ge [sflag:s26], $0x1400  }
0x16f: {  	[sflag:s26] =	ssyncset.done $0x0  }
0x170: {  	s16 =	rddreg [dreg:$0xb];
	[sflag:s26] =	ssyncadd.s32 $0xFFFFEC00  }
0x171: {  	[tilespmem:s25], [sflag:$0x11] =	stream.linear.gather [spmem:s16], $0x1400, $0x38;
	[tilespmem:$0x1A220] =	vst v63  }
0x172: {  	_ =	swait.ge [sflag:s26], $0x1400  }
0x173: {  	[sflag:s26] =	ssyncset.done $0x0  }
0x174: {  	s16 =	rddreg [dreg:$0x13];
	[sflag:s26] =	ssyncadd.s32 $0xFFFFEC00  }
0x175: {  	[hbm4b:s16+s3] =	stream.linear.scatter [tilespmem:s25], [sflag:$0x11], $0x1400, $0x38;
	[tilespmem:$0x1A220] =	vst v63  }
0x176: {  	_ =	swait.ge [sflag:s26], $0x1400  }
0x177: {  	[sflag:s26] =	ssyncset.done $0x0  }
0x178: {  	s16 =	rddreg [dreg:$0xc];
	[sflag:s26] =	ssyncadd.s32 $0xFFFFEC00  }
0x179: {  	[tilespmem:s25], [sflag:$0x11] =	stream.linear.gather [spmem:s16], $0x1400, $0x38;
	[tilespmem:$0x1A220] =	vst v63  }
0x17a: {  	_ =	swait.ge [sflag:s26], $0x1400  }
0x17b: {  	[sflag:s26] =	ssyncset.done $0x0  }
0x17c: {  	s16 =	rddreg [dreg:$0x14];
	[sflag:s26] =	ssyncadd.s32 $0xFFFFEC00  }
0x17d: {  	[hbm4b:s16+s3] =	stream.linear.scatter [tilespmem:s25], [sflag:$0x11], $0x1400, $0x38;
	[tilespmem:$0x1A220] =	vst v63  }
0x17e: {  	_ =	swait.ge [sflag:s26], $0x1400  }
0x17f: {  	[sflag:s26] =	ssyncset.done $0x0  }
0x180: {  	s16 =	rddreg [dreg:$0xd];
	[sflag:s26] =	ssyncadd.s32 $0xFFFFEC00  }
0x181: {  	[tilespmem:s25], [sflag:$0x11] =	stream.linear.gather [spmem:s16], $0x1400, $0x38;
	[tilespmem:$0x1A220] =	vst v63  }
0x182: {  	_ =	swait.ge [sflag:s26], $0x1400  }
0x183: {  	[sflag:s26] =	ssyncset.done $0x0  }
0x184: {  	s16 =	rddreg [dreg:$0x15];
	[sflag:s26] =	ssyncadd.s32 $0xFFFFEC00  }
0x185: {  	[hbm4b:s16+s3] =	stream.linear.scatter [tilespmem:s25], [sflag:$0x11], $0x1400, $0x38;
	[tilespmem:$0x1A220] =	vst v63  }
0x186: {  	_ =	swait.ge [sflag:s26], $0x1400  }
0x187: {  	[sflag:s26] =	ssyncset.done $0x0  }
0x188: {  	s16 =	rddreg [dreg:$0xe];
	[sflag:s26] =	ssyncadd.s32 $0xFFFFEC00  }
0x189: {  	[tilespmem:s25], [sflag:$0x11] =	stream.linear.gather [spmem:s16], $0x1400, $0x38;
	[tilespmem:$0x1A220] =	vst v63  }
0x18a: {  	_ =	swait.ge [sflag:s26], $0x1400  }
0x18b: {  	[sflag:s26] =	ssyncset.done $0x0  }
0x18c: {  	s16 =	rddreg [dreg:$0x16];
	[sflag:s26] =	ssyncadd.s32 $0xFFFFEC00  }
0x18d: {  	[hbm4b:s16+s3] =	stream.linear.scatter [tilespmem:s25], [sflag:$0x11], $0x1400, $0x38;
	[tilespmem:$0x1A220] =	vst v63  }
0x18e: {  	_ =	swait.ge [sflag:s26], $0x1400  }
0x18f: {  	s3 =	rddreg [dreg:$0x17]  }
0x190: {  	s25 =	rddreg [dreg:$0x6];
	s16 =	sadd.s32 $0x1, s3  }
0x191: {  	p0 =	sne.s32 s16, s25  }
.Ltmp2:
0x192: {  	_ = 	snop;
	(pc) =	sbr.rel @p0 .LBB2_1-.Ltmp2, $3  }
0x193: {  	_ =	sdelay $0x1  }
0x194: {  	[sflag:s26] =	ssyncset.done $0x0  }
0x195: {  	[sflag:s26] =	ssyncadd.s32 $0xFFFFEC00  }
0x196: {  	_ =	sfence.sel $0x180000  }
0x197: {  	[bflag:$0x0] =	sbarrier.arrive $0xFFFF  }
0x198: {  	_ =	strace $0x9000004A  }
0x199: {  	s0 =	stileid.u32;
	[bflag:$0x2] =	sbarrier.arrive $0xFFFF  }
0x19a: {  	p0 =	sne.s32 s0, $0x0;
	s0 =	rddreg [dreg:$0x2]  }
0x19b: {  	s0 =	sadd.s32 @!p0 $0x100000, s0  }
0x19c: {  	[sflag:s0] =	ssyncadd.tile.s32 @!p0 $0x1;
	_ =	shalt  }
.Lfunc_end2:
_tile_overlayer_lowered:
.L_overlay_start_2:
0x19d: {  	(tag) =	ssettag $0x2  }
0x19e: {  	s0 =	rddreg [dreg:$0x0];
	s2 =	stileid.u32  }
0x19f: {  	s1 =	rddreg [dreg:$0x1];
	p0 =	sne.s32 s2, $0x0  }
0x1a0: {  	s3 =	rddreg [dreg:$0x2];
	[bflag:$0x3] =	sbarrier.arrive $0xFFFF;
	s2 =	simm.s32 @!p0 $0x1C11  }
0x1a1: {  	[timem:s3], [sflag:s2] =	dma.local @!p0 [hbm:s0], s1  }
0x1a2: {  	s0 =	simm.s32 @!p0 $0x11  }
0x1a3: {  	_ =	swait.ge @!p0 [sflag:s0], s1  }
0x1a4: {  	s1 =	ssub.s32 @!p0 $0x0, s1;
	[sflag:s0] =	ssyncset.done @!p0 $0x0  }
0x1a5: {  	[sflag:s0] =	ssyncadd.s32 @!p0 s1  }
0x1a6: {  	[bflag:$0x3] =	sbarrier.arrive $0xFFFF  }
0x1a7: {  	_ =	shalt  }

// kernel: kernel.14.cloned.1.call-start
scs
__scs_entry_jumppad:
0x0: {  	(pc) =	sbr.rel $0x88, $3  }
0x1: {  	(tag) =	ssettag $0x0;
	lr =	simm.s32 $0x1  }
0x2: {  	[smem:$0x3F9B] =	sst lr;
	_ =	strace $0xD0000000  }
0x3: {  	_ = 	snop  }
0x4: {  	_ = 	snop  }
0x5: {  	_ = 	snop  }
0x6: {  	_ = 	snop  }
0x7: {  	_ = 	snop  }
__scs_overlays_trampoline_lowered:
0x8: {  	[smem:$0x3FAA] =	sst s0  }
0x9: {  	[smem:$0x3FAB] =	sst s1  }
0xa: {  	[smem:$0x3FAC] =	sst s2  }
0xb: {  	[smem:$0x3FAD] =	sst s3  }
0xc: {  	[smem:$0x3FAE] =	sst s4  }
0xd: {  	[smem:$0x3FAF] =	sst s5  }
0xe: {  	[smem:$0x3FB0] =	sst s6  }
0xf: {  	[smem:$0x3FB1] =	sst s7  }
0x10: {  	[smem:$0x3FB2] =	sst s8  }
0x11: {  	[smem:$0x3FB3] =	sst s9;
	s0 =	simm.s32 @!p0 $0x0  }
0x12: {  	s1 =	sld [smem:$0x3F99];
	s0 =	simm.s32 @p0 $0x1  }
0x13: {  	[smem:$0x3FB4] =	sst s0;
	s0 =	simm.s32 @!p1 $0x0  }
0x14: {  	s2 =	sld [smem:$0x3F98];
	s0 =	simm.s32 @p1 $0x1  }
0x15: {  	[smem:$0x3FB5] =	sst s0;
	s0 =	simm.s32 @!p2 $0x0  }
0x16: {  	s3 =	sld [smem:$0x3FDB];
	s0 =	simm.s32 @p2 $0x1  }
0x17: {  	s4 =	simm.s32 $0x1BF5;
	[smem:$0x3FB7] =	sst s0  }
0x18: {  	s0 =	sld [smem:$0x3F9A];
	_ =	swait.ge [sflag:s4], $0x0  }
0x19: {  	s7 =	sld [smem:$0x3F9B]  }
0x1a: {  	s8 =	sadd.s32 $0xFFFFE003, lr  }
0x1b: {  	s9 =	sadd.s32 $0xFFFFFEF7, lr;
	s5 =	simm.s32 $0xFFFFFFFF;
	p2 =	slt.u32 s8, $0xFFFFF086  }
0x1c: {  	p1 =	slt.u32 s9, $0xF7A;
	s5 =	simm.s32 @!p2 $0x0  }
0x1d: {  	s5 =	simm.s32 @p1 $0x1;
	p0 =	seq.s32 s7, s2  }
0x1e: {  	s7 =	smul.u32 @!p0 $0xF7A, s2;
	p2 =	seq.s32 @!p0 s5, $0x0  }
0x1f: {  	s9 =	smul.u32 $0xF7A, s1;
	s8 =	simm.s32 @!p0 $0x1BF5;
	p2 =	por !p2, p0  }
0x20: {  	[sflag:s8] =	ssyncset.s32 @!p0 $0xFFFFF086;
	s6 =	sadd.s32 @!p0 s3, s7;
	s7 =	simm.s32 @!p0 $0x108  }
0x21: {  	s3 =	sadd.s32 s3, s9;
	s6 =	sadd.s32 @!p0 $0x88, s6;
	s7 =	simm.s32 @p2 $0x1082  }
0x22: {  	[simem:s7], [sflag:s8] =	dma.local @!p0 [hbm:s6], $0xF7A  }
0x23: {  	s9 =	sor.u32 $0xD0000000, s2;
	s6 =	simm.s32 $0x108;
	_ =	swait.ge @!p0 [sflag:s8], $0x0  }
0x24: {  	s3 =	sadd.s32 $0x88, s3;
	s6 =	simm.s32 @!p1 $0x1082;
	[sflag:s4] =	ssyncset.s32 $0xFFFFF086  }
0x25: {  	[simem:s6], [sflag:s4] =	dma.local [hbm:s3], $0xF7A  }
0x26: {  	[smem:$0x3F9B] =	sst s1;
	(tag) =	ssettag s2;
	_ =	strace s9  }
0x27: {  	s1 =	sld [smem:$0x3FAB]  }
0x28: {  	s2 =	sld [smem:$0x3FAC]  }
0x29: {  	s4 =	sld [smem:$0x3FAE]  }
0x2a: {  	p0 =	seq.s32 s5, $0x0;
	s5 =	sld [smem:$0x3FAF]  }
0x2b: {  	s6 =	sld [smem:$0x3FB0]  }
0x2c: {  	s7 =	sld [smem:$0x3FB1]  }
0x2d: {  	s3 =	simm.s32 $0x108;
	s8 =	sld [smem:$0x3FB2]  }
0x2e: {  	s3 =	simm.s32 @!p0 $0x1082;
	s9 =	sld [smem:$0x3FB3]  }
0x2f: {  	lr =	sadd.s32 s0, s3;
	s0 =	sld [smem:$0x3FAA]  }
0x30: {  	s3 =	sld [smem:$0x3FAD]  }
0x31: {  	[smem:$0x3FB6] =	sst s10  }
0x32: {  	s10 =	sld [smem:$0x3FB4];
	_ =	sdelay $0x3  }
0x33: {  	p0 =	seq.s32 s10, $0x1;
	s10 =	sld [smem:$0x3FB6];
	_ =	sdelay $0x3  }
0x34: {  	[smem:$0x3FB6] =	sst s10  }
0x35: {  	s10 =	sld [smem:$0x3FB5];
	_ =	sdelay $0x3  }
0x36: {  	p1 =	seq.s32 s10, $0x1;
	s10 =	sld [smem:$0x3FB6];
	_ =	sdelay $0x3  }
0x37: {  	[smem:$0x3FB6] =	sst s10  }
0x38: {  	s10 =	sld [smem:$0x3FB7]  }
0x39: {  	_ = 	snop;
	(pc) =	sbr.ind lr, $3  }
0x3a: {  	_ = 	snop  }
0x3b: {  	_ = 	snop  }
0x3c: {  	p2 =	seq.s32 s10, $0x1;
	s10 =	sld [smem:$0x3FB6]  }
0x3d: {  	_ =	shalt  }
0x3e: {  	_ =	shalt  }
0x3f: {  	_ =	shalt  }
0x40: {  	_ =	shalt  }
0x41: {  	_ =	shalt  }
0x42: {  	_ =	shalt  }
0x43: {  	_ =	shalt  }
0x44: {  	_ =	shalt  }
0x45: {  	_ =	shalt  }
0x46: {  	_ =	shalt  }
0x47: {  	_ =	shalt  }
0x48: {  	_ =	shalt  }
0x49: {  	_ =	shalt  }
0x4a: {  	_ =	shalt  }
0x4b: {  	_ =	shalt  }
0x4c: {  	_ =	shalt  }
0x4d: {  	_ =	shalt  }
0x4e: {  	_ =	shalt  }
0x4f: {  	_ =	shalt  }
0x50: {  	_ =	shalt  }
0x51: {  	_ =	shalt  }
0x52: {  	_ =	shalt  }
0x53: {  	_ =	shalt  }
0x54: {  	_ =	shalt  }
0x55: {  	_ =	shalt  }
0x56: {  	_ =	shalt  }
0x57: {  	_ =	shalt  }
0x58: {  	_ =	shalt  }
0x59: {  	_ =	shalt  }
0x5a: {  	_ =	shalt  }
0x5b: {  	_ =	shalt  }
0x5c: {  	_ =	shalt  }
0x5d: {  	_ =	shalt  }
0x5e: {  	_ =	shalt  }
0x5f: {  	_ =	shalt  }
0x60: {  	_ =	shalt  }
0x61: {  	_ =	shalt  }
0x62: {  	_ =	shalt  }
0x63: {  	_ =	shalt  }
0x64: {  	_ =	shalt  }
0x65: {  	_ =	shalt  }
0x66: {  	_ =	shalt  }
0x67: {  	_ =	shalt  }
0x68: {  	_ =	shalt  }
0x69: {  	_ =	shalt  }
0x6a: {  	_ =	shalt  }
0x6b: {  	_ =	shalt  }
0x6c: {  	_ =	shalt  }
0x6d: {  	_ =	shalt  }
0x6e: {  	_ =	shalt  }
0x6f: {  	_ =	shalt  }
0x70: {  	_ =	shalt  }
0x71: {  	_ =	shalt  }
0x72: {  	_ =	shalt  }
0x73: {  	_ =	shalt  }
0x74: {  	_ =	shalt  }
0x75: {  	_ =	shalt  }
0x76: {  	_ =	shalt  }
0x77: {  	_ =	shalt  }
0x78: {  	_ =	shalt  }
0x79: {  	_ =	shalt  }
0x7a: {  	_ =	shalt  }
0x7b: {  	_ =	shalt  }
0x7c: {  	_ =	shalt  }
0x7d: {  	_ =	shalt  }
0x7e: {  	_ =	shalt  }
0x7f: {  	_ =	shalt  }
0x80: {  	_ =	shalt  }
0x81: {  	_ =	shalt  }
0x82: {  	_ =	shalt  }
0x83: {  	_ =	shalt  }
0x84: {  	_ =	shalt  }
0x85: {  	_ =	shalt  }
0x86: {  	_ =	shalt  }
0x87: {  	_ =	shalt  }
.Lfunc_end0:
.L_simem_size_0:
called_computation.2_lowered:
.L_overlay_start_0:
0x88: {  	s2 =	sld [smem:$0x3FD9]  }
0x89: {  	s3 =	sld [smem:$0x3FFE];
	_ =	sdelay $0x1  }
0x8a: {  	s1 =	srdreg.scid  }
0x8b: {  	s0 =	sand.u32 $0x1, s1  }
0x8c: {  	s17 =	sshll.u32 s0, $0xA;
	s2 =	sadd.s32 s3, s2  }
0x8d: {  	s2 =	sadd.s32 s2, s17  }
0x8e: {  	[smem:$0x3FC2] =	sst s2  }
0x8f: {  	_ = 	snop  }
0x90: {  	s2 =	sld [smem:$0x3FD0];
	(tm) =	ssettm $0x1  }
0x91: {  	s18 =	sld [smem:$0x3FFB];
	_ =	sdelay $0x3  }
0x92: {  	_ =	strace s18  }
0x93: {  	s3 =	sld [smem:$0x3FFC];
	_ =	sdelay $0x3  }
0x94: {  	_ =	strace s3  }
0x95: {  	s3 =	sld [smem:$0x3FFD];
	_ =	sdelay $0x3  }
0x96: {  	_ =	strace s3  }
0x97: {  	_ =	strace $0x8FFFFFFF  }
0x98: {  	s19 =	sld [smem:$0x3FDB];
	_ =	sdelay $0x1  }
0x99: {  	s4 =	simm.s32 $_scs_section_size  }
0x9a: {  	s5 =	simm.s32 $_size__tile_overlayer_lowered;
	s6 =	simm.s32 $_tile_overlayer_lowered  }
0x9b: {  	s22 =	simm.s32 $0x1BFF;
	s21 =	sshll.u32 s6, $0x1;
	s3 =	sadd.s32 s4, s19  }
0x9c: {  	s7 =	simm.s32 $0x0;
	s20 =	sshll.u32 s5, $0x1;
	s5 =	sadd.s32 s21, s3  }
0x9d: {  	[timem:s7], [sflag:s22] =	dma.local [hbm:s5], s20  }
0x9e: {  	_ =	swait.ge [sflag:s22], s20  }
0x9f: {  	s4 =	ssub.s32 $0x0, s20;
	[sflag:s22] =	ssyncset.done $0x0  }
0xa0: {  	[sflag:s22] =	ssyncadd.s32 s4;
	_ =	sdelay $0x1  }
0xa1: {  	s23 =	simm.s32 $0x1B8B  }
0xa2: {  	_ =	swait.ge [sflag:s23], $0x1  }
0xa3: {  	[sflag:s23] =	ssyncset.done $0x0  }
0xa4: {  	s25 =	simm.s32 $0x1B8E;
	s24 =	sld [smem:$0x3FFE];
	[sflag:s23] =	ssyncadd.s32 $0xFFFFFFFF  }
0xa5: {  	s26 =	simm.s32 $execute0_lowered;
	[smem:$0x3FD2] =	sst s25  }
0xa6: {  	s5 =	sshll.u32 s26, $0x1;
	_ =	strace $0x8000004C;
	[dreg:$0x1] =	wrdreg $0xFFFFFFFF  }
0xa7: {  	s28 =	simm.s32 $_size_execute0_lowered;
	s3 =	sadd.s32 s3, s5;
	[dreg:$0x0] =	wrdreg $0x0  }
0xa8: {  	s5 =	sshll.u32 s28, $0x1;
	[dreg:$0x2] =	wrdreg s3  }
0xa9: {  	[dreg:$0x3] =	wrdreg s5  }
0xaa: {  	[dreg:$0x4] =	wrdreg $0xC0  }
0xab: {  	_ =	task [dreg:s7], $0x5FFFF  }
0xac: {  	[dreg:$0x1] =	wrdreg $0xFFFFFFFF  }
0xad: {  	[dreg:$0x0] =	wrdreg $0x60  }
0xae: {  	[dreg:$0x2] =	wrdreg s24  }
0xaf: {  	[dreg:$0x3] =	wrdreg s2  }
0xb0: {  	[dreg:$0x4] =	wrdreg $0x9FB00  }
0xb1: {  	[dreg:$0x5] =	wrdreg $0xA2300  }
0xb2: {  	[dreg:$0x6] =	wrdreg $0x9  }
0xb3: {  	_ =	task.clear_ibuf [dreg:s7], $0x7FFFF;
	_ =	strace $0x9000004C  }
0xb4: {  	s29 =	simm.s32 $0x9;
	_ =	strace $0x8000004E  }
0xb5: {  	_ =	swait.ge [sflag:s29], $0x1  }
0xb6: {  	[sflag:s29] =	ssyncadd.s32 $0xFFFFFFFF  }
0xb7: {  	_ =	strace $0x9000004E  }
0xb8: {  	_ =	sfence  }
0xb9: {  	s30 =	sld [smem:$0x0];
	_ =	sdelay $0x2  }
0xba: {  	s31 =	sshll.u32 s1, $0xD;
	s1 =	sshrl.u32 s1, $0x2  }
0xbb: {  	s3 =	sand.u32 $0x4000, s31;
	s1 =	sadd.s32 s1, s30  }
0xbc: {  	s0 =	sor.u32 s3, s0;
	s1 =	sshll.u32 s1, $0x11  }
0xbd: {  	s0 =	sor.u32 s1, s0  }
0xbe: {  	s0 =	sadd.s32 $0x8F2B, s0  }
0xbf: {  	[sflag:s0] =	ssyncadd.remote.s32 $0x1  }
0xc0: {  	_ =	sfence.sel $0xFFFF  }
0xc1: {  	[dreg:$0x0] =	wrdreg $0xFFFFFFFF;
	(pc) =	sbr.abs _section_cstart, $3  }
0xc2: {  	[dreg:$0x1] =	wrdreg $0xFFFFFFFF  }
0xc3: {  	_ =	task.clear_ibuf [dreg:s7], $0x2FFFF;
	_ =	strace $0x9FFFFFFF  }
0xc4: {  	(tm) =	ssettm $0x7FFFFFFF  }
0xc5: {  	_ =	shalt  }
tec
execute0_lowered:
.L_overlay_start_1:
0x0: {  	(tag) =	ssettag $0x1  }
0x1: {  	s0 =	rddreg [dreg:$0x0]  }
0x2: {  	s3 =	rddreg [dreg:$0x2]  }
0x3: {  	s4 =	rddreg [dreg:$0x3]  }
0x4: {  	s1 =	srdreg.scid;
	s9 =	stileid.u32  }
0x5: {  	s5 =	simm.s32 $0x0;
	s31 =	simm.s32 $0x9F60;
	s6 =	smul.u32 $0x280, s9  }
0x6: {  	s1 =	sand.u32 $0x1, s1;
	[smem:$0x7FF] =	sst s5;
	s23 =	smul.u32 $0xA00, s9  }
0x7: {  	s8 =	sadd.s32 $0x15600, s0;
	s2 =	sshll.u32 s1, $0x4;
	s7 =	smul.u32 $0x2800, s1  }
0x8: {  	_ =	strace $0x8000004D;
	[dreg:$0x5] =	wrdreg s8;
	s1 =	ssub.s32 $0x2, s1  }
0x9: {  	s2 =	sor.u32 s9, s2;
	s28 =	sshrl.u32 s1, $0x1;
	s10 =	sor.u32 $0x50, s6  }
0xa: {  	s11 =	sadd.s32 s6, s3;
	s13 =	sadd.s32 $0xA0, s6;
	s15 =	sadd.s32 $0xF0, s6  }
0xb: {  	s17 =	sadd.s32 $0x140, s6;
	s19 =	sadd.s32 $0x190, s6;
	s21 =	sadd.s32 $0x1E0, s6  }
0xc: {  	s26 =	sadd.s32 s6, s4;
	s9 =	simm.s32 $0x9E70;
	[dreg:$0x9] =	wrdreg s11  }
0xd: {  	s2 =	smul.u32 $0x4E2, s2;
	s12 =	sadd.s32 s10, s3;
	[dreg:$0x16] =	wrdreg s26  }
0xe: {  	s7 =	sadd.s32 s6, s7;
	s14 =	sadd.s32 s13, s3;
	[dreg:$0xa] =	wrdreg s12  }
0xf: {  	s1 =	ssub.s32 s1, s28;
	s16 =	sadd.s32 s15, s3;
	[dreg:$0xc] =	wrdreg s14  }
0x10: {  	s18 =	sadd.s32 s17, s3;
	s20 =	sadd.s32 s19, s3;
	[dreg:$0xe] =	wrdreg s16  }
0x11: {  	s22 =	sadd.s32 s21, s3;
	s28 =	sadd.s32 $0x230, s6;
	[dreg:$0x10] =	wrdreg s18  }
0x12: {  	s6 =	simm.s32 $0x7620;
	s11 =	simm.s32 $0x9EC0;
	[dreg:$0x12] =	wrdreg s20  }
0x13: {  	s7 =	sshrl.u32 s7, $0x3;
	s1 =	smax.u32 s1, $0x1;
	[dreg:$0x14] =	wrdreg s22  }
0x14: {  	s24 =	sadd.s32 s28, s3;
	s25 =	sadd.s32 s28, s4;
	s12 =	simm.s32 $0x9F10  }
0x15: {  	s14 =	simm.s32 $0x2;
	s16 =	simm.s32 $0x4;
	s18 =	simm.s32 $0x0  }
0x16: {  	s2 =	sadd.s32 s2, s0;
	s0 =	sadd.s32 s7, s0;
	[dreg:$0x8] =	wrdreg s1  }
0x17: {  	s1 =	sadd.s32 s10, s4;
	s7 =	simm.s32 $0x50;
	s10 =	simm.s32 $0x2760  }
0x18: {  	s8 =	sadd.s32 $0x1A00, s2;
	s2 =	sadd.s32 $0xB800, s2;
	[dreg:$0xb] =	wrdreg s1  }
0x19: {  	s1 =	sadd.s32 s15, s4;
	s29 =	sadd.s32 $0x15C00, s0;
	[dreg:$0x6] =	wrdreg s8  }
0x1a: {  	s30 =	sadd.s32 $0x16600, s0;
	s0 =	simm.s32 $0x5;
	[dreg:$0x7] =	wrdreg s2  }
0x1b: {  	s15 =	simm.s32 $0x3;
	s2 =	sadd.s32 s13, s4;
	[dreg:$0xf] =	wrdreg s1  }
0x1c: {  	s1 =	sadd.s32 s19, s4;
	s8 =	simm.s32 $0x9E20;
	[dreg:$0xd] =	wrdreg s2  }
0x1d: {  	s13 =	simm.s32 $0x1;
	s2 =	sadd.s32 s17, s4;
	[dreg:$0x13] =	wrdreg s1  }
0x1e: {  	s1 =	sshrl.u32 s23, $0x2;
	s17 =	simm.s32 $0x4DD0;
	[dreg:$0x11] =	wrdreg s2  }
0x1f: {  	s2 =	sadd.s32 s21, s4;
	s20 =	sadd.s32 s1, s3;
	s21 =	sadd.s32 s1, s4  }
0x20: {  	v0 =	vimm.f32 $0.0e+00;
	s1 =	simm.s32 $0x4E20;
	[dreg:$0x15] =	wrdreg s2;
	s2 =	simm.s32 $0x2710  }
.LBB2_1:
0x21: {  	[tilespmem:$0x9F60] =	vst v0  }
0x22: {  	[tilespmem:$0x9F70] =	vst v0  }
0x23: {  	[tilespmem:$0x9F80] =	vst v0  }
0x24: {  	[tilespmem:$0x9F90] =	vst v0  }
0x25: {  	[tilespmem:$0x9FA0] =	vst v0;
	s19 =	rddreg [dreg:$0x9]  }
0x26: {  	[spmem:s19] =	stream.linear.scatter [tilespmem:s31], [sflag:$0x5], $0x50, $0x38;
	[tilespmem:$0xA4B0] =	vst v63  }
0x27: {  	_ =	swait.ge [sflag:s0], $0x50  }
0x28: {  	[sflag:s0] =	ssyncset.done $0x0  }
0x29: {  	s28 =	rddreg [dreg:$0x16];
	[sflag:s0] =	ssyncadd.s32 $0xFFFFFFB0  }
0x2a: {  	[spmem:s28] =	stream.linear.scatter [tilespmem:s31], [sflag:$0x5], $0x50, $0x38;
	[tilespmem:$0xA4B0] =	vst v63  }
0x2b: {  	_ =	swait.ge [sflag:s0], $0x50  }
0x2c: {  	[sflag:s0] =	ssyncset.done $0x0  }
0x2d: {  	s22 =	rddreg [dreg:$0xa];
	[sflag:s0] =	ssyncadd.s32 $0xFFFFFFB0  }
0x2e: {  	[spmem:s22] =	stream.linear.scatter [tilespmem:s31], [sflag:$0x5], $0x50, $0x38;
	[tilespmem:$0xA4B0] =	vst v63  }
0x2f: {  	_ =	swait.ge [sflag:s0], $0x50  }
0x30: {  	[sflag:s0] =	ssyncset.done $0x0  }
0x31: {  	s23 =	rddreg [dreg:$0xb];
	[sflag:s0] =	ssyncadd.s32 $0xFFFFFFB0  }
0x32: {  	[spmem:s23] =	stream.linear.scatter [tilespmem:s31], [sflag:$0x5], $0x50, $0x38;
	[tilespmem:$0xA4B0] =	vst v63  }
0x33: {  	_ =	swait.ge [sflag:s0], $0x50  }
0x34: {  	[sflag:s0] =	ssyncset.done $0x0  }
0x35: {  	s26 =	rddreg [dreg:$0xc];
	[sflag:s0] =	ssyncadd.s32 $0xFFFFFFB0  }
0x36: {  	[spmem:s26] =	stream.linear.scatter [tilespmem:s31], [sflag:$0x5], $0x50, $0x38;
	[tilespmem:$0xA4B0] =	vst v63  }
0x37: {  	_ =	swait.ge [sflag:s0], $0x50  }
0x38: {  	[sflag:s0] =	ssyncset.done $0x0  }
0x39: {  	s28 =	rddreg [dreg:$0xd];
	[sflag:s0] =	ssyncadd.s32 $0xFFFFFFB0  }
0x3a: {  	[spmem:s28] =	stream.linear.scatter [tilespmem:s31], [sflag:$0x5], $0x50, $0x38;
	[tilespmem:$0xA4B0] =	vst v63  }
0x3b: {  	_ =	swait.ge [sflag:s0], $0x50  }
0x3c: {  	[sflag:s0] =	ssyncset.done $0x0  }
0x3d: {  	s22 =	rddreg [dreg:$0xe];
	[sflag:s0] =	ssyncadd.s32 $0xFFFFFFB0  }
0x3e: {  	[spmem:s22] =	stream.linear.scatter [tilespmem:s31], [sflag:$0x5], $0x50, $0x38;
	[tilespmem:$0xA4B0] =	vst v63  }
0x3f: {  	_ =	swait.ge [sflag:s0], $0x50  }
0x40: {  	[sflag:s0] =	ssyncset.done $0x0  }
0x41: {  	s23 =	rddreg [dreg:$0xf];
	[sflag:s0] =	ssyncadd.s32 $0xFFFFFFB0  }
0x42: {  	[spmem:s23] =	stream.linear.scatter [tilespmem:s31], [sflag:$0x5], $0x50, $0x38;
	[tilespmem:$0xA4B0] =	vst v63  }
0x43: {  	_ =	swait.ge [sflag:s0], $0x50  }
0x44: {  	[sflag:s0] =	ssyncset.done $0x0  }
0x45: {  	s26 =	rddreg [dreg:$0x10];
	[sflag:s0] =	ssyncadd.s32 $0xFFFFFFB0  }
0x46: {  	[spmem:s26] =	stream.linear.scatter [tilespmem:s31], [sflag:$0x5], $0x50, $0x38;
	[tilespmem:$0xA4B0] =	vst v63  }
0x47: {  	_ =	swait.ge [sflag:s0], $0x50  }
0x48: {  	[sflag:s0] =	ssyncset.done $0x0  }
0x49: {  	s28 =	rddreg [dreg:$0x11];
	[sflag:s0] =	ssyncadd.s32 $0xFFFFFFB0  }
0x4a: {  	[spmem:s28] =	stream.linear.scatter [tilespmem:s31], [sflag:$0x5], $0x50, $0x38;
	[tilespmem:$0xA4B0] =	vst v63  }
0x4b: {  	_ =	swait.ge [sflag:s0], $0x50  }
0x4c: {  	[sflag:s0] =	ssyncset.done $0x0  }
0x4d: {  	s22 =	rddreg [dreg:$0x12];
	[sflag:s0] =	ssyncadd.s32 $0xFFFFFFB0  }
0x4e: {  	[spmem:s22] =	stream.linear.scatter [tilespmem:s31], [sflag:$0x5], $0x50, $0x38;
	[tilespmem:$0xA4B0] =	vst v63  }
0x4f: {  	_ =	swait.ge [sflag:s0], $0x50  }
0x50: {  	[sflag:s0] =	ssyncset.done $0x0  }
0x51: {  	s23 =	rddreg [dreg:$0x13];
	[sflag:s0] =	ssyncadd.s32 $0xFFFFFFB0  }
0x52: {  	[spmem:s23] =	stream.linear.scatter [tilespmem:s31], [sflag:$0x5], $0x50, $0x38;
	[tilespmem:$0xA4B0] =	vst v63  }
0x53: {  	_ =	swait.ge [sflag:s0], $0x50  }
0x54: {  	[sflag:s0] =	ssyncset.done $0x0  }
0x55: {  	s26 =	rddreg [dreg:$0x14];
	[sflag:s0] =	ssyncadd.s32 $0xFFFFFFB0  }
0x56: {  	[spmem:s26] =	stream.linear.scatter [tilespmem:s31], [sflag:$0x5], $0x50, $0x38;
	[tilespmem:$0xA4B0] =	vst v63  }
0x57: {  	_ =	swait.ge [sflag:s0], $0x50  }
0x58: {  	[sflag:s0] =	ssyncset.done $0x0  }
0x59: {  	s28 =	rddreg [dreg:$0x15];
	[sflag:s0] =	ssyncadd.s32 $0xFFFFFFB0  }
0x5a: {  	[spmem:s28] =	stream.linear.scatter [tilespmem:s31], [sflag:$0x5], $0x50, $0x38;
	[tilespmem:$0xA4B0] =	vst v63  }
0x5b: {  	_ =	swait.ge [sflag:s0], $0x50  }
0x5c: {  	[sflag:s0] =	ssyncset.done $0x0  }
0x5d: {  	[sflag:s0] =	ssyncadd.s32 $0xFFFFFFB0  }
0x5e: {  	[spmem:s24] =	stream.linear.scatter [tilespmem:s31], [sflag:$0x5], $0x50, $0x38;
	[tilespmem:$0xA4B0] =	vst v63  }
0x5f: {  	_ =	swait.ge [sflag:s0], $0x50  }
0x60: {  	[sflag:s0] =	ssyncset.done $0x0  }
0x61: {  	[sflag:s0] =	ssyncadd.s32 $0xFFFFFFB0  }
0x62: {  	[spmem:s25] =	stream.linear.scatter [tilespmem:s31], [sflag:$0x5], $0x50, $0x38;
	[tilespmem:$0xA4B0] =	vst v63  }
0x63: {  	_ =	swait.ge [sflag:s0], $0x50  }
0x64: {  	[sflag:s0] =	ssyncset.done $0x0  }
0x65: {  	[sflag:s0] =	ssyncadd.s32 $0xFFFFFFB0  }
0x66: {  	[bflag:$0x0] =	sbarrier.arrive $0xFFFF  }
0x67: {  	s22 =	rddreg [dreg:$0x6]  }
0x68: {  	[tilespmem:s5], [sflag:$0x5] =	stream.linear.gather [hbm4b:s22+s5], $0x2710, $0x38;
	[tilespmem:$0xA4B0] =	vst v63  }
0x69: {  	_ =	swait.ge [sflag:s0], $0x2710  }
0x6a: {  	[sflag:s0] =	ssyncset.done $0x0  }
0x6b: {  	s23 =	rddreg [dreg:$0x7];
	[sflag:s0] =	ssyncadd.s32 $0xFFFFD8F0  }
0x6c: {  	[tilespmem:s2], [sflag:$0x5] =	stream.linear.gather [hbm4b:s23+s5], $0x2710, $0x38;
	[tilespmem:$0xA4B0] =	vst v63  }
0x6d: {  	_ =	swait.ge [sflag:s0], $0x2710  }
0x6e: {  	[sflag:s0] =	ssyncset.done $0x0  }
0x6f: {  	s26 =	rddreg [dreg:$0x5];
	[sflag:s0] =	ssyncadd.s32 $0xFFFFD8F0  }
0x70: {  	[tilespmem:s1], [sflag:$0x5] =	stream.linear.gather [hbm4b:s26+s5], $0x2800, $0x38;
	[tilespmem:$0xA4B0] =	vst v63  }
0x71: {  	_ =	swait.ge [sflag:s0], $0x2800  }
0x72: {  	[sflag:s0] =	ssyncset.done $0x0  }
0x73: {  	[sflag:s0] =	ssyncadd.s32 $0xFFFFD800  }
0x74: {  	s28 =	rddreg [dreg:$0x1]  }
0x75: {  	[tilespmem:s6], [sflag:$0x5] =	stream.linear.gather [hbm4b:s28+s5], $0x2800, $0x38;
	[tilespmem:$0xA4B0] =	vst v63  }
0x76: {  	_ =	swait.ge [sflag:s0], $0x2800  }
0x77: {  	[sflag:s0] =	ssyncset.done $0x0  }
0x78: {  	[sflag:s0] =	ssyncadd.s32 $0xFFFFD800  }
0x79: {  	v1 =	vld [tilespmem:$0x0];
	_ =	sdelay $0x7  }
0x7a: {  	v2 =	vld.idx.msk [tilespmem:v1+s1+$0x0], $0xffff;
	_ =	sdelay $0x3  }
0x7b: {  	v3 =	vld [tilespmem:$0x10]  }
0x7c: {  	[tilespmem:$0x9E20] =	vst v2  }
0x7d: {  	v1 =	vld.idx.msk [tilespmem:v1+s6+$0x0], $0xffff;
	_ =	sdelay $0x4  }
0x7e: {  	[tilespmem:$0x9E70] =	vst v1  }
0x7f: {  	v1 =	vld.idx.msk [tilespmem:v3+s1+$0x0], $0xffff;
	_ =	sdelay $0x3  }
0x80: {  	v2 =	vld [tilespmem:$0x20]  }
0x81: {  	[tilespmem:$0x9E30] =	vst v1  }
0x82: {  	v1 =	vld.idx.msk [tilespmem:v3+s6+$0x0], $0xffff;
	_ =	sdelay $0x4  }
0x83: {  	[tilespmem:$0x9E80] =	vst v1  }
0x84: {  	v1 =	vld.idx.msk [tilespmem:v2+s1+$0x0], $0xffff;
	_ =	sdelay $0x3  }
0x85: {  	v3 =	vld [tilespmem:$0x30]  }
0x86: {  	[tilespmem:$0x9E40] =	vst v1  }
0x87: {  	v1 =	vld.idx.msk [tilespmem:v2+s6+$0x0], $0xffff;
	_ =	sdelay $0x4  }
0x88: {  	[tilespmem:$0x9E90] =	vst v1  }
0x89: {  	v1 =	vld.idx.msk [tilespmem:v3+s1+$0x0], $0xffff;
	_ =	sdelay $0x3  }
0x8a: {  	v2 =	vld [tilespmem:$0x40]  }
0x8b: {  	[tilespmem:$0x9E50] =	vst v1  }
0x8c: {  	v1 =	vld.idx.msk [tilespmem:v3+s6+$0x0], $0xffff;
	_ =	sdelay $0x4  }
0x8d: {  	[tilespmem:$0x9EA0] =	vst v1  }
0x8e: {  	v1 =	vld.idx.msk [tilespmem:v2+s1+$0x0], $0xffff;
	_ =	sdelay $0x4  }
0x8f: {  	[tilespmem:$0x9E60] =	vst v1  }
0x90: {  	v1 =	vld.idx.msk [tilespmem:v2+s6+$0x0], $0xffff;
	_ =	sdelay $0x4  }
0x91: {  	[tilespmem:$0x9EB0] =	vst v1  }
0x92: {  	[spmem:s3] =	stream.indirect.scatter.add.f32 [tilespmem:s8], [sflag:$0x1], $0x1, s2, s7, $0xb8;
	[tilespmem:$0xA4B0] =	vst v63  }
0x93: {  	_ = 	snop  }
0x94: {  	[spmem:s4] =	stream.indirect.scatter.add.f32 [tilespmem:s9], [sflag:$0x2], $0x1, s2, s7, $0xb8;
	[tilespmem:$0xA4B0] =	vst v63  }
0x95: {  	v1 =	vld [tilespmem:$0x50];
	_ =	sdelay $0x7  }
0x96: {  	v2 =	vld.idx.msk [tilespmem:v1+s1+$0x0], $0xffff;
	_ =	sdelay $0x3  }
0x97: {  	v3 =	vld [tilespmem:$0x60]  }
0x98: {  	[tilespmem:$0x9EC0] =	vst v2  }
0x99: {  	v1 =	vld.idx.msk [tilespmem:v1+s6+$0x0], $0xffff;
	_ =	sdelay $0x4  }
0x9a: {  	[tilespmem:$0x9F10] =	vst v1  }
0x9b: {  	v1 =	vld.idx.msk [tilespmem:v3+s1+$0x0], $0xffff;
	_ =	sdelay $0x3  }
0x9c: {  	v2 =	vld [tilespmem:$0x70]  }
0x9d: {  	[tilespmem:$0x9ED0] =	vst v1  }
0x9e: {  	v1 =	vld.idx.msk [tilespmem:v3+s6+$0x0], $0xffff;
	_ =	sdelay $0x4  }
0x9f: {  	[tilespmem:$0x9F20] =	vst v1  }
0xa0: {  	v1 =	vld.idx.msk [tilespmem:v2+s1+$0x0], $0xffff;
	_ =	sdelay $0x3  }
0xa1: {  	v3 =	vld [tilespmem:$0x80]  }
0xa2: {  	[tilespmem:$0x9EE0] =	vst v1  }
0xa3: {  	v1 =	vld.idx.msk [tilespmem:v2+s6+$0x0], $0xffff;
	_ =	sdelay $0x4  }
0xa4: {  	[tilespmem:$0x9F30] =	vst v1  }
0xa5: {  	v1 =	vld.idx.msk [tilespmem:v3+s1+$0x0], $0xffff;
	_ =	sdelay $0x3  }
0xa6: {  	v2 =	vld [tilespmem:$0x90]  }
0xa7: {  	[tilespmem:$0x9EF0] =	vst v1  }
0xa8: {  	v1 =	vld.idx.msk [tilespmem:v3+s6+$0x0], $0xffff;
	_ =	sdelay $0x4  }
0xa9: {  	[tilespmem:$0x9F40] =	vst v1  }
0xaa: {  	v1 =	vld.idx.msk [tilespmem:v2+s1+$0x0], $0xffff;
	_ =	sdelay $0x4  }
0xab: {  	[tilespmem:$0x9F00] =	vst v1  }
0xac: {  	v1 =	vld.idx.msk [tilespmem:v2+s6+$0x0], $0xffff;
	_ =	sdelay $0x4  }
0xad: {  	[tilespmem:$0x9F50] =	vst v1  }
0xae: {  	[spmem:s3] =	stream.indirect.scatter.add.f32 [tilespmem:s11], [sflag:$0x3], $0x1, s10, s7, $0xb8;
	[tilespmem:$0xA4B0] =	vst v63  }
0xaf: {  	s19 =	simm.s32 $0x0  }
0xb0: {  	[spmem:s4] =	stream.indirect.scatter.add.f32 [tilespmem:s12], [sflag:$0x4], $0x1, s10, s7, $0xb8;
	[tilespmem:$0xA4B0] =	vst v63  }
.LBB2_2:
0xb1: {  	_ =	swait.ge [sflag:s13], $0x50  }
0xb2: {  	[sflag:s13] =	ssyncset.done $0x0  }
0xb3: {  	[sflag:s13] =	ssyncadd.s32 $0xFFFFFFB0  }
0xb4: {  	_ =	swait.ge [sflag:s14], $0x50  }
0xb5: {  	[sflag:s14] =	ssyncset.done $0x0  }
0xb6: {  	s26 =	sshra.s32 s19, $0x2;
	[sflag:s14] =	ssyncadd.s32 $0xFFFFFFB0  }
0xb7: {  	v1 =	vld [tilespmem:s26+$0xA0];
	_ =	sdelay $0x7  }
0xb8: {  	v2 =	vld.idx.msk [tilespmem:v1+s1+$0x0], $0xffff;
	_ =	sdelay $0x4  }
0xb9: {  	[tilespmem:$0x9E20] =	vst v2  }
0xba: {  	v1 =	vld.idx.msk [tilespmem:v1+s6+$0x0], $0xffff;
	_ =	sdelay $0x4  }
0xbb: {  	[tilespmem:$0x9E70] =	vst v1  }
0xbc: {  	v1 =	vld [tilespmem:s26+$0xB0];
	_ =	sdelay $0x7  }
0xbd: {  	v2 =	vld.idx.msk [tilespmem:v1+s1+$0x0], $0xffff;
	_ =	sdelay $0x4  }
0xbe: {  	[tilespmem:$0x9E30] =	vst v2  }
0xbf: {  	v1 =	vld.idx.msk [tilespmem:v1+s6+$0x0], $0xffff;
	_ =	sdelay $0x4  }
0xc0: {  	[tilespmem:$0x9E80] =	vst v1  }
0xc1: {  	v1 =	vld [tilespmem:s26+$0xC0];
	_ =	sdelay $0x7  }
0xc2: {  	v2 =	vld.idx.msk [tilespmem:v1+s1+$0x0], $0xffff;
	_ =	sdelay $0x4  }
0xc3: {  	[tilespmem:$0x9E40] =	vst v2  }
0xc4: {  	v1 =	vld.idx.msk [tilespmem:v1+s6+$0x0], $0xffff;
	_ =	sdelay $0x4  }
0xc5: {  	[tilespmem:$0x9E90] =	vst v1  }
0xc6: {  	v1 =	vld [tilespmem:s26+$0xD0];
	_ =	sdelay $0x7  }
0xc7: {  	v2 =	vld.idx.msk [tilespmem:v1+s1+$0x0], $0xffff;
	_ =	sdelay $0x4  }
0xc8: {  	[tilespmem:$0x9E50] =	vst v2  }
0xc9: {  	v1 =	vld.idx.msk [tilespmem:v1+s6+$0x0], $0xffff;
	_ =	sdelay $0x4  }
0xca: {  	[tilespmem:$0x9EA0] =	vst v1  }
0xcb: {  	v1 =	vld [tilespmem:s26+$0xE0];
	_ =	sdelay $0x7  }
0xcc: {  	v2 =	vld.idx.msk [tilespmem:v1+s1+$0x0], $0xffff;
	_ =	sdelay $0x4  }
0xcd: {  	[tilespmem:$0x9E60] =	vst v2  }
0xce: {  	v1 =	vld.idx.msk [tilespmem:v1+s6+$0x0], $0xffff;
	_ =	sdelay $0x4  }
0xcf: {  	s28 =	sadd.s32 $0x27B0, s26;
	[tilespmem:$0x9EB0] =	vst v1  }
0xd0: {  	[spmem:s3] =	stream.indirect.scatter.add.f32 [tilespmem:s8], [sflag:$0x1], $0x1, s28, s7, $0xb8;
	[tilespmem:$0xA4B0] =	vst v63  }
0xd1: {  	_ = 	snop  }
0xd2: {  	[spmem:s4] =	stream.indirect.scatter.add.f32 [tilespmem:s9], [sflag:$0x2], $0x1, s28, s7, $0xb8;
	[tilespmem:$0xA4B0] =	vst v63  }
0xd3: {  	_ =	swait.ge [sflag:s15], $0x50  }
0xd4: {  	[sflag:s15] =	ssyncset.done $0x0  }
0xd5: {  	[sflag:s15] =	ssyncadd.s32 $0xFFFFFFB0  }
0xd6: {  	_ =	swait.ge [sflag:s16], $0x50  }
0xd7: {  	[sflag:s16] =	ssyncset.done $0x0  }
0xd8: {  	[sflag:s16] =	ssyncadd.s32 $0xFFFFFFB0  }
0xd9: {  	v1 =	vld [tilespmem:s26+$0xF0];
	_ =	sdelay $0x7  }
0xda: {  	v2 =	vld.idx.msk [tilespmem:v1+s1+$0x0], $0xffff;
	_ =	sdelay $0x4  }
0xdb: {  	[tilespmem:$0x9EC0] =	vst v2  }
0xdc: {  	v1 =	vld.idx.msk [tilespmem:v1+s6+$0x0], $0xffff;
	_ =	sdelay $0x4  }
0xdd: {  	[tilespmem:$0x9F10] =	vst v1  }
0xde: {  	v1 =	vld [tilespmem:s26+$0x100];
	_ =	sdelay $0x7  }
0xdf: {  	v2 =	vld.idx.msk [tilespmem:v1+s1+$0x0], $0xffff;
	_ =	sdelay $0x4  }
0xe0: {  	[tilespmem:$0x9ED0] =	vst v2  }
0xe1: {  	v1 =	vld.idx.msk [tilespmem:v1+s6+$0x0], $0xffff;
	_ =	sdelay $0x4  }
0xe2: {  	[tilespmem:$0x9F20] =	vst v1  }
0xe3: {  	v1 =	vld [tilespmem:s26+$0x110];
	_ =	sdelay $0x7  }
0xe4: {  	v2 =	vld.idx.msk [tilespmem:v1+s1+$0x0], $0xffff;
	_ =	sdelay $0x4  }
0xe5: {  	[tilespmem:$0x9EE0] =	vst v2  }
0xe6: {  	v1 =	vld.idx.msk [tilespmem:v1+s6+$0x0], $0xffff;
	_ =	sdelay $0x4  }
0xe7: {  	[tilespmem:$0x9F30] =	vst v1  }
0xe8: {  	v1 =	vld [tilespmem:s26+$0x120];
	_ =	sdelay $0x7  }
0xe9: {  	v2 =	vld.idx.msk [tilespmem:v1+s1+$0x0], $0xffff;
	_ =	sdelay $0x4  }
0xea: {  	[tilespmem:$0x9EF0] =	vst v2  }
0xeb: {  	v1 =	vld.idx.msk [tilespmem:v1+s6+$0x0], $0xffff;
	_ =	sdelay $0x4  }
0xec: {  	[tilespmem:$0x9F40] =	vst v1  }
0xed: {  	v1 =	vld [tilespmem:s26+$0x130];
	_ =	sdelay $0x7  }
0xee: {  	v2 =	vld.idx.msk [tilespmem:v1+s1+$0x0], $0xffff;
	_ =	sdelay $0x4  }
0xef: {  	[tilespmem:$0x9F00] =	vst v2  }
0xf0: {  	v1 =	vld.idx.msk [tilespmem:v1+s6+$0x0], $0xffff;
	_ =	sdelay $0x2  }
0xf1: {  	p0 =	sne.s32 s19, $0x9600  }
.Ltmp0:
0xf2: {  	_ = 	snop;
	(pc) =	sbr.rel @p0 .LBB2_2-.Ltmp0, $4  }
0xf3: {  	s26 =	sadd.s32 $0x2800, s26;
	[tilespmem:$0x9F50] =	vst v1  }
0xf4: {  	[spmem:s3] =	stream.indirect.scatter.add.f32 [tilespmem:s11], [sflag:$0x3], $0x1, s26, s7, $0xb8;
	[tilespmem:$0xA4B0] =	vst v63  }
0xf5: {  	s19 =	sadd.s32 $0x280, s19  }
0xf6: {  	[spmem:s4] =	stream.indirect.scatter.add.f32 [tilespmem:s12], [sflag:$0x4], $0x1, s26, s7, $0xb8;
	[tilespmem:$0xA4B0] =	vst v63  }
0xf7: {  	_ =	swait.ge [sflag:s13], $0x50  }
0xf8: {  	[sflag:s13] =	ssyncset.done $0x0  }
0xf9: {  	[sflag:s13] =	ssyncadd.s32 $0xFFFFFFB0  }
0xfa: {  	_ =	swait.ge [sflag:s14], $0x50  }
0xfb: {  	[sflag:s14] =	ssyncset.done $0x0  }
0xfc: {  	[sflag:s14] =	ssyncadd.s32 $0xFFFFFFB0  }
0xfd: {  	v1 =	vld [tilespmem:$0x26C0];
	_ =	sdelay $0x7  }
0xfe: {  	v2 =	vld.idx.msk [tilespmem:v1+s1+$0x0], $0xffff;
	_ =	sdelay $0x3  }
0xff: {  	v3 =	vld [tilespmem:$0x26D0]  }
0x100: {  	[tilespmem:$0x9E20] =	vst v2  }
0x101: {  	v1 =	vld.idx.msk [tilespmem:v1+s6+$0x0], $0xffff;
	_ =	sdelay $0x4  }
0x102: {  	[tilespmem:$0x9E70] =	vst v1  }
0x103: {  	v1 =	vld.idx.msk [tilespmem:v3+s1+$0x0], $0xffff;
	_ =	sdelay $0x3  }
0x104: {  	v2 =	vld [tilespmem:$0x26E0]  }
0x105: {  	[tilespmem:$0x9E30] =	vst v1  }
0x106: {  	v1 =	vld.idx.msk [tilespmem:v3+s6+$0x0], $0xffff;
	_ =	sdelay $0x4  }
0x107: {  	[tilespmem:$0x9E80] =	vst v1  }
0x108: {  	v1 =	vld.idx.msk [tilespmem:v2+s1+$0x0], $0xffff;
	_ =	sdelay $0x3  }
0x109: {  	v3 =	vld [tilespmem:$0x26F0]  }
0x10a: {  	[tilespmem:$0x9E40] =	vst v1  }
0x10b: {  	v1 =	vld.idx.msk [tilespmem:v2+s6+$0x0], $0xffff;
	_ =	sdelay $0x4  }
0x10c: {  	[tilespmem:$0x9E90] =	vst v1  }
0x10d: {  	v1 =	vld.idx.msk [tilespmem:v3+s1+$0x0], $0xffff;
	_ =	sdelay $0x3  }
0x10e: {  	v2 =	vld [tilespmem:$0x2700]  }
0x10f: {  	[tilespmem:$0x9E50] =	vst v1  }
0x110: {  	v1 =	vld.idx.msk [tilespmem:v3+s6+$0x0], $0xffff;
	_ =	sdelay $0x4  }
0x111: {  	[tilespmem:$0x9EA0] =	vst v1  }
0x112: {  	v1 =	vld.idx.msk [tilespmem:v2+s1+$0x0], $0xffff;
	_ =	sdelay $0x4  }
0x113: {  	[tilespmem:$0x9E60] =	vst v1  }
0x114: {  	v1 =	vld.idx.msk [tilespmem:v2+s6+$0x0], $0xffff;
	_ =	sdelay $0x4  }
0x115: {  	[tilespmem:$0x9EB0] =	vst v1  }
0x116: {  	[spmem:s3] =	stream.indirect.scatter.add.f32 [tilespmem:s8], [sflag:$0x5], $0x1, s17, s7, $0xb8;
	[tilespmem:$0xA4B0] =	vst v63  }
0x117: {  	_ =	swait.ge [sflag:s0], $0x50  }
0x118: {  	[sflag:s0] =	ssyncset.done $0x0  }
0x119: {  	[sflag:s0] =	ssyncadd.s32 $0xFFFFFFB0  }
0x11a: {  	[spmem:s4] =	stream.indirect.scatter.add.f32 [tilespmem:s9], [sflag:$0x5], $0x1, s17, s7, $0xb8;
	[tilespmem:$0xA4B0] =	vst v63  }
0x11b: {  	_ =	swait.ge [sflag:s0], $0x50  }
0x11c: {  	[sflag:s0] =	ssyncset.done $0x0  }
0x11d: {  	[sflag:s0] =	ssyncadd.s32 $0xFFFFFFB0  }
0x11e: {  	_ =	swait.ge [sflag:s15], $0x50  }
0x11f: {  	[sflag:s15] =	ssyncset.done $0x0  }
0x120: {  	[sflag:s15] =	ssyncadd.s32 $0xFFFFFFB0  }
0x121: {  	_ =	swait.ge [sflag:s16], $0x50  }
0x122: {  	[sflag:s16] =	ssyncset.done $0x0  }
0x123: {  	[sflag:s16] =	ssyncadd.s32 $0xFFFFFFB0  }
0x124: {  	[bflag:$0x0] =	sbarrier.arrive $0xFFFF  }
0x125: {  	[tilespmem:s31], [sflag:$0x5] =	stream.linear.gather [spmem:s20], $0x50, $0x38;
	[tilespmem:$0xA4B0] =	vst v63  }
0x126: {  	_ =	swait.ge [sflag:s0], $0x50  }
0x127: {  	[sflag:s0] =	ssyncset.done $0x0  }
0x128: {  	s19 =	sadd.s32 $0x0, s30;
	[sflag:s0] =	ssyncadd.s32 $0xFFFFFFB0  }
0x129: {  	[hbm4b:s19+s5] =	stream.linear.scatter [tilespmem:s31], [sflag:$0x5], $0x50, $0x38;
	[tilespmem:$0xA4B0] =	vst v63  }
0x12a: {  	_ =	swait.ge [sflag:s0], $0x50  }
0x12b: {  	[sflag:s0] =	ssyncset.done $0x0  }
0x12c: {  	[sflag:s0] =	ssyncadd.s32 $0xFFFFFFB0  }
0x12d: {  	[tilespmem:s31], [sflag:$0x5] =	stream.linear.gather [spmem:s21], $0x50, $0x38;
	[tilespmem:$0xA4B0] =	vst v63  }
0x12e: {  	_ =	swait.ge [sflag:s0], $0x50  }
0x12f: {  	[sflag:s0] =	ssyncset.done $0x0  }
0x130: {  	s26 =	sadd.s32 $0x0, s29;
	[sflag:s0] =	ssyncadd.s32 $0xFFFFFFB0  }
0x131: {  	[hbm4b:s26+s5] =	stream.linear.scatter [tilespmem:s31], [sflag:$0x5], $0x50, $0x38;
	[tilespmem:$0xA4B0] =	vst v63  }
0x132: {  	s28 =	smov.u32 s21;
	_ =	swait.ge [sflag:s0], $0x50  }
0x133: {  	s19 =	simm.s32 $0xA;
	s26 =	smov.u32 s20;
	[sflag:s0] =	ssyncset.done $0x0  }
.LBB2_4:
0x134: {  	[sflag:s0] =	ssyncadd.s32 $0xFFFFFFB0  }
0x135: {  	s26 =	sadd.s32 $0x50, s26;
	s28 =	sadd.s32 $0x50, s28;
	s22 =	smov.u32 s19  }
0x136: {  	[tilespmem:s31], [sflag:$0x5] =	stream.linear.gather [spmem:s26], $0x50, $0x38;
	[tilespmem:$0xA4B0] =	vst v63  }
0x137: {  	p0 =	sne.s32 s19, $0x46;
	s19 =	sadd.s32 $0xA, s19;
	_ =	swait.ge [sflag:s0], $0x50  }
0x138: {  	[sflag:s0] =	ssyncset.done $0x0  }
0x139: {  	s23 =	sadd.s32 s22, s30;
	[sflag:s0] =	ssyncadd.s32 $0xFFFFFFB0  }
0x13a: {  	[hbm4b:s23+s5] =	stream.linear.scatter [tilespmem:s31], [sflag:$0x5], $0x50, $0x38;
	[tilespmem:$0xA4B0] =	vst v63  }
0x13b: {  	_ =	swait.ge [sflag:s0], $0x50  }
0x13c: {  	[sflag:s0] =	ssyncset.done $0x0  }
0x13d: {  	[sflag:s0] =	ssyncadd.s32 $0xFFFFFFB0  }
0x13e: {  	[tilespmem:s31], [sflag:$0x5] =	stream.linear.gather [spmem:s28], $0x50, $0x38;
	[tilespmem:$0xA4B0] =	vst v63  }
0x13f: {  	_ =	swait.ge [sflag:s0], $0x50  }
.Ltmp1:
0x140: {  	[sflag:s0] =	ssyncset.done $0x0;
	(pc) =	sbr.rel @p0 .LBB2_4-.Ltmp1, $4  }
0x141: {  	s22 =	sadd.s32 s22, s29;
	[sflag:s0] =	ssyncadd.s32 $0xFFFFFFB0  }
0x142: {  	[hbm4b:s22+s5] =	stream.linear.scatter [tilespmem:s31], [sflag:$0x5], $0x50, $0x38;
	[tilespmem:$0xA4B0] =	vst v63  }
0x143: {  	_ =	swait.ge [sflag:s0], $0x50  }
0x144: {  	[sflag:s0] =	ssyncset.done $0x0  }
0x145: {  	s18 =	sadd.s32 $0x1, s18;
	s19 =	rddreg [dreg:$0x8]  }
0x146: {  	p0 =	sne.s32 s18, s19  }
.Ltmp2:
0x147: {  	_ = 	snop;
	(pc) =	sbr.rel @p0 .LBB2_1-.Ltmp2, $2  }
0x148: {  	_ =	sdelay $0x2  }
0x149: {  	[sflag:s0] =	ssyncadd.s32 $0xFFFFFFB0  }
0x14a: {  	_ =	sfence.sel $0x180000  }
0x14b: {  	[bflag:$0x0] =	sbarrier.arrive $0xFFFF  }
0x14c: {  	_ =	strace $0x9000004D  }
0x14d: {  	s0 =	stileid.u32;
	[bflag:$0x2] =	sbarrier.arrive $0xFFFF  }
0x14e: {  	p0 =	sne.s32 s0, $0x0;
	s0 =	rddreg [dreg:$0x4]  }
0x14f: {  	s0 =	sadd.s32 @!p0 $0x100000, s0  }
0x150: {  	[sflag:s0] =	ssyncadd.tile.s32 @!p0 $0x1;
	_ =	shalt  }
.Lfunc_end2:
_tile_overlayer_lowered:
.L_overlay_start_2:
0x151: {  	(tag) =	ssettag $0x2  }
0x152: {  	s0 =	rddreg [dreg:$0x0];
	s2 =	stileid.u32  }
0x153: {  	s1 =	rddreg [dreg:$0x1];
	p0 =	sne.s32 s2, $0x0  }
0x154: {  	s3 =	rddreg [dreg:$0x2];
	[bflag:$0x3] =	sbarrier.arrive $0xFFFF;
	s2 =	simm.s32 @!p0 $0x1C05  }
0x155: {  	[timem:s3], [sflag:s2] =	dma.local @!p0 [hbm:s0], s1  }
0x156: {  	s0 =	simm.s32 @!p0 $0x5  }
0x157: {  	_ =	swait.ge @!p0 [sflag:s0], s1  }
0x158: {  	s1 =	ssub.s32 @!p0 $0x0, s1;
	[sflag:s0] =	ssyncset.done @!p0 $0x0  }
0x159: {  	[sflag:s0] =	ssyncadd.s32 @!p0 s1  }
0x15a: {  	[bflag:$0x3] =	sbarrier.arrive $0xFFFF  }
0x15b: {  	_ =	shalt  }

// kernel: kernel.8.cloned.1.call-start
scs
__scs_entry_jumppad:
0x0: {  	(pc) =	sbr.rel $0x88, $3  }
0x1: {  	(tag) =	ssettag $0x0;
	lr =	simm.s32 $0x1  }
0x2: {  	[smem:$0x3F9B] =	sst lr;
	_ =	strace $0xD0000000  }
0x3: {  	_ = 	snop  }
0x4: {  	_ = 	snop  }
0x5: {  	_ = 	snop  }
0x6: {  	_ = 	snop  }
0x7: {  	_ = 	snop  }
__scs_overlays_trampoline_lowered:
0x8: {  	[smem:$0x3FAA] =	sst s0  }
0x9: {  	[smem:$0x3FAB] =	sst s1  }
0xa: {  	[smem:$0x3FAC] =	sst s2  }
0xb: {  	[smem:$0x3FAD] =	sst s3  }
0xc: {  	[smem:$0x3FAE] =	sst s4  }
0xd: {  	[smem:$0x3FAF] =	sst s5  }
0xe: {  	[smem:$0x3FB0] =	sst s6  }
0xf: {  	[smem:$0x3FB1] =	sst s7  }
0x10: {  	[smem:$0x3FB2] =	sst s8  }
0x11: {  	[smem:$0x3FB3] =	sst s9;
	s0 =	simm.s32 @!p0 $0x0  }
0x12: {  	s1 =	sld [smem:$0x3F99];
	s0 =	simm.s32 @p0 $0x1  }
0x13: {  	[smem:$0x3FB4] =	sst s0;
	s0 =	simm.s32 @!p1 $0x0  }
0x14: {  	s2 =	sld [smem:$0x3F98];
	s0 =	simm.s32 @p1 $0x1  }
0x15: {  	[smem:$0x3FB5] =	sst s0;
	s0 =	simm.s32 @!p2 $0x0  }
0x16: {  	s3 =	sld [smem:$0x3FDB];
	s0 =	simm.s32 @p2 $0x1  }
0x17: {  	s4 =	simm.s32 $0x1BF5;
	[smem:$0x3FB7] =	sst s0  }
0x18: {  	s0 =	sld [smem:$0x3F9A];
	_ =	swait.ge [sflag:s4], $0x0  }
0x19: {  	s7 =	sld [smem:$0x3F9B]  }
0x1a: {  	s8 =	sadd.s32 $0xFFFFE003, lr  }
0x1b: {  	s9 =	sadd.s32 $0xFFFFFEF7, lr;
	s5 =	simm.s32 $0xFFFFFFFF;
	p2 =	slt.u32 s8, $0xFFFFF086  }
0x1c: {  	p1 =	slt.u32 s9, $0xF7A;
	s5 =	simm.s32 @!p2 $0x0  }
0x1d: {  	s5 =	simm.s32 @p1 $0x1;
	p0 =	seq.s32 s7, s2  }
0x1e: {  	s7 =	smul.u32 @!p0 $0xF7A, s2;
	p2 =	seq.s32 @!p0 s5, $0x0  }
0x1f: {  	s9 =	smul.u32 $0xF7A, s1;
	s8 =	simm.s32 @!p0 $0x1BF5;
	p2 =	por !p2, p0  }
0x20: {  	[sflag:s8] =	ssyncset.s32 @!p0 $0xFFFFF086;
	s6 =	sadd.s32 @!p0 s3, s7;
	s7 =	simm.s32 @!p0 $0x108  }
0x21: {  	s3 =	sadd.s32 s3, s9;
	s6 =	sadd.s32 @!p0 $0x88, s6;
	s7 =	simm.s32 @p2 $0x1082  }
0x22: {  	[simem:s7], [sflag:s8] =	dma.local @!p0 [hbm:s6], $0xF7A  }
0x23: {  	s9 =	sor.u32 $0xD0000000, s2;
	s6 =	simm.s32 $0x108;
	_ =	swait.ge @!p0 [sflag:s8], $0x0  }
0x24: {  	s3 =	sadd.s32 $0x88, s3;
	s6 =	simm.s32 @!p1 $0x1082;
	[sflag:s4] =	ssyncset.s32 $0xFFFFF086  }
0x25: {  	[simem:s6], [sflag:s4] =	dma.local [hbm:s3], $0xF7A  }
0x26: {  	[smem:$0x3F9B] =	sst s1;
	(tag) =	ssettag s2;
	_ =	strace s9  }
0x27: {  	s1 =	sld [smem:$0x3FAB]  }
0x28: {  	s2 =	sld [smem:$0x3FAC]  }
0x29: {  	s4 =	sld [smem:$0x3FAE]  }
0x2a: {  	p0 =	seq.s32 s5, $0x0;
	s5 =	sld [smem:$0x3FAF]  }
0x2b: {  	s6 =	sld [smem:$0x3FB0]  }
0x2c: {  	s7 =	sld [smem:$0x3FB1]  }
0x2d: {  	s3 =	simm.s32 $0x108;
	s8 =	sld [smem:$0x3FB2]  }
0x2e: {  	s3 =	simm.s32 @!p0 $0x1082;
	s9 =	sld [smem:$0x3FB3]  }
0x2f: {  	lr =	sadd.s32 s0, s3;
	s0 =	sld [smem:$0x3FAA]  }
0x30: {  	s3 =	sld [smem:$0x3FAD]  }
0x31: {  	[smem:$0x3FB6] =	sst s10  }
0x32: {  	s10 =	sld [smem:$0x3FB4];
	_ =	sdelay $0x3  }
0x33: {  	p0 =	seq.s32 s10, $0x1;
	s10 =	sld [smem:$0x3FB6];
	_ =	sdelay $0x3  }
0x34: {  	[smem:$0x3FB6] =	sst s10  }
0x35: {  	s10 =	sld [smem:$0x3FB5];
	_ =	sdelay $0x3  }
0x36: {  	p1 =	seq.s32 s10, $0x1;
	s10 =	sld [smem:$0x3FB6];
	_ =	sdelay $0x3  }
0x37: {  	[smem:$0x3FB6] =	sst s10  }
0x38: {  	s10 =	sld [smem:$0x3FB7]  }
0x39: {  	_ = 	snop;
	(pc) =	sbr.ind lr, $3  }
0x3a: {  	_ = 	snop  }
0x3b: {  	_ = 	snop  }
0x3c: {  	p2 =	seq.s32 s10, $0x1;
	s10 =	sld [smem:$0x3FB6]  }
0x3d: {  	_ =	shalt  }
0x3e: {  	_ =	shalt  }
0x3f: {  	_ =	shalt  }
0x40: {  	_ =	shalt  }
0x41: {  	_ =	shalt  }
0x42: {  	_ =	shalt  }
0x43: {  	_ =	shalt  }
0x44: {  	_ =	shalt  }
0x45: {  	_ =	shalt  }
0x46: {  	_ =	shalt  }
0x47: {  	_ =	shalt  }
0x48: {  	_ =	shalt  }
0x49: {  	_ =	shalt  }
0x4a: {  	_ =	shalt  }
0x4b: {  	_ =	shalt  }
0x4c: {  	_ =	shalt  }
0x4d: {  	_ =	shalt  }
0x4e: {  	_ =	shalt  }
0x4f: {  	_ =	shalt  }
0x50: {  	_ =	shalt  }
0x51: {  	_ =	shalt  }
0x52: {  	_ =	shalt  }
0x53: {  	_ =	shalt  }
0x54: {  	_ =	shalt  }
0x55: {  	_ =	shalt  }
0x56: {  	_ =	shalt  }
0x57: {  	_ =	shalt  }
0x58: {  	_ =	shalt  }
0x59: {  	_ =	shalt  }
0x5a: {  	_ =	shalt  }
0x5b: {  	_ =	shalt  }
0x5c: {  	_ =	shalt  }
0x5d: {  	_ =	shalt  }
0x5e: {  	_ =	shalt  }
0x5f: {  	_ =	shalt  }
0x60: {  	_ =	shalt  }
0x61: {  	_ =	shalt  }
0x62: {  	_ =	shalt  }
0x63: {  	_ =	shalt  }
0x64: {  	_ =	shalt  }
0x65: {  	_ =	shalt  }
0x66: {  	_ =	shalt  }
0x67: {  	_ =	shalt  }
0x68: {  	_ =	shalt  }
0x69: {  	_ =	shalt  }
0x6a: {  	_ =	shalt  }
0x6b: {  	_ =	shalt  }
0x6c: {  	_ =	shalt  }
0x6d: {  	_ =	shalt  }
0x6e: {  	_ =	shalt  }
0x6f: {  	_ =	shalt  }
0x70: {  	_ =	shalt  }
0x71: {  	_ =	shalt  }
0x72: {  	_ =	shalt  }
0x73: {  	_ =	shalt  }
0x74: {  	_ =	shalt  }
0x75: {  	_ =	shalt  }
0x76: {  	_ =	shalt  }
0x77: {  	_ =	shalt  }
0x78: {  	_ =	shalt  }
0x79: {  	_ =	shalt  }
0x7a: {  	_ =	shalt  }
0x7b: {  	_ =	shalt  }
0x7c: {  	_ =	shalt  }
0x7d: {  	_ =	shalt  }
0x7e: {  	_ =	shalt  }
0x7f: {  	_ =	shalt  }
0x80: {  	_ =	shalt  }
0x81: {  	_ =	shalt  }
0x82: {  	_ =	shalt  }
0x83: {  	_ =	shalt  }
0x84: {  	_ =	shalt  }
0x85: {  	_ =	shalt  }
0x86: {  	_ =	shalt  }
0x87: {  	_ =	shalt  }
.Lfunc_end0:
.L_simem_size_0:
called_computation_lowered:
.L_overlay_start_0:
0x88: {  	s2 =	sld [smem:$0x3FD9]  }
0x89: {  	s3 =	sld [smem:$0x3FFE];
	_ =	sdelay $0x1  }
0x8a: {  	s1 =	srdreg.scid  }
0x8b: {  	s0 =	sand.u32 $0x1, s1  }
0x8c: {  	s16 =	sshll.u32 s0, $0xA;
	s2 =	sadd.s32 s3, s2  }
0x8d: {  	s2 =	sadd.s32 s2, s16  }
0x8e: {  	[smem:$0x3FC2] =	sst s2  }
0x8f: {  	_ = 	snop  }
0x90: {  	(tm) =	ssettm $0x1  }
0x91: {  	s17 =	sld [smem:$0x3FFB];
	_ =	sdelay $0x3  }
0x92: {  	_ =	strace s17  }
0x93: {  	s2 =	sld [smem:$0x3FFC];
	_ =	sdelay $0x3  }
0x94: {  	_ =	strace s2  }
0x95: {  	s2 =	sld [smem:$0x3FFD];
	_ =	sdelay $0x3  }
0x96: {  	_ =	strace s2  }
0x97: {  	_ =	strace $0x8FFFFFFF  }
0x98: {  	s18 =	sld [smem:$0x3FDB];
	_ =	sdelay $0x1  }
0x99: {  	s19 =	simm.s32 $_scs_section_size  }
0x9a: {  	s4 =	simm.s32 $_size__tile_overlayer_lowered;
	s5 =	simm.s32 $_tile_overlayer_lowered  }
0x9b: {  	s22 =	simm.s32 $0x1BFF;
	s21 =	sshll.u32 s5, $0x1;
	s2 =	sadd.s32 s19, s18  }
0x9c: {  	s6 =	simm.s32 $0x0;
	s20 =	sshll.u32 s4, $0x1;
	s4 =	sadd.s32 s21, s2  }
0x9d: {  	[timem:s6], [sflag:s22] =	dma.local [hbm:s4], s20  }
0x9e: {  	_ =	swait.ge [sflag:s22], s20  }
0x9f: {  	s3 =	ssub.s32 $0x0, s20;
	[sflag:s22] =	ssyncset.done $0x0  }
0xa0: {  	[sflag:s22] =	ssyncadd.s32 s3;
	_ =	sdelay $0x1  }
0xa1: {  	s23 =	simm.s32 $0x1B8B  }
0xa2: {  	_ =	swait.ge [sflag:s23], $0x1  }
0xa3: {  	[sflag:s23] =	ssyncset.done $0x0  }
0xa4: {  	s25 =	simm.s32 $0x1B8E;
	s24 =	sld [smem:$0x3FFE];
	[sflag:s23] =	ssyncadd.s32 $0xFFFFFFFF  }
0xa5: {  	s26 =	simm.s32 $execute0_lowered;
	[smem:$0x3FD2] =	sst s25  }
0xa6: {  	s4 =	sshll.u32 s26, $0x1;
	_ =	strace $0x80000046;
	[dreg:$0x1] =	wrdreg $0xFFFFFFFF  }
0xa7: {  	s28 =	simm.s32 $_size_execute0_lowered;
	s2 =	sadd.s32 s2, s4;
	[dreg:$0x0] =	wrdreg $0x0  }
0xa8: {  	s4 =	sshll.u32 s28, $0x1;
	[dreg:$0x2] =	wrdreg s2  }
0xa9: {  	[dreg:$0x3] =	wrdreg s4  }
0xaa: {  	[dreg:$0x4] =	wrdreg $0xC0  }
0xab: {  	_ =	task [dreg:s6], $0x5FFFF  }
0xac: {  	[dreg:$0x1] =	wrdreg $0xFFFFFFFF  }
0xad: {  	[dreg:$0x0] =	wrdreg $0x60  }
0xae: {  	[dreg:$0x2] =	wrdreg s24  }
0xaf: {  	[dreg:$0x3] =	wrdreg $0x27B00  }
0xb0: {  	[dreg:$0x4] =	wrdreg $0x9  }
0xb1: {  	_ =	task.clear_ibuf [dreg:s6], $0x5FFFF;
	_ =	strace $0x90000046  }
0xb2: {  	s29 =	simm.s32 $0x9;
	_ =	strace $0x80000048  }
0xb3: {  	_ =	swait.ge [sflag:s29], $0x1  }
0xb4: {  	[sflag:s29] =	ssyncadd.s32 $0xFFFFFFFF  }
0xb5: {  	_ =	strace $0x90000048  }
0xb6: {  	_ =	sfence  }
0xb7: {  	s30 =	sld [smem:$0x0];
	_ =	sdelay $0x2  }
0xb8: {  	s31 =	sshll.u32 s1, $0xD;
	s1 =	sshrl.u32 s1, $0x2  }
0xb9: {  	s3 =	sand.u32 $0x4000, s31;
	s1 =	sadd.s32 s1, s30  }
0xba: {  	s0 =	sor.u32 s3, s0;
	s1 =	sshll.u32 s1, $0x11  }
0xbb: {  	s0 =	sor.u32 s1, s0  }
0xbc: {  	s0 =	sadd.s32 $0x8F2B, s0  }
0xbd: {  	[sflag:s0] =	ssyncadd.remote.s32 $0x1  }
0xbe: {  	_ =	sfence.sel $0xFFFF  }
0xbf: {  	[dreg:$0x0] =	wrdreg $0xFFFFFFFF;
	(pc) =	sbr.abs _section_cstart, $3  }
0xc0: {  	[dreg:$0x1] =	wrdreg $0xFFFFFFFF  }
0xc1: {  	_ =	task.clear_ibuf [dreg:s6], $0x2FFFF;
	_ =	strace $0x9FFFFFFF  }
0xc2: {  	(tm) =	ssettm $0x7FFFFFFF  }
0xc3: {  	_ =	shalt  }
tec
execute0_lowered:
.L_overlay_start_1:
0x0: {  	(tag) =	ssettag $0x1  }
0x1: {  	s0 =	srdreg.scid;
	s1 =	rddreg [dreg:$0x0]  }
0x2: {  	s2 =	rddreg [dreg:$0x1];
	s8 =	stileid.u32  }
0x3: {  	s3 =	simm.s32 $0x0;
	s31 =	simm.s32 $0x2760;
	s0 =	sand.u32 $0x1, s0  }
0x4: {  	[smem:$0x7FF] =	sst s3;
	s5 =	smul.u32 $0xA00, s8;
	s4 =	sshll.u32 s0, $0x4  }
0x5: {  	_ =	strace $0x80000047;
	s14 =	ssub.s32 $0x2, s0;
	s0 =	smul.u32 $0x2800, s0  }
0x6: {  	s4 =	sor.u32 s8, s4;
	s7 =	sshrl.u32 s14, $0x1;
	s8 =	smul.u32 $0x280, s8  }
0x7: {  	s5 =	sshrl.u32 s5, $0x2;
	s4 =	smul.u32 $0x4E2, s4;
	s7 =	ssub.s32 s14, s7  }
0x8: {  	s16 =	sadd.s32 s8, s2;
	s17 =	smax.u32 s7, $0x1;
	s18 =	sadd.s32 s0, s8  }
0x9: {  	s22 =	sadd.s32 $0xA0, s8;
	s23 =	sadd.s32 $0xF0, s8;
	s24 =	sadd.s32 $0x140, s8  }
0xa: {  	s25 =	sadd.s32 $0x190, s8;
	s26 =	sadd.s32 $0x1E0, s8;
	s6 =	sadd.s32 s4, s1  }
0xb: {  	s1 =	sadd.s32 $0x15600, s1;
	s4 =	sadd.s32 s5, s2;
	[dreg:$0x4] =	wrdreg s16  }
0xc: {  	s5 =	sor.u32 $0x50, s8;
	[dreg:$0x5] =	wrdreg s17;
	s10 =	sadd.s32 s0, s22  }
0xd: {  	s11 =	sadd.s32 s0, s23;
	s12 =	sadd.s32 s0, s24;
	s8 =	sadd.s32 $0x230, s8  }
0xe: {  	s16 =	sadd.s32 s0, s26;
	s15 =	sadd.s32 $0xB800, s6;
	s19 =	sadd.s32 s0, s5  }
0xf: {  	s9 =	sadd.s32 $0x50, s4;
	s6 =	sshrl.u32 s18, $0x3;
	s20 =	sadd.s32 $0xA0, s4  }
0x10: {  	s10 =	sshrl.u32 s10, $0x3;
	s11 =	sshrl.u32 s11, $0x3;
	s14 =	sshrl.u32 s12, $0x3  }
0x11: {  	s16 =	sshrl.u32 s16, $0x3;
	s18 =	sadd.s32 $0xF0, s4;
	[dreg:$0x3] =	wrdreg s15  }
0x12: {  	s28 =	sadd.s32 $0x190, s4;
	s29 =	sadd.s32 $0x1E0, s4;
	[dreg:$0x6] =	wrdreg s9  }
0x13: {  	s30 =	sadd.s32 $0x230, s4;
	s7 =	sshrl.u32 s19, $0x3;
	[dreg:$0x7] =	wrdreg s20  }
0x14: {  	s6 =	sadd.s32 s1, s6;
	s12 =	sadd.s32 s1, s10;
	s13 =	sadd.s32 s1, s11  }
0x15: {  	s14 =	sadd.s32 s1, s14;
	s15 =	sadd.s32 s0, s25;
	s0 =	sadd.s32 s0, s8  }
0x16: {  	s16 =	sadd.s32 s1, s16;
	s19 =	sadd.s32 s5, s2;
	s20 =	sadd.s32 s22, s2  }
0x17: {  	s22 =	sadd.s32 s24, s2;
	s24 =	sadd.s32 s26, s2;
	s26 =	sadd.s32 $0x140, s4  }
0x18: {  	s5 =	simm.s32 $0x2710;
	[dreg:$0x8] =	wrdreg s6;
	s21 =	sadd.s32 s1, s7  }
0x19: {  	s15 =	sshrl.u32 s15, $0x3;
	s0 =	sshrl.u32 s0, $0x3;
	s6 =	simm.s32 $0x1  }
0x1a: {  	s7 =	simm.s32 $0x0;
	[dreg:$0x9] =	wrdreg s21;
	s15 =	sadd.s32 s1, s15  }
0x1b: {  	s17 =	sadd.s32 s1, s0;
	s21 =	sadd.s32 s23, s2;
	s23 =	sadd.s32 s25, s2  }
0x1c: {  	v0 =	vimm.f32 $1.000000000e+00;
	v1 =	vimm.f32 $0.0e+00;
	s25 =	sadd.s32 s8, s2;
	s0 =	simm.s32 $0x2;
	s1 =	simm.s32 $0x50  }
.LBB2_1:
0x1d: {  	[tilespmem:$0x2710] =	vst v0  }
0x1e: {  	[tilespmem:$0x2760] =	vst v1  }
0x1f: {  	[tilespmem:$0x2720] =	vst v0  }
0x20: {  	[tilespmem:$0x2770] =	vst v1  }
0x21: {  	[tilespmem:$0x2730] =	vst v0  }
0x22: {  	[tilespmem:$0x2780] =	vst v1  }
0x23: {  	[tilespmem:$0x2740] =	vst v0  }
0x24: {  	[tilespmem:$0x2790] =	vst v1  }
0x25: {  	[tilespmem:$0x2750] =	vst v0  }
0x26: {  	[tilespmem:$0x27A0] =	vst v1  }
0x27: {  	[spmem:s4] =	stream.linear.scatter [tilespmem:s31], [sflag:$0x2], $0x50, $0x38;
	[tilespmem:$0x2A30] =	vst v63  }
0x28: {  	_ =	swait.ge [sflag:s0], $0x50  }
0x29: {  	[sflag:s0] =	ssyncset.done $0x0  }
0x2a: {  	s8 =	rddreg [dreg:$0x6];
	[sflag:s0] =	ssyncadd.s32 $0xFFFFFFB0  }
0x2b: {  	[spmem:s8] =	stream.linear.scatter [tilespmem:s31], [sflag:$0x2], $0x50, $0x38;
	[tilespmem:$0x2A30] =	vst v63  }
0x2c: {  	_ =	swait.ge [sflag:s0], $0x50  }
0x2d: {  	[sflag:s0] =	ssyncset.done $0x0  }
0x2e: {  	s9 =	rddreg [dreg:$0x7];
	[sflag:s0] =	ssyncadd.s32 $0xFFFFFFB0  }
0x2f: {  	[spmem:s9] =	stream.linear.scatter [tilespmem:s31], [sflag:$0x2], $0x50, $0x38;
	[tilespmem:$0x2A30] =	vst v63  }
0x30: {  	_ =	swait.ge [sflag:s0], $0x50  }
0x31: {  	[sflag:s0] =	ssyncset.done $0x0  }
0x32: {  	[sflag:s0] =	ssyncadd.s32 $0xFFFFFFB0  }
0x33: {  	[spmem:s18] =	stream.linear.scatter [tilespmem:s31], [sflag:$0x2], $0x50, $0x38;
	[tilespmem:$0x2A30] =	vst v63  }
0x34: {  	_ =	swait.ge [sflag:s0], $0x50  }
0x35: {  	[sflag:s0] =	ssyncset.done $0x0  }
0x36: {  	[sflag:s0] =	ssyncadd.s32 $0xFFFFFFB0  }
0x37: {  	[spmem:s26] =	stream.linear.scatter [tilespmem:s31], [sflag:$0x2], $0x50, $0x38;
	[tilespmem:$0x2A30] =	vst v63  }
0x38: {  	_ =	swait.ge [sflag:s0], $0x50  }
0x39: {  	[sflag:s0] =	ssyncset.done $0x0  }
0x3a: {  	[sflag:s0] =	ssyncadd.s32 $0xFFFFFFB0  }
0x3b: {  	[spmem:s28] =	stream.linear.scatter [tilespmem:s31], [sflag:$0x2], $0x50, $0x38;
	[tilespmem:$0x2A30] =	vst v63  }
0x3c: {  	_ =	swait.ge [sflag:s0], $0x50  }
0x3d: {  	[sflag:s0] =	ssyncset.done $0x0  }
0x3e: {  	[sflag:s0] =	ssyncadd.s32 $0xFFFFFFB0  }
0x3f: {  	[spmem:s29] =	stream.linear.scatter [tilespmem:s31], [sflag:$0x2], $0x50, $0x38;
	[tilespmem:$0x2A30] =	vst v63  }
0x40: {  	_ =	swait.ge [sflag:s0], $0x50  }
0x41: {  	[sflag:s0] =	ssyncset.done $0x0  }
0x42: {  	[sflag:s0] =	ssyncadd.s32 $0xFFFFFFB0  }
0x43: {  	[spmem:s30] =	stream.linear.scatter [tilespmem:s31], [sflag:$0x2], $0x50, $0x38;
	[tilespmem:$0x2A30] =	vst v63  }
0x44: {  	_ =	swait.ge [sflag:s0], $0x50  }
0x45: {  	[sflag:s0] =	ssyncset.done $0x0  }
0x46: {  	[sflag:s0] =	ssyncadd.s32 $0xFFFFFFB0  }
0x47: {  	[bflag:$0x0] =	sbarrier.arrive $0xFFFF  }
0x48: {  	s10 =	rddreg [dreg:$0x3]  }
0x49: {  	[tilespmem:s3], [sflag:$0x2] =	stream.linear.gather [hbm4b:s10+s3], $0x2710, $0x38;
	[tilespmem:$0x2A30] =	vst v63  }
0x4a: {  	_ =	swait.ge [sflag:s0], $0x2710  }
0x4b: {  	[sflag:s0] =	ssyncset.done $0x0  }
0x4c: {  	s11 =	simm.s32 $0x0;
	[sflag:s0] =	ssyncadd.s32 $0xFFFFD8F0  }
0x4d: {  	[spmem:s2] =	stream.indirect.scatter.add.f32 [tilespmem:s5], [sflag:$0x1], $0x1, s11, s1, $0xb8;
	[tilespmem:$0x2A30] =	vst v63  }
0x4e: {  	s9 =	simm.s32 $0x50  }
0x4f: {  	[spmem:s2] =	stream.indirect.scatter.add.f32 [tilespmem:s5], [sflag:$0x1], $0x1, s9, s1, $0xb8;
	[tilespmem:$0x2A30] =	vst v63  }
0x50: {  	s10 =	simm.s32 $0xA0  }
0x51: {  	[spmem:s2] =	stream.indirect.scatter.add.f32 [tilespmem:s5], [sflag:$0x1], $0x1, s10, s1, $0xb8;
	[tilespmem:$0x2A30] =	vst v63  }
0x52: {  	s11 =	simm.s32 $0xF0  }
0x53: {  	[spmem:s2] =	stream.indirect.scatter.add.f32 [tilespmem:s5], [sflag:$0x1], $0x1, s11, s1, $0xb8;
	[tilespmem:$0x2A30] =	vst v63  }
0x54: {  	s9 =	simm.s32 $0x140  }
0x55: {  	[spmem:s2] =	stream.indirect.scatter.add.f32 [tilespmem:s5], [sflag:$0x1], $0x1, s9, s1, $0xb8;
	[tilespmem:$0x2A30] =	vst v63  }
0x56: {  	s10 =	simm.s32 $0x190  }
0x57: {  	[spmem:s2] =	stream.indirect.scatter.add.f32 [tilespmem:s5], [sflag:$0x1], $0x1, s10, s1, $0xb8;
	[tilespmem:$0x2A30] =	vst v63  }
0x58: {  	s11 =	simm.s32 $0x1E0  }
0x59: {  	[spmem:s2] =	stream.indirect.scatter.add.f32 [tilespmem:s5], [sflag:$0x1], $0x1, s11, s1, $0xb8;
	[tilespmem:$0x2A30] =	vst v63  }
0x5a: {  	s9 =	simm.s32 $0x230  }
0x5b: {  	[spmem:s2] =	stream.indirect.scatter.add.f32 [tilespmem:s5], [sflag:$0x1], $0x1, s9, s1, $0xb8;
	[tilespmem:$0x2A30] =	vst v63  }
0x5c: {  	s10 =	simm.s32 $0x280  }
0x5d: {  	[spmem:s2] =	stream.indirect.scatter.add.f32 [tilespmem:s5], [sflag:$0x1], $0x1, s10, s1, $0xb8;
	[tilespmem:$0x2A30] =	vst v63  }
0x5e: {  	s11 =	simm.s32 $0x2D0  }
0x5f: {  	[spmem:s2] =	stream.indirect.scatter.add.f32 [tilespmem:s5], [sflag:$0x1], $0x1, s11, s1, $0xb8;
	[tilespmem:$0x2A30] =	vst v63  }
0x60: {  	s9 =	simm.s32 $0x320  }
0x61: {  	[spmem:s2] =	stream.indirect.scatter.add.f32 [tilespmem:s5], [sflag:$0x1], $0x1, s9, s1, $0xb8;
	[tilespmem:$0x2A30] =	vst v63  }
0x62: {  	s10 =	simm.s32 $0x370  }
0x63: {  	[spmem:s2] =	stream.indirect.scatter.add.f32 [tilespmem:s5], [sflag:$0x1], $0x1, s10, s1, $0xb8;
	[tilespmem:$0x2A30] =	vst v63  }
0x64: {  	s11 =	simm.s32 $0x3C0  }
0x65: {  	[spmem:s2] =	stream.indirect.scatter.add.f32 [tilespmem:s5], [sflag:$0x1], $0x1, s11, s1, $0xb8;
	[tilespmem:$0x2A30] =	vst v63  }
0x66: {  	s9 =	simm.s32 $0x410  }
0x67: {  	[spmem:s2] =	stream.indirect.scatter.add.f32 [tilespmem:s5], [sflag:$0x1], $0x1, s9, s1, $0xb8;
	[tilespmem:$0x2A30] =	vst v63  }
0x68: {  	s10 =	simm.s32 $0x460  }
0x69: {  	[spmem:s2] =	stream.indirect.scatter.add.f32 [tilespmem:s5], [sflag:$0x1], $0x1, s10, s1, $0xb8;
	[tilespmem:$0x2A30] =	vst v63  }
0x6a: {  	s11 =	simm.s32 $0x4B0  }
0x6b: {  	[spmem:s2] =	stream.indirect.scatter.add.f32 [tilespmem:s5], [sflag:$0x1], $0x1, s11, s1, $0xb8;
	[tilespmem:$0x2A30] =	vst v63  }
0x6c: {  	s9 =	simm.s32 $0x500  }
0x6d: {  	[spmem:s2] =	stream.indirect.scatter.add.f32 [tilespmem:s5], [sflag:$0x1], $0x1, s9, s1, $0xb8;
	[tilespmem:$0x2A30] =	vst v63  }
0x6e: {  	s10 =	simm.s32 $0x550  }
0x6f: {  	[spmem:s2] =	stream.indirect.scatter.add.f32 [tilespmem:s5], [sflag:$0x1], $0x1, s10, s1, $0xb8;
	[tilespmem:$0x2A30] =	vst v63  }
0x70: {  	s11 =	simm.s32 $0x5A0  }
0x71: {  	[spmem:s2] =	stream.indirect.scatter.add.f32 [tilespmem:s5], [sflag:$0x1], $0x1, s11, s1, $0xb8;
	[tilespmem:$0x2A30] =	vst v63  }
0x72: {  	s9 =	simm.s32 $0x5F0  }
0x73: {  	[spmem:s2] =	stream.indirect.scatter.add.f32 [tilespmem:s5], [sflag:$0x1], $0x1, s9, s1, $0xb8;
	[tilespmem:$0x2A30] =	vst v63  }
0x74: {  	s10 =	simm.s32 $0x640  }
0x75: {  	[spmem:s2] =	stream.indirect.scatter.add.f32 [tilespmem:s5], [sflag:$0x1], $0x1, s10, s1, $0xb8;
	[tilespmem:$0x2A30] =	vst v63  }
0x76: {  	s11 =	simm.s32 $0x690  }
0x77: {  	[spmem:s2] =	stream.indirect.scatter.add.f32 [tilespmem:s5], [sflag:$0x1], $0x1, s11, s1, $0xb8;
	[tilespmem:$0x2A30] =	vst v63  }
0x78: {  	s9 =	simm.s32 $0x6E0  }
0x79: {  	[spmem:s2] =	stream.indirect.scatter.add.f32 [tilespmem:s5], [sflag:$0x1], $0x1, s9, s1, $0xb8;
	[tilespmem:$0x2A30] =	vst v63  }
0x7a: {  	s10 =	simm.s32 $0x730  }
0x7b: {  	[spmem:s2] =	stream.indirect.scatter.add.f32 [tilespmem:s5], [sflag:$0x1], $0x1, s10, s1, $0xb8;
	[tilespmem:$0x2A30] =	vst v63  }
0x7c: {  	s11 =	simm.s32 $0x780  }
0x7d: {  	[spmem:s2] =	stream.indirect.scatter.add.f32 [tilespmem:s5], [sflag:$0x1], $0x1, s11, s1, $0xb8;
	[tilespmem:$0x2A30] =	vst v63  }
0x7e: {  	_ =	swait.ge [sflag:s6], $0x50  }
0x7f: {  	[sflag:s6] =	ssyncset.done $0x0  }
0x80: {  	[sflag:s6] =	ssyncadd.s32 $0xFFFFFFB0  }
0x81: {  	_ =	swait.ge [sflag:s6], $0x50  }
0x82: {  	[sflag:s6] =	ssyncset.done $0x0  }
0x83: {  	[sflag:s6] =	ssyncadd.s32 $0xFFFFFFB0  }
0x84: {  	_ =	swait.ge [sflag:s6], $0x50  }
0x85: {  	[sflag:s6] =	ssyncset.done $0x0  }
0x86: {  	[sflag:s6] =	ssyncadd.s32 $0xFFFFFFB0  }
0x87: {  	_ =	swait.ge [sflag:s6], $0x50  }
0x88: {  	[sflag:s6] =	ssyncset.done $0x0  }
0x89: {  	[sflag:s6] =	ssyncadd.s32 $0xFFFFFFB0  }
0x8a: {  	_ =	swait.ge [sflag:s6], $0x50  }
0x8b: {  	[sflag:s6] =	ssyncset.done $0x0  }
0x8c: {  	[sflag:s6] =	ssyncadd.s32 $0xFFFFFFB0  }
0x8d: {  	_ =	swait.ge [sflag:s6], $0x50  }
0x8e: {  	[sflag:s6] =	ssyncset.done $0x0  }
0x8f: {  	[sflag:s6] =	ssyncadd.s32 $0xFFFFFFB0  }
0x90: {  	_ =	swait.ge [sflag:s6], $0x50  }
0x91: {  	[sflag:s6] =	ssyncset.done $0x0  }
0x92: {  	[sflag:s6] =	ssyncadd.s32 $0xFFFFFFB0  }
0x93: {  	_ =	swait.ge [sflag:s6], $0x50  }
0x94: {  	[sflag:s6] =	ssyncset.done $0x0  }
0x95: {  	[sflag:s6] =	ssyncadd.s32 $0xFFFFFFB0  }
0x96: {  	_ =	swait.ge [sflag:s6], $0x50  }
0x97: {  	[sflag:s6] =	ssyncset.done $0x0  }
0x98: {  	[sflag:s6] =	ssyncadd.s32 $0xFFFFFFB0  }
0x99: {  	_ =	swait.ge [sflag:s6], $0x50  }
0x9a: {  	[sflag:s6] =	ssyncset.done $0x0  }
0x9b: {  	[sflag:s6] =	ssyncadd.s32 $0xFFFFFFB0  }
0x9c: {  	_ =	swait.ge [sflag:s6], $0x50  }
0x9d: {  	[sflag:s6] =	ssyncset.done $0x0  }
0x9e: {  	[sflag:s6] =	ssyncadd.s32 $0xFFFFFFB0  }
0x9f: {  	_ =	swait.ge [sflag:s6], $0x50  }
0xa0: {  	[sflag:s6] =	ssyncset.done $0x0  }
0xa1: {  	[sflag:s6] =	ssyncadd.s32 $0xFFFFFFB0  }
0xa2: {  	_ =	swait.ge [sflag:s6], $0x50  }
0xa3: {  	[sflag:s6] =	ssyncset.done $0x0  }
0xa4: {  	[sflag:s6] =	ssyncadd.s32 $0xFFFFFFB0  }
0xa5: {  	_ =	swait.ge [sflag:s6], $0x50  }
0xa6: {  	[sflag:s6] =	ssyncset.done $0x0  }
0xa7: {  	[sflag:s6] =	ssyncadd.s32 $0xFFFFFFB0  }
0xa8: {  	_ =	swait.ge [sflag:s6], $0x50  }
0xa9: {  	[sflag:s6] =	ssyncset.done $0x0  }
0xaa: {  	[sflag:s6] =	ssyncadd.s32 $0xFFFFFFB0  }
0xab: {  	_ =	swait.ge [sflag:s6], $0x50  }
0xac: {  	[sflag:s6] =	ssyncset.done $0x0  }
0xad: {  	[sflag:s6] =	ssyncadd.s32 $0xFFFFFFB0  }
0xae: {  	_ =	swait.ge [sflag:s6], $0x50  }
0xaf: {  	[sflag:s6] =	ssyncset.done $0x0  }
0xb0: {  	[sflag:s6] =	ssyncadd.s32 $0xFFFFFFB0  }
0xb1: {  	_ =	swait.ge [sflag:s6], $0x50  }
0xb2: {  	[sflag:s6] =	ssyncset.done $0x0  }
0xb3: {  	[sflag:s6] =	ssyncadd.s32 $0xFFFFFFB0  }
0xb4: {  	_ =	swait.ge [sflag:s6], $0x50  }
0xb5: {  	[sflag:s6] =	ssyncset.done $0x0  }
0xb6: {  	[sflag:s6] =	ssyncadd.s32 $0xFFFFFFB0  }
0xb7: {  	_ =	swait.ge [sflag:s6], $0x50  }
0xb8: {  	[sflag:s6] =	ssyncset.done $0x0  }
0xb9: {  	[sflag:s6] =	ssyncadd.s32 $0xFFFFFFB0  }
0xba: {  	_ =	swait.ge [sflag:s6], $0x50  }
0xbb: {  	[sflag:s6] =	ssyncset.done $0x0  }
0xbc: {  	[sflag:s6] =	ssyncadd.s32 $0xFFFFFFB0  }
0xbd: {  	_ =	swait.ge [sflag:s6], $0x50  }
0xbe: {  	[sflag:s6] =	ssyncset.done $0x0  }
0xbf: {  	[sflag:s6] =	ssyncadd.s32 $0xFFFFFFB0  }
0xc0: {  	_ =	swait.ge [sflag:s6], $0x50  }
0xc1: {  	[sflag:s6] =	ssyncset.done $0x0  }
0xc2: {  	[sflag:s6] =	ssyncadd.s32 $0xFFFFFFB0  }
0xc3: {  	_ =	swait.ge [sflag:s6], $0x50  }
0xc4: {  	[sflag:s6] =	ssyncset.done $0x0  }
0xc5: {  	[sflag:s6] =	ssyncadd.s32 $0xFFFFFFB0  }
0xc6: {  	_ =	swait.ge [sflag:s6], $0x50  }
0xc7: {  	s8 =	simm.s32 $0x1F40;
	s9 =	simm.s32 $0x3E80;
	[sflag:s6] =	ssyncset.done $0x0  }
.LBB2_2:
0xc8: {  	s10 =	sshra.s32 s8, $0x2  }
0xc9: {  	[sflag:s6] =	ssyncadd.s32 $0xFFFFFFB0;
	s8 =	smov.u32 s9;
	s11 =	sadd.s32 $0x1F40, s9  }
0xca: {  	[spmem:s2] =	stream.indirect.scatter.add.f32 [tilespmem:s5], [sflag:$0x1], $0x1, s10, s1, $0xb8;
	[tilespmem:$0x2A30] =	vst v63  }
0xcb: {  	p0 =	sne.s32 s9, $0x7D00;
	s9 =	sadd.s32 $0x50, s10  }
0xcc: {  	[spmem:s2] =	stream.indirect.scatter.add.f32 [tilespmem:s5], [sflag:$0x1], $0x1, s9, s1, $0xb8;
	[tilespmem:$0x2A30] =	vst v63  }
0xcd: {  	s9 =	sadd.s32 $0xA0, s10  }
0xce: {  	[spmem:s2] =	stream.indirect.scatter.add.f32 [tilespmem:s5], [sflag:$0x1], $0x1, s9, s1, $0xb8;
	[tilespmem:$0x2A30] =	vst v63  }
0xcf: {  	s9 =	sadd.s32 $0xF0, s10  }
0xd0: {  	[spmem:s2] =	stream.indirect.scatter.add.f32 [tilespmem:s5], [sflag:$0x1], $0x1, s9, s1, $0xb8;
	[tilespmem:$0x2A30] =	vst v63  }
0xd1: {  	s9 =	sadd.s32 $0x140, s10  }
0xd2: {  	[spmem:s2] =	stream.indirect.scatter.add.f32 [tilespmem:s5], [sflag:$0x1], $0x1, s9, s1, $0xb8;
	[tilespmem:$0x2A30] =	vst v63  }
0xd3: {  	s9 =	sadd.s32 $0x190, s10  }
0xd4: {  	[spmem:s2] =	stream.indirect.scatter.add.f32 [tilespmem:s5], [sflag:$0x1], $0x1, s9, s1, $0xb8;
	[tilespmem:$0x2A30] =	vst v63  }
0xd5: {  	s9 =	sadd.s32 $0x1E0, s10  }
0xd6: {  	[spmem:s2] =	stream.indirect.scatter.add.f32 [tilespmem:s5], [sflag:$0x1], $0x1, s9, s1, $0xb8;
	[tilespmem:$0x2A30] =	vst v63  }
0xd7: {  	s9 =	sadd.s32 $0x230, s10  }
0xd8: {  	[spmem:s2] =	stream.indirect.scatter.add.f32 [tilespmem:s5], [sflag:$0x1], $0x1, s9, s1, $0xb8;
	[tilespmem:$0x2A30] =	vst v63  }
0xd9: {  	s9 =	sadd.s32 $0x280, s10  }
0xda: {  	[spmem:s2] =	stream.indirect.scatter.add.f32 [tilespmem:s5], [sflag:$0x1], $0x1, s9, s1, $0xb8;
	[tilespmem:$0x2A30] =	vst v63  }
0xdb: {  	s9 =	sadd.s32 $0x2D0, s10  }
0xdc: {  	[spmem:s2] =	stream.indirect.scatter.add.f32 [tilespmem:s5], [sflag:$0x1], $0x1, s9, s1, $0xb8;
	[tilespmem:$0x2A30] =	vst v63  }
0xdd: {  	s9 =	sadd.s32 $0x320, s10  }
0xde: {  	[spmem:s2] =	stream.indirect.scatter.add.f32 [tilespmem:s5], [sflag:$0x1], $0x1, s9, s1, $0xb8;
	[tilespmem:$0x2A30] =	vst v63  }
0xdf: {  	s9 =	sadd.s32 $0x370, s10  }
0xe0: {  	[spmem:s2] =	stream.indirect.scatter.add.f32 [tilespmem:s5], [sflag:$0x1], $0x1, s9, s1, $0xb8;
	[tilespmem:$0x2A30] =	vst v63  }
0xe1: {  	s9 =	sadd.s32 $0x3C0, s10  }
0xe2: {  	[spmem:s2] =	stream.indirect.scatter.add.f32 [tilespmem:s5], [sflag:$0x1], $0x1, s9, s1, $0xb8;
	[tilespmem:$0x2A30] =	vst v63  }
0xe3: {  	s9 =	sadd.s32 $0x410, s10  }
0xe4: {  	[spmem:s2] =	stream.indirect.scatter.add.f32 [tilespmem:s5], [sflag:$0x1], $0x1, s9, s1, $0xb8;
	[tilespmem:$0x2A30] =	vst v63  }
0xe5: {  	s9 =	sadd.s32 $0x460, s10  }
0xe6: {  	[spmem:s2] =	stream.indirect.scatter.add.f32 [tilespmem:s5], [sflag:$0x1], $0x1, s9, s1, $0xb8;
	[tilespmem:$0x2A30] =	vst v63  }
0xe7: {  	s9 =	sadd.s32 $0x4B0, s10  }
0xe8: {  	[spmem:s2] =	stream.indirect.scatter.add.f32 [tilespmem:s5], [sflag:$0x1], $0x1, s9, s1, $0xb8;
	[tilespmem:$0x2A30] =	vst v63  }
0xe9: {  	s9 =	sadd.s32 $0x500, s10  }
0xea: {  	[spmem:s2] =	stream.indirect.scatter.add.f32 [tilespmem:s5], [sflag:$0x1], $0x1, s9, s1, $0xb8;
	[tilespmem:$0x2A30] =	vst v63  }
0xeb: {  	s9 =	sadd.s32 $0x550, s10  }
0xec: {  	[spmem:s2] =	stream.indirect.scatter.add.f32 [tilespmem:s5], [sflag:$0x1], $0x1, s9, s1, $0xb8;
	[tilespmem:$0x2A30] =	vst v63  }
0xed: {  	s9 =	sadd.s32 $0x5A0, s10  }
0xee: {  	[spmem:s2] =	stream.indirect.scatter.add.f32 [tilespmem:s5], [sflag:$0x1], $0x1, s9, s1, $0xb8;
	[tilespmem:$0x2A30] =	vst v63  }
0xef: {  	s9 =	sadd.s32 $0x5F0, s10  }
0xf0: {  	[spmem:s2] =	stream.indirect.scatter.add.f32 [tilespmem:s5], [sflag:$0x1], $0x1, s9, s1, $0xb8;
	[tilespmem:$0x2A30] =	vst v63  }
0xf1: {  	s9 =	sadd.s32 $0x640, s10  }
0xf2: {  	[spmem:s2] =	stream.indirect.scatter.add.f32 [tilespmem:s5], [sflag:$0x1], $0x1, s9, s1, $0xb8;
	[tilespmem:$0x2A30] =	vst v63  }
0xf3: {  	s9 =	sadd.s32 $0x690, s10  }
0xf4: {  	[spmem:s2] =	stream.indirect.scatter.add.f32 [tilespmem:s5], [sflag:$0x1], $0x1, s9, s1, $0xb8;
	[tilespmem:$0x2A30] =	vst v63  }
0xf5: {  	s9 =	sadd.s32 $0x6E0, s10  }
0xf6: {  	[spmem:s2] =	stream.indirect.scatter.add.f32 [tilespmem:s5], [sflag:$0x1], $0x1, s9, s1, $0xb8;
	[tilespmem:$0x2A30] =	vst v63  }
0xf7: {  	s9 =	sadd.s32 $0x730, s10  }
0xf8: {  	[spmem:s2] =	stream.indirect.scatter.add.f32 [tilespmem:s5], [sflag:$0x1], $0x1, s9, s1, $0xb8;
	[tilespmem:$0x2A30] =	vst v63  }
0xf9: {  	s9 =	sadd.s32 $0x780, s10  }
0xfa: {  	[spmem:s2] =	stream.indirect.scatter.add.f32 [tilespmem:s5], [sflag:$0x1], $0x1, s9, s1, $0xb8;
	[tilespmem:$0x2A30] =	vst v63  }
0xfb: {  	_ =	swait.ge [sflag:s6], $0x50  }
0xfc: {  	[sflag:s6] =	ssyncset.done $0x0  }
0xfd: {  	[sflag:s6] =	ssyncadd.s32 $0xFFFFFFB0  }
0xfe: {  	_ =	swait.ge [sflag:s6], $0x50  }
0xff: {  	[sflag:s6] =	ssyncset.done $0x0  }
0x100: {  	[sflag:s6] =	ssyncadd.s32 $0xFFFFFFB0  }
0x101: {  	_ =	swait.ge [sflag:s6], $0x50  }
0x102: {  	[sflag:s6] =	ssyncset.done $0x0  }
0x103: {  	[sflag:s6] =	ssyncadd.s32 $0xFFFFFFB0  }
0x104: {  	_ =	swait.ge [sflag:s6], $0x50  }
0x105: {  	[sflag:s6] =	ssyncset.done $0x0  }
0x106: {  	[sflag:s6] =	ssyncadd.s32 $0xFFFFFFB0  }
0x107: {  	_ =	swait.ge [sflag:s6], $0x50  }
0x108: {  	[sflag:s6] =	ssyncset.done $0x0  }
0x109: {  	[sflag:s6] =	ssyncadd.s32 $0xFFFFFFB0  }
0x10a: {  	_ =	swait.ge [sflag:s6], $0x50  }
0x10b: {  	[sflag:s6] =	ssyncset.done $0x0  }
0x10c: {  	[sflag:s6] =	ssyncadd.s32 $0xFFFFFFB0  }
0x10d: {  	_ =	swait.ge [sflag:s6], $0x50  }
0x10e: {  	[sflag:s6] =	ssyncset.done $0x0  }
0x10f: {  	[sflag:s6] =	ssyncadd.s32 $0xFFFFFFB0  }
0x110: {  	_ =	swait.ge [sflag:s6], $0x50  }
0x111: {  	[sflag:s6] =	ssyncset.done $0x0  }
0x112: {  	[sflag:s6] =	ssyncadd.s32 $0xFFFFFFB0  }
0x113: {  	_ =	swait.ge [sflag:s6], $0x50  }
0x114: {  	[sflag:s6] =	ssyncset.done $0x0  }
0x115: {  	[sflag:s6] =	ssyncadd.s32 $0xFFFFFFB0  }
0x116: {  	_ =	swait.ge [sflag:s6], $0x50  }
0x117: {  	[sflag:s6] =	ssyncset.done $0x0  }
0x118: {  	[sflag:s6] =	ssyncadd.s32 $0xFFFFFFB0  }
0x119: {  	_ =	swait.ge [sflag:s6], $0x50  }
0x11a: {  	[sflag:s6] =	ssyncset.done $0x0  }
0x11b: {  	[sflag:s6] =	ssyncadd.s32 $0xFFFFFFB0  }
0x11c: {  	_ =	swait.ge [sflag:s6], $0x50  }
0x11d: {  	[sflag:s6] =	ssyncset.done $0x0  }
0x11e: {  	[sflag:s6] =	ssyncadd.s32 $0xFFFFFFB0  }
0x11f: {  	_ =	swait.ge [sflag:s6], $0x50  }
0x120: {  	[sflag:s6] =	ssyncset.done $0x0  }
0x121: {  	[sflag:s6] =	ssyncadd.s32 $0xFFFFFFB0  }
0x122: {  	_ =	swait.ge [sflag:s6], $0x50  }
0x123: {  	[sflag:s6] =	ssyncset.done $0x0  }
0x124: {  	[sflag:s6] =	ssyncadd.s32 $0xFFFFFFB0  }
0x125: {  	_ =	swait.ge [sflag:s6], $0x50  }
0x126: {  	[sflag:s6] =	ssyncset.done $0x0  }
0x127: {  	[sflag:s6] =	ssyncadd.s32 $0xFFFFFFB0  }
0x128: {  	_ =	swait.ge [sflag:s6], $0x50  }
0x129: {  	[sflag:s6] =	ssyncset.done $0x0  }
0x12a: {  	[sflag:s6] =	ssyncadd.s32 $0xFFFFFFB0  }
0x12b: {  	_ =	swait.ge [sflag:s6], $0x50  }
0x12c: {  	[sflag:s6] =	ssyncset.done $0x0  }
0x12d: {  	[sflag:s6] =	ssyncadd.s32 $0xFFFFFFB0  }
0x12e: {  	_ =	swait.ge [sflag:s6], $0x50  }
0x12f: {  	[sflag:s6] =	ssyncset.done $0x0  }
0x130: {  	[sflag:s6] =	ssyncadd.s32 $0xFFFFFFB0  }
0x131: {  	_ =	swait.ge [sflag:s6], $0x50  }
0x132: {  	[sflag:s6] =	ssyncset.done $0x0  }
0x133: {  	[sflag:s6] =	ssyncadd.s32 $0xFFFFFFB0  }
0x134: {  	_ =	swait.ge [sflag:s6], $0x50  }
0x135: {  	[sflag:s6] =	ssyncset.done $0x0  }
0x136: {  	[sflag:s6] =	ssyncadd.s32 $0xFFFFFFB0  }
0x137: {  	_ =	swait.ge [sflag:s6], $0x50  }
0x138: {  	[sflag:s6] =	ssyncset.done $0x0  }
0x139: {  	[sflag:s6] =	ssyncadd.s32 $0xFFFFFFB0  }
0x13a: {  	_ =	swait.ge [sflag:s6], $0x50  }
0x13b: {  	[sflag:s6] =	ssyncset.done $0x0  }
0x13c: {  	[sflag:s6] =	ssyncadd.s32 $0xFFFFFFB0  }
0x13d: {  	_ =	swait.ge [sflag:s6], $0x50  }
0x13e: {  	[sflag:s6] =	ssyncset.done $0x0  }
0x13f: {  	[sflag:s6] =	ssyncadd.s32 $0xFFFFFFB0  }
.Ltmp0:
0x140: {  	_ =	swait.ge [sflag:s6], $0x50;
	(pc) =	sbr.rel @p0 .LBB2_2-.Ltmp0, $4  }
0x141: {  	[sflag:s6] =	ssyncset.done $0x0  }
0x142: {  	[sflag:s6] =	ssyncadd.s32 $0xFFFFFFB0  }
0x143: {  	_ =	swait.ge [sflag:s6], $0x50  }
0x144: {  	s9 =	smov.u32 s11;
	[sflag:s6] =	ssyncset.done $0x0  }
0x145: {  	s8 =	sshra.s32 s8, $0x2;
	[sflag:s6] =	ssyncadd.s32 $0xFFFFFFB0  }
0x146: {  	[spmem:s2] =	stream.indirect.scatter.add.f32 [tilespmem:s5], [sflag:$0x1], $0x1, s8, s1, $0xb8;
	[tilespmem:$0x2A30] =	vst v63  }
0x147: {  	s9 =	sadd.s32 $0x50, s8  }
0x148: {  	[spmem:s2] =	stream.indirect.scatter.add.f32 [tilespmem:s5], [sflag:$0x1], $0x1, s9, s1, $0xb8;
	[tilespmem:$0x2A30] =	vst v63  }
0x149: {  	s11 =	sadd.s32 $0xA0, s8  }
0x14a: {  	[spmem:s2] =	stream.indirect.scatter.add.f32 [tilespmem:s5], [sflag:$0x1], $0x1, s11, s1, $0xb8;
	[tilespmem:$0x2A30] =	vst v63  }
0x14b: {  	s10 =	sadd.s32 $0xF0, s8  }
0x14c: {  	[spmem:s2] =	stream.indirect.scatter.add.f32 [tilespmem:s5], [sflag:$0x1], $0x1, s10, s1, $0xb8;
	[tilespmem:$0x2A30] =	vst v63  }
0x14d: {  	s11 =	sadd.s32 $0x140, s8  }
0x14e: {  	[spmem:s2] =	stream.indirect.scatter.add.f32 [tilespmem:s5], [sflag:$0x1], $0x1, s11, s1, $0xb8;
	[tilespmem:$0x2A30] =	vst v63  }
0x14f: {  	s10 =	sadd.s32 $0x190, s8  }
0x150: {  	[spmem:s2] =	stream.indirect.scatter.add.f32 [tilespmem:s5], [sflag:$0x1], $0x1, s10, s1, $0xb8;
	[tilespmem:$0x2A30] =	vst v63  }
0x151: {  	s11 =	sadd.s32 $0x1E0, s8  }
0x152: {  	[spmem:s2] =	stream.indirect.scatter.add.f32 [tilespmem:s5], [sflag:$0x1], $0x1, s11, s1, $0xb8;
	[tilespmem:$0x2A30] =	vst v63  }
0x153: {  	s10 =	sadd.s32 $0x230, s8  }
0x154: {  	[spmem:s2] =	stream.indirect.scatter.add.f32 [tilespmem:s5], [sflag:$0x1], $0x1, s10, s1, $0xb8;
	[tilespmem:$0x2A30] =	vst v63  }
0x155: {  	s11 =	sadd.s32 $0x280, s8  }
0x156: {  	[spmem:s2] =	stream.indirect.scatter.add.f32 [tilespmem:s5], [sflag:$0x1], $0x1, s11, s1, $0xb8;
	[tilespmem:$0x2A30] =	vst v63  }
0x157: {  	s10 =	sadd.s32 $0x2D0, s8  }
0x158: {  	[spmem:s2] =	stream.indirect.scatter.add.f32 [tilespmem:s5], [sflag:$0x1], $0x1, s10, s1, $0xb8;
	[tilespmem:$0x2A30] =	vst v63  }
0x159: {  	s11 =	sadd.s32 $0x320, s8  }
0x15a: {  	[spmem:s2] =	stream.indirect.scatter.add.f32 [tilespmem:s5], [sflag:$0x1], $0x1, s11, s1, $0xb8;
	[tilespmem:$0x2A30] =	vst v63  }
0x15b: {  	s10 =	sadd.s32 $0x370, s8  }
0x15c: {  	[spmem:s2] =	stream.indirect.scatter.add.f32 [tilespmem:s5], [sflag:$0x1], $0x1, s10, s1, $0xb8;
	[tilespmem:$0x2A30] =	vst v63  }
0x15d: {  	s11 =	sadd.s32 $0x3C0, s8  }
0x15e: {  	[spmem:s2] =	stream.indirect.scatter.add.f32 [tilespmem:s5], [sflag:$0x1], $0x1, s11, s1, $0xb8;
	[tilespmem:$0x2A30] =	vst v63  }
0x15f: {  	s10 =	sadd.s32 $0x410, s8  }
0x160: {  	[spmem:s2] =	stream.indirect.scatter.add.f32 [tilespmem:s5], [sflag:$0x1], $0x1, s10, s1, $0xb8;
	[tilespmem:$0x2A30] =	vst v63  }
0x161: {  	s11 =	sadd.s32 $0x460, s8  }
0x162: {  	[spmem:s2] =	stream.indirect.scatter.add.f32 [tilespmem:s5], [sflag:$0x1], $0x1, s11, s1, $0xb8;
	[tilespmem:$0x2A30] =	vst v63  }
0x163: {  	s10 =	sadd.s32 $0x4B0, s8  }
0x164: {  	[spmem:s2] =	stream.indirect.scatter.add.f32 [tilespmem:s5], [sflag:$0x1], $0x1, s10, s1, $0xb8;
	[tilespmem:$0x2A30] =	vst v63  }
0x165: {  	s11 =	sadd.s32 $0x500, s8  }
0x166: {  	[spmem:s2] =	stream.indirect.scatter.add.f32 [tilespmem:s5], [sflag:$0x1], $0x1, s11, s1, $0xb8;
	[tilespmem:$0x2A30] =	vst v63  }
0x167: {  	s10 =	sadd.s32 $0x550, s8  }
0x168: {  	[spmem:s2] =	stream.indirect.scatter.add.f32 [tilespmem:s5], [sflag:$0x1], $0x1, s10, s1, $0xb8;
	[tilespmem:$0x2A30] =	vst v63  }
0x169: {  	s11 =	sadd.s32 $0x5A0, s8  }
0x16a: {  	[spmem:s2] =	stream.indirect.scatter.add.f32 [tilespmem:s5], [sflag:$0x1], $0x1, s11, s1, $0xb8;
	[tilespmem:$0x2A30] =	vst v63  }
0x16b: {  	s10 =	sadd.s32 $0x5F0, s8  }
0x16c: {  	[spmem:s2] =	stream.indirect.scatter.add.f32 [tilespmem:s5], [sflag:$0x1], $0x1, s10, s1, $0xb8;
	[tilespmem:$0x2A30] =	vst v63  }
0x16d: {  	s11 =	sadd.s32 $0x640, s8  }
0x16e: {  	[spmem:s2] =	stream.indirect.scatter.add.f32 [tilespmem:s5], [sflag:$0x1], $0x1, s11, s1, $0xb8;
	[tilespmem:$0x2A30] =	vst v63  }
0x16f: {  	s10 =	sadd.s32 $0x690, s8  }
0x170: {  	[spmem:s2] =	stream.indirect.scatter.add.f32 [tilespmem:s5], [sflag:$0x1], $0x1, s10, s1, $0xb8;
	[tilespmem:$0x2A30] =	vst v63  }
0x171: {  	s11 =	sadd.s32 $0x6E0, s8  }
0x172: {  	[spmem:s2] =	stream.indirect.scatter.add.f32 [tilespmem:s5], [sflag:$0x1], $0x1, s11, s1, $0xb8;
	[tilespmem:$0x2A30] =	vst v63  }
0x173: {  	s10 =	sadd.s32 $0x730, s8  }
0x174: {  	[spmem:s2] =	stream.indirect.scatter.add.f32 [tilespmem:s5], [sflag:$0x1], $0x1, s10, s1, $0xb8;
	[tilespmem:$0x2A30] =	vst v63  }
0x175: {  	s8 =	sadd.s32 $0x780, s8  }
0x176: {  	[spmem:s2] =	stream.indirect.scatter.add.f32 [tilespmem:s5], [sflag:$0x1], $0x1, s8, s1, $0xb8;
	[tilespmem:$0x2A30] =	vst v63  }
0x177: {  	_ =	swait.ge [sflag:s6], $0x50  }
0x178: {  	[sflag:s6] =	ssyncset.done $0x0  }
0x179: {  	[sflag:s6] =	ssyncadd.s32 $0xFFFFFFB0  }
0x17a: {  	_ =	swait.ge [sflag:s6], $0x50  }
0x17b: {  	[sflag:s6] =	ssyncset.done $0x0  }
0x17c: {  	[sflag:s6] =	ssyncadd.s32 $0xFFFFFFB0  }
0x17d: {  	_ =	swait.ge [sflag:s6], $0x50  }
0x17e: {  	[sflag:s6] =	ssyncset.done $0x0  }
0x17f: {  	[sflag:s6] =	ssyncadd.s32 $0xFFFFFFB0  }
0x180: {  	_ =	swait.ge [sflag:s6], $0x50  }
0x181: {  	[sflag:s6] =	ssyncset.done $0x0  }
0x182: {  	[sflag:s6] =	ssyncadd.s32 $0xFFFFFFB0  }
0x183: {  	_ =	swait.ge [sflag:s6], $0x50  }
0x184: {  	[sflag:s6] =	ssyncset.done $0x0  }
0x185: {  	[sflag:s6] =	ssyncadd.s32 $0xFFFFFFB0  }
0x186: {  	_ =	swait.ge [sflag:s6], $0x50  }
0x187: {  	[sflag:s6] =	ssyncset.done $0x0  }
0x188: {  	[sflag:s6] =	ssyncadd.s32 $0xFFFFFFB0  }
0x189: {  	_ =	swait.ge [sflag:s6], $0x50  }
0x18a: {  	[sflag:s6] =	ssyncset.done $0x0  }
0x18b: {  	[sflag:s6] =	ssyncadd.s32 $0xFFFFFFB0  }
0x18c: {  	_ =	swait.ge [sflag:s6], $0x50  }
0x18d: {  	[sflag:s6] =	ssyncset.done $0x0  }
0x18e: {  	[sflag:s6] =	ssyncadd.s32 $0xFFFFFFB0  }
0x18f: {  	_ =	swait.ge [sflag:s6], $0x50  }
0x190: {  	[sflag:s6] =	ssyncset.done $0x0  }
0x191: {  	[sflag:s6] =	ssyncadd.s32 $0xFFFFFFB0  }
0x192: {  	_ =	swait.ge [sflag:s6], $0x50  }
0x193: {  	[sflag:s6] =	ssyncset.done $0x0  }
0x194: {  	[sflag:s6] =	ssyncadd.s32 $0xFFFFFFB0  }
0x195: {  	_ =	swait.ge [sflag:s6], $0x50  }
0x196: {  	[sflag:s6] =	ssyncset.done $0x0  }
0x197: {  	[sflag:s6] =	ssyncadd.s32 $0xFFFFFFB0  }
0x198: {  	_ =	swait.ge [sflag:s6], $0x50  }
0x199: {  	[sflag:s6] =	ssyncset.done $0x0  }
0x19a: {  	[sflag:s6] =	ssyncadd.s32 $0xFFFFFFB0  }
0x19b: {  	_ =	swait.ge [sflag:s6], $0x50  }
0x19c: {  	[sflag:s6] =	ssyncset.done $0x0  }
0x19d: {  	[sflag:s6] =	ssyncadd.s32 $0xFFFFFFB0  }
0x19e: {  	_ =	swait.ge [sflag:s6], $0x50  }
0x19f: {  	[sflag:s6] =	ssyncset.done $0x0  }
0x1a0: {  	[sflag:s6] =	ssyncadd.s32 $0xFFFFFFB0  }
0x1a1: {  	_ =	swait.ge [sflag:s6], $0x50  }
0x1a2: {  	[sflag:s6] =	ssyncset.done $0x0  }
0x1a3: {  	[sflag:s6] =	ssyncadd.s32 $0xFFFFFFB0  }
0x1a4: {  	_ =	swait.ge [sflag:s6], $0x50  }
0x1a5: {  	[sflag:s6] =	ssyncset.done $0x0  }
0x1a6: {  	[sflag:s6] =	ssyncadd.s32 $0xFFFFFFB0  }
0x1a7: {  	_ =	swait.ge [sflag:s6], $0x50  }
0x1a8: {  	[sflag:s6] =	ssyncset.done $0x0  }
0x1a9: {  	[sflag:s6] =	ssyncadd.s32 $0xFFFFFFB0  }
0x1aa: {  	_ =	swait.ge [sflag:s6], $0x50  }
0x1ab: {  	[sflag:s6] =	ssyncset.done $0x0  }
0x1ac: {  	[sflag:s6] =	ssyncadd.s32 $0xFFFFFFB0  }
0x1ad: {  	_ =	swait.ge [sflag:s6], $0x50  }
0x1ae: {  	[sflag:s6] =	ssyncset.done $0x0  }
0x1af: {  	[sflag:s6] =	ssyncadd.s32 $0xFFFFFFB0  }
0x1b0: {  	_ =	swait.ge [sflag:s6], $0x50  }
0x1b1: {  	[sflag:s6] =	ssyncset.done $0x0  }
0x1b2: {  	[sflag:s6] =	ssyncadd.s32 $0xFFFFFFB0  }
0x1b3: {  	_ =	swait.ge [sflag:s6], $0x50  }
0x1b4: {  	[sflag:s6] =	ssyncset.done $0x0  }
0x1b5: {  	[sflag:s6] =	ssyncadd.s32 $0xFFFFFFB0  }
0x1b6: {  	_ =	swait.ge [sflag:s6], $0x50  }
0x1b7: {  	[sflag:s6] =	ssyncset.done $0x0  }
0x1b8: {  	[sflag:s6] =	ssyncadd.s32 $0xFFFFFFB0  }
0x1b9: {  	_ =	swait.ge [sflag:s6], $0x50  }
0x1ba: {  	[sflag:s6] =	ssyncset.done $0x0  }
0x1bb: {  	[sflag:s6] =	ssyncadd.s32 $0xFFFFFFB0  }
0x1bc: {  	_ =	swait.ge [sflag:s6], $0x50  }
0x1bd: {  	[sflag:s6] =	ssyncset.done $0x0  }
0x1be: {  	[sflag:s6] =	ssyncadd.s32 $0xFFFFFFB0  }
0x1bf: {  	_ =	swait.ge [sflag:s6], $0x50  }
0x1c0: {  	[sflag:s6] =	ssyncset.done $0x0  }
0x1c1: {  	[sflag:s6] =	ssyncadd.s32 $0xFFFFFFB0  }
0x1c2: {  	[bflag:$0x0] =	sbarrier.arrive $0xFFFF  }
0x1c3: {  	s11 =	rddreg [dreg:$0x4]  }
0x1c4: {  	[tilespmem:s31], [sflag:$0x2] =	stream.linear.gather [spmem:s11], $0x50, $0x38;
	[tilespmem:$0x2A30] =	vst v63  }
0x1c5: {  	_ =	swait.ge [sflag:s0], $0x50  }
0x1c6: {  	[sflag:s0] =	ssyncset.done $0x0  }
0x1c7: {  	s9 =	rddreg [dreg:$0x8];
	[sflag:s0] =	ssyncadd.s32 $0xFFFFFFB0  }
0x1c8: {  	[hbm4b:s9+s3] =	stream.linear.scatter [tilespmem:s31], [sflag:$0x2], $0x50, $0x38;
	[tilespmem:$0x2A30] =	vst v63  }
0x1c9: {  	_ =	swait.ge [sflag:s0], $0x50  }
0x1ca: {  	[sflag:s0] =	ssyncset.done $0x0  }
0x1cb: {  	[sflag:s0] =	ssyncadd.s32 $0xFFFFFFB0  }
0x1cc: {  	[tilespmem:s31], [sflag:$0x2] =	stream.linear.gather [spmem:s19], $0x50, $0x38;
	[tilespmem:$0x2A30] =	vst v63  }
0x1cd: {  	_ =	swait.ge [sflag:s0], $0x50  }
0x1ce: {  	[sflag:s0] =	ssyncset.done $0x0  }
0x1cf: {  	s10 =	rddreg [dreg:$0x9];
	[sflag:s0] =	ssyncadd.s32 $0xFFFFFFB0  }
0x1d0: {  	[hbm4b:s10+s3] =	stream.linear.scatter [tilespmem:s31], [sflag:$0x2], $0x50, $0x38;
	[tilespmem:$0x2A30] =	vst v63  }
0x1d1: {  	_ =	swait.ge [sflag:s0], $0x50  }
0x1d2: {  	[sflag:s0] =	ssyncset.done $0x0  }
0x1d3: {  	[sflag:s0] =	ssyncadd.s32 $0xFFFFFFB0  }
0x1d4: {  	[tilespmem:s31], [sflag:$0x2] =	stream.linear.gather [spmem:s20], $0x50, $0x38;
	[tilespmem:$0x2A30] =	vst v63  }
0x1d5: {  	_ =	swait.ge [sflag:s0], $0x50  }
0x1d6: {  	[sflag:s0] =	ssyncset.done $0x0  }
0x1d7: {  	[sflag:s0] =	ssyncadd.s32 $0xFFFFFFB0  }
0x1d8: {  	[hbm4b:s12+s3] =	stream.linear.scatter [tilespmem:s31], [sflag:$0x2], $0x50, $0x38;
	[tilespmem:$0x2A30] =	vst v63  }
0x1d9: {  	_ =	swait.ge [sflag:s0], $0x50  }
0x1da: {  	[sflag:s0] =	ssyncset.done $0x0  }
0x1db: {  	[sflag:s0] =	ssyncadd.s32 $0xFFFFFFB0  }
0x1dc: {  	[tilespmem:s31], [sflag:$0x2] =	stream.linear.gather [spmem:s21], $0x50, $0x38;
	[tilespmem:$0x2A30] =	vst v63  }
0x1dd: {  	_ =	swait.ge [sflag:s0], $0x50  }
0x1de: {  	[sflag:s0] =	ssyncset.done $0x0  }
0x1df: {  	[sflag:s0] =	ssyncadd.s32 $0xFFFFFFB0  }
0x1e0: {  	[hbm4b:s13+s3] =	stream.linear.scatter [tilespmem:s31], [sflag:$0x2], $0x50, $0x38;
	[tilespmem:$0x2A30] =	vst v63  }
0x1e1: {  	_ =	swait.ge [sflag:s0], $0x50  }
0x1e2: {  	[sflag:s0] =	ssyncset.done $0x0  }
0x1e3: {  	[sflag:s0] =	ssyncadd.s32 $0xFFFFFFB0  }
0x1e4: {  	[tilespmem:s31], [sflag:$0x2] =	stream.linear.gather [spmem:s22], $0x50, $0x38;
	[tilespmem:$0x2A30] =	vst v63  }
0x1e5: {  	_ =	swait.ge [sflag:s0], $0x50  }
0x1e6: {  	[sflag:s0] =	ssyncset.done $0x0  }
0x1e7: {  	[sflag:s0] =	ssyncadd.s32 $0xFFFFFFB0  }
0x1e8: {  	[hbm4b:s14+s3] =	stream.linear.scatter [tilespmem:s31], [sflag:$0x2], $0x50, $0x38;
	[tilespmem:$0x2A30] =	vst v63  }
0x1e9: {  	_ =	swait.ge [sflag:s0], $0x50  }
0x1ea: {  	[sflag:s0] =	ssyncset.done $0x0  }
0x1eb: {  	[sflag:s0] =	ssyncadd.s32 $0xFFFFFFB0  }
0x1ec: {  	[tilespmem:s31], [sflag:$0x2] =	stream.linear.gather [spmem:s23], $0x50, $0x38;
	[tilespmem:$0x2A30] =	vst v63  }
0x1ed: {  	_ =	swait.ge [sflag:s0], $0x50  }
0x1ee: {  	[sflag:s0] =	ssyncset.done $0x0  }
0x1ef: {  	[sflag:s0] =	ssyncadd.s32 $0xFFFFFFB0  }
0x1f0: {  	[hbm4b:s15+s3] =	stream.linear.scatter [tilespmem:s31], [sflag:$0x2], $0x50, $0x38;
	[tilespmem:$0x2A30] =	vst v63  }
0x1f1: {  	_ =	swait.ge [sflag:s0], $0x50  }
0x1f2: {  	[sflag:s0] =	ssyncset.done $0x0  }
0x1f3: {  	[sflag:s0] =	ssyncadd.s32 $0xFFFFFFB0  }
0x1f4: {  	[tilespmem:s31], [sflag:$0x2] =	stream.linear.gather [spmem:s24], $0x50, $0x38;
	[tilespmem:$0x2A30] =	vst v63  }
0x1f5: {  	_ =	swait.ge [sflag:s0], $0x50  }
0x1f6: {  	[sflag:s0] =	ssyncset.done $0x0  }
0x1f7: {  	[sflag:s0] =	ssyncadd.s32 $0xFFFFFFB0  }
0x1f8: {  	[hbm4b:s16+s3] =	stream.linear.scatter [tilespmem:s31], [sflag:$0x2], $0x50, $0x38;
	[tilespmem:$0x2A30] =	vst v63  }
0x1f9: {  	_ =	swait.ge [sflag:s0], $0x50  }
0x1fa: {  	[sflag:s0] =	ssyncset.done $0x0  }
0x1fb: {  	[sflag:s0] =	ssyncadd.s32 $0xFFFFFFB0  }
0x1fc: {  	[tilespmem:s31], [sflag:$0x2] =	stream.linear.gather [spmem:s25], $0x50, $0x38;
	[tilespmem:$0x2A30] =	vst v63  }
0x1fd: {  	_ =	swait.ge [sflag:s0], $0x50  }
0x1fe: {  	[sflag:s0] =	ssyncset.done $0x0  }
0x1ff: {  	[sflag:s0] =	ssyncadd.s32 $0xFFFFFFB0  }
0x200: {  	[hbm4b:s17+s3] =	stream.linear.scatter [tilespmem:s31], [sflag:$0x2], $0x50, $0x38;
	[tilespmem:$0x2A30] =	vst v63  }
0x201: {  	_ =	swait.ge [sflag:s0], $0x50  }
0x202: {  	s7 =	sadd.s32 $0x1, s7;
	s11 =	rddreg [dreg:$0x5]  }
0x203: {  	p0 =	sne.s32 s7, s11  }
.Ltmp1:
0x204: {  	_ = 	snop;
	(pc) =	sbr.rel @p0 .LBB2_1-.Ltmp1, $3  }
0x205: {  	_ =	sdelay $0x1  }
0x206: {  	[sflag:s0] =	ssyncset.done $0x0  }
0x207: {  	[sflag:s0] =	ssyncadd.s32 $0xFFFFFFB0  }
0x208: {  	_ =	sfence.sel $0x180000  }
0x209: {  	[bflag:$0x0] =	sbarrier.arrive $0xFFFF  }
0x20a: {  	_ =	strace $0x90000047  }
0x20b: {  	s0 =	stileid.u32;
	[bflag:$0x2] =	sbarrier.arrive $0xFFFF  }
0x20c: {  	p0 =	sne.s32 s0, $0x0;
	s0 =	rddreg [dreg:$0x2]  }
0x20d: {  	s0 =	sadd.s32 @!p0 $0x100000, s0  }
0x20e: {  	[sflag:s0] =	ssyncadd.tile.s32 @!p0 $0x1;
	_ =	shalt  }
.Lfunc_end2:
_tile_overlayer_lowered:
.L_overlay_start_2:
0x20f: {  	(tag) =	ssettag $0x2  }
0x210: {  	s0 =	rddreg [dreg:$0x0];
	s2 =	stileid.u32  }
0x211: {  	s1 =	rddreg [dreg:$0x1];
	p0 =	sne.s32 s2, $0x0  }
0x212: {  	s3 =	rddreg [dreg:$0x2];
	[bflag:$0x3] =	sbarrier.arrive $0xFFFF;
	s2 =	simm.s32 @!p0 $0x1C02  }
0x213: {  	[timem:s3], [sflag:s2] =	dma.local @!p0 [hbm:s0], s1  }
0x214: {  	s0 =	simm.s32 @!p0 $0x2  }
0x215: {  	_ =	swait.ge @!p0 [sflag:s0], s1  }
0x216: {  	s1 =	ssub.s32 @!p0 $0x0, s1;
	[sflag:s0] =	ssyncset.done @!p0 $0x0  }
0x217: {  	[sflag:s0] =	ssyncadd.s32 @!p0 s1  }
0x218: {  	[bflag:$0x3] =	sbarrier.arrive $0xFFFF  }
0x219: {  	_ =	shalt  }

</sc_bundles>
